<compile_context>
chip_gen: v7x
topology: tpu7x:2x2x1
jax: 0.10.2.dev20260603
libtpu: 0.0.44.dev20260713+nightly
codegen_flags: <defaults>
</compile_context>

<pallas_src>
import functools
import math

import jax
import jax.numpy as jnp
from jax import lax
from jax.experimental import pallas as pl
from jax.experimental.pallas import tpu as pltpu
from jax.experimental.pallas import tpu_sc as plsc


def kernel(weights):
    B, V, U = weights.shape
    FIRST = math.floor(V / math.e - 1.0) + 1
    NSTEP = V - FIRST
    K = 35
    NB = NSTEP // K
    assert K * NB == NSTEP and NB % 2 == 1 and U % 16 == 0 and V % 16 == 0
    NCHUNK = U // 16
    L = 16

    mesh = plsc.VectorSubcoreMesh(core_axis_name="c", subcore_axis_name="s")

    @functools.partial(
        pl.kernel,
        mesh=mesh,
        compiler_params=pltpu.CompilerParams(
            use_tc_tiling_on_sc=False, needs_layout_passes=False
        ),
        out_type=(
            jax.ShapeDtypeStruct((B, V), jnp.int32),
            jax.ShapeDtypeStruct((B, L), jnp.float32),
        ),
        scratch_types=[
            pltpu.VMEM((K, U), jnp.float32),
            pltpu.VMEM((K, U), jnp.float32),
            pltpu.VMEM((U,), jnp.float32),
            pltpu.VMEM((V,), jnp.int32),
            pltpu.VMEM((L,), jnp.float32),
            pltpu.SemaphoreType.DMA,
            pltpu.SemaphoreType.DMA,
        ],
    )
    def greedy(w_hbm, seq_hbm, nsz_hbm, buf0, buf1, madd, seq, szv, sem0, sem1):
        wid = lax.axis_index("s") * 2 + lax.axis_index("c")

        @pl.when(wid < B)
        def _body():
            b = wid
            lanes = lax.iota(jnp.int32, L)
            lane0 = lanes == 0
            zf = jnp.zeros((L,), jnp.float32)
            zi = jnp.zeros((L,), jnp.int32)
            for c in range(NCHUNK):
                madd[pl.ds(c * L, L)] = zf
            for c in range(V // L):
                seq[pl.ds(c * L, L)] = zi
            pltpu.async_copy(w_hbm.at[b, pl.ds(FIRST, K), :], buf0, sem0)
            pltpu.async_copy(w_hbm.at[b, pl.ds(FIRST + K, K), :], buf1, sem1)

            def do_block(g, size, buf, sem):
                pltpu.make_async_copy(
                    w_hbm.at[b, pl.ds(FIRST, K), :], buf, sem
                ).wait()

                def row(r, sz):
                    i = FIRST + g * K + r
                    NACC = 8
                    best_v = [jnp.full((L,), -jnp.inf, jnp.float32)] * NACC
                    best_i = [zi] * NACC
                    for c in range(NCHUNK):
                        a = c % NACC
                        v = buf[r, pl.ds(c * L, L)] + madd[pl.ds(c * L, L)]
                        if c == 0:
                            v = jnp.where(lane0, jnp.float32(0.0), v)
                        idx = lanes + jnp.int32(c * L)
                        upd = v > best_v[a]
                        best_i[a] = jnp.where(upd, idx, best_i[a])
                        best_v[a] = jnp.where(upd, v, best_v[a])
                    while len(best_v) > 1:
                        va, vb = best_v[0], best_v[1]
                        ia, ib = best_i[0], best_i[1]
                        take_b = (vb > va) | ((vb == va) & (ib < ia))
                        best_v = best_v[2:] + [jnp.where(take_b, vb, va)]
                        best_i = best_i[2:] + [jnp.where(take_b, ib, ia)]
                    m = jnp.max(best_v[0])
                    s = jnp.min(
                        jnp.where(best_v[0] == m, best_i[0], jnp.int32(1 << 30))
                    )
                    plsc.store_scatter(
                        seq,
                        [jnp.full((L,), i, jnp.int32)],
                        jnp.full((L,), s, jnp.int32),
                        mask=lane0,
                    )
                    plsc.store_scatter(
                        madd,
                        [jnp.full((L,), s, jnp.int32)],
                        jnp.full((L,), jnp.float32(-1e9)),
                        mask=lane0 & (s != 0),
                    )
                    return sz + m

                return lax.fori_loop(0, K, row, size)

            def pair(g2, size):
                g0 = 2 * g2
                size = do_block(g0, size, buf0, sem0)

                @pl.when(g0 + 2 < NB)
                def _():
                    pltpu.async_copy(
                        w_hbm.at[b, pl.ds(FIRST + (g0 + 2) * K, K), :],
                        buf0,
                        sem0,
                    )

                size = do_block(g0 + 1, size, buf1, sem1)

                @pl.when(g0 + 3 < NB)
                def _():
                    pltpu.async_copy(
                        w_hbm.at[b, pl.ds(FIRST + (g0 + 3) * K, K), :],
                        buf1,
                        sem1,
                    )

                return size

            size = lax.fori_loop(0, NB // 2, pair, jnp.float32(0.0))
            size = do_block(jnp.int32(NB - 1), size, buf0, sem0)
            szv[...] = jnp.full((L,), jnp.float32(0.0)) - size
            pltpu.sync_copy(seq, seq_hbm.at[b, :])
            pltpu.sync_copy(szv, nsz_hbm.at[b, :])

    seqs, nsz = greedy(weights)
    return nsz[:, 0], seqs

# --- scband reference (transcript-rebuilt; emitter-appended) ---
"""Pipeline reference for scband-greedy-sc-11940009083011 (READ-ONLY COPY).

The authoritative reference and input builder live on the scoring server;
editing this copy changes nothing except your own understanding.
"""

import jax, jax.numpy as jnp
import numpy as np
import math

B, V, U = 16, 2048, 1024

def setup_inputs(seed: int = 0) -> dict:
    key = jax.random.key(seed)
    weights = jax.random.uniform(key, (B, V, U), dtype=jnp.float32)
    return {"weights": weights}

def reference(weights):
    # Greedy secretary-problem decoder (GreedySC):
    # iterate over online arrivals i = 0..V-1. For each arrival, take current
    # edge weights w, overwrite masked (already-matched) offline nodes with -1,
    # and (after the exploration phase i > V/e - 1) greedily select the max-weight
    # available node; during exploration select index 0 (skip). Accumulate the
    # per-step reward (increase in matching size) and record the selection sequence.
    B_, V_, U_ = weights.shape
    threshold = V_ / math.e - 1.0

    def step(carry, inp):
        matched, size = carry
        i, w = inp  # w: [B, U]
        wm = jnp.where(matched, jnp.float32(-1.0), w)
        wm = wm.at[:, 0].set(0.0)  # index 0 = skip option, weight 0, never masked
        take = i > threshold
        greedy_sel = jnp.argmax(wm, axis=-1).astype(jnp.int32)
        sel = jnp.where(take, greedy_sel, jnp.zeros((B_,), dtype=jnp.int32))
        reward = jnp.take_along_axis(wm, sel[:, None], axis=1)[:, 0]
        reward = jnp.where(take, reward, jnp.float32(0.0))
        onehot = jnp.arange(U_, dtype=jnp.int32)[None, :] == sel[:, None]
        matched_new = matched | (onehot & (sel != 0)[:, None])
        size_new = size + reward
        return (matched_new, size_new), (sel, reward)

    matched0 = jnp.zeros((B_, U_), dtype=bool)
    size0 = jnp.zeros((B_,), dtype=weights.dtype)
    idxs = jnp.arange(V_)
    ws = jnp.swapaxes(weights, 0, 1)  # [V, B, U]
    (matched, size), (sels, rewards) = jax.lax.scan(step, (matched0, size0), (idxs, ws))
    sequences = jnp.swapaxes(sels, 0, 1)  # [B, V]
    return (-size, sequences)

if __name__ == "__main__":
    import jax
    _d = setup_inputs()
    print(jax.jit(kernel)(*tuple(_d.values())))

</pallas_src>

<mosaic_0001>
#map = affine_map<(d0, d1) -> (0, 0, 0)>
#map1 = affine_map<(d0, d1) -> (0, 0)>
module attributes {stable_mosaic.version = 14 : i64} {
  func.func @greedy(%arg0: i32, %arg1: i32, %arg2: memref<16x2048x1024xf32, #tpu.memory_space<hbm>>, %arg3: memref<16x2048xi32, #tpu.memory_space<hbm>>, %arg4: memref<16x16xf32, #tpu.memory_space<hbm>>, %arg5: memref<35x1024xf32, #tpu.memory_space<vmem>>, %arg6: memref<35x1024xf32, #tpu.memory_space<vmem>>, %arg7: memref<1024xf32, #tpu.memory_space<vmem>>, %arg8: memref<2048xi32, #tpu.memory_space<vmem>>, %arg9: memref<16xf32, #tpu.memory_space<vmem>>, %arg10: memref<!tpu.dma_semaphore, #tpu.memory_space<semaphore_mem>>, %arg11: memref<!tpu.dma_semaphore, #tpu.memory_space<semaphore_mem>>) attributes {dimension_semantics = [#tpu.dimension_semantics<core_parallel>, #tpu.dimension_semantics<subcore_parallel>], iteration_bounds = array<i64: 2, 16>, scalar_prefetch = 0 : i64, scratch_operands = 7 : i64, tpu.core_type = #tpu.core_type<sc_vector_subcore>, window_params = [{transform_indices = #map}, {transform_indices = #map1}, {transform_indices = #map1}]} {
    %mul3A = arith.constant 2 : i32
    %mul3A_0 = arith.muli %arg1, %mul3A : i32
    %add3A = arith.addi %mul3A_0, %arg0 : i32
    %lt3A = arith.constant 16 : i32
    %lt3A_1 = arith.cmpi slt, %add3A, %lt3A : i32
    %convert_element_type3A = arith.extui %lt3A_1 : i1 to i32
    %cond3A = arith.constant 0 : i32
    %cond3A_2 = arith.cmpi ne, %convert_element_type3A, %cond3A : i32
    scf.if %cond3A_2 {
      %iota3A = tpu.iota {dimensions = array<i32: 0>} : vector<16xi32>
      %eq3A = arith.constant 0 : i32
      %eq3A_3 = vector.broadcast %eq3A : i32 to vector<16xi32>
      %eq3A_4 = arith.cmpi eq, %iota3A, %eq3A_3 : vector<16xi32>
      %broadcast_in_dim3A = arith.constant 0.000000e+00 : f32
      %broadcast_in_dim3A_5 = vector.broadcast %broadcast_in_dim3A : f32 to vector<16xf32>
      %broadcast_in_dim3A_6 = arith.constant 0 : i32
      %broadcast_in_dim3A_7 = vector.broadcast %broadcast_in_dim3A_6 : i32 to vector<16xi32>
      %swap3A = arith.constant 0 : index
      %swap3A_8 = tpu.vector_load %arg7[%swap3A] {strides = array<i32>} : memref<1024xf32, #tpu.memory_space<vmem>>, vector<16xf32>,
      tpu.vector_store %arg7[%swap3A], %broadcast_in_dim3A_5 {strides = array<i32>} : memref<1024xf32, #tpu.memory_space<vmem>>, vector<16xf32>,
      %swap3A_9 = arith.constant 16 : index
      %swap3A_10 = tpu.vector_load %arg7[%swap3A_9] {strides = array<i32>} : memref<1024xf32, #tpu.memory_space<vmem>>, vector<16xf32>,
      tpu.vector_store %arg7[%swap3A_9], %broadcast_in_dim3A_5 {strides = array<i32>} : memref<1024xf32, #tpu.memory_space<vmem>>, vector<16xf32>,
      %swap3A_11 = arith.constant 32 : index
      %swap3A_12 = tpu.vector_load %arg7[%swap3A_11] {strides = array<i32>} : memref<1024xf32, #tpu.memory_space<vmem>>, vector<16xf32>,
      tpu.vector_store %arg7[%swap3A_11], %broadcast_in_dim3A_5 {strides = array<i32>} : memref<1024xf32, #tpu.memory_space<vmem>>, vector<16xf32>,
      %swap3A_13 = arith.constant 48 : index
      %swap3A_14 = tpu.vector_load %arg7[%swap3A_13] {strides = array<i32>} : memref<1024xf32, #tpu.memory_space<vmem>>, vector<16xf32>,
      tpu.vector_store %arg7[%swap3A_13], %broadcast_in_dim3A_5 {strides = array<i32>} : memref<1024xf32, #tpu.memory_space<vmem>>, vector<16xf32>,
      %swap3A_15 = arith.constant 64 : index
      %swap3A_16 = tpu.vector_load %arg7[%swap3A_15] {strides = array<i32>} : memref<1024xf32, #tpu.memory_space<vmem>>, vector<16xf32>,
      tpu.vector_store %arg7[%swap3A_15], %broadcast_in_dim3A_5 {strides = array<i32>} : memref<1024xf32, #tpu.memory_space<vmem>>, vector<16xf32>,
      %swap3A_17 = arith.constant 80 : index
      %swap3A_18 = tpu.vector_load %arg7[%swap3A_17] {strides = array<i32>} : memref<1024xf32, #tpu.memory_space<vmem>>, vector<16xf32>,
      tpu.vector_store %arg7[%swap3A_17], %broadcast_in_dim3A_5 {strides = array<i32>} : memref<1024xf32, #tpu.memory_space<vmem>>, vector<16xf32>,
      %swap3A_19 = arith.constant 96 : index
      %swap3A_20 = tpu.vector_load %arg7[%swap3A_19] {strides = array<i32>} : memref<1024xf32, #tpu.memory_space<vmem>>, vector<16xf32>,
      tpu.vector_store %arg7[%swap3A_19], %broadcast_in_dim3A_5 {strides = array<i32>} : memref<1024xf32, #tpu.memory_space<vmem>>, vector<16xf32>,
      %swap3A_21 = arith.constant 112 : index
      %swap3A_22 = tpu.vector_load %arg7[%swap3A_21] {strides = array<i32>} : memref<1024xf32, #tpu.memory_space<vmem>>, vector<16xf32>,
      tpu.vector_store %arg7[%swap3A_21], %broadcast_in_dim3A_5 {strides = array<i32>} : memref<1024xf32, #tpu.memory_space<vmem>>, vector<16xf32>,
      %swap3A_23 = arith.constant 128 : index
      %swap3A_24 = tpu.vector_load %arg7[%swap3A_23] {strides = array<i32>} : memref<1024xf32, #tpu.memory_space<vmem>>, vector<16xf32>,
      tpu.vector_store %arg7[%swap3A_23], %broadcast_in_dim3A_5 {strides = array<i32>} : memref<1024xf32, #tpu.memory_space<vmem>>, vector<16xf32>,
      %swap3A_25 = arith.constant 144 : index
      %swap3A_26 = tpu.vector_load %arg7[%swap3A_25] {strides = array<i32>} : memref<1024xf32, #tpu.memory_space<vmem>>, vector<16xf32>,
      tpu.vector_store %arg7[%swap3A_25], %broadcast_in_dim3A_5 {strides = array<i32>} : memref<1024xf32, #tpu.memory_space<vmem>>, vector<16xf32>,
      %swap3A_27 = arith.constant 160 : index
      %swap3A_28 = tpu.vector_load %arg7[%swap3A_27] {strides = array<i32>} : memref<1024xf32, #tpu.memory_space<vmem>>, vector<16xf32>,
      tpu.vector_store %arg7[%swap3A_27], %broadcast_in_dim3A_5 {strides = array<i32>} : memref<1024xf32, #tpu.memory_space<vmem>>, vector<16xf32>,
      %swap3A_29 = arith.constant 176 : index
      %swap3A_30 = tpu.vector_load %arg7[%swap3A_29] {strides = array<i32>} : memref<1024xf32, #tpu.memory_space<vmem>>, vector<16xf32>,
      tpu.vector_store %arg7[%swap3A_29], %broadcast_in_dim3A_5 {strides = array<i32>} : memref<1024xf32, #tpu.memory_space<vmem>>, vector<16xf32>,
      %swap3A_31 = arith.constant 192 : index
      %swap3A_32 = tpu.vector_load %arg7[%swap3A_31] {strides = array<i32>} : memref<1024xf32, #tpu.memory_space<vmem>>, vector<16xf32>,
      tpu.vector_store %arg7[%swap3A_31], %broadcast_in_dim3A_5 {strides = array<i32>} : memref<1024xf32, #tpu.memory_space<vmem>>, vector<16xf32>,
      %swap3A_33 = arith.constant 208 : index
      %swap3A_34 = tpu.vector_load %arg7[%swap3A_33] {strides = array<i32>} : memref<1024xf32, #tpu.memory_space<vmem>>, vector<16xf32>,
      tpu.vector_store %arg7[%swap3A_33], %broadcast_in_dim3A_5 {strides = array<i32>} : memref<1024xf32, #tpu.memory_space<vmem>>, vector<16xf32>,
      %swap3A_35 = arith.constant 224 : index
      %swap3A_36 = tpu.vector_load %arg7[%swap3A_35] {strides = array<i32>} : memref<1024xf32, #tpu.memory_space<vmem>>, vector<16xf32>,
      tpu.vector_store %arg7[%swap3A_35], %broadcast_in_dim3A_5 {strides = array<i32>} : memref<1024xf32, #tpu.memory_space<vmem>>, vector<16xf32>,
      %swap3A_37 = arith.constant 240 : index
      %swap3A_38 = tpu.vector_load %arg7[%swap3A_37] {strides = array<i32>} : memref<1024xf32, #tpu.memory_space<vmem>>, vector<16xf32>,
      tpu.vector_store %arg7[%swap3A_37], %broadcast_in_dim3A_5 {strides = array<i32>} : memref<1024xf32, #tpu.memory_space<vmem>>, vector<16xf32>,
      %swap3A_39 = arith.constant 256 : index
      %swap3A_40 = tpu.vector_load %arg7[%swap3A_39] {strides = array<i32>} : memref<1024xf32, #tpu.memory_space<vmem>>, vector<16xf32>,
      tpu.vector_store %arg7[%swap3A_39], %broadcast_in_dim3A_5 {strides = array<i32>} : memref<1024xf32, #tpu.memory_space<vmem>>, vector<16xf32>,
      %swap3A_41 = arith.constant 272 : index
      %swap3A_42 = tpu.vector_load %arg7[%swap3A_41] {strides = array<i32>} : memref<1024xf32, #tpu.memory_space<vmem>>, vector<16xf32>,
      tpu.vector_store %arg7[%swap3A_41], %broadcast_in_dim3A_5 {strides = array<i32>} : memref<1024xf32, #tpu.memory_space<vmem>>, vector<16xf32>,
      %swap3A_43 = arith.constant 288 : index
      %swap3A_44 = tpu.vector_load %arg7[%swap3A_43] {strides = array<i32>} : memref<1024xf32, #tpu.memory_space<vmem>>, vector<16xf32>,
      tpu.vector_store %arg7[%swap3A_43], %broadcast_in_dim3A_5 {strides = array<i32>} : memref<1024xf32, #tpu.memory_space<vmem>>, vector<16xf32>,
      %swap3A_45 = arith.constant 304 : index
      %swap3A_46 = tpu.vector_load %arg7[%swap3A_45] {strides = array<i32>} : memref<1024xf32, #tpu.memory_space<vmem>>, vector<16xf32>,
      tpu.vector_store %arg7[%swap3A_45], %broadcast_in_dim3A_5 {strides = array<i32>} : memref<1024xf32, #tpu.memory_space<vmem>>, vector<16xf32>,
      %swap3A_47 = arith.constant 320 : index
      %swap3A_48 = tpu.vector_load %arg7[%swap3A_47] {strides = array<i32>} : memref<1024xf32, #tpu.memory_space<vmem>>, vector<16xf32>,
      tpu.vector_store %arg7[%swap3A_47], %broadcast_in_dim3A_5 {strides = array<i32>} : memref<1024xf32, #tpu.memory_space<vmem>>, vector<16xf32>,
      %swap3A_49 = arith.constant 336 : index
      %swap3A_50 = tpu.vector_load %arg7[%swap3A_49] {strides = array<i32>} : memref<1024xf32, #tpu.memory_space<vmem>>, vector<16xf32>,
      tpu.vector_store %arg7[%swap3A_49], %broadcast_in_dim3A_5 {strides = array<i32>} : memref<1024xf32, #tpu.memory_space<vmem>>, vector<16xf32>,
      %swap3A_51 = arith.constant 352 : index
      %swap3A_52 = tpu.vector_load %arg7[%swap3A_51] {strides = array<i32>} : memref<1024xf32, #tpu.memory_space<vmem>>, vector<16xf32>,
      tpu.vector_store %arg7[%swap3A_51], %broadcast_in_dim3A_5 {strides = array<i32>} : memref<1024xf32, #tpu.memory_space<vmem>>, vector<16xf32>,
      %swap3A_53 = arith.constant 368 : index
      %swap3A_54 = tpu.vector_load %arg7[%swap3A_53] {strides = array<i32>} : memref<1024xf32, #tpu.memory_space<vmem>>, vector<16xf32>,
      tpu.vector_store %arg7[%swap3A_53], %broadcast_in_dim3A_5 {strides = array<i32>} : memref<1024xf32, #tpu.memory_space<vmem>>, vector<16xf32>,
      %swap3A_55 = arith.constant 384 : index
      %swap3A_56 = tpu.vector_load %arg7[%swap3A_55] {strides = array<i32>} : memref<1024xf32, #tpu.memory_space<vmem>>, vector<16xf32>,
      tpu.vector_store %arg7[%swap3A_55], %broadcast_in_dim3A_5 {strides = array<i32>} : memref<1024xf32, #tpu.memory_space<vmem>>, vector<16xf32>,
      %swap3A_57 = arith.constant 400 : index
      %swap3A_58 = tpu.vector_load %arg7[%swap3A_57] {strides = array<i32>} : memref<1024xf32, #tpu.memory_space<vmem>>, vector<16xf32>,
      tpu.vector_store %arg7[%swap3A_57], %broadcast_in_dim3A_5 {strides = array<i32>} : memref<1024xf32, #tpu.memory_space<vmem>>, vector<16xf32>,
      %swap3A_59 = arith.constant 416 : index
      %swap3A_60 = tpu.vector_load %arg7[%swap3A_59] {strides = array<i32>} : memref<1024xf32, #tpu.memory_space<vmem>>, vector<16xf32>,
      tpu.vector_store %arg7[%swap3A_59], %broadcast_in_dim3A_5 {strides = array<i32>} : memref<1024xf32, #tpu.memory_space<vmem>>, vector<16xf32>,
      %swap3A_61 = arith.constant 432 : index
      %swap3A_62 = tpu.vector_load %arg7[%swap3A_61] {strides = array<i32>} : memref<1024xf32, #tpu.memory_space<vmem>>, vector<16xf32>,
      tpu.vector_store %arg7[%swap3A_61], %broadcast_in_dim3A_5 {strides = array<i32>} : memref<1024xf32, #tpu.memory_space<vmem>>, vector<16xf32>,
      %swap3A_63 = arith.constant 448 : index
      %swap3A_64 = tpu.vector_load %arg7[%swap3A_63] {strides = array<i32>} : memref<1024xf32, #tpu.memory_space<vmem>>, vector<16xf32>,
      tpu.vector_store %arg7[%swap3A_63], %broadcast_in_dim3A_5 {strides = array<i32>} : memref<1024xf32, #tpu.memory_space<vmem>>, vector<16xf32>,
      %swap3A_65 = arith.constant 464 : index
      %swap3A_66 = tpu.vector_load %arg7[%swap3A_65] {strides = array<i32>} : memref<1024xf32, #tpu.memory_space<vmem>>, vector<16xf32>,
      tpu.vector_store %arg7[%swap3A_65], %broadcast_in_dim3A_5 {strides = array<i32>} : memref<1024xf32, #tpu.memory_space<vmem>>, vector<16xf32>,
      %swap3A_67 = arith.constant 480 : index
      %swap3A_68 = tpu.vector_load %arg7[%swap3A_67] {strides = array<i32>} : memref<1024xf32, #tpu.memory_space<vmem>>, vector<16xf32>,
      tpu.vector_store %arg7[%swap3A_67], %broadcast_in_dim3A_5 {strides = array<i32>} : memref<1024xf32, #tpu.memory_space<vmem>>, vector<16xf32>,
      %swap3A_69 = arith.constant 496 : index
      %swap3A_70 = tpu.vector_load %arg7[%swap3A_69] {strides = array<i32>} : memref<1024xf32, #tpu.memory_space<vmem>>, vector<16xf32>,
      tpu.vector_store %arg7[%swap3A_69], %broadcast_in_dim3A_5 {strides = array<i32>} : memref<1024xf32, #tpu.memory_space<vmem>>, vector<16xf32>,
      %swap3A_71 = arith.constant 512 : index
      %swap3A_72 = tpu.vector_load %arg7[%swap3A_71] {strides = array<i32>} : memref<1024xf32, #tpu.memory_space<vmem>>, vector<16xf32>,
      tpu.vector_store %arg7[%swap3A_71], %broadcast_in_dim3A_5 {strides = array<i32>} : memref<1024xf32, #tpu.memory_space<vmem>>, vector<16xf32>,
      %swap3A_73 = arith.constant 528 : index
      %swap3A_74 = tpu.vector_load %arg7[%swap3A_73] {strides = array<i32>} : memref<1024xf32, #tpu.memory_space<vmem>>, vector<16xf32>,
      tpu.vector_store %arg7[%swap3A_73], %broadcast_in_dim3A_5 {strides = array<i32>} : memref<1024xf32, #tpu.memory_space<vmem>>, vector<16xf32>,
      %swap3A_75 = arith.constant 544 : index
      %swap3A_76 = tpu.vector_load %arg7[%swap3A_75] {strides = array<i32>} : memref<1024xf32, #tpu.memory_space<vmem>>, vector<16xf32>,
      tpu.vector_store %arg7[%swap3A_75], %broadcast_in_dim3A_5 {strides = array<i32>} : memref<1024xf32, #tpu.memory_space<vmem>>, vector<16xf32>,
      %swap3A_77 = arith.constant 560 : index
      %swap3A_78 = tpu.vector_load %arg7[%swap3A_77] {strides = array<i32>} : memref<1024xf32, #tpu.memory_space<vmem>>, vector<16xf32>,
      tpu.vector_store %arg7[%swap3A_77], %broadcast_in_dim3A_5 {strides = array<i32>} : memref<1024xf32, #tpu.memory_space<vmem>>, vector<16xf32>,
      %swap3A_79 = arith.constant 576 : index
      %swap3A_80 = tpu.vector_load %arg7[%swap3A_79] {strides = array<i32>} : memref<1024xf32, #tpu.memory_space<vmem>>, vector<16xf32>,
      tpu.vector_store %arg7[%swap3A_79], %broadcast_in_dim3A_5 {strides = array<i32>} : memref<1024xf32, #tpu.memory_space<vmem>>, vector<16xf32>,
      %swap3A_81 = arith.constant 592 : index
      %swap3A_82 = tpu.vector_load %arg7[%swap3A_81] {strides = array<i32>} : memref<1024xf32, #tpu.memory_space<vmem>>, vector<16xf32>,
      tpu.vector_store %arg7[%swap3A_81], %broadcast_in_dim3A_5 {strides = array<i32>} : memref<1024xf32, #tpu.memory_space<vmem>>, vector<16xf32>,
      %swap3A_83 = arith.constant 608 : index
      %swap3A_84 = tpu.vector_load %arg7[%swap3A_83] {strides = array<i32>} : memref<1024xf32, #tpu.memory_space<vmem>>, vector<16xf32>,
      tpu.vector_store %arg7[%swap3A_83], %broadcast_in_dim3A_5 {strides = array<i32>} : memref<1024xf32, #tpu.memory_space<vmem>>, vector<16xf32>,
      %swap3A_85 = arith.constant 624 : index
      %swap3A_86 = tpu.vector_load %arg7[%swap3A_85] {strides = array<i32>} : memref<1024xf32, #tpu.memory_space<vmem>>, vector<16xf32>,
      tpu.vector_store %arg7[%swap3A_85], %broadcast_in_dim3A_5 {strides = array<i32>} : memref<1024xf32, #tpu.memory_space<vmem>>, vector<16xf32>,
      %swap3A_87 = arith.constant 640 : index
      %swap3A_88 = tpu.vector_load %arg7[%swap3A_87] {strides = array<i32>} : memref<1024xf32, #tpu.memory_space<vmem>>, vector<16xf32>,
      tpu.vector_store %arg7[%swap3A_87], %broadcast_in_dim3A_5 {strides = array<i32>} : memref<1024xf32, #tpu.memory_space<vmem>>, vector<16xf32>,
      %swap3A_89 = arith.constant 656 : index
      %swap3A_90 = tpu.vector_load %arg7[%swap3A_89] {strides = array<i32>} : memref<1024xf32, #tpu.memory_space<vmem>>, vector<16xf32>,
      tpu.vector_store %arg7[%swap3A_89], %broadcast_in_dim3A_5 {strides = array<i32>} : memref<1024xf32, #tpu.memory_space<vmem>>, vector<16xf32>,
      %swap3A_91 = arith.constant 672 : index
      %swap3A_92 = tpu.vector_load %arg7[%swap3A_91] {strides = array<i32>} : memref<1024xf32, #tpu.memory_space<vmem>>, vector<16xf32>,
      tpu.vector_store %arg7[%swap3A_91], %broadcast_in_dim3A_5 {strides = array<i32>} : memref<1024xf32, #tpu.memory_space<vmem>>, vector<16xf32>,
      %swap3A_93 = arith.constant 688 : index
      %swap3A_94 = tpu.vector_load %arg7[%swap3A_93] {strides = array<i32>} : memref<1024xf32, #tpu.memory_space<vmem>>, vector<16xf32>,
      tpu.vector_store %arg7[%swap3A_93], %broadcast_in_dim3A_5 {strides = array<i32>} : memref<1024xf32, #tpu.memory_space<vmem>>, vector<16xf32>,
      %swap3A_95 = arith.constant 704 : index
      %swap3A_96 = tpu.vector_load %arg7[%swap3A_95] {strides = array<i32>} : memref<1024xf32, #tpu.memory_space<vmem>>, vector<16xf32>,
      tpu.vector_store %arg7[%swap3A_95], %broadcast_in_dim3A_5 {strides = array<i32>} : memref<1024xf32, #tpu.memory_space<vmem>>, vector<16xf32>,
      %swap3A_97 = arith.constant 720 : index
      %swap3A_98 = tpu.vector_load %arg7[%swap3A_97] {strides = array<i32>} : memref<1024xf32, #tpu.memory_space<vmem>>, vector<16xf32>,
      tpu.vector_store %arg7[%swap3A_97], %broadcast_in_dim3A_5 {strides = array<i32>} : memref<1024xf32, #tpu.memory_space<vmem>>, vector<16xf32>,
      %swap3A_99 = arith.constant 736 : index
      %swap3A_100 = tpu.vector_load %arg7[%swap3A_99] {strides = array<i32>} : memref<1024xf32, #tpu.memory_space<vmem>>, vector<16xf32>,
      tpu.vector_store %arg7[%swap3A_99], %broadcast_in_dim3A_5 {strides = array<i32>} : memref<1024xf32, #tpu.memory_space<vmem>>, vector<16xf32>,
      %swap3A_101 = arith.constant 752 : index
      %swap3A_102 = tpu.vector_load %arg7[%swap3A_101] {strides = array<i32>} : memref<1024xf32, #tpu.memory_space<vmem>>, vector<16xf32>,
      tpu.vector_store %arg7[%swap3A_101], %broadcast_in_dim3A_5 {strides = array<i32>} : memref<1024xf32, #tpu.memory_space<vmem>>, vector<16xf32>,
      %swap3A_103 = arith.constant 768 : index
      %swap3A_104 = tpu.vector_load %arg7[%swap3A_103] {strides = array<i32>} : memref<1024xf32, #tpu.memory_space<vmem>>, vector<16xf32>,
      tpu.vector_store %arg7[%swap3A_103], %broadcast_in_dim3A_5 {strides = array<i32>} : memref<1024xf32, #tpu.memory_space<vmem>>, vector<16xf32>,
      %swap3A_105 = arith.constant 784 : index
      %swap3A_106 = tpu.vector_load %arg7[%swap3A_105] {strides = array<i32>} : memref<1024xf32, #tpu.memory_space<vmem>>, vector<16xf32>,
      tpu.vector_store %arg7[%swap3A_105], %broadcast_in_dim3A_5 {strides = array<i32>} : memref<1024xf32, #tpu.memory_space<vmem>>, vector<16xf32>,
      %swap3A_107 = arith.constant 800 : index
      %swap3A_108 = tpu.vector_load %arg7[%swap3A_107] {strides = array<i32>} : memref<1024xf32, #tpu.memory_space<vmem>>, vector<16xf32>,
      tpu.vector_store %arg7[%swap3A_107], %broadcast_in_dim3A_5 {strides = array<i32>} : memref<1024xf32, #tpu.memory_space<vmem>>, vector<16xf32>,
      %swap3A_109 = arith.constant 816 : index
      %swap3A_110 = tpu.vector_load %arg7[%swap3A_109] {strides = array<i32>} : memref<1024xf32, #tpu.memory_space<vmem>>, vector<16xf32>,
      tpu.vector_store %arg7[%swap3A_109], %broadcast_in_dim3A_5 {strides = array<i32>} : memref<1024xf32, #tpu.memory_space<vmem>>, vector<16xf32>,
      %swap3A_111 = arith.constant 832 : index
      %swap3A_112 = tpu.vector_load %arg7[%swap3A_111] {strides = array<i32>} : memref<1024xf32, #tpu.memory_space<vmem>>, vector<16xf32>,
      tpu.vector_store %arg7[%swap3A_111], %broadcast_in_dim3A_5 {strides = array<i32>} : memref<1024xf32, #tpu.memory_space<vmem>>, vector<16xf32>,
      %swap3A_113 = arith.constant 848 : index
      %swap3A_114 = tpu.vector_load %arg7[%swap3A_113] {strides = array<i32>} : memref<1024xf32, #tpu.memory_space<vmem>>, vector<16xf32>,
      tpu.vector_store %arg7[%swap3A_113], %broadcast_in_dim3A_5 {strides = array<i32>} : memref<1024xf32, #tpu.memory_space<vmem>>, vector<16xf32>,
      %swap3A_115 = arith.constant 864 : index
      %swap3A_116 = tpu.vector_load %arg7[%swap3A_115] {strides = array<i32>} : memref<1024xf32, #tpu.memory_space<vmem>>, vector<16xf32>,
      tpu.vector_store %arg7[%swap3A_115], %broadcast_in_dim3A_5 {strides = array<i32>} : memref<1024xf32, #tpu.memory_space<vmem>>, vector<16xf32>,
      %swap3A_117 = arith.constant 880 : index
      %swap3A_118 = tpu.vector_load %arg7[%swap3A_117] {strides = array<i32>} : memref<1024xf32, #tpu.memory_space<vmem>>, vector<16xf32>,
      tpu.vector_store %arg7[%swap3A_117], %broadcast_in_dim3A_5 {strides = array<i32>} : memref<1024xf32, #tpu.memory_space<vmem>>, vector<16xf32>,
      %swap3A_119 = arith.constant 896 : index
      %swap3A_120 = tpu.vector_load %arg7[%swap3A_119] {strides = array<i32>} : memref<1024xf32, #tpu.memory_space<vmem>>, vector<16xf32>,
      tpu.vector_store %arg7[%swap3A_119], %broadcast_in_dim3A_5 {strides = array<i32>} : memref<1024xf32, #tpu.memory_space<vmem>>, vector<16xf32>,
      %swap3A_121 = arith.constant 912 : index
      %swap3A_122 = tpu.vector_load %arg7[%swap3A_121] {strides = array<i32>} : memref<1024xf32, #tpu.memory_space<vmem>>, vector<16xf32>,
      tpu.vector_store %arg7[%swap3A_121], %broadcast_in_dim3A_5 {strides = array<i32>} : memref<1024xf32, #tpu.memory_space<vmem>>, vector<16xf32>,
      %swap3A_123 = arith.constant 928 : index
      %swap3A_124 = tpu.vector_load %arg7[%swap3A_123] {strides = array<i32>} : memref<1024xf32, #tpu.memory_space<vmem>>, vector<16xf32>,
      tpu.vector_store %arg7[%swap3A_123], %broadcast_in_dim3A_5 {strides = array<i32>} : memref<1024xf32, #tpu.memory_space<vmem>>, vector<16xf32>,
      %swap3A_125 = arith.constant 944 : index
      %swap3A_126 = tpu.vector_load %arg7[%swap3A_125] {strides = array<i32>} : memref<1024xf32, #tpu.memory_space<vmem>>, vector<16xf32>,
      tpu.vector_store %arg7[%swap3A_125], %broadcast_in_dim3A_5 {strides = array<i32>} : memref<1024xf32, #tpu.memory_space<vmem>>, vector<16xf32>,
      %swap3A_127 = arith.constant 960 : index
      %swap3A_128 = tpu.vector_load %arg7[%swap3A_127] {strides = array<i32>} : memref<1024xf32, #tpu.memory_space<vmem>>, vector<16xf32>,
      tpu.vector_store %arg7[%swap3A_127], %broadcast_in_dim3A_5 {strides = array<i32>} : memref<1024xf32, #tpu.memory_space<vmem>>, vector<16xf32>,
      %swap3A_129 = arith.constant 976 : index
      %swap3A_130 = tpu.vector_load %arg7[%swap3A_129] {strides = array<i32>} : memref<1024xf32, #tpu.memory_space<vmem>>, vector<16xf32>,
      tpu.vector_store %arg7[%swap3A_129], %broadcast_in_dim3A_5 {strides = array<i32>} : memref<1024xf32, #tpu.memory_space<vmem>>, vector<16xf32>,
      %swap3A_131 = arith.constant 992 : index
      %swap3A_132 = tpu.vector_load %arg7[%swap3A_131] {strides = array<i32>} : memref<1024xf32, #tpu.memory_space<vmem>>, vector<16xf32>,
      tpu.vector_store %arg7[%swap3A_131], %broadcast_in_dim3A_5 {strides = array<i32>} : memref<1024xf32, #tpu.memory_space<vmem>>, vector<16xf32>,
      %swap3A_133 = arith.constant 1008 : index
      %swap3A_134 = tpu.vector_load %arg7[%swap3A_133] {strides = array<i32>} : memref<1024xf32, #tpu.memory_space<vmem>>, vector<16xf32>,
      tpu.vector_store %arg7[%swap3A_133], %broadcast_in_dim3A_5 {strides = array<i32>} : memref<1024xf32, #tpu.memory_space<vmem>>, vector<16xf32>,
      %swap3A_135 = arith.constant 0 : index
      %swap3A_136 = tpu.vector_load %arg8[%swap3A_135] {strides = array<i32>} : memref<2048xi32, #tpu.memory_space<vmem>>, vector<16xi32>,
      tpu.vector_store %arg8[%swap3A_135], %broadcast_in_dim3A_7 {strides = array<i32>} : memref<2048xi32, #tpu.memory_space<vmem>>, vector<16xi32>,
      %swap3A_137 = arith.constant 16 : index
      %swap3A_138 = tpu.vector_load %arg8[%swap3A_137] {strides = array<i32>} : memref<2048xi32, #tpu.memory_space<vmem>>, vector<16xi32>,
      tpu.vector_store %arg8[%swap3A_137], %broadcast_in_dim3A_7 {strides = array<i32>} : memref<2048xi32, #tpu.memory_space<vmem>>, vector<16xi32>,
      %swap3A_139 = arith.constant 32 : index
      %swap3A_140 = tpu.vector_load %arg8[%swap3A_139] {strides = array<i32>} : memref<2048xi32, #tpu.memory_space<vmem>>, vector<16xi32>,
      tpu.vector_store %arg8[%swap3A_139], %broadcast_in_dim3A_7 {strides = array<i32>} : memref<2048xi32, #tpu.memory_space<vmem>>, vector<16xi32>,
      %swap3A_141 = arith.constant 48 : index
      %swap3A_142 = tpu.vector_load %arg8[%swap3A_141] {strides = array<i32>} : memref<2048xi32, #tpu.memory_space<vmem>>, vector<16xi32>,
      tpu.vector_store %arg8[%swap3A_141], %broadcast_in_dim3A_7 {strides = array<i32>} : memref<2048xi32, #tpu.memory_space<vmem>>, vector<16xi32>,
      %swap3A_143 = arith.constant 64 : index
      %swap3A_144 = tpu.vector_load %arg8[%swap3A_143] {strides = array<i32>} : memref<2048xi32, #tpu.memory_space<vmem>>, vector<16xi32>,
      tpu.vector_store %arg8[%swap3A_143], %broadcast_in_dim3A_7 {strides = array<i32>} : memref<2048xi32, #tpu.memory_space<vmem>>, vector<16xi32>,
      %swap3A_145 = arith.constant 80 : index
      %swap3A_146 = tpu.vector_load %arg8[%swap3A_145] {strides = array<i32>} : memref<2048xi32, #tpu.memory_space<vmem>>, vector<16xi32>,
      tpu.vector_store %arg8[%swap3A_145], %broadcast_in_dim3A_7 {strides = array<i32>} : memref<2048xi32, #tpu.memory_space<vmem>>, vector<16xi32>,
      %swap3A_147 = arith.constant 96 : index
      %swap3A_148 = tpu.vector_load %arg8[%swap3A_147] {strides = array<i32>} : memref<2048xi32, #tpu.memory_space<vmem>>, vector<16xi32>,
      tpu.vector_store %arg8[%swap3A_147], %broadcast_in_dim3A_7 {strides = array<i32>} : memref<2048xi32, #tpu.memory_space<vmem>>, vector<16xi32>,
      %swap3A_149 = arith.constant 112 : index
      %swap3A_150 = tpu.vector_load %arg8[%swap3A_149] {strides = array<i32>} : memref<2048xi32, #tpu.memory_space<vmem>>, vector<16xi32>,
      tpu.vector_store %arg8[%swap3A_149], %broadcast_in_dim3A_7 {strides = array<i32>} : memref<2048xi32, #tpu.memory_space<vmem>>, vector<16xi32>,
      %swap3A_151 = arith.constant 128 : index
      %swap3A_152 = tpu.vector_load %arg8[%swap3A_151] {strides = array<i32>} : memref<2048xi32, #tpu.memory_space<vmem>>, vector<16xi32>,
      tpu.vector_store %arg8[%swap3A_151], %broadcast_in_dim3A_7 {strides = array<i32>} : memref<2048xi32, #tpu.memory_space<vmem>>, vector<16xi32>,
      %swap3A_153 = arith.constant 144 : index
      %swap3A_154 = tpu.vector_load %arg8[%swap3A_153] {strides = array<i32>} : memref<2048xi32, #tpu.memory_space<vmem>>, vector<16xi32>,
      tpu.vector_store %arg8[%swap3A_153], %broadcast_in_dim3A_7 {strides = array<i32>} : memref<2048xi32, #tpu.memory_space<vmem>>, vector<16xi32>,
      %swap3A_155 = arith.constant 160 : index
      %swap3A_156 = tpu.vector_load %arg8[%swap3A_155] {strides = array<i32>} : memref<2048xi32, #tpu.memory_space<vmem>>, vector<16xi32>,
      tpu.vector_store %arg8[%swap3A_155], %broadcast_in_dim3A_7 {strides = array<i32>} : memref<2048xi32, #tpu.memory_space<vmem>>, vector<16xi32>,
      %swap3A_157 = arith.constant 176 : index
      %swap3A_158 = tpu.vector_load %arg8[%swap3A_157] {strides = array<i32>} : memref<2048xi32, #tpu.memory_space<vmem>>, vector<16xi32>,
      tpu.vector_store %arg8[%swap3A_157], %broadcast_in_dim3A_7 {strides = array<i32>} : memref<2048xi32, #tpu.memory_space<vmem>>, vector<16xi32>,
      %swap3A_159 = arith.constant 192 : index
      %swap3A_160 = tpu.vector_load %arg8[%swap3A_159] {strides = array<i32>} : memref<2048xi32, #tpu.memory_space<vmem>>, vector<16xi32>,
      tpu.vector_store %arg8[%swap3A_159], %broadcast_in_dim3A_7 {strides = array<i32>} : memref<2048xi32, #tpu.memory_space<vmem>>, vector<16xi32>,
      %swap3A_161 = arith.constant 208 : index
      %swap3A_162 = tpu.vector_load %arg8[%swap3A_161] {strides = array<i32>} : memref<2048xi32, #tpu.memory_space<vmem>>, vector<16xi32>,
      tpu.vector_store %arg8[%swap3A_161], %broadcast_in_dim3A_7 {strides = array<i32>} : memref<2048xi32, #tpu.memory_space<vmem>>, vector<16xi32>,
      %swap3A_163 = arith.constant 224 : index
      %swap3A_164 = tpu.vector_load %arg8[%swap3A_163] {strides = array<i32>} : memref<2048xi32, #tpu.memory_space<vmem>>, vector<16xi32>,
      tpu.vector_store %arg8[%swap3A_163], %broadcast_in_dim3A_7 {strides = array<i32>} : memref<2048xi32, #tpu.memory_space<vmem>>, vector<16xi32>,
      %swap3A_165 = arith.constant 240 : index
      %swap3A_166 = tpu.vector_load %arg8[%swap3A_165] {strides = array<i32>} : memref<2048xi32, #tpu.memory_space<vmem>>, vector<16xi32>,
      tpu.vector_store %arg8[%swap3A_165], %broadcast_in_dim3A_7 {strides = array<i32>} : memref<2048xi32, #tpu.memory_space<vmem>>, vector<16xi32>,
      %swap3A_167 = arith.constant 256 : index
      %swap3A_168 = tpu.vector_load %arg8[%swap3A_167] {strides = array<i32>} : memref<2048xi32, #tpu.memory_space<vmem>>, vector<16xi32>,
      tpu.vector_store %arg8[%swap3A_167], %broadcast_in_dim3A_7 {strides = array<i32>} : memref<2048xi32, #tpu.memory_space<vmem>>, vector<16xi32>,
      %swap3A_169 = arith.constant 272 : index
      %swap3A_170 = tpu.vector_load %arg8[%swap3A_169] {strides = array<i32>} : memref<2048xi32, #tpu.memory_space<vmem>>, vector<16xi32>,
      tpu.vector_store %arg8[%swap3A_169], %broadcast_in_dim3A_7 {strides = array<i32>} : memref<2048xi32, #tpu.memory_space<vmem>>, vector<16xi32>,
      %swap3A_171 = arith.constant 288 : index
      %swap3A_172 = tpu.vector_load %arg8[%swap3A_171] {strides = array<i32>} : memref<2048xi32, #tpu.memory_space<vmem>>, vector<16xi32>,
      tpu.vector_store %arg8[%swap3A_171], %broadcast_in_dim3A_7 {strides = array<i32>} : memref<2048xi32, #tpu.memory_space<vmem>>, vector<16xi32>,
      %swap3A_173 = arith.constant 304 : index
      %swap3A_174 = tpu.vector_load %arg8[%swap3A_173] {strides = array<i32>} : memref<2048xi32, #tpu.memory_space<vmem>>, vector<16xi32>,
      tpu.vector_store %arg8[%swap3A_173], %broadcast_in_dim3A_7 {strides = array<i32>} : memref<2048xi32, #tpu.memory_space<vmem>>, vector<16xi32>,
      %swap3A_175 = arith.constant 320 : index
      %swap3A_176 = tpu.vector_load %arg8[%swap3A_175] {strides = array<i32>} : memref<2048xi32, #tpu.memory_space<vmem>>, vector<16xi32>,
      tpu.vector_store %arg8[%swap3A_175], %broadcast_in_dim3A_7 {strides = array<i32>} : memref<2048xi32, #tpu.memory_space<vmem>>, vector<16xi32>,
      %swap3A_177 = arith.constant 336 : index
      %swap3A_178 = tpu.vector_load %arg8[%swap3A_177] {strides = array<i32>} : memref<2048xi32, #tpu.memory_space<vmem>>, vector<16xi32>,
      tpu.vector_store %arg8[%swap3A_177], %broadcast_in_dim3A_7 {strides = array<i32>} : memref<2048xi32, #tpu.memory_space<vmem>>, vector<16xi32>,
      %swap3A_179 = arith.constant 352 : index
      %swap3A_180 = tpu.vector_load %arg8[%swap3A_179] {strides = array<i32>} : memref<2048xi32, #tpu.memory_space<vmem>>, vector<16xi32>,
      tpu.vector_store %arg8[%swap3A_179], %broadcast_in_dim3A_7 {strides = array<i32>} : memref<2048xi32, #tpu.memory_space<vmem>>, vector<16xi32>,
      %swap3A_181 = arith.constant 368 : index
      %swap3A_182 = tpu.vector_load %arg8[%swap3A_181] {strides = array<i32>} : memref<2048xi32, #tpu.memory_space<vmem>>, vector<16xi32>,
      tpu.vector_store %arg8[%swap3A_181], %broadcast_in_dim3A_7 {strides = array<i32>} : memref<2048xi32, #tpu.memory_space<vmem>>, vector<16xi32>,
      %swap3A_183 = arith.constant 384 : index
      %swap3A_184 = tpu.vector_load %arg8[%swap3A_183] {strides = array<i32>} : memref<2048xi32, #tpu.memory_space<vmem>>, vector<16xi32>,
      tpu.vector_store %arg8[%swap3A_183], %broadcast_in_dim3A_7 {strides = array<i32>} : memref<2048xi32, #tpu.memory_space<vmem>>, vector<16xi32>,
      %swap3A_185 = arith.constant 400 : index
      %swap3A_186 = tpu.vector_load %arg8[%swap3A_185] {strides = array<i32>} : memref<2048xi32, #tpu.memory_space<vmem>>, vector<16xi32>,
      tpu.vector_store %arg8[%swap3A_185], %broadcast_in_dim3A_7 {strides = array<i32>} : memref<2048xi32, #tpu.memory_space<vmem>>, vector<16xi32>,
      %swap3A_187 = arith.constant 416 : index
      %swap3A_188 = tpu.vector_load %arg8[%swap3A_187] {strides = array<i32>} : memref<2048xi32, #tpu.memory_space<vmem>>, vector<16xi32>,
      tpu.vector_store %arg8[%swap3A_187], %broadcast_in_dim3A_7 {strides = array<i32>} : memref<2048xi32, #tpu.memory_space<vmem>>, vector<16xi32>,
      %swap3A_189 = arith.constant 432 : index
      %swap3A_190 = tpu.vector_load %arg8[%swap3A_189] {strides = array<i32>} : memref<2048xi32, #tpu.memory_space<vmem>>, vector<16xi32>,
      tpu.vector_store %arg8[%swap3A_189], %broadcast_in_dim3A_7 {strides = array<i32>} : memref<2048xi32, #tpu.memory_space<vmem>>, vector<16xi32>,
      %swap3A_191 = arith.constant 448 : index
      %swap3A_192 = tpu.vector_load %arg8[%swap3A_191] {strides = array<i32>} : memref<2048xi32, #tpu.memory_space<vmem>>, vector<16xi32>,
      tpu.vector_store %arg8[%swap3A_191], %broadcast_in_dim3A_7 {strides = array<i32>} : memref<2048xi32, #tpu.memory_space<vmem>>, vector<16xi32>,
      %swap3A_193 = arith.constant 464 : index
      %swap3A_194 = tpu.vector_load %arg8[%swap3A_193] {strides = array<i32>} : memref<2048xi32, #tpu.memory_space<vmem>>, vector<16xi32>,
      tpu.vector_store %arg8[%swap3A_193], %broadcast_in_dim3A_7 {strides = array<i32>} : memref<2048xi32, #tpu.memory_space<vmem>>, vector<16xi32>,
      %swap3A_195 = arith.constant 480 : index
      %swap3A_196 = tpu.vector_load %arg8[%swap3A_195] {strides = array<i32>} : memref<2048xi32, #tpu.memory_space<vmem>>, vector<16xi32>,
      tpu.vector_store %arg8[%swap3A_195], %broadcast_in_dim3A_7 {strides = array<i32>} : memref<2048xi32, #tpu.memory_space<vmem>>, vector<16xi32>,
      %swap3A_197 = arith.constant 496 : index
      %swap3A_198 = tpu.vector_load %arg8[%swap3A_197] {strides = array<i32>} : memref<2048xi32, #tpu.memory_space<vmem>>, vector<16xi32>,
      tpu.vector_store %arg8[%swap3A_197], %broadcast_in_dim3A_7 {strides = array<i32>} : memref<2048xi32, #tpu.memory_space<vmem>>, vector<16xi32>,
      %swap3A_199 = arith.constant 512 : index
      %swap3A_200 = tpu.vector_load %arg8[%swap3A_199] {strides = array<i32>} : memref<2048xi32, #tpu.memory_space<vmem>>, vector<16xi32>,
      tpu.vector_store %arg8[%swap3A_199], %broadcast_in_dim3A_7 {strides = array<i32>} : memref<2048xi32, #tpu.memory_space<vmem>>, vector<16xi32>,
      %swap3A_201 = arith.constant 528 : index
      %swap3A_202 = tpu.vector_load %arg8[%swap3A_201] {strides = array<i32>} : memref<2048xi32, #tpu.memory_space<vmem>>, vector<16xi32>,
      tpu.vector_store %arg8[%swap3A_201], %broadcast_in_dim3A_7 {strides = array<i32>} : memref<2048xi32, #tpu.memory_space<vmem>>, vector<16xi32>,
      %swap3A_203 = arith.constant 544 : index
      %swap3A_204 = tpu.vector_load %arg8[%swap3A_203] {strides = array<i32>} : memref<2048xi32, #tpu.memory_space<vmem>>, vector<16xi32>,
      tpu.vector_store %arg8[%swap3A_203], %broadcast_in_dim3A_7 {strides = array<i32>} : memref<2048xi32, #tpu.memory_space<vmem>>, vector<16xi32>,
      %swap3A_205 = arith.constant 560 : index
      %swap3A_206 = tpu.vector_load %arg8[%swap3A_205] {strides = array<i32>} : memref<2048xi32, #tpu.memory_space<vmem>>, vector<16xi32>,
      tpu.vector_store %arg8[%swap3A_205], %broadcast_in_dim3A_7 {strides = array<i32>} : memref<2048xi32, #tpu.memory_space<vmem>>, vector<16xi32>,
      %swap3A_207 = arith.constant 576 : index
      %swap3A_208 = tpu.vector_load %arg8[%swap3A_207] {strides = array<i32>} : memref<2048xi32, #tpu.memory_space<vmem>>, vector<16xi32>,
      tpu.vector_store %arg8[%swap3A_207], %broadcast_in_dim3A_7 {strides = array<i32>} : memref<2048xi32, #tpu.memory_space<vmem>>, vector<16xi32>,
      %swap3A_209 = arith.constant 592 : index
      %swap3A_210 = tpu.vector_load %arg8[%swap3A_209] {strides = array<i32>} : memref<2048xi32, #tpu.memory_space<vmem>>, vector<16xi32>,
      tpu.vector_store %arg8[%swap3A_209], %broadcast_in_dim3A_7 {strides = array<i32>} : memref<2048xi32, #tpu.memory_space<vmem>>, vector<16xi32>,
      %swap3A_211 = arith.constant 608 : index
      %swap3A_212 = tpu.vector_load %arg8[%swap3A_211] {strides = array<i32>} : memref<2048xi32, #tpu.memory_space<vmem>>, vector<16xi32>,
      tpu.vector_store %arg8[%swap3A_211], %broadcast_in_dim3A_7 {strides = array<i32>} : memref<2048xi32, #tpu.memory_space<vmem>>, vector<16xi32>,
      %swap3A_213 = arith.constant 624 : index
      %swap3A_214 = tpu.vector_load %arg8[%swap3A_213] {strides = array<i32>} : memref<2048xi32, #tpu.memory_space<vmem>>, vector<16xi32>,
      tpu.vector_store %arg8[%swap3A_213], %broadcast_in_dim3A_7 {strides = array<i32>} : memref<2048xi32, #tpu.memory_space<vmem>>, vector<16xi32>,
      %swap3A_215 = arith.constant 640 : index
      %swap3A_216 = tpu.vector_load %arg8[%swap3A_215] {strides = array<i32>} : memref<2048xi32, #tpu.memory_space<vmem>>, vector<16xi32>,
      tpu.vector_store %arg8[%swap3A_215], %broadcast_in_dim3A_7 {strides = array<i32>} : memref<2048xi32, #tpu.memory_space<vmem>>, vector<16xi32>,
      %swap3A_217 = arith.constant 656 : index
      %swap3A_218 = tpu.vector_load %arg8[%swap3A_217] {strides = array<i32>} : memref<2048xi32, #tpu.memory_space<vmem>>, vector<16xi32>,
      tpu.vector_store %arg8[%swap3A_217], %broadcast_in_dim3A_7 {strides = array<i32>} : memref<2048xi32, #tpu.memory_space<vmem>>, vector<16xi32>,
      %swap3A_219 = arith.constant 672 : index
      %swap3A_220 = tpu.vector_load %arg8[%swap3A_219] {strides = array<i32>} : memref<2048xi32, #tpu.memory_space<vmem>>, vector<16xi32>,
      tpu.vector_store %arg8[%swap3A_219], %broadcast_in_dim3A_7 {strides = array<i32>} : memref<2048xi32, #tpu.memory_space<vmem>>, vector<16xi32>,
      %swap3A_221 = arith.constant 688 : index
      %swap3A_222 = tpu.vector_load %arg8[%swap3A_221] {strides = array<i32>} : memref<2048xi32, #tpu.memory_space<vmem>>, vector<16xi32>,
      tpu.vector_store %arg8[%swap3A_221], %broadcast_in_dim3A_7 {strides = array<i32>} : memref<2048xi32, #tpu.memory_space<vmem>>, vector<16xi32>,
      %swap3A_223 = arith.constant 704 : index
      %swap3A_224 = tpu.vector_load %arg8[%swap3A_223] {strides = array<i32>} : memref<2048xi32, #tpu.memory_space<vmem>>, vector<16xi32>,
      tpu.vector_store %arg8[%swap3A_223], %broadcast_in_dim3A_7 {strides = array<i32>} : memref<2048xi32, #tpu.memory_space<vmem>>, vector<16xi32>,
      %swap3A_225 = arith.constant 720 : index
      %swap3A_226 = tpu.vector_load %arg8[%swap3A_225] {strides = array<i32>} : memref<2048xi32, #tpu.memory_space<vmem>>, vector<16xi32>,
      tpu.vector_store %arg8[%swap3A_225], %broadcast_in_dim3A_7 {strides = array<i32>} : memref<2048xi32, #tpu.memory_space<vmem>>, vector<16xi32>,
      %swap3A_227 = arith.constant 736 : index
      %swap3A_228 = tpu.vector_load %arg8[%swap3A_227] {strides = array<i32>} : memref<2048xi32, #tpu.memory_space<vmem>>, vector<16xi32>,
      tpu.vector_store %arg8[%swap3A_227], %broadcast_in_dim3A_7 {strides = array<i32>} : memref<2048xi32, #tpu.memory_space<vmem>>, vector<16xi32>,
      %swap3A_229 = arith.constant 752 : index
      %swap3A_230 = tpu.vector_load %arg8[%swap3A_229] {strides = array<i32>} : memref<2048xi32, #tpu.memory_space<vmem>>, vector<16xi32>,
      tpu.vector_store %arg8[%swap3A_229], %broadcast_in_dim3A_7 {strides = array<i32>} : memref<2048xi32, #tpu.memory_space<vmem>>, vector<16xi32>,
      %swap3A_231 = arith.constant 768 : index
      %swap3A_232 = tpu.vector_load %arg8[%swap3A_231] {strides = array<i32>} : memref<2048xi32, #tpu.memory_space<vmem>>, vector<16xi32>,
      tpu.vector_store %arg8[%swap3A_231], %broadcast_in_dim3A_7 {strides = array<i32>} : memref<2048xi32, #tpu.memory_space<vmem>>, vector<16xi32>,
      %swap3A_233 = arith.constant 784 : index
      %swap3A_234 = tpu.vector_load %arg8[%swap3A_233] {strides = array<i32>} : memref<2048xi32, #tpu.memory_space<vmem>>, vector<16xi32>,
      tpu.vector_store %arg8[%swap3A_233], %broadcast_in_dim3A_7 {strides = array<i32>} : memref<2048xi32, #tpu.memory_space<vmem>>, vector<16xi32>,
      %swap3A_235 = arith.constant 800 : index
      %swap3A_236 = tpu.vector_load %arg8[%swap3A_235] {strides = array<i32>} : memref<2048xi32, #tpu.memory_space<vmem>>, vector<16xi32>,
      tpu.vector_store %arg8[%swap3A_235], %broadcast_in_dim3A_7 {strides = array<i32>} : memref<2048xi32, #tpu.memory_space<vmem>>, vector<16xi32>,
      %swap3A_237 = arith.constant 816 : index
      %swap3A_238 = tpu.vector_load %arg8[%swap3A_237] {strides = array<i32>} : memref<2048xi32, #tpu.memory_space<vmem>>, vector<16xi32>,
      tpu.vector_store %arg8[%swap3A_237], %broadcast_in_dim3A_7 {strides = array<i32>} : memref<2048xi32, #tpu.memory_space<vmem>>, vector<16xi32>,
      %swap3A_239 = arith.constant 832 : index
      %swap3A_240 = tpu.vector_load %arg8[%swap3A_239] {strides = array<i32>} : memref<2048xi32, #tpu.memory_space<vmem>>, vector<16xi32>,
      tpu.vector_store %arg8[%swap3A_239], %broadcast_in_dim3A_7 {strides = array<i32>} : memref<2048xi32, #tpu.memory_space<vmem>>, vector<16xi32>,
      %swap3A_241 = arith.constant 848 : index
      %swap3A_242 = tpu.vector_load %arg8[%swap3A_241] {strides = array<i32>} : memref<2048xi32, #tpu.memory_space<vmem>>, vector<16xi32>,
      tpu.vector_store %arg8[%swap3A_241], %broadcast_in_dim3A_7 {strides = array<i32>} : memref<2048xi32, #tpu.memory_space<vmem>>, vector<16xi32>,
      %swap3A_243 = arith.constant 864 : index
      %swap3A_244 = tpu.vector_load %arg8[%swap3A_243] {strides = array<i32>} : memref<2048xi32, #tpu.memory_space<vmem>>, vector<16xi32>,
      tpu.vector_store %arg8[%swap3A_243], %broadcast_in_dim3A_7 {strides = array<i32>} : memref<2048xi32, #tpu.memory_space<vmem>>, vector<16xi32>,
      %swap3A_245 = arith.constant 880 : index
      %swap3A_246 = tpu.vector_load %arg8[%swap3A_245] {strides = array<i32>} : memref<2048xi32, #tpu.memory_space<vmem>>, vector<16xi32>,
      tpu.vector_store %arg8[%swap3A_245], %broadcast_in_dim3A_7 {strides = array<i32>} : memref<2048xi32, #tpu.memory_space<vmem>>, vector<16xi32>,
      %swap3A_247 = arith.constant 896 : index
      %swap3A_248 = tpu.vector_load %arg8[%swap3A_247] {strides = array<i32>} : memref<2048xi32, #tpu.memory_space<vmem>>, vector<16xi32>,
      tpu.vector_store %arg8[%swap3A_247], %broadcast_in_dim3A_7 {strides = array<i32>} : memref<2048xi32, #tpu.memory_space<vmem>>, vector<16xi32>,
      %swap3A_249 = arith.constant 912 : index
      %swap3A_250 = tpu.vector_load %arg8[%swap3A_249] {strides = array<i32>} : memref<2048xi32, #tpu.memory_space<vmem>>, vector<16xi32>,
      tpu.vector_store %arg8[%swap3A_249], %broadcast_in_dim3A_7 {strides = array<i32>} : memref<2048xi32, #tpu.memory_space<vmem>>, vector<16xi32>,
      %swap3A_251 = arith.constant 928 : index
      %swap3A_252 = tpu.vector_load %arg8[%swap3A_251] {strides = array<i32>} : memref<2048xi32, #tpu.memory_space<vmem>>, vector<16xi32>,
      tpu.vector_store %arg8[%swap3A_251], %broadcast_in_dim3A_7 {strides = array<i32>} : memref<2048xi32, #tpu.memory_space<vmem>>, vector<16xi32>,
      %swap3A_253 = arith.constant 944 : index
      %swap3A_254 = tpu.vector_load %arg8[%swap3A_253] {strides = array<i32>} : memref<2048xi32, #tpu.memory_space<vmem>>, vector<16xi32>,
      tpu.vector_store %arg8[%swap3A_253], %broadcast_in_dim3A_7 {strides = array<i32>} : memref<2048xi32, #tpu.memory_space<vmem>>, vector<16xi32>,
      %swap3A_255 = arith.constant 960 : index
      %swap3A_256 = tpu.vector_load %arg8[%swap3A_255] {strides = array<i32>} : memref<2048xi32, #tpu.memory_space<vmem>>, vector<16xi32>,
      tpu.vector_store %arg8[%swap3A_255], %broadcast_in_dim3A_7 {strides = array<i32>} : memref<2048xi32, #tpu.memory_space<vmem>>, vector<16xi32>,
      %swap3A_257 = arith.constant 976 : index
      %swap3A_258 = tpu.vector_load %arg8[%swap3A_257] {strides = array<i32>} : memref<2048xi32, #tpu.memory_space<vmem>>, vector<16xi32>,
      tpu.vector_store %arg8[%swap3A_257], %broadcast_in_dim3A_7 {strides = array<i32>} : memref<2048xi32, #tpu.memory_space<vmem>>, vector<16xi32>,
      %swap3A_259 = arith.constant 992 : index
      %swap3A_260 = tpu.vector_load %arg8[%swap3A_259] {strides = array<i32>} : memref<2048xi32, #tpu.memory_space<vmem>>, vector<16xi32>,
      tpu.vector_store %arg8[%swap3A_259], %broadcast_in_dim3A_7 {strides = array<i32>} : memref<2048xi32, #tpu.memory_space<vmem>>, vector<16xi32>,
      %swap3A_261 = arith.constant 1008 : index
      %swap3A_262 = tpu.vector_load %arg8[%swap3A_261] {strides = array<i32>} : memref<2048xi32, #tpu.memory_space<vmem>>, vector<16xi32>,
      tpu.vector_store %arg8[%swap3A_261], %broadcast_in_dim3A_7 {strides = array<i32>} : memref<2048xi32, #tpu.memory_space<vmem>>, vector<16xi32>,
      %swap3A_263 = arith.constant 1024 : index
      %swap3A_264 = tpu.vector_load %arg8[%swap3A_263] {strides = array<i32>} : memref<2048xi32, #tpu.memory_space<vmem>>, vector<16xi32>,
      tpu.vector_store %arg8[%swap3A_263], %broadcast_in_dim3A_7 {strides = array<i32>} : memref<2048xi32, #tpu.memory_space<vmem>>, vector<16xi32>,
      %swap3A_265 = arith.constant 1040 : index
      %swap3A_266 = tpu.vector_load %arg8[%swap3A_265] {strides = array<i32>} : memref<2048xi32, #tpu.memory_space<vmem>>, vector<16xi32>,
      tpu.vector_store %arg8[%swap3A_265], %broadcast_in_dim3A_7 {strides = array<i32>} : memref<2048xi32, #tpu.memory_space<vmem>>, vector<16xi32>,
      %swap3A_267 = arith.constant 1056 : index
      %swap3A_268 = tpu.vector_load %arg8[%swap3A_267] {strides = array<i32>} : memref<2048xi32, #tpu.memory_space<vmem>>, vector<16xi32>,
      tpu.vector_store %arg8[%swap3A_267], %broadcast_in_dim3A_7 {strides = array<i32>} : memref<2048xi32, #tpu.memory_space<vmem>>, vector<16xi32>,
      %swap3A_269 = arith.constant 1072 : index
      %swap3A_270 = tpu.vector_load %arg8[%swap3A_269] {strides = array<i32>} : memref<2048xi32, #tpu.memory_space<vmem>>, vector<16xi32>,
      tpu.vector_store %arg8[%swap3A_269], %broadcast_in_dim3A_7 {strides = array<i32>} : memref<2048xi32, #tpu.memory_space<vmem>>, vector<16xi32>,
      %swap3A_271 = arith.constant 1088 : index
      %swap3A_272 = tpu.vector_load %arg8[%swap3A_271] {strides = array<i32>} : memref<2048xi32, #tpu.memory_space<vmem>>, vector<16xi32>,
      tpu.vector_store %arg8[%swap3A_271], %broadcast_in_dim3A_7 {strides = array<i32>} : memref<2048xi32, #tpu.memory_space<vmem>>, vector<16xi32>,
      %swap3A_273 = arith.constant 1104 : index
      %swap3A_274 = tpu.vector_load %arg8[%swap3A_273] {strides = array<i32>} : memref<2048xi32, #tpu.memory_space<vmem>>, vector<16xi32>,
      tpu.vector_store %arg8[%swap3A_273], %broadcast_in_dim3A_7 {strides = array<i32>} : memref<2048xi32, #tpu.memory_space<vmem>>, vector<16xi32>,
      %swap3A_275 = arith.constant 1120 : index
      %swap3A_276 = tpu.vector_load %arg8[%swap3A_275] {strides = array<i32>} : memref<2048xi32, #tpu.memory_space<vmem>>, vector<16xi32>,
      tpu.vector_store %arg8[%swap3A_275], %broadcast_in_dim3A_7 {strides = array<i32>} : memref<2048xi32, #tpu.memory_space<vmem>>, vector<16xi32>,
      %swap3A_277 = arith.constant 1136 : index
      %swap3A_278 = tpu.vector_load %arg8[%swap3A_277] {strides = array<i32>} : memref<2048xi32, #tpu.memory_space<vmem>>, vector<16xi32>,
      tpu.vector_store %arg8[%swap3A_277], %broadcast_in_dim3A_7 {strides = array<i32>} : memref<2048xi32, #tpu.memory_space<vmem>>, vector<16xi32>,
      %swap3A_279 = arith.constant 1152 : index
      %swap3A_280 = tpu.vector_load %arg8[%swap3A_279] {strides = array<i32>} : memref<2048xi32, #tpu.memory_space<vmem>>, vector<16xi32>,
      tpu.vector_store %arg8[%swap3A_279], %broadcast_in_dim3A_7 {strides = array<i32>} : memref<2048xi32, #tpu.memory_space<vmem>>, vector<16xi32>,
      %swap3A_281 = arith.constant 1168 : index
      %swap3A_282 = tpu.vector_load %arg8[%swap3A_281] {strides = array<i32>} : memref<2048xi32, #tpu.memory_space<vmem>>, vector<16xi32>,
      tpu.vector_store %arg8[%swap3A_281], %broadcast_in_dim3A_7 {strides = array<i32>} : memref<2048xi32, #tpu.memory_space<vmem>>, vector<16xi32>,
      %swap3A_283 = arith.constant 1184 : index
      %swap3A_284 = tpu.vector_load %arg8[%swap3A_283] {strides = array<i32>} : memref<2048xi32, #tpu.memory_space<vmem>>, vector<16xi32>,
      tpu.vector_store %arg8[%swap3A_283], %broadcast_in_dim3A_7 {strides = array<i32>} : memref<2048xi32, #tpu.memory_space<vmem>>, vector<16xi32>,
      %swap3A_285 = arith.constant 1200 : index
      %swap3A_286 = tpu.vector_load %arg8[%swap3A_285] {strides = array<i32>} : memref<2048xi32, #tpu.memory_space<vmem>>, vector<16xi32>,
      tpu.vector_store %arg8[%swap3A_285], %broadcast_in_dim3A_7 {strides = array<i32>} : memref<2048xi32, #tpu.memory_space<vmem>>, vector<16xi32>,
      %swap3A_287 = arith.constant 1216 : index
      %swap3A_288 = tpu.vector_load %arg8[%swap3A_287] {strides = array<i32>} : memref<2048xi32, #tpu.memory_space<vmem>>, vector<16xi32>,
      tpu.vector_store %arg8[%swap3A_287], %broadcast_in_dim3A_7 {strides = array<i32>} : memref<2048xi32, #tpu.memory_space<vmem>>, vector<16xi32>,
      %swap3A_289 = arith.constant 1232 : index
      %swap3A_290 = tpu.vector_load %arg8[%swap3A_289] {strides = array<i32>} : memref<2048xi32, #tpu.memory_space<vmem>>, vector<16xi32>,
      tpu.vector_store %arg8[%swap3A_289], %broadcast_in_dim3A_7 {strides = array<i32>} : memref<2048xi32, #tpu.memory_space<vmem>>, vector<16xi32>,
      %swap3A_291 = arith.constant 1248 : index
      %swap3A_292 = tpu.vector_load %arg8[%swap3A_291] {strides = array<i32>} : memref<2048xi32, #tpu.memory_space<vmem>>, vector<16xi32>,
      tpu.vector_store %arg8[%swap3A_291], %broadcast_in_dim3A_7 {strides = array<i32>} : memref<2048xi32, #tpu.memory_space<vmem>>, vector<16xi32>,
      %swap3A_293 = arith.constant 1264 : index
      %swap3A_294 = tpu.vector_load %arg8[%swap3A_293] {strides = array<i32>} : memref<2048xi32, #tpu.memory_space<vmem>>, vector<16xi32>,
      tpu.vector_store %arg8[%swap3A_293], %broadcast_in_dim3A_7 {strides = array<i32>} : memref<2048xi32, #tpu.memory_space<vmem>>, vector<16xi32>,
      %swap3A_295 = arith.constant 1280 : index
      %swap3A_296 = tpu.vector_load %arg8[%swap3A_295] {strides = array<i32>} : memref<2048xi32, #tpu.memory_space<vmem>>, vector<16xi32>,
      tpu.vector_store %arg8[%swap3A_295], %broadcast_in_dim3A_7 {strides = array<i32>} : memref<2048xi32, #tpu.memory_space<vmem>>, vector<16xi32>,
      %swap3A_297 = arith.constant 1296 : index
      %swap3A_298 = tpu.vector_load %arg8[%swap3A_297] {strides = array<i32>} : memref<2048xi32, #tpu.memory_space<vmem>>, vector<16xi32>,
      tpu.vector_store %arg8[%swap3A_297], %broadcast_in_dim3A_7 {strides = array<i32>} : memref<2048xi32, #tpu.memory_space<vmem>>, vector<16xi32>,
      %swap3A_299 = arith.constant 1312 : index
      %swap3A_300 = tpu.vector_load %arg8[%swap3A_299] {strides = array<i32>} : memref<2048xi32, #tpu.memory_space<vmem>>, vector<16xi32>,
      tpu.vector_store %arg8[%swap3A_299], %broadcast_in_dim3A_7 {strides = array<i32>} : memref<2048xi32, #tpu.memory_space<vmem>>, vector<16xi32>,
      %swap3A_301 = arith.constant 1328 : index
      %swap3A_302 = tpu.vector_load %arg8[%swap3A_301] {strides = array<i32>} : memref<2048xi32, #tpu.memory_space<vmem>>, vector<16xi32>,
      tpu.vector_store %arg8[%swap3A_301], %broadcast_in_dim3A_7 {strides = array<i32>} : memref<2048xi32, #tpu.memory_space<vmem>>, vector<16xi32>,
      %swap3A_303 = arith.constant 1344 : index
      %swap3A_304 = tpu.vector_load %arg8[%swap3A_303] {strides = array<i32>} : memref<2048xi32, #tpu.memory_space<vmem>>, vector<16xi32>,
      tpu.vector_store %arg8[%swap3A_303], %broadcast_in_dim3A_7 {strides = array<i32>} : memref<2048xi32, #tpu.memory_space<vmem>>, vector<16xi32>,
      %swap3A_305 = arith.constant 1360 : index
      %swap3A_306 = tpu.vector_load %arg8[%swap3A_305] {strides = array<i32>} : memref<2048xi32, #tpu.memory_space<vmem>>, vector<16xi32>,
      tpu.vector_store %arg8[%swap3A_305], %broadcast_in_dim3A_7 {strides = array<i32>} : memref<2048xi32, #tpu.memory_space<vmem>>, vector<16xi32>,
      %swap3A_307 = arith.constant 1376 : index
      %swap3A_308 = tpu.vector_load %arg8[%swap3A_307] {strides = array<i32>} : memref<2048xi32, #tpu.memory_space<vmem>>, vector<16xi32>,
      tpu.vector_store %arg8[%swap3A_307], %broadcast_in_dim3A_7 {strides = array<i32>} : memref<2048xi32, #tpu.memory_space<vmem>>, vector<16xi32>,
      %swap3A_309 = arith.constant 1392 : index
      %swap3A_310 = tpu.vector_load %arg8[%swap3A_309] {strides = array<i32>} : memref<2048xi32, #tpu.memory_space<vmem>>, vector<16xi32>,
      tpu.vector_store %arg8[%swap3A_309], %broadcast_in_dim3A_7 {strides = array<i32>} : memref<2048xi32, #tpu.memory_space<vmem>>, vector<16xi32>,
      %swap3A_311 = arith.constant 1408 : index
      %swap3A_312 = tpu.vector_load %arg8[%swap3A_311] {strides = array<i32>} : memref<2048xi32, #tpu.memory_space<vmem>>, vector<16xi32>,
      tpu.vector_store %arg8[%swap3A_311], %broadcast_in_dim3A_7 {strides = array<i32>} : memref<2048xi32, #tpu.memory_space<vmem>>, vector<16xi32>,
      %swap3A_313 = arith.constant 1424 : index
      %swap3A_314 = tpu.vector_load %arg8[%swap3A_313] {strides = array<i32>} : memref<2048xi32, #tpu.memory_space<vmem>>, vector<16xi32>,
      tpu.vector_store %arg8[%swap3A_313], %broadcast_in_dim3A_7 {strides = array<i32>} : memref<2048xi32, #tpu.memory_space<vmem>>, vector<16xi32>,
      %swap3A_315 = arith.constant 1440 : index
      %swap3A_316 = tpu.vector_load %arg8[%swap3A_315] {strides = array<i32>} : memref<2048xi32, #tpu.memory_space<vmem>>, vector<16xi32>,
      tpu.vector_store %arg8[%swap3A_315], %broadcast_in_dim3A_7 {strides = array<i32>} : memref<2048xi32, #tpu.memory_space<vmem>>, vector<16xi32>,
      %swap3A_317 = arith.constant 1456 : index
      %swap3A_318 = tpu.vector_load %arg8[%swap3A_317] {strides = array<i32>} : memref<2048xi32, #tpu.memory_space<vmem>>, vector<16xi32>,
      tpu.vector_store %arg8[%swap3A_317], %broadcast_in_dim3A_7 {strides = array<i32>} : memref<2048xi32, #tpu.memory_space<vmem>>, vector<16xi32>,
      %swap3A_319 = arith.constant 1472 : index
      %swap3A_320 = tpu.vector_load %arg8[%swap3A_319] {strides = array<i32>} : memref<2048xi32, #tpu.memory_space<vmem>>, vector<16xi32>,
      tpu.vector_store %arg8[%swap3A_319], %broadcast_in_dim3A_7 {strides = array<i32>} : memref<2048xi32, #tpu.memory_space<vmem>>, vector<16xi32>,
      %swap3A_321 = arith.constant 1488 : index
      %swap3A_322 = tpu.vector_load %arg8[%swap3A_321] {strides = array<i32>} : memref<2048xi32, #tpu.memory_space<vmem>>, vector<16xi32>,
      tpu.vector_store %arg8[%swap3A_321], %broadcast_in_dim3A_7 {strides = array<i32>} : memref<2048xi32, #tpu.memory_space<vmem>>, vector<16xi32>,
      %swap3A_323 = arith.constant 1504 : index
      %swap3A_324 = tpu.vector_load %arg8[%swap3A_323] {strides = array<i32>} : memref<2048xi32, #tpu.memory_space<vmem>>, vector<16xi32>,
      tpu.vector_store %arg8[%swap3A_323], %broadcast_in_dim3A_7 {strides = array<i32>} : memref<2048xi32, #tpu.memory_space<vmem>>, vector<16xi32>,
      %swap3A_325 = arith.constant 1520 : index
      %swap3A_326 = tpu.vector_load %arg8[%swap3A_325] {strides = array<i32>} : memref<2048xi32, #tpu.memory_space<vmem>>, vector<16xi32>,
      tpu.vector_store %arg8[%swap3A_325], %broadcast_in_dim3A_7 {strides = array<i32>} : memref<2048xi32, #tpu.memory_space<vmem>>, vector<16xi32>,
      %swap3A_327 = arith.constant 1536 : index
      %swap3A_328 = tpu.vector_load %arg8[%swap3A_327] {strides = array<i32>} : memref<2048xi32, #tpu.memory_space<vmem>>, vector<16xi32>,
      tpu.vector_store %arg8[%swap3A_327], %broadcast_in_dim3A_7 {strides = array<i32>} : memref<2048xi32, #tpu.memory_space<vmem>>, vector<16xi32>,
      %swap3A_329 = arith.constant 1552 : index
      %swap3A_330 = tpu.vector_load %arg8[%swap3A_329] {strides = array<i32>} : memref<2048xi32, #tpu.memory_space<vmem>>, vector<16xi32>,
      tpu.vector_store %arg8[%swap3A_329], %broadcast_in_dim3A_7 {strides = array<i32>} : memref<2048xi32, #tpu.memory_space<vmem>>, vector<16xi32>,
      %swap3A_331 = arith.constant 1568 : index
      %swap3A_332 = tpu.vector_load %arg8[%swap3A_331] {strides = array<i32>} : memref<2048xi32, #tpu.memory_space<vmem>>, vector<16xi32>,
      tpu.vector_store %arg8[%swap3A_331], %broadcast_in_dim3A_7 {strides = array<i32>} : memref<2048xi32, #tpu.memory_space<vmem>>, vector<16xi32>,
      %swap3A_333 = arith.constant 1584 : index
      %swap3A_334 = tpu.vector_load %arg8[%swap3A_333] {strides = array<i32>} : memref<2048xi32, #tpu.memory_space<vmem>>, vector<16xi32>,
      tpu.vector_store %arg8[%swap3A_333], %broadcast_in_dim3A_7 {strides = array<i32>} : memref<2048xi32, #tpu.memory_space<vmem>>, vector<16xi32>,
      %swap3A_335 = arith.constant 1600 : index
      %swap3A_336 = tpu.vector_load %arg8[%swap3A_335] {strides = array<i32>} : memref<2048xi32, #tpu.memory_space<vmem>>, vector<16xi32>,
      tpu.vector_store %arg8[%swap3A_335], %broadcast_in_dim3A_7 {strides = array<i32>} : memref<2048xi32, #tpu.memory_space<vmem>>, vector<16xi32>,
      %swap3A_337 = arith.constant 1616 : index
      %swap3A_338 = tpu.vector_load %arg8[%swap3A_337] {strides = array<i32>} : memref<2048xi32, #tpu.memory_space<vmem>>, vector<16xi32>,
      tpu.vector_store %arg8[%swap3A_337], %broadcast_in_dim3A_7 {strides = array<i32>} : memref<2048xi32, #tpu.memory_space<vmem>>, vector<16xi32>,
      %swap3A_339 = arith.constant 1632 : index
      %swap3A_340 = tpu.vector_load %arg8[%swap3A_339] {strides = array<i32>} : memref<2048xi32, #tpu.memory_space<vmem>>, vector<16xi32>,
      tpu.vector_store %arg8[%swap3A_339], %broadcast_in_dim3A_7 {strides = array<i32>} : memref<2048xi32, #tpu.memory_space<vmem>>, vector<16xi32>,
      %swap3A_341 = arith.constant 1648 : index
      %swap3A_342 = tpu.vector_load %arg8[%swap3A_341] {strides = array<i32>} : memref<2048xi32, #tpu.memory_space<vmem>>, vector<16xi32>,
      tpu.vector_store %arg8[%swap3A_341], %broadcast_in_dim3A_7 {strides = array<i32>} : memref<2048xi32, #tpu.memory_space<vmem>>, vector<16xi32>,
      %swap3A_343 = arith.constant 1664 : index
      %swap3A_344 = tpu.vector_load %arg8[%swap3A_343] {strides = array<i32>} : memref<2048xi32, #tpu.memory_space<vmem>>, vector<16xi32>,
      tpu.vector_store %arg8[%swap3A_343], %broadcast_in_dim3A_7 {strides = array<i32>} : memref<2048xi32, #tpu.memory_space<vmem>>, vector<16xi32>,
      %swap3A_345 = arith.constant 1680 : index
      %swap3A_346 = tpu.vector_load %arg8[%swap3A_345] {strides = array<i32>} : memref<2048xi32, #tpu.memory_space<vmem>>, vector<16xi32>,
      tpu.vector_store %arg8[%swap3A_345], %broadcast_in_dim3A_7 {strides = array<i32>} : memref<2048xi32, #tpu.memory_space<vmem>>, vector<16xi32>,
      %swap3A_347 = arith.constant 1696 : index
      %swap3A_348 = tpu.vector_load %arg8[%swap3A_347] {strides = array<i32>} : memref<2048xi32, #tpu.memory_space<vmem>>, vector<16xi32>,
      tpu.vector_store %arg8[%swap3A_347], %broadcast_in_dim3A_7 {strides = array<i32>} : memref<2048xi32, #tpu.memory_space<vmem>>, vector<16xi32>,
      %swap3A_349 = arith.constant 1712 : index
      %swap3A_350 = tpu.vector_load %arg8[%swap3A_349] {strides = array<i32>} : memref<2048xi32, #tpu.memory_space<vmem>>, vector<16xi32>,
      tpu.vector_store %arg8[%swap3A_349], %broadcast_in_dim3A_7 {strides = array<i32>} : memref<2048xi32, #tpu.memory_space<vmem>>, vector<16xi32>,
      %swap3A_351 = arith.constant 1728 : index
      %swap3A_352 = tpu.vector_load %arg8[%swap3A_351] {strides = array<i32>} : memref<2048xi32, #tpu.memory_space<vmem>>, vector<16xi32>,
      tpu.vector_store %arg8[%swap3A_351], %broadcast_in_dim3A_7 {strides = array<i32>} : memref<2048xi32, #tpu.memory_space<vmem>>, vector<16xi32>,
      %swap3A_353 = arith.constant 1744 : index
      %swap3A_354 = tpu.vector_load %arg8[%swap3A_353] {strides = array<i32>} : memref<2048xi32, #tpu.memory_space<vmem>>, vector<16xi32>,
      tpu.vector_store %arg8[%swap3A_353], %broadcast_in_dim3A_7 {strides = array<i32>} : memref<2048xi32, #tpu.memory_space<vmem>>, vector<16xi32>,
      %swap3A_355 = arith.constant 1760 : index
      %swap3A_356 = tpu.vector_load %arg8[%swap3A_355] {strides = array<i32>} : memref<2048xi32, #tpu.memory_space<vmem>>, vector<16xi32>,
      tpu.vector_store %arg8[%swap3A_355], %broadcast_in_dim3A_7 {strides = array<i32>} : memref<2048xi32, #tpu.memory_space<vmem>>, vector<16xi32>,
      %swap3A_357 = arith.constant 1776 : index
      %swap3A_358 = tpu.vector_load %arg8[%swap3A_357] {strides = array<i32>} : memref<2048xi32, #tpu.memory_space<vmem>>, vector<16xi32>,
      tpu.vector_store %arg8[%swap3A_357], %broadcast_in_dim3A_7 {strides = array<i32>} : memref<2048xi32, #tpu.memory_space<vmem>>, vector<16xi32>,
      %swap3A_359 = arith.constant 1792 : index
      %swap3A_360 = tpu.vector_load %arg8[%swap3A_359] {strides = array<i32>} : memref<2048xi32, #tpu.memory_space<vmem>>, vector<16xi32>,
      tpu.vector_store %arg8[%swap3A_359], %broadcast_in_dim3A_7 {strides = array<i32>} : memref<2048xi32, #tpu.memory_space<vmem>>, vector<16xi32>,
      %swap3A_361 = arith.constant 1808 : index
      %swap3A_362 = tpu.vector_load %arg8[%swap3A_361] {strides = array<i32>} : memref<2048xi32, #tpu.memory_space<vmem>>, vector<16xi32>,
      tpu.vector_store %arg8[%swap3A_361], %broadcast_in_dim3A_7 {strides = array<i32>} : memref<2048xi32, #tpu.memory_space<vmem>>, vector<16xi32>,
      %swap3A_363 = arith.constant 1824 : index
      %swap3A_364 = tpu.vector_load %arg8[%swap3A_363] {strides = array<i32>} : memref<2048xi32, #tpu.memory_space<vmem>>, vector<16xi32>,
      tpu.vector_store %arg8[%swap3A_363], %broadcast_in_dim3A_7 {strides = array<i32>} : memref<2048xi32, #tpu.memory_space<vmem>>, vector<16xi32>,
      %swap3A_365 = arith.constant 1840 : index
      %swap3A_366 = tpu.vector_load %arg8[%swap3A_365] {strides = array<i32>} : memref<2048xi32, #tpu.memory_space<vmem>>, vector<16xi32>,
      tpu.vector_store %arg8[%swap3A_365], %broadcast_in_dim3A_7 {strides = array<i32>} : memref<2048xi32, #tpu.memory_space<vmem>>, vector<16xi32>,
      %swap3A_367 = arith.constant 1856 : index
      %swap3A_368 = tpu.vector_load %arg8[%swap3A_367] {strides = array<i32>} : memref<2048xi32, #tpu.memory_space<vmem>>, vector<16xi32>,
      tpu.vector_store %arg8[%swap3A_367], %broadcast_in_dim3A_7 {strides = array<i32>} : memref<2048xi32, #tpu.memory_space<vmem>>, vector<16xi32>,
      %swap3A_369 = arith.constant 1872 : index
      %swap3A_370 = tpu.vector_load %arg8[%swap3A_369] {strides = array<i32>} : memref<2048xi32, #tpu.memory_space<vmem>>, vector<16xi32>,
      tpu.vector_store %arg8[%swap3A_369], %broadcast_in_dim3A_7 {strides = array<i32>} : memref<2048xi32, #tpu.memory_space<vmem>>, vector<16xi32>,
      %swap3A_371 = arith.constant 1888 : index
      %swap3A_372 = tpu.vector_load %arg8[%swap3A_371] {strides = array<i32>} : memref<2048xi32, #tpu.memory_space<vmem>>, vector<16xi32>,
      tpu.vector_store %arg8[%swap3A_371], %broadcast_in_dim3A_7 {strides = array<i32>} : memref<2048xi32, #tpu.memory_space<vmem>>, vector<16xi32>,
      %swap3A_373 = arith.constant 1904 : index
      %swap3A_374 = tpu.vector_load %arg8[%swap3A_373] {strides = array<i32>} : memref<2048xi32, #tpu.memory_space<vmem>>, vector<16xi32>,
      tpu.vector_store %arg8[%swap3A_373], %broadcast_in_dim3A_7 {strides = array<i32>} : memref<2048xi32, #tpu.memory_space<vmem>>, vector<16xi32>,
      %swap3A_375 = arith.constant 1920 : index
      %swap3A_376 = tpu.vector_load %arg8[%swap3A_375] {strides = array<i32>} : memref<2048xi32, #tpu.memory_space<vmem>>, vector<16xi32>,
      tpu.vector_store %arg8[%swap3A_375], %broadcast_in_dim3A_7 {strides = array<i32>} : memref<2048xi32, #tpu.memory_space<vmem>>, vector<16xi32>,
      %swap3A_377 = arith.constant 1936 : index
      %swap3A_378 = tpu.vector_load %arg8[%swap3A_377] {strides = array<i32>} : memref<2048xi32, #tpu.memory_space<vmem>>, vector<16xi32>,
      tpu.vector_store %arg8[%swap3A_377], %broadcast_in_dim3A_7 {strides = array<i32>} : memref<2048xi32, #tpu.memory_space<vmem>>, vector<16xi32>,
      %swap3A_379 = arith.constant 1952 : index
      %swap3A_380 = tpu.vector_load %arg8[%swap3A_379] {strides = array<i32>} : memref<2048xi32, #tpu.memory_space<vmem>>, vector<16xi32>,
      tpu.vector_store %arg8[%swap3A_379], %broadcast_in_dim3A_7 {strides = array<i32>} : memref<2048xi32, #tpu.memory_space<vmem>>, vector<16xi32>,
      %swap3A_381 = arith.constant 1968 : index
      %swap3A_382 = tpu.vector_load %arg8[%swap3A_381] {strides = array<i32>} : memref<2048xi32, #tpu.memory_space<vmem>>, vector<16xi32>,
      tpu.vector_store %arg8[%swap3A_381], %broadcast_in_dim3A_7 {strides = array<i32>} : memref<2048xi32, #tpu.memory_space<vmem>>, vector<16xi32>,
      %swap3A_383 = arith.constant 1984 : index
      %swap3A_384 = tpu.vector_load %arg8[%swap3A_383] {strides = array<i32>} : memref<2048xi32, #tpu.memory_space<vmem>>, vector<16xi32>,
      tpu.vector_store %arg8[%swap3A_383], %broadcast_in_dim3A_7 {strides = array<i32>} : memref<2048xi32, #tpu.memory_space<vmem>>, vector<16xi32>,
      %swap3A_385 = arith.constant 2000 : index
      %swap3A_386 = tpu.vector_load %arg8[%swap3A_385] {strides = array<i32>} : memref<2048xi32, #tpu.memory_space<vmem>>, vector<16xi32>,
      tpu.vector_store %arg8[%swap3A_385], %broadcast_in_dim3A_7 {strides = array<i32>} : memref<2048xi32, #tpu.memory_space<vmem>>, vector<16xi32>,
      %swap3A_387 = arith.constant 2016 : index
      %swap3A_388 = tpu.vector_load %arg8[%swap3A_387] {strides = array<i32>} : memref<2048xi32, #tpu.memory_space<vmem>>, vector<16xi32>,
      tpu.vector_store %arg8[%swap3A_387], %broadcast_in_dim3A_7 {strides = array<i32>} : memref<2048xi32, #tpu.memory_space<vmem>>, vector<16xi32>,
      %swap3A_389 = arith.constant 2032 : index
      %swap3A_390 = tpu.vector_load %arg8[%swap3A_389] {strides = array<i32>} : memref<2048xi32, #tpu.memory_space<vmem>>, vector<16xi32>,
      tpu.vector_store %arg8[%swap3A_389], %broadcast_in_dim3A_7 {strides = array<i32>} : memref<2048xi32, #tpu.memory_space<vmem>>, vector<16xi32>,
      %dma_start3A = arith.constant 753 : i32
      %dma_start3A_391 = arith.constant 0 : i32
      %dma_start3A_392 = tpu.memref_slice %arg2[%add3A, %dma_start3A, %dma_start3A_391] : memref<16x2048x1024xf32, #tpu.memory_space<hbm>> -> memref<1x35x1024xf32, #tpu.memory_space<hbm>>
      %dma_start3A_393 = tpu.memref_squeeze %dma_start3A_392 : memref<1x35x1024xf32, #tpu.memory_space<hbm>> -> memref<35x1024xf32, #tpu.memory_space<hbm>>
      %dma_start3A_394 = arith.constant 753 : i32
      %dma_start3A_395 = arith.constant 0 : i32
      %dma_start3A_396 = tpu.memref_slice %arg2[%add3A, %dma_start3A_394, %dma_start3A_395] : memref<16x2048x1024xf32, #tpu.memory_space<hbm>> -> memref<1x35x1024xf32, #tpu.memory_space<hbm>>
      %dma_start3A_397 = tpu.memref_squeeze %dma_start3A_396 : memref<1x35x1024xf32, #tpu.memory_space<hbm>> -> memref<35x1024xf32, #tpu.memory_space<hbm>>
      tpu.enqueue_dma source(%dma_start3A_397 : memref<35x1024xf32, #tpu.memory_space<hbm>>) target(%arg5 : memref<35x1024xf32, #tpu.memory_space<vmem>>) target_semaphore(%arg10 : memref<!tpu.dma_semaphore, #tpu.memory_space<semaphore_mem>>)
      %dma_start3A_398 = arith.constant 788 : i32
      %dma_start3A_399 = arith.constant 0 : i32
      %dma_start3A_400 = tpu.memref_slice %arg2[%add3A, %dma_start3A_398, %dma_start3A_399] : memref<16x2048x1024xf32, #tpu.memory_space<hbm>> -> memref<1x35x1024xf32, #tpu.memory_space<hbm>>
      %dma_start3A_401 = tpu.memref_squeeze %dma_start3A_400 : memref<1x35x1024xf32, #tpu.memory_space<hbm>> -> memref<35x1024xf32, #tpu.memory_space<hbm>>
      %dma_start3A_402 = arith.constant 788 : i32
      %dma_start3A_403 = arith.constant 0 : i32
      %dma_start3A_404 = tpu.memref_slice %arg2[%add3A, %dma_start3A_402, %dma_start3A_403] : memref<16x2048x1024xf32, #tpu.memory_space<hbm>> -> memref<1x35x1024xf32, #tpu.memory_space<hbm>>
      %dma_start3A_405 = tpu.memref_squeeze %dma_start3A_404 : memref<1x35x1024xf32, #tpu.memory_space<hbm>> -> memref<35x1024xf32, #tpu.memory_space<hbm>>
      tpu.enqueue_dma source(%dma_start3A_405 : memref<35x1024xf32, #tpu.memory_space<hbm>>) target(%arg6 : memref<35x1024xf32, #tpu.memory_space<vmem>>) target_semaphore(%arg11 : memref<!tpu.dma_semaphore, #tpu.memory_space<semaphore_mem>>)
      %scan3A = arith.constant 0.000000e+00 : f32
      %scan3A_406 = arith.constant 0 : i32
      %scan3A_407 = arith.constant 18 : i32
      %scan3A_408 = arith.addi %scan3A_406, %scan3A_407 : i32
      %scan3A_409 = arith.constant 1 : i32
      %scan3A_410 = scf.for %scan3A_431 = %scan3A_406 to %scan3A_408 step %scan3A_409 iter_args(%scan3A_432 = %scan3A) -> (f32)  : i32 {
        %mul3A_433 = arith.constant 2 : i32
        %mul3A_434 = arith.muli %mul3A_433, %scan3A_431 : i32
        %dma_wait3A_435 = arith.constant 753 : i32
        %dma_wait3A_436 = arith.constant 0 : i32
        %dma_wait3A_437 = tpu.memref_slice %arg2[%add3A, %dma_wait3A_435, %dma_wait3A_436] : memref<16x2048x1024xf32, #tpu.memory_space<hbm>> -> memref<1x35x1024xf32, #tpu.memory_space<hbm>>
        %dma_wait3A_438 = tpu.memref_squeeze %dma_wait3A_437 : memref<1x35x1024xf32, #tpu.memory_space<hbm>> -> memref<35x1024xf32, #tpu.memory_space<hbm>>
        %dma_wait3A_439 = arith.constant 753 : i32
        %dma_wait3A_440 = arith.constant 0 : i32
        %dma_wait3A_441 = tpu.memref_slice %arg2[%add3A, %dma_wait3A_439, %dma_wait3A_440] : memref<16x2048x1024xf32, #tpu.memory_space<hbm>> -> memref<1x35x1024xf32, #tpu.memory_space<hbm>>
        %dma_wait3A_442 = tpu.memref_squeeze %dma_wait3A_441 : memref<1x35x1024xf32, #tpu.memory_space<hbm>> -> memref<35x1024xf32, #tpu.memory_space<hbm>>
        tpu.wait_dma2 semaphore(%arg10 : memref<!tpu.dma_semaphore, #tpu.memory_space<semaphore_mem>>) src(%dma_wait3A_442 : memref<35x1024xf32, #tpu.memory_space<hbm>>) dst(%arg5 : memref<35x1024xf32, #tpu.memory_space<vmem>>)
        %scan3A_443 = arith.constant 0 : i32
        %scan3A_444 = arith.constant 35 : i32
        %scan3A_445 = arith.addi %scan3A_443, %scan3A_444 : i32
        %scan3A_446 = arith.constant 1 : i32
        %scan3A_447 = scf.for %scan3A_479 = %scan3A_443 to %scan3A_445 step %scan3A_446 iter_args(%scan3A_480 = %scan3A_432) -> (f32)  : i32 {
          %mul3A_481 = arith.constant 35 : i32
          %mul3A_482 = arith.muli %mul3A_434, %mul3A_481 : i32
          %add3A_483 = arith.constant 753 : i32
          %add3A_484 = arith.addi %add3A_483, %mul3A_482 : i32
          %add3A_485 = arith.addi %add3A_484, %scan3A_479 : i32
          %broadcast_in_dim3A_486 = arith.constant 0xFF800000 : f32
          %broadcast_in_dim3A_487 = vector.broadcast %broadcast_in_dim3A_486 : f32 to vector<16xf32>
          %get3A = arith.index_cast %scan3A_479 : i32 to index
          %get3A_488 = arith.constant 0 : index
          %get3A_489 = tpu.vector_load %arg5[%get3A, %get3A_488] {strides = array<i32>} : memref<35x1024xf32, #tpu.memory_space<vmem>>, vector<16xf32>,
          %get3A_490 = arith.constant 0 : index
          %get3A_491 = tpu.vector_load %arg7[%get3A_490] {strides = array<i32>} : memref<1024xf32, #tpu.memory_space<vmem>>, vector<16xf32>,
          %add3A_492 = arith.addf %get3A_489, %get3A_491 : vector<16xf32>
          %jit3A = arith.constant 0.000000e+00 : f32
          %broadcast_in_dim3A_493 = vector.broadcast %jit3A : f32 to vector<16xf32>
          %select_n3A = arith.select %eq3A_4, %broadcast_in_dim3A_493, %add3A_492 : vector<16xi1>, vector<16xf32>
          %add3A_494 = arith.constant 0 : i32
          %add3A_495 = vector.broadcast %add3A_494 : i32 to vector<16xi32>
          %add3A_496 = arith.addi %iota3A, %add3A_495 : vector<16xi32>
          %gt3A = arith.cmpf ogt, %select_n3A, %broadcast_in_dim3A_487 : vector<16xf32>
          %select_n3A_497 = arith.select %gt3A, %add3A_496, %broadcast_in_dim3A_7 : vector<16xi1>, vector<16xi32>
          %select_n3A_498 = arith.select %gt3A, %select_n3A, %broadcast_in_dim3A_487 : vector<16xi1>, vector<16xf32>
          %get3A_499 = arith.index_cast %scan3A_479 : i32 to index
          %get3A_500 = arith.constant 16 : index
          %get3A_501 = tpu.vector_load %arg5[%get3A_499, %get3A_500] {strides = array<i32>} : memref<35x1024xf32, #tpu.memory_space<vmem>>, vector<16xf32>,
          %get3A_502 = arith.constant 16 : index
          %get3A_503 = tpu.vector_load %arg7[%get3A_502] {strides = array<i32>} : memref<1024xf32, #tpu.memory_space<vmem>>, vector<16xf32>,
          %add3A_504 = arith.addf %get3A_501, %get3A_503 : vector<16xf32>
          %add3A_505 = arith.constant 16 : i32
          %add3A_506 = vector.broadcast %add3A_505 : i32 to vector<16xi32>
          %add3A_507 = arith.addi %iota3A, %add3A_506 : vector<16xi32>
          %gt3A_508 = arith.cmpf ogt, %add3A_504, %broadcast_in_dim3A_487 : vector<16xf32>
          %select_n3A_509 = arith.select %gt3A_508, %add3A_507, %broadcast_in_dim3A_7 : vector<16xi1>, vector<16xi32>
          %select_n3A_510 = arith.select %gt3A_508, %add3A_504, %broadcast_in_dim3A_487 : vector<16xi1>, vector<16xf32>
          %get3A_511 = arith.index_cast %scan3A_479 : i32 to index
          %get3A_512 = arith.constant 32 : index
          %get3A_513 = tpu.vector_load %arg5[%get3A_511, %get3A_512] {strides = array<i32>} : memref<35x1024xf32, #tpu.memory_space<vmem>>, vector<16xf32>,
          %get3A_514 = arith.constant 32 : index
          %get3A_515 = tpu.vector_load %arg7[%get3A_514] {strides = array<i32>} : memref<1024xf32, #tpu.memory_space<vmem>>, vector<16xf32>,
          %add3A_516 = arith.addf %get3A_513, %get3A_515 : vector<16xf32>
          %add3A_517 = arith.constant 32 : i32
          %add3A_518 = vector.broadcast %add3A_517 : i32 to vector<16xi32>
          %add3A_519 = arith.addi %iota3A, %add3A_518 : vector<16xi32>
          %gt3A_520 = arith.cmpf ogt, %add3A_516, %broadcast_in_dim3A_487 : vector<16xf32>
          %select_n3A_521 = arith.select %gt3A_520, %add3A_519, %broadcast_in_dim3A_7 : vector<16xi1>, vector<16xi32>
          %select_n3A_522 = arith.select %gt3A_520, %add3A_516, %broadcast_in_dim3A_487 : vector<16xi1>, vector<16xf32>
          %get3A_523 = arith.index_cast %scan3A_479 : i32 to index
          %get3A_524 = arith.constant 48 : index
          %get3A_525 = tpu.vector_load %arg5[%get3A_523, %get3A_524] {strides = array<i32>} : memref<35x1024xf32, #tpu.memory_space<vmem>>, vector<16xf32>,
          %get3A_526 = arith.constant 48 : index
          %get3A_527 = tpu.vector_load %arg7[%get3A_526] {strides = array<i32>} : memref<1024xf32, #tpu.memory_space<vmem>>, vector<16xf32>,
          %add3A_528 = arith.addf %get3A_525, %get3A_527 : vector<16xf32>
          %add3A_529 = arith.constant 48 : i32
          %add3A_530 = vector.broadcast %add3A_529 : i32 to vector<16xi32>
          %add3A_531 = arith.addi %iota3A, %add3A_530 : vector<16xi32>
          %gt3A_532 = arith.cmpf ogt, %add3A_528, %broadcast_in_dim3A_487 : vector<16xf32>
          %select_n3A_533 = arith.select %gt3A_532, %add3A_531, %broadcast_in_dim3A_7 : vector<16xi1>, vector<16xi32>
          %select_n3A_534 = arith.select %gt3A_532, %add3A_528, %broadcast_in_dim3A_487 : vector<16xi1>, vector<16xf32>
          %get3A_535 = arith.index_cast %scan3A_479 : i32 to index
          %get3A_536 = arith.constant 64 : index
          %get3A_537 = tpu.vector_load %arg5[%get3A_535, %get3A_536] {strides = array<i32>} : memref<35x1024xf32, #tpu.memory_space<vmem>>, vector<16xf32>,
          %get3A_538 = arith.constant 64 : index
          %get3A_539 = tpu.vector_load %arg7[%get3A_538] {strides = array<i32>} : memref<1024xf32, #tpu.memory_space<vmem>>, vector<16xf32>,
          %add3A_540 = arith.addf %get3A_537, %get3A_539 : vector<16xf32>
          %add3A_541 = arith.constant 64 : i32
          %add3A_542 = vector.broadcast %add3A_541 : i32 to vector<16xi32>
          %add3A_543 = arith.addi %iota3A, %add3A_542 : vector<16xi32>
          %gt3A_544 = arith.cmpf ogt, %add3A_540, %broadcast_in_dim3A_487 : vector<16xf32>
          %select_n3A_545 = arith.select %gt3A_544, %add3A_543, %broadcast_in_dim3A_7 : vector<16xi1>, vector<16xi32>
          %select_n3A_546 = arith.select %gt3A_544, %add3A_540, %broadcast_in_dim3A_487 : vector<16xi1>, vector<16xf32>
          %get3A_547 = arith.index_cast %scan3A_479 : i32 to index
          %get3A_548 = arith.constant 80 : index
          %get3A_549 = tpu.vector_load %arg5[%get3A_547, %get3A_548] {strides = array<i32>} : memref<35x1024xf32, #tpu.memory_space<vmem>>, vector<16xf32>,
          %get3A_550 = arith.constant 80 : index
          %get3A_551 = tpu.vector_load %arg7[%get3A_550] {strides = array<i32>} : memref<1024xf32, #tpu.memory_space<vmem>>, vector<16xf32>,
          %add3A_552 = arith.addf %get3A_549, %get3A_551 : vector<16xf32>
          %add3A_553 = arith.constant 80 : i32
          %add3A_554 = vector.broadcast %add3A_553 : i32 to vector<16xi32>
          %add3A_555 = arith.addi %iota3A, %add3A_554 : vector<16xi32>
          %gt3A_556 = arith.cmpf ogt, %add3A_552, %broadcast_in_dim3A_487 : vector<16xf32>
          %select_n3A_557 = arith.select %gt3A_556, %add3A_555, %broadcast_in_dim3A_7 : vector<16xi1>, vector<16xi32>
          %select_n3A_558 = arith.select %gt3A_556, %add3A_552, %broadcast_in_dim3A_487 : vector<16xi1>, vector<16xf32>
          %get3A_559 = arith.index_cast %scan3A_479 : i32 to index
          %get3A_560 = arith.constant 96 : index
          %get3A_561 = tpu.vector_load %arg5[%get3A_559, %get3A_560] {strides = array<i32>} : memref<35x1024xf32, #tpu.memory_space<vmem>>, vector<16xf32>,
          %get3A_562 = arith.constant 96 : index
          %get3A_563 = tpu.vector_load %arg7[%get3A_562] {strides = array<i32>} : memref<1024xf32, #tpu.memory_space<vmem>>, vector<16xf32>,
          %add3A_564 = arith.addf %get3A_561, %get3A_563 : vector<16xf32>
          %add3A_565 = arith.constant 96 : i32
          %add3A_566 = vector.broadcast %add3A_565 : i32 to vector<16xi32>
          %add3A_567 = arith.addi %iota3A, %add3A_566 : vector<16xi32>
          %gt3A_568 = arith.cmpf ogt, %add3A_564, %broadcast_in_dim3A_487 : vector<16xf32>
          %select_n3A_569 = arith.select %gt3A_568, %add3A_567, %broadcast_in_dim3A_7 : vector<16xi1>, vector<16xi32>
          %select_n3A_570 = arith.select %gt3A_568, %add3A_564, %broadcast_in_dim3A_487 : vector<16xi1>, vector<16xf32>
          %get3A_571 = arith.index_cast %scan3A_479 : i32 to index
          %get3A_572 = arith.constant 112 : index
          %get3A_573 = tpu.vector_load %arg5[%get3A_571, %get3A_572] {strides = array<i32>} : memref<35x1024xf32, #tpu.memory_space<vmem>>, vector<16xf32>,
          %get3A_574 = arith.constant 112 : index
          %get3A_575 = tpu.vector_load %arg7[%get3A_574] {strides = array<i32>} : memref<1024xf32, #tpu.memory_space<vmem>>, vector<16xf32>,
          %add3A_576 = arith.addf %get3A_573, %get3A_575 : vector<16xf32>
          %add3A_577 = arith.constant 112 : i32
          %add3A_578 = vector.broadcast %add3A_577 : i32 to vector<16xi32>
          %add3A_579 = arith.addi %iota3A, %add3A_578 : vector<16xi32>
          %gt3A_580 = arith.cmpf ogt, %add3A_576, %broadcast_in_dim3A_487 : vector<16xf32>
          %select_n3A_581 = arith.select %gt3A_580, %add3A_579, %broadcast_in_dim3A_7 : vector<16xi1>, vector<16xi32>
          %select_n3A_582 = arith.select %gt3A_580, %add3A_576, %broadcast_in_dim3A_487 : vector<16xi1>, vector<16xf32>
          %get3A_583 = arith.index_cast %scan3A_479 : i32 to index
          %get3A_584 = arith.constant 128 : index
          %get3A_585 = tpu.vector_load %arg5[%get3A_583, %get3A_584] {strides = array<i32>} : memref<35x1024xf32, #tpu.memory_space<vmem>>, vector<16xf32>,
          %get3A_586 = arith.constant 128 : index
          %get3A_587 = tpu.vector_load %arg7[%get3A_586] {strides = array<i32>} : memref<1024xf32, #tpu.memory_space<vmem>>, vector<16xf32>,
          %add3A_588 = arith.addf %get3A_585, %get3A_587 : vector<16xf32>
          %add3A_589 = arith.constant 128 : i32
          %add3A_590 = vector.broadcast %add3A_589 : i32 to vector<16xi32>
          %add3A_591 = arith.addi %iota3A, %add3A_590 : vector<16xi32>
          %gt3A_592 = arith.cmpf ogt, %add3A_588, %select_n3A_498 : vector<16xf32>
          %select_n3A_593 = arith.select %gt3A_592, %add3A_591, %select_n3A_497 : vector<16xi1>, vector<16xi32>
          %select_n3A_594 = arith.select %gt3A_592, %add3A_588, %select_n3A_498 : vector<16xi1>, vector<16xf32>
          %get3A_595 = arith.index_cast %scan3A_479 : i32 to index
          %get3A_596 = arith.constant 144 : index
          %get3A_597 = tpu.vector_load %arg5[%get3A_595, %get3A_596] {strides = array<i32>} : memref<35x1024xf32, #tpu.memory_space<vmem>>, vector<16xf32>,
          %get3A_598 = arith.constant 144 : index
          %get3A_599 = tpu.vector_load %arg7[%get3A_598] {strides = array<i32>} : memref<1024xf32, #tpu.memory_space<vmem>>, vector<16xf32>,
          %add3A_600 = arith.addf %get3A_597, %get3A_599 : vector<16xf32>
          %add3A_601 = arith.constant 144 : i32
          %add3A_602 = vector.broadcast %add3A_601 : i32 to vector<16xi32>
          %add3A_603 = arith.addi %iota3A, %add3A_602 : vector<16xi32>
          %gt3A_604 = arith.cmpf ogt, %add3A_600, %select_n3A_510 : vector<16xf32>
          %select_n3A_605 = arith.select %gt3A_604, %add3A_603, %select_n3A_509 : vector<16xi1>, vector<16xi32>
          %select_n3A_606 = arith.select %gt3A_604, %add3A_600, %select_n3A_510 : vector<16xi1>, vector<16xf32>
          %get3A_607 = arith.index_cast %scan3A_479 : i32 to index
          %get3A_608 = arith.constant 160 : index
          %get3A_609 = tpu.vector_load %arg5[%get3A_607, %get3A_608] {strides = array<i32>} : memref<35x1024xf32, #tpu.memory_space<vmem>>, vector<16xf32>,
          %get3A_610 = arith.constant 160 : index
          %get3A_611 = tpu.vector_load %arg7[%get3A_610] {strides = array<i32>} : memref<1024xf32, #tpu.memory_space<vmem>>, vector<16xf32>,
          %add3A_612 = arith.addf %get3A_609, %get3A_611 : vector<16xf32>
          %add3A_613 = arith.constant 160 : i32
          %add3A_614 = vector.broadcast %add3A_613 : i32 to vector<16xi32>
          %add3A_615 = arith.addi %iota3A, %add3A_614 : vector<16xi32>
          %gt3A_616 = arith.cmpf ogt, %add3A_612, %select_n3A_522 : vector<16xf32>
          %select_n3A_617 = arith.select %gt3A_616, %add3A_615, %select_n3A_521 : vector<16xi1>, vector<16xi32>
          %select_n3A_618 = arith.select %gt3A_616, %add3A_612, %select_n3A_522 : vector<16xi1>, vector<16xf32>
          %get3A_619 = arith.index_cast %scan3A_479 : i32 to index
          %get3A_620 = arith.constant 176 : index
          %get3A_621 = tpu.vector_load %arg5[%get3A_619, %get3A_620] {strides = array<i32>} : memref<35x1024xf32, #tpu.memory_space<vmem>>, vector<16xf32>,
          %get3A_622 = arith.constant 176 : index
          %get3A_623 = tpu.vector_load %arg7[%get3A_622] {strides = array<i32>} : memref<1024xf32, #tpu.memory_space<vmem>>, vector<16xf32>,
          %add3A_624 = arith.addf %get3A_621, %get3A_623 : vector<16xf32>
          %add3A_625 = arith.constant 176 : i32
          %add3A_626 = vector.broadcast %add3A_625 : i32 to vector<16xi32>
          %add3A_627 = arith.addi %iota3A, %add3A_626 : vector<16xi32>
          %gt3A_628 = arith.cmpf ogt, %add3A_624, %select_n3A_534 : vector<16xf32>
          %select_n3A_629 = arith.select %gt3A_628, %add3A_627, %select_n3A_533 : vector<16xi1>, vector<16xi32>
          %select_n3A_630 = arith.select %gt3A_628, %add3A_624, %select_n3A_534 : vector<16xi1>, vector<16xf32>
          %get3A_631 = arith.index_cast %scan3A_479 : i32 to index
          %get3A_632 = arith.constant 192 : index
          %get3A_633 = tpu.vector_load %arg5[%get3A_631, %get3A_632] {strides = array<i32>} : memref<35x1024xf32, #tpu.memory_space<vmem>>, vector<16xf32>,
          %get3A_634 = arith.constant 192 : index
          %get3A_635 = tpu.vector_load %arg7[%get3A_634] {strides = array<i32>} : memref<1024xf32, #tpu.memory_space<vmem>>, vector<16xf32>,
          %add3A_636 = arith.addf %get3A_633, %get3A_635 : vector<16xf32>
          %add3A_637 = arith.constant 192 : i32
          %add3A_638 = vector.broadcast %add3A_637 : i32 to vector<16xi32>
          %add3A_639 = arith.addi %iota3A, %add3A_638 : vector<16xi32>
          %gt3A_640 = arith.cmpf ogt, %add3A_636, %select_n3A_546 : vector<16xf32>
          %select_n3A_641 = arith.select %gt3A_640, %add3A_639, %select_n3A_545 : vector<16xi1>, vector<16xi32>
          %select_n3A_642 = arith.select %gt3A_640, %add3A_636, %select_n3A_546 : vector<16xi1>, vector<16xf32>
          %get3A_643 = arith.index_cast %scan3A_479 : i32 to index
          %get3A_644 = arith.constant 208 : index
          %get3A_645 = tpu.vector_load %arg5[%get3A_643, %get3A_644] {strides = array<i32>} : memref<35x1024xf32, #tpu.memory_space<vmem>>, vector<16xf32>,
          %get3A_646 = arith.constant 208 : index
          %get3A_647 = tpu.vector_load %arg7[%get3A_646] {strides = array<i32>} : memref<1024xf32, #tpu.memory_space<vmem>>, vector<16xf32>,
          %add3A_648 = arith.addf %get3A_645, %get3A_647 : vector<16xf32>
          %add3A_649 = arith.constant 208 : i32
          %add3A_650 = vector.broadcast %add3A_649 : i32 to vector<16xi32>
          %add3A_651 = arith.addi %iota3A, %add3A_650 : vector<16xi32>
          %gt3A_652 = arith.cmpf ogt, %add3A_648, %select_n3A_558 : vector<16xf32>
          %select_n3A_653 = arith.select %gt3A_652, %add3A_651, %select_n3A_557 : vector<16xi1>, vector<16xi32>
          %select_n3A_654 = arith.select %gt3A_652, %add3A_648, %select_n3A_558 : vector<16xi1>, vector<16xf32>
          %get3A_655 = arith.index_cast %scan3A_479 : i32 to index
          %get3A_656 = arith.constant 224 : index
          %get3A_657 = tpu.vector_load %arg5[%get3A_655, %get3A_656] {strides = array<i32>} : memref<35x1024xf32, #tpu.memory_space<vmem>>, vector<16xf32>,
          %get3A_658 = arith.constant 224 : index
          %get3A_659 = tpu.vector_load %arg7[%get3A_658] {strides = array<i32>} : memref<1024xf32, #tpu.memory_space<vmem>>, vector<16xf32>,
          %add3A_660 = arith.addf %get3A_657, %get3A_659 : vector<16xf32>
          %add3A_661 = arith.constant 224 : i32
          %add3A_662 = vector.broadcast %add3A_661 : i32 to vector<16xi32>
          %add3A_663 = arith.addi %iota3A, %add3A_662 : vector<16xi32>
          %gt3A_664 = arith.cmpf ogt, %add3A_660, %select_n3A_570 : vector<16xf32>
          %select_n3A_665 = arith.select %gt3A_664, %add3A_663, %select_n3A_569 : vector<16xi1>, vector<16xi32>
          %select_n3A_666 = arith.select %gt3A_664, %add3A_660, %select_n3A_570 : vector<16xi1>, vector<16xf32>
          %get3A_667 = arith.index_cast %scan3A_479 : i32 to index
          %get3A_668 = arith.constant 240 : index
          %get3A_669 = tpu.vector_load %arg5[%get3A_667, %get3A_668] {strides = array<i32>} : memref<35x1024xf32, #tpu.memory_space<vmem>>, vector<16xf32>,
          %get3A_670 = arith.constant 240 : index
          %get3A_671 = tpu.vector_load %arg7[%get3A_670] {strides = array<i32>} : memref<1024xf32, #tpu.memory_space<vmem>>, vector<16xf32>,
          %add3A_672 = arith.addf %get3A_669, %get3A_671 : vector<16xf32>
          %add3A_673 = arith.constant 240 : i32
          %add3A_674 = vector.broadcast %add3A_673 : i32 to vector<16xi32>
          %add3A_675 = arith.addi %iota3A, %add3A_674 : vector<16xi32>
          %gt3A_676 = arith.cmpf ogt, %add3A_672, %select_n3A_582 : vector<16xf32>
          %select_n3A_677 = arith.select %gt3A_676, %add3A_675, %select_n3A_581 : vector<16xi1>, vector<16xi32>
          %select_n3A_678 = arith.select %gt3A_676, %add3A_672, %select_n3A_582 : vector<16xi1>, vector<16xf32>
          %get3A_679 = arith.index_cast %scan3A_479 : i32 to index
          %get3A_680 = arith.constant 256 : index
          %get3A_681 = tpu.vector_load %arg5[%get3A_679, %get3A_680] {strides = array<i32>} : memref<35x1024xf32, #tpu.memory_space<vmem>>, vector<16xf32>,
          %get3A_682 = arith.constant 256 : index
          %get3A_683 = tpu.vector_load %arg7[%get3A_682] {strides = array<i32>} : memref<1024xf32, #tpu.memory_space<vmem>>, vector<16xf32>,
          %add3A_684 = arith.addf %get3A_681, %get3A_683 : vector<16xf32>
          %add3A_685 = arith.constant 256 : i32
          %add3A_686 = vector.broadcast %add3A_685 : i32 to vector<16xi32>
          %add3A_687 = arith.addi %iota3A, %add3A_686 : vector<16xi32>
          %gt3A_688 = arith.cmpf ogt, %add3A_684, %select_n3A_594 : vector<16xf32>
          %select_n3A_689 = arith.select %gt3A_688, %add3A_687, %select_n3A_593 : vector<16xi1>, vector<16xi32>
          %select_n3A_690 = arith.select %gt3A_688, %add3A_684, %select_n3A_594 : vector<16xi1>, vector<16xf32>
          %get3A_691 = arith.index_cast %scan3A_479 : i32 to index
          %get3A_692 = arith.constant 272 : index
          %get3A_693 = tpu.vector_load %arg5[%get3A_691, %get3A_692] {strides = array<i32>} : memref<35x1024xf32, #tpu.memory_space<vmem>>, vector<16xf32>,
          %get3A_694 = arith.constant 272 : index
          %get3A_695 = tpu.vector_load %arg7[%get3A_694] {strides = array<i32>} : memref<1024xf32, #tpu.memory_space<vmem>>, vector<16xf32>,
          %add3A_696 = arith.addf %get3A_693, %get3A_695 : vector<16xf32>
          %add3A_697 = arith.constant 272 : i32
          %add3A_698 = vector.broadcast %add3A_697 : i32 to vector<16xi32>
          %add3A_699 = arith.addi %iota3A, %add3A_698 : vector<16xi32>
          %gt3A_700 = arith.cmpf ogt, %add3A_696, %select_n3A_606 : vector<16xf32>
          %select_n3A_701 = arith.select %gt3A_700, %add3A_699, %select_n3A_605 : vector<16xi1>, vector<16xi32>
          %select_n3A_702 = arith.select %gt3A_700, %add3A_696, %select_n3A_606 : vector<16xi1>, vector<16xf32>
          %get3A_703 = arith.index_cast %scan3A_479 : i32 to index
          %get3A_704 = arith.constant 288 : index
          %get3A_705 = tpu.vector_load %arg5[%get3A_703, %get3A_704] {strides = array<i32>} : memref<35x1024xf32, #tpu.memory_space<vmem>>, vector<16xf32>,
          %get3A_706 = arith.constant 288 : index
          %get3A_707 = tpu.vector_load %arg7[%get3A_706] {strides = array<i32>} : memref<1024xf32, #tpu.memory_space<vmem>>, vector<16xf32>,
          %add3A_708 = arith.addf %get3A_705, %get3A_707 : vector<16xf32>
          %add3A_709 = arith.constant 288 : i32
          %add3A_710 = vector.broadcast %add3A_709 : i32 to vector<16xi32>
          %add3A_711 = arith.addi %iota3A, %add3A_710 : vector<16xi32>
          %gt3A_712 = arith.cmpf ogt, %add3A_708, %select_n3A_618 : vector<16xf32>
          %select_n3A_713 = arith.select %gt3A_712, %add3A_711, %select_n3A_617 : vector<16xi1>, vector<16xi32>
          %select_n3A_714 = arith.select %gt3A_712, %add3A_708, %select_n3A_618 : vector<16xi1>, vector<16xf32>
          %get3A_715 = arith.index_cast %scan3A_479 : i32 to index
          %get3A_716 = arith.constant 304 : index
          %get3A_717 = tpu.vector_load %arg5[%get3A_715, %get3A_716] {strides = array<i32>} : memref<35x1024xf32, #tpu.memory_space<vmem>>, vector<16xf32>,
          %get3A_718 = arith.constant 304 : index
          %get3A_719 = tpu.vector_load %arg7[%get3A_718] {strides = array<i32>} : memref<1024xf32, #tpu.memory_space<vmem>>, vector<16xf32>,
          %add3A_720 = arith.addf %get3A_717, %get3A_719 : vector<16xf32>
          %add3A_721 = arith.constant 304 : i32
          %add3A_722 = vector.broadcast %add3A_721 : i32 to vector<16xi32>
          %add3A_723 = arith.addi %iota3A, %add3A_722 : vector<16xi32>
          %gt3A_724 = arith.cmpf ogt, %add3A_720, %select_n3A_630 : vector<16xf32>
          %select_n3A_725 = arith.select %gt3A_724, %add3A_723, %select_n3A_629 : vector<16xi1>, vector<16xi32>
          %select_n3A_726 = arith.select %gt3A_724, %add3A_720, %select_n3A_630 : vector<16xi1>, vector<16xf32>
          %get3A_727 = arith.index_cast %scan3A_479 : i32 to index
          %get3A_728 = arith.constant 320 : index
          %get3A_729 = tpu.vector_load %arg5[%get3A_727, %get3A_728] {strides = array<i32>} : memref<35x1024xf32, #tpu.memory_space<vmem>>, vector<16xf32>,
          %get3A_730 = arith.constant 320 : index
          %get3A_731 = tpu.vector_load %arg7[%get3A_730] {strides = array<i32>} : memref<1024xf32, #tpu.memory_space<vmem>>, vector<16xf32>,
          %add3A_732 = arith.addf %get3A_729, %get3A_731 : vector<16xf32>
          %add3A_733 = arith.constant 320 : i32
          %add3A_734 = vector.broadcast %add3A_733 : i32 to vector<16xi32>
          %add3A_735 = arith.addi %iota3A, %add3A_734 : vector<16xi32>
          %gt3A_736 = arith.cmpf ogt, %add3A_732, %select_n3A_642 : vector<16xf32>
          %select_n3A_737 = arith.select %gt3A_736, %add3A_735, %select_n3A_641 : vector<16xi1>, vector<16xi32>
          %select_n3A_738 = arith.select %gt3A_736, %add3A_732, %select_n3A_642 : vector<16xi1>, vector<16xf32>
          %get3A_739 = arith.index_cast %scan3A_479 : i32 to index
          %get3A_740 = arith.constant 336 : index
          %get3A_741 = tpu.vector_load %arg5[%get3A_739, %get3A_740] {strides = array<i32>} : memref<35x1024xf32, #tpu.memory_space<vmem>>, vector<16xf32>,
          %get3A_742 = arith.constant 336 : index
          %get3A_743 = tpu.vector_load %arg7[%get3A_742] {strides = array<i32>} : memref<1024xf32, #tpu.memory_space<vmem>>, vector<16xf32>,
          %add3A_744 = arith.addf %get3A_741, %get3A_743 : vector<16xf32>
          %add3A_745 = arith.constant 336 : i32
          %add3A_746 = vector.broadcast %add3A_745 : i32 to vector<16xi32>
          %add3A_747 = arith.addi %iota3A, %add3A_746 : vector<16xi32>
          %gt3A_748 = arith.cmpf ogt, %add3A_744, %select_n3A_654 : vector<16xf32>
          %select_n3A_749 = arith.select %gt3A_748, %add3A_747, %select_n3A_653 : vector<16xi1>, vector<16xi32>
          %select_n3A_750 = arith.select %gt3A_748, %add3A_744, %select_n3A_654 : vector<16xi1>, vector<16xf32>
          %get3A_751 = arith.index_cast %scan3A_479 : i32 to index
          %get3A_752 = arith.constant 352 : index
          %get3A_753 = tpu.vector_load %arg5[%get3A_751, %get3A_752] {strides = array<i32>} : memref<35x1024xf32, #tpu.memory_space<vmem>>, vector<16xf32>,
          %get3A_754 = arith.constant 352 : index
          %get3A_755 = tpu.vector_load %arg7[%get3A_754] {strides = array<i32>} : memref<1024xf32, #tpu.memory_space<vmem>>, vector<16xf32>,
          %add3A_756 = arith.addf %get3A_753, %get3A_755 : vector<16xf32>
          %add3A_757 = arith.constant 352 : i32
          %add3A_758 = vector.broadcast %add3A_757 : i32 to vector<16xi32>
          %add3A_759 = arith.addi %iota3A, %add3A_758 : vector<16xi32>
          %gt3A_760 = arith.cmpf ogt, %add3A_756, %select_n3A_666 : vector<16xf32>
          %select_n3A_761 = arith.select %gt3A_760, %add3A_759, %select_n3A_665 : vector<16xi1>, vector<16xi32>
          %select_n3A_762 = arith.select %gt3A_760, %add3A_756, %select_n3A_666 : vector<16xi1>, vector<16xf32>
          %get3A_763 = arith.index_cast %scan3A_479 : i32 to index
          %get3A_764 = arith.constant 368 : index
          %get3A_765 = tpu.vector_load %arg5[%get3A_763, %get3A_764] {strides = array<i32>} : memref<35x1024xf32, #tpu.memory_space<vmem>>, vector<16xf32>,
          %get3A_766 = arith.constant 368 : index
          %get3A_767 = tpu.vector_load %arg7[%get3A_766] {strides = array<i32>} : memref<1024xf32, #tpu.memory_space<vmem>>, vector<16xf32>,
          %add3A_768 = arith.addf %get3A_765, %get3A_767 : vector<16xf32>
          %add3A_769 = arith.constant 368 : i32
          %add3A_770 = vector.broadcast %add3A_769 : i32 to vector<16xi32>
          %add3A_771 = arith.addi %iota3A, %add3A_770 : vector<16xi32>
          %gt3A_772 = arith.cmpf ogt, %add3A_768, %select_n3A_678 : vector<16xf32>
          %select_n3A_773 = arith.select %gt3A_772, %add3A_771, %select_n3A_677 : vector<16xi1>, vector<16xi32>
          %select_n3A_774 = arith.select %gt3A_772, %add3A_768, %select_n3A_678 : vector<16xi1>, vector<16xf32>
          %get3A_775 = arith.index_cast %scan3A_479 : i32 to index
          %get3A_776 = arith.constant 384 : index
          %get3A_777 = tpu.vector_load %arg5[%get3A_775, %get3A_776] {strides = array<i32>} : memref<35x1024xf32, #tpu.memory_space<vmem>>, vector<16xf32>,
          %get3A_778 = arith.constant 384 : index
          %get3A_779 = tpu.vector_load %arg7[%get3A_778] {strides = array<i32>} : memref<1024xf32, #tpu.memory_space<vmem>>, vector<16xf32>,
          %add3A_780 = arith.addf %get3A_777, %get3A_779 : vector<16xf32>
          %add3A_781 = arith.constant 384 : i32
          %add3A_782 = vector.broadcast %add3A_781 : i32 to vector<16xi32>
          %add3A_783 = arith.addi %iota3A, %add3A_782 : vector<16xi32>
          %gt3A_784 = arith.cmpf ogt, %add3A_780, %select_n3A_690 : vector<16xf32>
          %select_n3A_785 = arith.select %gt3A_784, %add3A_783, %select_n3A_689 : vector<16xi1>, vector<16xi32>
          %select_n3A_786 = arith.select %gt3A_784, %add3A_780, %select_n3A_690 : vector<16xi1>, vector<16xf32>
          %get3A_787 = arith.index_cast %scan3A_479 : i32 to index
          %get3A_788 = arith.constant 400 : index
          %get3A_789 = tpu.vector_load %arg5[%get3A_787, %get3A_788] {strides = array<i32>} : memref<35x1024xf32, #tpu.memory_space<vmem>>, vector<16xf32>,
          %get3A_790 = arith.constant 400 : index
          %get3A_791 = tpu.vector_load %arg7[%get3A_790] {strides = array<i32>} : memref<1024xf32, #tpu.memory_space<vmem>>, vector<16xf32>,
          %add3A_792 = arith.addf %get3A_789, %get3A_791 : vector<16xf32>
          %add3A_793 = arith.constant 400 : i32
          %add3A_794 = vector.broadcast %add3A_793 : i32 to vector<16xi32>
          %add3A_795 = arith.addi %iota3A, %add3A_794 : vector<16xi32>
          %gt3A_796 = arith.cmpf ogt, %add3A_792, %select_n3A_702 : vector<16xf32>
          %select_n3A_797 = arith.select %gt3A_796, %add3A_795, %select_n3A_701 : vector<16xi1>, vector<16xi32>
          %select_n3A_798 = arith.select %gt3A_796, %add3A_792, %select_n3A_702 : vector<16xi1>, vector<16xf32>
          %get3A_799 = arith.index_cast %scan3A_479 : i32 to index
          %get3A_800 = arith.constant 416 : index
          %get3A_801 = tpu.vector_load %arg5[%get3A_799, %get3A_800] {strides = array<i32>} : memref<35x1024xf32, #tpu.memory_space<vmem>>, vector<16xf32>,
          %get3A_802 = arith.constant 416 : index
          %get3A_803 = tpu.vector_load %arg7[%get3A_802] {strides = array<i32>} : memref<1024xf32, #tpu.memory_space<vmem>>, vector<16xf32>,
          %add3A_804 = arith.addf %get3A_801, %get3A_803 : vector<16xf32>
          %add3A_805 = arith.constant 416 : i32
          %add3A_806 = vector.broadcast %add3A_805 : i32 to vector<16xi32>
          %add3A_807 = arith.addi %iota3A, %add3A_806 : vector<16xi32>
          %gt3A_808 = arith.cmpf ogt, %add3A_804, %select_n3A_714 : vector<16xf32>
          %select_n3A_809 = arith.select %gt3A_808, %add3A_807, %select_n3A_713 : vector<16xi1>, vector<16xi32>
          %select_n3A_810 = arith.select %gt3A_808, %add3A_804, %select_n3A_714 : vector<16xi1>, vector<16xf32>
          %get3A_811 = arith.index_cast %scan3A_479 : i32 to index
          %get3A_812 = arith.constant 432 : index
          %get3A_813 = tpu.vector_load %arg5[%get3A_811, %get3A_812] {strides = array<i32>} : memref<35x1024xf32, #tpu.memory_space<vmem>>, vector<16xf32>,
          %get3A_814 = arith.constant 432 : index
          %get3A_815 = tpu.vector_load %arg7[%get3A_814] {strides = array<i32>} : memref<1024xf32, #tpu.memory_space<vmem>>, vector<16xf32>,
          %add3A_816 = arith.addf %get3A_813, %get3A_815 : vector<16xf32>
          %add3A_817 = arith.constant 432 : i32
          %add3A_818 = vector.broadcast %add3A_817 : i32 to vector<16xi32>
          %add3A_819 = arith.addi %iota3A, %add3A_818 : vector<16xi32>
          %gt3A_820 = arith.cmpf ogt, %add3A_816, %select_n3A_726 : vector<16xf32>
          %select_n3A_821 = arith.select %gt3A_820, %add3A_819, %select_n3A_725 : vector<16xi1>, vector<16xi32>
          %select_n3A_822 = arith.select %gt3A_820, %add3A_816, %select_n3A_726 : vector<16xi1>, vector<16xf32>
          %get3A_823 = arith.index_cast %scan3A_479 : i32 to index
          %get3A_824 = arith.constant 448 : index
          %get3A_825 = tpu.vector_load %arg5[%get3A_823, %get3A_824] {strides = array<i32>} : memref<35x1024xf32, #tpu.memory_space<vmem>>, vector<16xf32>,
          %get3A_826 = arith.constant 448 : index
          %get3A_827 = tpu.vector_load %arg7[%get3A_826] {strides = array<i32>} : memref<1024xf32, #tpu.memory_space<vmem>>, vector<16xf32>,
          %add3A_828 = arith.addf %get3A_825, %get3A_827 : vector<16xf32>
          %add3A_829 = arith.constant 448 : i32
          %add3A_830 = vector.broadcast %add3A_829 : i32 to vector<16xi32>
          %add3A_831 = arith.addi %iota3A, %add3A_830 : vector<16xi32>
          %gt3A_832 = arith.cmpf ogt, %add3A_828, %select_n3A_738 : vector<16xf32>
          %select_n3A_833 = arith.select %gt3A_832, %add3A_831, %select_n3A_737 : vector<16xi1>, vector<16xi32>
          %select_n3A_834 = arith.select %gt3A_832, %add3A_828, %select_n3A_738 : vector<16xi1>, vector<16xf32>
          %get3A_835 = arith.index_cast %scan3A_479 : i32 to index
          %get3A_836 = arith.constant 464 : index
          %get3A_837 = tpu.vector_load %arg5[%get3A_835, %get3A_836] {strides = array<i32>} : memref<35x1024xf32, #tpu.memory_space<vmem>>, vector<16xf32>,
          %get3A_838 = arith.constant 464 : index
          %get3A_839 = tpu.vector_load %arg7[%get3A_838] {strides = array<i32>} : memref<1024xf32, #tpu.memory_space<vmem>>, vector<16xf32>,
          %add3A_840 = arith.addf %get3A_837, %get3A_839 : vector<16xf32>
          %add3A_841 = arith.constant 464 : i32
          %add3A_842 = vector.broadcast %add3A_841 : i32 to vector<16xi32>
          %add3A_843 = arith.addi %iota3A, %add3A_842 : vector<16xi32>
          %gt3A_844 = arith.cmpf ogt, %add3A_840, %select_n3A_750 : vector<16xf32>
          %select_n3A_845 = arith.select %gt3A_844, %add3A_843, %select_n3A_749 : vector<16xi1>, vector<16xi32>
          %select_n3A_846 = arith.select %gt3A_844, %add3A_840, %select_n3A_750 : vector<16xi1>, vector<16xf32>
          %get3A_847 = arith.index_cast %scan3A_479 : i32 to index
          %get3A_848 = arith.constant 480 : index
          %get3A_849 = tpu.vector_load %arg5[%get3A_847, %get3A_848] {strides = array<i32>} : memref<35x1024xf32, #tpu.memory_space<vmem>>, vector<16xf32>,
          %get3A_850 = arith.constant 480 : index
          %get3A_851 = tpu.vector_load %arg7[%get3A_850] {strides = array<i32>} : memref<1024xf32, #tpu.memory_space<vmem>>, vector<16xf32>,
          %add3A_852 = arith.addf %get3A_849, %get3A_851 : vector<16xf32>
          %add3A_853 = arith.constant 480 : i32
          %add3A_854 = vector.broadcast %add3A_853 : i32 to vector<16xi32>
          %add3A_855 = arith.addi %iota3A, %add3A_854 : vector<16xi32>
          %gt3A_856 = arith.cmpf ogt, %add3A_852, %select_n3A_762 : vector<16xf32>
          %select_n3A_857 = arith.select %gt3A_856, %add3A_855, %select_n3A_761 : vector<16xi1>, vector<16xi32>
          %select_n3A_858 = arith.select %gt3A_856, %add3A_852, %select_n3A_762 : vector<16xi1>, vector<16xf32>
          %get3A_859 = arith.index_cast %scan3A_479 : i32 to index
          %get3A_860 = arith.constant 496 : index
          %get3A_861 = tpu.vector_load %arg5[%get3A_859, %get3A_860] {strides = array<i32>} : memref<35x1024xf32, #tpu.memory_space<vmem>>, vector<16xf32>,
          %get3A_862 = arith.constant 496 : index
          %get3A_863 = tpu.vector_load %arg7[%get3A_862] {strides = array<i32>} : memref<1024xf32, #tpu.memory_space<vmem>>, vector<16xf32>,
          %add3A_864 = arith.addf %get3A_861, %get3A_863 : vector<16xf32>
          %add3A_865 = arith.constant 496 : i32
          %add3A_866 = vector.broadcast %add3A_865 : i32 to vector<16xi32>
          %add3A_867 = arith.addi %iota3A, %add3A_866 : vector<16xi32>
          %gt3A_868 = arith.cmpf ogt, %add3A_864, %select_n3A_774 : vector<16xf32>
          %select_n3A_869 = arith.select %gt3A_868, %add3A_867, %select_n3A_773 : vector<16xi1>, vector<16xi32>
          %select_n3A_870 = arith.select %gt3A_868, %add3A_864, %select_n3A_774 : vector<16xi1>, vector<16xf32>
          %get3A_871 = arith.index_cast %scan3A_479 : i32 to index
          %get3A_872 = arith.constant 512 : index
          %get3A_873 = tpu.vector_load %arg5[%get3A_871, %get3A_872] {strides = array<i32>} : memref<35x1024xf32, #tpu.memory_space<vmem>>, vector<16xf32>,
          %get3A_874 = arith.constant 512 : index
          %get3A_875 = tpu.vector_load %arg7[%get3A_874] {strides = array<i32>} : memref<1024xf32, #tpu.memory_space<vmem>>, vector<16xf32>,
          %add3A_876 = arith.addf %get3A_873, %get3A_875 : vector<16xf32>
          %add3A_877 = arith.constant 512 : i32
          %add3A_878 = vector.broadcast %add3A_877 : i32 to vector<16xi32>
          %add3A_879 = arith.addi %iota3A, %add3A_878 : vector<16xi32>
          %gt3A_880 = arith.cmpf ogt, %add3A_876, %select_n3A_786 : vector<16xf32>
          %select_n3A_881 = arith.select %gt3A_880, %add3A_879, %select_n3A_785 : vector<16xi1>, vector<16xi32>
          %select_n3A_882 = arith.select %gt3A_880, %add3A_876, %select_n3A_786 : vector<16xi1>, vector<16xf32>
          %get3A_883 = arith.index_cast %scan3A_479 : i32 to index
          %get3A_884 = arith.constant 528 : index
          %get3A_885 = tpu.vector_load %arg5[%get3A_883, %get3A_884] {strides = array<i32>} : memref<35x1024xf32, #tpu.memory_space<vmem>>, vector<16xf32>,
          %get3A_886 = arith.constant 528 : index
          %get3A_887 = tpu.vector_load %arg7[%get3A_886] {strides = array<i32>} : memref<1024xf32, #tpu.memory_space<vmem>>, vector<16xf32>,
          %add3A_888 = arith.addf %get3A_885, %get3A_887 : vector<16xf32>
          %add3A_889 = arith.constant 528 : i32
          %add3A_890 = vector.broadcast %add3A_889 : i32 to vector<16xi32>
          %add3A_891 = arith.addi %iota3A, %add3A_890 : vector<16xi32>
          %gt3A_892 = arith.cmpf ogt, %add3A_888, %select_n3A_798 : vector<16xf32>
          %select_n3A_893 = arith.select %gt3A_892, %add3A_891, %select_n3A_797 : vector<16xi1>, vector<16xi32>
          %select_n3A_894 = arith.select %gt3A_892, %add3A_888, %select_n3A_798 : vector<16xi1>, vector<16xf32>
          %get3A_895 = arith.index_cast %scan3A_479 : i32 to index
          %get3A_896 = arith.constant 544 : index
          %get3A_897 = tpu.vector_load %arg5[%get3A_895, %get3A_896] {strides = array<i32>} : memref<35x1024xf32, #tpu.memory_space<vmem>>, vector<16xf32>,
          %get3A_898 = arith.constant 544 : index
          %get3A_899 = tpu.vector_load %arg7[%get3A_898] {strides = array<i32>} : memref<1024xf32, #tpu.memory_space<vmem>>, vector<16xf32>,
          %add3A_900 = arith.addf %get3A_897, %get3A_899 : vector<16xf32>
          %add3A_901 = arith.constant 544 : i32
          %add3A_902 = vector.broadcast %add3A_901 : i32 to vector<16xi32>
          %add3A_903 = arith.addi %iota3A, %add3A_902 : vector<16xi32>
          %gt3A_904 = arith.cmpf ogt, %add3A_900, %select_n3A_810 : vector<16xf32>
          %select_n3A_905 = arith.select %gt3A_904, %add3A_903, %select_n3A_809 : vector<16xi1>, vector<16xi32>
          %select_n3A_906 = arith.select %gt3A_904, %add3A_900, %select_n3A_810 : vector<16xi1>, vector<16xf32>
          %get3A_907 = arith.index_cast %scan3A_479 : i32 to index
          %get3A_908 = arith.constant 560 : index
          %get3A_909 = tpu.vector_load %arg5[%get3A_907, %get3A_908] {strides = array<i32>} : memref<35x1024xf32, #tpu.memory_space<vmem>>, vector<16xf32>,
          %get3A_910 = arith.constant 560 : index
          %get3A_911 = tpu.vector_load %arg7[%get3A_910] {strides = array<i32>} : memref<1024xf32, #tpu.memory_space<vmem>>, vector<16xf32>,
          %add3A_912 = arith.addf %get3A_909, %get3A_911 : vector<16xf32>
          %add3A_913 = arith.constant 560 : i32
          %add3A_914 = vector.broadcast %add3A_913 : i32 to vector<16xi32>
          %add3A_915 = arith.addi %iota3A, %add3A_914 : vector<16xi32>
          %gt3A_916 = arith.cmpf ogt, %add3A_912, %select_n3A_822 : vector<16xf32>
          %select_n3A_917 = arith.select %gt3A_916, %add3A_915, %select_n3A_821 : vector<16xi1>, vector<16xi32>
          %select_n3A_918 = arith.select %gt3A_916, %add3A_912, %select_n3A_822 : vector<16xi1>, vector<16xf32>
          %get3A_919 = arith.index_cast %scan3A_479 : i32 to index
          %get3A_920 = arith.constant 576 : index
          %get3A_921 = tpu.vector_load %arg5[%get3A_919, %get3A_920] {strides = array<i32>} : memref<35x1024xf32, #tpu.memory_space<vmem>>, vector<16xf32>,
          %get3A_922 = arith.constant 576 : index
          %get3A_923 = tpu.vector_load %arg7[%get3A_922] {strides = array<i32>} : memref<1024xf32, #tpu.memory_space<vmem>>, vector<16xf32>,
          %add3A_924 = arith.addf %get3A_921, %get3A_923 : vector<16xf32>
          %add3A_925 = arith.constant 576 : i32
          %add3A_926 = vector.broadcast %add3A_925 : i32 to vector<16xi32>
          %add3A_927 = arith.addi %iota3A, %add3A_926 : vector<16xi32>
          %gt3A_928 = arith.cmpf ogt, %add3A_924, %select_n3A_834 : vector<16xf32>
          %select_n3A_929 = arith.select %gt3A_928, %add3A_927, %select_n3A_833 : vector<16xi1>, vector<16xi32>
          %select_n3A_930 = arith.select %gt3A_928, %add3A_924, %select_n3A_834 : vector<16xi1>, vector<16xf32>
          %get3A_931 = arith.index_cast %scan3A_479 : i32 to index
          %get3A_932 = arith.constant 592 : index
          %get3A_933 = tpu.vector_load %arg5[%get3A_931, %get3A_932] {strides = array<i32>} : memref<35x1024xf32, #tpu.memory_space<vmem>>, vector<16xf32>,
          %get3A_934 = arith.constant 592 : index
          %get3A_935 = tpu.vector_load %arg7[%get3A_934] {strides = array<i32>} : memref<1024xf32, #tpu.memory_space<vmem>>, vector<16xf32>,
          %add3A_936 = arith.addf %get3A_933, %get3A_935 : vector<16xf32>
          %add3A_937 = arith.constant 592 : i32
          %add3A_938 = vector.broadcast %add3A_937 : i32 to vector<16xi32>
          %add3A_939 = arith.addi %iota3A, %add3A_938 : vector<16xi32>
          %gt3A_940 = arith.cmpf ogt, %add3A_936, %select_n3A_846 : vector<16xf32>
          %select_n3A_941 = arith.select %gt3A_940, %add3A_939, %select_n3A_845 : vector<16xi1>, vector<16xi32>
          %select_n3A_942 = arith.select %gt3A_940, %add3A_936, %select_n3A_846 : vector<16xi1>, vector<16xf32>
          %get3A_943 = arith.index_cast %scan3A_479 : i32 to index
          %get3A_944 = arith.constant 608 : index
          %get3A_945 = tpu.vector_load %arg5[%get3A_943, %get3A_944] {strides = array<i32>} : memref<35x1024xf32, #tpu.memory_space<vmem>>, vector<16xf32>,
          %get3A_946 = arith.constant 608 : index
          %get3A_947 = tpu.vector_load %arg7[%get3A_946] {strides = array<i32>} : memref<1024xf32, #tpu.memory_space<vmem>>, vector<16xf32>,
          %add3A_948 = arith.addf %get3A_945, %get3A_947 : vector<16xf32>
          %add3A_949 = arith.constant 608 : i32
          %add3A_950 = vector.broadcast %add3A_949 : i32 to vector<16xi32>
          %add3A_951 = arith.addi %iota3A, %add3A_950 : vector<16xi32>
          %gt3A_952 = arith.cmpf ogt, %add3A_948, %select_n3A_858 : vector<16xf32>
          %select_n3A_953 = arith.select %gt3A_952, %add3A_951, %select_n3A_857 : vector<16xi1>, vector<16xi32>
          %select_n3A_954 = arith.select %gt3A_952, %add3A_948, %select_n3A_858 : vector<16xi1>, vector<16xf32>
          %get3A_955 = arith.index_cast %scan3A_479 : i32 to index
          %get3A_956 = arith.constant 624 : index
          %get3A_957 = tpu.vector_load %arg5[%get3A_955, %get3A_956] {strides = array<i32>} : memref<35x1024xf32, #tpu.memory_space<vmem>>, vector<16xf32>,
          %get3A_958 = arith.constant 624 : index
          %get3A_959 = tpu.vector_load %arg7[%get3A_958] {strides = array<i32>} : memref<1024xf32, #tpu.memory_space<vmem>>, vector<16xf32>,
          %add3A_960 = arith.addf %get3A_957, %get3A_959 : vector<16xf32>
          %add3A_961 = arith.constant 624 : i32
          %add3A_962 = vector.broadcast %add3A_961 : i32 to vector<16xi32>
          %add3A_963 = arith.addi %iota3A, %add3A_962 : vector<16xi32>
          %gt3A_964 = arith.cmpf ogt, %add3A_960, %select_n3A_870 : vector<16xf32>
          %select_n3A_965 = arith.select %gt3A_964, %add3A_963, %select_n3A_869 : vector<16xi1>, vector<16xi32>
          %select_n3A_966 = arith.select %gt3A_964, %add3A_960, %select_n3A_870 : vector<16xi1>, vector<16xf32>
          %get3A_967 = arith.index_cast %scan3A_479 : i32 to index
          %get3A_968 = arith.constant 640 : index
          %get3A_969 = tpu.vector_load %arg5[%get3A_967, %get3A_968] {strides = array<i32>} : memref<35x1024xf32, #tpu.memory_space<vmem>>, vector<16xf32>,
          %get3A_970 = arith.constant 640 : index
          %get3A_971 = tpu.vector_load %arg7[%get3A_970] {strides = array<i32>} : memref<1024xf32, #tpu.memory_space<vmem>>, vector<16xf32>,
          %add3A_972 = arith.addf %get3A_969, %get3A_971 : vector<16xf32>
          %add3A_973 = arith.constant 640 : i32
          %add3A_974 = vector.broadcast %add3A_973 : i32 to vector<16xi32>
          %add3A_975 = arith.addi %iota3A, %add3A_974 : vector<16xi32>
          %gt3A_976 = arith.cmpf ogt, %add3A_972, %select_n3A_882 : vector<16xf32>
          %select_n3A_977 = arith.select %gt3A_976, %add3A_975, %select_n3A_881 : vector<16xi1>, vector<16xi32>
          %select_n3A_978 = arith.select %gt3A_976, %add3A_972, %select_n3A_882 : vector<16xi1>, vector<16xf32>
          %get3A_979 = arith.index_cast %scan3A_479 : i32 to index
          %get3A_980 = arith.constant 656 : index
          %get3A_981 = tpu.vector_load %arg5[%get3A_979, %get3A_980] {strides = array<i32>} : memref<35x1024xf32, #tpu.memory_space<vmem>>, vector<16xf32>,
          %get3A_982 = arith.constant 656 : index
          %get3A_983 = tpu.vector_load %arg7[%get3A_982] {strides = array<i32>} : memref<1024xf32, #tpu.memory_space<vmem>>, vector<16xf32>,
          %add3A_984 = arith.addf %get3A_981, %get3A_983 : vector<16xf32>
          %add3A_985 = arith.constant 656 : i32
          %add3A_986 = vector.broadcast %add3A_985 : i32 to vector<16xi32>
          %add3A_987 = arith.addi %iota3A, %add3A_986 : vector<16xi32>
          %gt3A_988 = arith.cmpf ogt, %add3A_984, %select_n3A_894 : vector<16xf32>
          %select_n3A_989 = arith.select %gt3A_988, %add3A_987, %select_n3A_893 : vector<16xi1>, vector<16xi32>
          %select_n3A_990 = arith.select %gt3A_988, %add3A_984, %select_n3A_894 : vector<16xi1>, vector<16xf32>
          %get3A_991 = arith.index_cast %scan3A_479 : i32 to index
          %get3A_992 = arith.constant 672 : index
          %get3A_993 = tpu.vector_load %arg5[%get3A_991, %get3A_992] {strides = array<i32>} : memref<35x1024xf32, #tpu.memory_space<vmem>>, vector<16xf32>,
          %get3A_994 = arith.constant 672 : index
          %get3A_995 = tpu.vector_load %arg7[%get3A_994] {strides = array<i32>} : memref<1024xf32, #tpu.memory_space<vmem>>, vector<16xf32>,
          %add3A_996 = arith.addf %get3A_993, %get3A_995 : vector<16xf32>
          %add3A_997 = arith.constant 672 : i32
          %add3A_998 = vector.broadcast %add3A_997 : i32 to vector<16xi32>
          %add3A_999 = arith.addi %iota3A, %add3A_998 : vector<16xi32>
          %gt3A_1000 = arith.cmpf ogt, %add3A_996, %select_n3A_906 : vector<16xf32>
          %select_n3A_1001 = arith.select %gt3A_1000, %add3A_999, %select_n3A_905 : vector<16xi1>, vector<16xi32>
          %select_n3A_1002 = arith.select %gt3A_1000, %add3A_996, %select_n3A_906 : vector<16xi1>, vector<16xf32>
          %get3A_1003 = arith.index_cast %scan3A_479 : i32 to index
          %get3A_1004 = arith.constant 688 : index
          %get3A_1005 = tpu.vector_load %arg5[%get3A_1003, %get3A_1004] {strides = array<i32>} : memref<35x1024xf32, #tpu.memory_space<vmem>>, vector<16xf32>,
          %get3A_1006 = arith.constant 688 : index
          %get3A_1007 = tpu.vector_load %arg7[%get3A_1006] {strides = array<i32>} : memref<1024xf32, #tpu.memory_space<vmem>>, vector<16xf32>,
          %add3A_1008 = arith.addf %get3A_1005, %get3A_1007 : vector<16xf32>
          %add3A_1009 = arith.constant 688 : i32
          %add3A_1010 = vector.broadcast %add3A_1009 : i32 to vector<16xi32>
          %add3A_1011 = arith.addi %iota3A, %add3A_1010 : vector<16xi32>
          %gt3A_1012 = arith.cmpf ogt, %add3A_1008, %select_n3A_918 : vector<16xf32>
          %select_n3A_1013 = arith.select %gt3A_1012, %add3A_1011, %select_n3A_917 : vector<16xi1>, vector<16xi32>
          %select_n3A_1014 = arith.select %gt3A_1012, %add3A_1008, %select_n3A_918 : vector<16xi1>, vector<16xf32>
          %get3A_1015 = arith.index_cast %scan3A_479 : i32 to index
          %get3A_1016 = arith.constant 704 : index
          %get3A_1017 = tpu.vector_load %arg5[%get3A_1015, %get3A_1016] {strides = array<i32>} : memref<35x1024xf32, #tpu.memory_space<vmem>>, vector<16xf32>,
          %get3A_1018 = arith.constant 704 : index
          %get3A_1019 = tpu.vector_load %arg7[%get3A_1018] {strides = array<i32>} : memref<1024xf32, #tpu.memory_space<vmem>>, vector<16xf32>,
          %add3A_1020 = arith.addf %get3A_1017, %get3A_1019 : vector<16xf32>
          %add3A_1021 = arith.constant 704 : i32
          %add3A_1022 = vector.broadcast %add3A_1021 : i32 to vector<16xi32>
          %add3A_1023 = arith.addi %iota3A, %add3A_1022 : vector<16xi32>
          %gt3A_1024 = arith.cmpf ogt, %add3A_1020, %select_n3A_930 : vector<16xf32>
          %select_n3A_1025 = arith.select %gt3A_1024, %add3A_1023, %select_n3A_929 : vector<16xi1>, vector<16xi32>
          %select_n3A_1026 = arith.select %gt3A_1024, %add3A_1020, %select_n3A_930 : vector<16xi1>, vector<16xf32>
          %get3A_1027 = arith.index_cast %scan3A_479 : i32 to index
          %get3A_1028 = arith.constant 720 : index
          %get3A_1029 = tpu.vector_load %arg5[%get3A_1027, %get3A_1028] {strides = array<i32>} : memref<35x1024xf32, #tpu.memory_space<vmem>>, vector<16xf32>,
          %get3A_1030 = arith.constant 720 : index
          %get3A_1031 = tpu.vector_load %arg7[%get3A_1030] {strides = array<i32>} : memref<1024xf32, #tpu.memory_space<vmem>>, vector<16xf32>,
          %add3A_1032 = arith.addf %get3A_1029, %get3A_1031 : vector<16xf32>
          %add3A_1033 = arith.constant 720 : i32
          %add3A_1034 = vector.broadcast %add3A_1033 : i32 to vector<16xi32>
          %add3A_1035 = arith.addi %iota3A, %add3A_1034 : vector<16xi32>
          %gt3A_1036 = arith.cmpf ogt, %add3A_1032, %select_n3A_942 : vector<16xf32>
          %select_n3A_1037 = arith.select %gt3A_1036, %add3A_1035, %select_n3A_941 : vector<16xi1>, vector<16xi32>
          %select_n3A_1038 = arith.select %gt3A_1036, %add3A_1032, %select_n3A_942 : vector<16xi1>, vector<16xf32>
          %get3A_1039 = arith.index_cast %scan3A_479 : i32 to index
          %get3A_1040 = arith.constant 736 : index
          %get3A_1041 = tpu.vector_load %arg5[%get3A_1039, %get3A_1040] {strides = array<i32>} : memref<35x1024xf32, #tpu.memory_space<vmem>>, vector<16xf32>,
          %get3A_1042 = arith.constant 736 : index
          %get3A_1043 = tpu.vector_load %arg7[%get3A_1042] {strides = array<i32>} : memref<1024xf32, #tpu.memory_space<vmem>>, vector<16xf32>,
          %add3A_1044 = arith.addf %get3A_1041, %get3A_1043 : vector<16xf32>
          %add3A_1045 = arith.constant 736 : i32
          %add3A_1046 = vector.broadcast %add3A_1045 : i32 to vector<16xi32>
          %add3A_1047 = arith.addi %iota3A, %add3A_1046 : vector<16xi32>
          %gt3A_1048 = arith.cmpf ogt, %add3A_1044, %select_n3A_954 : vector<16xf32>
          %select_n3A_1049 = arith.select %gt3A_1048, %add3A_1047, %select_n3A_953 : vector<16xi1>, vector<16xi32>
          %select_n3A_1050 = arith.select %gt3A_1048, %add3A_1044, %select_n3A_954 : vector<16xi1>, vector<16xf32>
          %get3A_1051 = arith.index_cast %scan3A_479 : i32 to index
          %get3A_1052 = arith.constant 752 : index
          %get3A_1053 = tpu.vector_load %arg5[%get3A_1051, %get3A_1052] {strides = array<i32>} : memref<35x1024xf32, #tpu.memory_space<vmem>>, vector<16xf32>,
          %get3A_1054 = arith.constant 752 : index
          %get3A_1055 = tpu.vector_load %arg7[%get3A_1054] {strides = array<i32>} : memref<1024xf32, #tpu.memory_space<vmem>>, vector<16xf32>,
          %add3A_1056 = arith.addf %get3A_1053, %get3A_1055 : vector<16xf32>
          %add3A_1057 = arith.constant 752 : i32
          %add3A_1058 = vector.broadcast %add3A_1057 : i32 to vector<16xi32>
          %add3A_1059 = arith.addi %iota3A, %add3A_1058 : vector<16xi32>
          %gt3A_1060 = arith.cmpf ogt, %add3A_1056, %select_n3A_966 : vector<16xf32>
          %select_n3A_1061 = arith.select %gt3A_1060, %add3A_1059, %select_n3A_965 : vector<16xi1>, vector<16xi32>
          %select_n3A_1062 = arith.select %gt3A_1060, %add3A_1056, %select_n3A_966 : vector<16xi1>, vector<16xf32>
          %get3A_1063 = arith.index_cast %scan3A_479 : i32 to index
          %get3A_1064 = arith.constant 768 : index
          %get3A_1065 = tpu.vector_load %arg5[%get3A_1063, %get3A_1064] {strides = array<i32>} : memref<35x1024xf32, #tpu.memory_space<vmem>>, vector<16xf32>,
          %get3A_1066 = arith.constant 768 : index
          %get3A_1067 = tpu.vector_load %arg7[%get3A_1066] {strides = array<i32>} : memref<1024xf32, #tpu.memory_space<vmem>>, vector<16xf32>,
          %add3A_1068 = arith.addf %get3A_1065, %get3A_1067 : vector<16xf32>
          %add3A_1069 = arith.constant 768 : i32
          %add3A_1070 = vector.broadcast %add3A_1069 : i32 to vector<16xi32>
          %add3A_1071 = arith.addi %iota3A, %add3A_1070 : vector<16xi32>
          %gt3A_1072 = arith.cmpf ogt, %add3A_1068, %select_n3A_978 : vector<16xf32>
          %select_n3A_1073 = arith.select %gt3A_1072, %add3A_1071, %select_n3A_977 : vector<16xi1>, vector<16xi32>
          %select_n3A_1074 = arith.select %gt3A_1072, %add3A_1068, %select_n3A_978 : vector<16xi1>, vector<16xf32>
          %get3A_1075 = arith.index_cast %scan3A_479 : i32 to index
          %get3A_1076 = arith.constant 784 : index
          %get3A_1077 = tpu.vector_load %arg5[%get3A_1075, %get3A_1076] {strides = array<i32>} : memref<35x1024xf32, #tpu.memory_space<vmem>>, vector<16xf32>,
          %get3A_1078 = arith.constant 784 : index
          %get3A_1079 = tpu.vector_load %arg7[%get3A_1078] {strides = array<i32>} : memref<1024xf32, #tpu.memory_space<vmem>>, vector<16xf32>,
          %add3A_1080 = arith.addf %get3A_1077, %get3A_1079 : vector<16xf32>
          %add3A_1081 = arith.constant 784 : i32
          %add3A_1082 = vector.broadcast %add3A_1081 : i32 to vector<16xi32>
          %add3A_1083 = arith.addi %iota3A, %add3A_1082 : vector<16xi32>
          %gt3A_1084 = arith.cmpf ogt, %add3A_1080, %select_n3A_990 : vector<16xf32>
          %select_n3A_1085 = arith.select %gt3A_1084, %add3A_1083, %select_n3A_989 : vector<16xi1>, vector<16xi32>
          %select_n3A_1086 = arith.select %gt3A_1084, %add3A_1080, %select_n3A_990 : vector<16xi1>, vector<16xf32>
          %get3A_1087 = arith.index_cast %scan3A_479 : i32 to index
          %get3A_1088 = arith.constant 800 : index
          %get3A_1089 = tpu.vector_load %arg5[%get3A_1087, %get3A_1088] {strides = array<i32>} : memref<35x1024xf32, #tpu.memory_space<vmem>>, vector<16xf32>,
          %get3A_1090 = arith.constant 800 : index
          %get3A_1091 = tpu.vector_load %arg7[%get3A_1090] {strides = array<i32>} : memref<1024xf32, #tpu.memory_space<vmem>>, vector<16xf32>,
          %add3A_1092 = arith.addf %get3A_1089, %get3A_1091 : vector<16xf32>
          %add3A_1093 = arith.constant 800 : i32
          %add3A_1094 = vector.broadcast %add3A_1093 : i32 to vector<16xi32>
          %add3A_1095 = arith.addi %iota3A, %add3A_1094 : vector<16xi32>
          %gt3A_1096 = arith.cmpf ogt, %add3A_1092, %select_n3A_1002 : vector<16xf32>
          %select_n3A_1097 = arith.select %gt3A_1096, %add3A_1095, %select_n3A_1001 : vector<16xi1>, vector<16xi32>
          %select_n3A_1098 = arith.select %gt3A_1096, %add3A_1092, %select_n3A_1002 : vector<16xi1>, vector<16xf32>
          %get3A_1099 = arith.index_cast %scan3A_479 : i32 to index
          %get3A_1100 = arith.constant 816 : index
          %get3A_1101 = tpu.vector_load %arg5[%get3A_1099, %get3A_1100] {strides = array<i32>} : memref<35x1024xf32, #tpu.memory_space<vmem>>, vector<16xf32>,
          %get3A_1102 = arith.constant 816 : index
          %get3A_1103 = tpu.vector_load %arg7[%get3A_1102] {strides = array<i32>} : memref<1024xf32, #tpu.memory_space<vmem>>, vector<16xf32>,
          %add3A_1104 = arith.addf %get3A_1101, %get3A_1103 : vector<16xf32>
          %add3A_1105 = arith.constant 816 : i32
          %add3A_1106 = vector.broadcast %add3A_1105 : i32 to vector<16xi32>
          %add3A_1107 = arith.addi %iota3A, %add3A_1106 : vector<16xi32>
          %gt3A_1108 = arith.cmpf ogt, %add3A_1104, %select_n3A_1014 : vector<16xf32>
          %select_n3A_1109 = arith.select %gt3A_1108, %add3A_1107, %select_n3A_1013 : vector<16xi1>, vector<16xi32>
          %select_n3A_1110 = arith.select %gt3A_1108, %add3A_1104, %select_n3A_1014 : vector<16xi1>, vector<16xf32>
          %get3A_1111 = arith.index_cast %scan3A_479 : i32 to index
          %get3A_1112 = arith.constant 832 : index
          %get3A_1113 = tpu.vector_load %arg5[%get3A_1111, %get3A_1112] {strides = array<i32>} : memref<35x1024xf32, #tpu.memory_space<vmem>>, vector<16xf32>,
          %get3A_1114 = arith.constant 832 : index
          %get3A_1115 = tpu.vector_load %arg7[%get3A_1114] {strides = array<i32>} : memref<1024xf32, #tpu.memory_space<vmem>>, vector<16xf32>,
          %add3A_1116 = arith.addf %get3A_1113, %get3A_1115 : vector<16xf32>
          %add3A_1117 = arith.constant 832 : i32
          %add3A_1118 = vector.broadcast %add3A_1117 : i32 to vector<16xi32>
          %add3A_1119 = arith.addi %iota3A, %add3A_1118 : vector<16xi32>
          %gt3A_1120 = arith.cmpf ogt, %add3A_1116, %select_n3A_1026 : vector<16xf32>
          %select_n3A_1121 = arith.select %gt3A_1120, %add3A_1119, %select_n3A_1025 : vector<16xi1>, vector<16xi32>
          %select_n3A_1122 = arith.select %gt3A_1120, %add3A_1116, %select_n3A_1026 : vector<16xi1>, vector<16xf32>
          %get3A_1123 = arith.index_cast %scan3A_479 : i32 to index
          %get3A_1124 = arith.constant 848 : index
          %get3A_1125 = tpu.vector_load %arg5[%get3A_1123, %get3A_1124] {strides = array<i32>} : memref<35x1024xf32, #tpu.memory_space<vmem>>, vector<16xf32>,
          %get3A_1126 = arith.constant 848 : index
          %get3A_1127 = tpu.vector_load %arg7[%get3A_1126] {strides = array<i32>} : memref<1024xf32, #tpu.memory_space<vmem>>, vector<16xf32>,
          %add3A_1128 = arith.addf %get3A_1125, %get3A_1127 : vector<16xf32>
          %add3A_1129 = arith.constant 848 : i32
          %add3A_1130 = vector.broadcast %add3A_1129 : i32 to vector<16xi32>
          %add3A_1131 = arith.addi %iota3A, %add3A_1130 : vector<16xi32>
          %gt3A_1132 = arith.cmpf ogt, %add3A_1128, %select_n3A_1038 : vector<16xf32>
          %select_n3A_1133 = arith.select %gt3A_1132, %add3A_1131, %select_n3A_1037 : vector<16xi1>, vector<16xi32>
          %select_n3A_1134 = arith.select %gt3A_1132, %add3A_1128, %select_n3A_1038 : vector<16xi1>, vector<16xf32>
          %get3A_1135 = arith.index_cast %scan3A_479 : i32 to index
          %get3A_1136 = arith.constant 864 : index
          %get3A_1137 = tpu.vector_load %arg5[%get3A_1135, %get3A_1136] {strides = array<i32>} : memref<35x1024xf32, #tpu.memory_space<vmem>>, vector<16xf32>,
          %get3A_1138 = arith.constant 864 : index
          %get3A_1139 = tpu.vector_load %arg7[%get3A_1138] {strides = array<i32>} : memref<1024xf32, #tpu.memory_space<vmem>>, vector<16xf32>,
          %add3A_1140 = arith.addf %get3A_1137, %get3A_1139 : vector<16xf32>
          %add3A_1141 = arith.constant 864 : i32
          %add3A_1142 = vector.broadcast %add3A_1141 : i32 to vector<16xi32>
          %add3A_1143 = arith.addi %iota3A, %add3A_1142 : vector<16xi32>
          %gt3A_1144 = arith.cmpf ogt, %add3A_1140, %select_n3A_1050 : vector<16xf32>
          %select_n3A_1145 = arith.select %gt3A_1144, %add3A_1143, %select_n3A_1049 : vector<16xi1>, vector<16xi32>
          %select_n3A_1146 = arith.select %gt3A_1144, %add3A_1140, %select_n3A_1050 : vector<16xi1>, vector<16xf32>
          %get3A_1147 = arith.index_cast %scan3A_479 : i32 to index
          %get3A_1148 = arith.constant 880 : index
          %get3A_1149 = tpu.vector_load %arg5[%get3A_1147, %get3A_1148] {strides = array<i32>} : memref<35x1024xf32, #tpu.memory_space<vmem>>, vector<16xf32>,
          %get3A_1150 = arith.constant 880 : index
          %get3A_1151 = tpu.vector_load %arg7[%get3A_1150] {strides = array<i32>} : memref<1024xf32, #tpu.memory_space<vmem>>, vector<16xf32>,
          %add3A_1152 = arith.addf %get3A_1149, %get3A_1151 : vector<16xf32>
          %add3A_1153 = arith.constant 880 : i32
          %add3A_1154 = vector.broadcast %add3A_1153 : i32 to vector<16xi32>
          %add3A_1155 = arith.addi %iota3A, %add3A_1154 : vector<16xi32>
          %gt3A_1156 = arith.cmpf ogt, %add3A_1152, %select_n3A_1062 : vector<16xf32>
          %select_n3A_1157 = arith.select %gt3A_1156, %add3A_1155, %select_n3A_1061 : vector<16xi1>, vector<16xi32>
          %select_n3A_1158 = arith.select %gt3A_1156, %add3A_1152, %select_n3A_1062 : vector<16xi1>, vector<16xf32>
          %get3A_1159 = arith.index_cast %scan3A_479 : i32 to index
          %get3A_1160 = arith.constant 896 : index
          %get3A_1161 = tpu.vector_load %arg5[%get3A_1159, %get3A_1160] {strides = array<i32>} : memref<35x1024xf32, #tpu.memory_space<vmem>>, vector<16xf32>,
          %get3A_1162 = arith.constant 896 : index
          %get3A_1163 = tpu.vector_load %arg7[%get3A_1162] {strides = array<i32>} : memref<1024xf32, #tpu.memory_space<vmem>>, vector<16xf32>,
          %add3A_1164 = arith.addf %get3A_1161, %get3A_1163 : vector<16xf32>
          %add3A_1165 = arith.constant 896 : i32
          %add3A_1166 = vector.broadcast %add3A_1165 : i32 to vector<16xi32>
          %add3A_1167 = arith.addi %iota3A, %add3A_1166 : vector<16xi32>
          %gt3A_1168 = arith.cmpf ogt, %add3A_1164, %select_n3A_1074 : vector<16xf32>
          %select_n3A_1169 = arith.select %gt3A_1168, %add3A_1167, %select_n3A_1073 : vector<16xi1>, vector<16xi32>
          %select_n3A_1170 = arith.select %gt3A_1168, %add3A_1164, %select_n3A_1074 : vector<16xi1>, vector<16xf32>
          %get3A_1171 = arith.index_cast %scan3A_479 : i32 to index
          %get3A_1172 = arith.constant 912 : index
          %get3A_1173 = tpu.vector_load %arg5[%get3A_1171, %get3A_1172] {strides = array<i32>} : memref<35x1024xf32, #tpu.memory_space<vmem>>, vector<16xf32>,
          %get3A_1174 = arith.constant 912 : index
          %get3A_1175 = tpu.vector_load %arg7[%get3A_1174] {strides = array<i32>} : memref<1024xf32, #tpu.memory_space<vmem>>, vector<16xf32>,
          %add3A_1176 = arith.addf %get3A_1173, %get3A_1175 : vector<16xf32>
          %add3A_1177 = arith.constant 912 : i32
          %add3A_1178 = vector.broadcast %add3A_1177 : i32 to vector<16xi32>
          %add3A_1179 = arith.addi %iota3A, %add3A_1178 : vector<16xi32>
          %gt3A_1180 = arith.cmpf ogt, %add3A_1176, %select_n3A_1086 : vector<16xf32>
          %select_n3A_1181 = arith.select %gt3A_1180, %add3A_1179, %select_n3A_1085 : vector<16xi1>, vector<16xi32>
          %select_n3A_1182 = arith.select %gt3A_1180, %add3A_1176, %select_n3A_1086 : vector<16xi1>, vector<16xf32>
          %get3A_1183 = arith.index_cast %scan3A_479 : i32 to index
          %get3A_1184 = arith.constant 928 : index
          %get3A_1185 = tpu.vector_load %arg5[%get3A_1183, %get3A_1184] {strides = array<i32>} : memref<35x1024xf32, #tpu.memory_space<vmem>>, vector<16xf32>,
          %get3A_1186 = arith.constant 928 : index
          %get3A_1187 = tpu.vector_load %arg7[%get3A_1186] {strides = array<i32>} : memref<1024xf32, #tpu.memory_space<vmem>>, vector<16xf32>,
          %add3A_1188 = arith.addf %get3A_1185, %get3A_1187 : vector<16xf32>
          %add3A_1189 = arith.constant 928 : i32
          %add3A_1190 = vector.broadcast %add3A_1189 : i32 to vector<16xi32>
          %add3A_1191 = arith.addi %iota3A, %add3A_1190 : vector<16xi32>
          %gt3A_1192 = arith.cmpf ogt, %add3A_1188, %select_n3A_1098 : vector<16xf32>
          %select_n3A_1193 = arith.select %gt3A_1192, %add3A_1191, %select_n3A_1097 : vector<16xi1>, vector<16xi32>
          %select_n3A_1194 = arith.select %gt3A_1192, %add3A_1188, %select_n3A_1098 : vector<16xi1>, vector<16xf32>
          %get3A_1195 = arith.index_cast %scan3A_479 : i32 to index
          %get3A_1196 = arith.constant 944 : index
          %get3A_1197 = tpu.vector_load %arg5[%get3A_1195, %get3A_1196] {strides = array<i32>} : memref<35x1024xf32, #tpu.memory_space<vmem>>, vector<16xf32>,
          %get3A_1198 = arith.constant 944 : index
          %get3A_1199 = tpu.vector_load %arg7[%get3A_1198] {strides = array<i32>} : memref<1024xf32, #tpu.memory_space<vmem>>, vector<16xf32>,
          %add3A_1200 = arith.addf %get3A_1197, %get3A_1199 : vector<16xf32>
          %add3A_1201 = arith.constant 944 : i32
          %add3A_1202 = vector.broadcast %add3A_1201 : i32 to vector<16xi32>
          %add3A_1203 = arith.addi %iota3A, %add3A_1202 : vector<16xi32>
          %gt3A_1204 = arith.cmpf ogt, %add3A_1200, %select_n3A_1110 : vector<16xf32>
          %select_n3A_1205 = arith.select %gt3A_1204, %add3A_1203, %select_n3A_1109 : vector<16xi1>, vector<16xi32>
          %select_n3A_1206 = arith.select %gt3A_1204, %add3A_1200, %select_n3A_1110 : vector<16xi1>, vector<16xf32>
          %get3A_1207 = arith.index_cast %scan3A_479 : i32 to index
          %get3A_1208 = arith.constant 960 : index
          %get3A_1209 = tpu.vector_load %arg5[%get3A_1207, %get3A_1208] {strides = array<i32>} : memref<35x1024xf32, #tpu.memory_space<vmem>>, vector<16xf32>,
          %get3A_1210 = arith.constant 960 : index
          %get3A_1211 = tpu.vector_load %arg7[%get3A_1210] {strides = array<i32>} : memref<1024xf32, #tpu.memory_space<vmem>>, vector<16xf32>,
          %add3A_1212 = arith.addf %get3A_1209, %get3A_1211 : vector<16xf32>
          %add3A_1213 = arith.constant 960 : i32
          %add3A_1214 = vector.broadcast %add3A_1213 : i32 to vector<16xi32>
          %add3A_1215 = arith.addi %iota3A, %add3A_1214 : vector<16xi32>
          %gt3A_1216 = arith.cmpf ogt, %add3A_1212, %select_n3A_1122 : vector<16xf32>
          %select_n3A_1217 = arith.select %gt3A_1216, %add3A_1215, %select_n3A_1121 : vector<16xi1>, vector<16xi32>
          %select_n3A_1218 = arith.select %gt3A_1216, %add3A_1212, %select_n3A_1122 : vector<16xi1>, vector<16xf32>
          %get3A_1219 = arith.index_cast %scan3A_479 : i32 to index
          %get3A_1220 = arith.constant 976 : index
          %get3A_1221 = tpu.vector_load %arg5[%get3A_1219, %get3A_1220] {strides = array<i32>} : memref<35x1024xf32, #tpu.memory_space<vmem>>, vector<16xf32>,
          %get3A_1222 = arith.constant 976 : index
          %get3A_1223 = tpu.vector_load %arg7[%get3A_1222] {strides = array<i32>} : memref<1024xf32, #tpu.memory_space<vmem>>, vector<16xf32>,
          %add3A_1224 = arith.addf %get3A_1221, %get3A_1223 : vector<16xf32>
          %add3A_1225 = arith.constant 976 : i32
          %add3A_1226 = vector.broadcast %add3A_1225 : i32 to vector<16xi32>
          %add3A_1227 = arith.addi %iota3A, %add3A_1226 : vector<16xi32>
          %gt3A_1228 = arith.cmpf ogt, %add3A_1224, %select_n3A_1134 : vector<16xf32>
          %select_n3A_1229 = arith.select %gt3A_1228, %add3A_1227, %select_n3A_1133 : vector<16xi1>, vector<16xi32>
          %select_n3A_1230 = arith.select %gt3A_1228, %add3A_1224, %select_n3A_1134 : vector<16xi1>, vector<16xf32>
          %get3A_1231 = arith.index_cast %scan3A_479 : i32 to index
          %get3A_1232 = arith.constant 992 : index
          %get3A_1233 = tpu.vector_load %arg5[%get3A_1231, %get3A_1232] {strides = array<i32>} : memref<35x1024xf32, #tpu.memory_space<vmem>>, vector<16xf32>,
          %get3A_1234 = arith.constant 992 : index
          %get3A_1235 = tpu.vector_load %arg7[%get3A_1234] {strides = array<i32>} : memref<1024xf32, #tpu.memory_space<vmem>>, vector<16xf32>,
          %add3A_1236 = arith.addf %get3A_1233, %get3A_1235 : vector<16xf32>
          %add3A_1237 = arith.constant 992 : i32
          %add3A_1238 = vector.broadcast %add3A_1237 : i32 to vector<16xi32>
          %add3A_1239 = arith.addi %iota3A, %add3A_1238 : vector<16xi32>
          %gt3A_1240 = arith.cmpf ogt, %add3A_1236, %select_n3A_1146 : vector<16xf32>
          %select_n3A_1241 = arith.select %gt3A_1240, %add3A_1239, %select_n3A_1145 : vector<16xi1>, vector<16xi32>
          %select_n3A_1242 = arith.select %gt3A_1240, %add3A_1236, %select_n3A_1146 : vector<16xi1>, vector<16xf32>
          %get3A_1243 = arith.index_cast %scan3A_479 : i32 to index
          %get3A_1244 = arith.constant 1008 : index
          %get3A_1245 = tpu.vector_load %arg5[%get3A_1243, %get3A_1244] {strides = array<i32>} : memref<35x1024xf32, #tpu.memory_space<vmem>>, vector<16xf32>,
          %get3A_1246 = arith.constant 1008 : index
          %get3A_1247 = tpu.vector_load %arg7[%get3A_1246] {strides = array<i32>} : memref<1024xf32, #tpu.memory_space<vmem>>, vector<16xf32>,
          %add3A_1248 = arith.addf %get3A_1245, %get3A_1247 : vector<16xf32>
          %add3A_1249 = arith.constant 1008 : i32
          %add3A_1250 = vector.broadcast %add3A_1249 : i32 to vector<16xi32>
          %add3A_1251 = arith.addi %iota3A, %add3A_1250 : vector<16xi32>
          %gt3A_1252 = arith.cmpf ogt, %add3A_1248, %select_n3A_1158 : vector<16xf32>
          %select_n3A_1253 = arith.select %gt3A_1252, %add3A_1251, %select_n3A_1157 : vector<16xi1>, vector<16xi32>
          %select_n3A_1254 = arith.select %gt3A_1252, %add3A_1248, %select_n3A_1158 : vector<16xi1>, vector<16xf32>
          %gt3A_1255 = arith.cmpf ogt, %select_n3A_1182, %select_n3A_1170 : vector<16xf32>
          %eq3A_1256 = arith.cmpf oeq, %select_n3A_1182, %select_n3A_1170 : vector<16xf32>
          %lt3A_1257 = arith.cmpi slt, %select_n3A_1181, %select_n3A_1169 : vector<16xi32>
          %and3A = arith.andi %eq3A_1256, %lt3A_1257 : vector<16xi1>
          %or3A = arith.ori %gt3A_1255, %and3A : vector<16xi1>
          %select_n3A_1258 = arith.select %or3A, %select_n3A_1182, %select_n3A_1170 : vector<16xi1>, vector<16xf32>
          %select_n3A_1259 = arith.select %or3A, %select_n3A_1181, %select_n3A_1169 : vector<16xi1>, vector<16xi32>
          %gt3A_1260 = arith.cmpf ogt, %select_n3A_1206, %select_n3A_1194 : vector<16xf32>
          %eq3A_1261 = arith.cmpf oeq, %select_n3A_1206, %select_n3A_1194 : vector<16xf32>
          %lt3A_1262 = arith.cmpi slt, %select_n3A_1205, %select_n3A_1193 : vector<16xi32>
          %and3A_1263 = arith.andi %eq3A_1261, %lt3A_1262 : vector<16xi1>
          %or3A_1264 = arith.ori %gt3A_1260, %and3A_1263 : vector<16xi1>
          %select_n3A_1265 = arith.select %or3A_1264, %select_n3A_1206, %select_n3A_1194 : vector<16xi1>, vector<16xf32>
          %select_n3A_1266 = arith.select %or3A_1264, %select_n3A_1205, %select_n3A_1193 : vector<16xi1>, vector<16xi32>
          %gt3A_1267 = arith.cmpf ogt, %select_n3A_1230, %select_n3A_1218 : vector<16xf32>
          %eq3A_1268 = arith.cmpf oeq, %select_n3A_1230, %select_n3A_1218 : vector<16xf32>
          %lt3A_1269 = arith.cmpi slt, %select_n3A_1229, %select_n3A_1217 : vector<16xi32>
          %and3A_1270 = arith.andi %eq3A_1268, %lt3A_1269 : vector<16xi1>
          %or3A_1271 = arith.ori %gt3A_1267, %and3A_1270 : vector<16xi1>
          %select_n3A_1272 = arith.select %or3A_1271, %select_n3A_1230, %select_n3A_1218 : vector<16xi1>, vector<16xf32>
          %select_n3A_1273 = arith.select %or3A_1271, %select_n3A_1229, %select_n3A_1217 : vector<16xi1>, vector<16xi32>
          %gt3A_1274 = arith.cmpf ogt, %select_n3A_1254, %select_n3A_1242 : vector<16xf32>
          %eq3A_1275 = arith.cmpf oeq, %select_n3A_1254, %select_n3A_1242 : vector<16xf32>
          %lt3A_1276 = arith.cmpi slt, %select_n3A_1253, %select_n3A_1241 : vector<16xi32>
          %and3A_1277 = arith.andi %eq3A_1275, %lt3A_1276 : vector<16xi1>
          %or3A_1278 = arith.ori %gt3A_1274, %and3A_1277 : vector<16xi1>
          %select_n3A_1279 = arith.select %or3A_1278, %select_n3A_1254, %select_n3A_1242 : vector<16xi1>, vector<16xf32>
          %select_n3A_1280 = arith.select %or3A_1278, %select_n3A_1253, %select_n3A_1241 : vector<16xi1>, vector<16xi32>
          %gt3A_1281 = arith.cmpf ogt, %select_n3A_1265, %select_n3A_1258 : vector<16xf32>
          %eq3A_1282 = arith.cmpf oeq, %select_n3A_1265, %select_n3A_1258 : vector<16xf32>
          %lt3A_1283 = arith.cmpi slt, %select_n3A_1266, %select_n3A_1259 : vector<16xi32>
          %and3A_1284 = arith.andi %eq3A_1282, %lt3A_1283 : vector<16xi1>
          %or3A_1285 = arith.ori %gt3A_1281, %and3A_1284 : vector<16xi1>
          %select_n3A_1286 = arith.select %or3A_1285, %select_n3A_1265, %select_n3A_1258 : vector<16xi1>, vector<16xf32>
          %select_n3A_1287 = arith.select %or3A_1285, %select_n3A_1266, %select_n3A_1259 : vector<16xi1>, vector<16xi32>
          %gt3A_1288 = arith.cmpf ogt, %select_n3A_1279, %select_n3A_1272 : vector<16xf32>
          %eq3A_1289 = arith.cmpf oeq, %select_n3A_1279, %select_n3A_1272 : vector<16xf32>
          %lt3A_1290 = arith.cmpi slt, %select_n3A_1280, %select_n3A_1273 : vector<16xi32>
          %and3A_1291 = arith.andi %eq3A_1289, %lt3A_1290 : vector<16xi1>
          %or3A_1292 = arith.ori %gt3A_1288, %and3A_1291 : vector<16xi1>
          %select_n3A_1293 = arith.select %or3A_1292, %select_n3A_1279, %select_n3A_1272 : vector<16xi1>, vector<16xf32>
          %select_n3A_1294 = arith.select %or3A_1292, %select_n3A_1280, %select_n3A_1273 : vector<16xi1>, vector<16xi32>
          %gt3A_1295 = arith.cmpf ogt, %select_n3A_1293, %select_n3A_1286 : vector<16xf32>
          %eq3A_1296 = arith.cmpf oeq, %select_n3A_1293, %select_n3A_1286 : vector<16xf32>
          %lt3A_1297 = arith.cmpi slt, %select_n3A_1294, %select_n3A_1287 : vector<16xi32>
          %and3A_1298 = arith.andi %eq3A_1296, %lt3A_1297 : vector<16xi1>
          %or3A_1299 = arith.ori %gt3A_1295, %and3A_1298 : vector<16xi1>
          %select_n3A_1300 = arith.select %or3A_1299, %select_n3A_1293, %select_n3A_1286 : vector<16xi1>, vector<16xf32>
          %select_n3A_1301 = arith.select %or3A_1299, %select_n3A_1294, %select_n3A_1287 : vector<16xi1>, vector<16xi32>
          %reduce_max3A = arith.constant true
          %reduce_max3A_1302 = vector.broadcast %reduce_max3A : i1 to vector<16xi1>
          %reduce_max3A_1303 = tpu.scan <max>, %select_n3A_1300 masked %reduce_max3A_1302 : vector<16xf32>, vector<16xi1> -> vector<16xf32>
          %reduce_max3A_1304 = vector.extract %reduce_max3A_1303[15] : f32 from vector<16xf32>
          %eq3A_1305 = vector.broadcast %reduce_max3A_1304 : f32 to vector<16xf32>
          %eq3A_1306 = arith.cmpf oeq, %select_n3A_1300, %eq3A_1305 : vector<16xf32>
          %jit3A_1307 = arith.constant 1073741824 : i32
          %broadcast_in_dim3A_1308 = vector.broadcast %jit3A_1307 : i32 to vector<16xi32>
          %select_n3A_1309 = arith.select %eq3A_1306, %select_n3A_1301, %broadcast_in_dim3A_1308 : vector<16xi1>, vector<16xi32>
          %reduce_min3A = arith.constant true
          %reduce_min3A_1310 = vector.broadcast %reduce_min3A : i1 to vector<16xi1>
          %reduce_min3A_1311 = arith.constant -2147483648 : i32
          %reduce_min3A_1312 = vector.broadcast %reduce_min3A_1311 : i32 to vector<16xi32>
          %reduce_min3A_1313 = arith.xori %select_n3A_1309, %reduce_min3A_1312 : vector<16xi32>
          %reduce_min3A_1314 = tpu.scan <min>, %reduce_min3A_1313 masked %reduce_min3A_1310 : vector<16xi32>, vector<16xi1> -> vector<16xi32>
          %reduce_min3A_1315 = arith.xori %reduce_min3A_1314, %reduce_min3A_1312 : vector<16xi32>
          %reduce_min3A_1316 = vector.extract %reduce_min3A_1315[15] : i32 from vector<16xi32>
          %broadcast_in_dim3A_1317 = vector.broadcast %add3A_485 : i32 to vector<16xi32>
          %broadcast_in_dim3A_1318 = vector.broadcast %reduce_min3A_1316 : i32 to vector<16xi32>
          tpu.vector_store_idx %arg8[%broadcast_in_dim3A_1317], %broadcast_in_dim3A_1318 masked %eq3A_4 : memref<2048xi32, #tpu.memory_space<vmem>>[vector<16xi32>], vector<16xi32>, vector<16xi1>
          %broadcast_in_dim3A_1319 = vector.broadcast %reduce_min3A_1316 : i32 to vector<16xi32>
          %broadcast_in_dim3A_1320 = arith.constant -1.000000e+09 : f32
          %broadcast_in_dim3A_1321 = vector.broadcast %broadcast_in_dim3A_1320 : f32 to vector<16xf32>
          %ne3A = arith.constant 0 : i32
          %ne3A_1322 = arith.cmpi ne, %reduce_min3A_1316, %ne3A : i32
          %and3A_1323 = vector.broadcast %ne3A_1322 : i1 to vector<16xi1>
          %and3A_1324 = arith.andi %eq3A_4, %and3A_1323 : vector<16xi1>
          tpu.vector_store_idx %arg7[%broadcast_in_dim3A_1319], %broadcast_in_dim3A_1321 masked %and3A_1324 : memref<1024xf32, #tpu.memory_space<vmem>>[vector<16xi32>], vector<16xf32>, vector<16xi1>
          %add3A_1325 = arith.addf %scan3A_480, %reduce_max3A_1304 : f32
          scf.yield %add3A_1325 : f32
        }
        %scan3A_448 = arith.constant 35 : i32
        %add3A_449 = arith.constant 2 : i32
        %add3A_450 = arith.addi %mul3A_434, %add3A_449 : i32
        %lt3A_451 = arith.constant 37 : i32
        %lt3A_452 = arith.cmpi slt, %add3A_450, %lt3A_451 : i32
        %convert_element_type3A_453 = arith.extui %lt3A_452 : i1 to i32
        %cond3A_454 = arith.constant 0 : i32
        %cond3A_455 = arith.cmpi ne, %convert_element_type3A_453, %cond3A_454 : i32
        scf.if %cond3A_455 {
          %add3A_479 = arith.constant 2 : i32
          %add3A_480 = arith.addi %mul3A_434, %add3A_479 : i32
          %mul3A_481 = arith.constant 35 : i32
          %mul3A_482 = arith.muli %add3A_480, %mul3A_481 : i32
          %add3A_483 = arith.constant 753 : i32
          %add3A_484 = arith.addi %add3A_483, %mul3A_482 : i32
          %dma_start3A_485 = arith.constant 0 : i32
          %dma_start3A_486 = tpu.memref_slice %arg2[%add3A, %add3A_484, %dma_start3A_485] : memref<16x2048x1024xf32, #tpu.memory_space<hbm>> -> memref<1x35x1024xf32, #tpu.memory_space<hbm>>
          %dma_start3A_487 = tpu.memref_squeeze %dma_start3A_486 : memref<1x35x1024xf32, #tpu.memory_space<hbm>> -> memref<35x1024xf32, #tpu.memory_space<hbm>>
          %dma_start3A_488 = arith.constant 0 : i32
          %dma_start3A_489 = tpu.memref_slice %arg2[%add3A, %add3A_484, %dma_start3A_488] : memref<16x2048x1024xf32, #tpu.memory_space<hbm>> -> memref<1x35x1024xf32, #tpu.memory_space<hbm>>
          %dma_start3A_490 = tpu.memref_squeeze %dma_start3A_489 : memref<1x35x1024xf32, #tpu.memory_space<hbm>> -> memref<35x1024xf32, #tpu.memory_space<hbm>>
          tpu.enqueue_dma source(%dma_start3A_490 : memref<35x1024xf32, #tpu.memory_space<hbm>>) target(%arg5 : memref<35x1024xf32, #tpu.memory_space<vmem>>) target_semaphore(%arg10 : memref<!tpu.dma_semaphore, #tpu.memory_space<semaphore_mem>>)
        } else {
        }
        %add3A_456 = arith.constant 1 : i32
        %add3A_457 = arith.addi %mul3A_434, %add3A_456 : i32
        %dma_wait3A_458 = arith.constant 753 : i32
        %dma_wait3A_459 = arith.constant 0 : i32
        %dma_wait3A_460 = tpu.memref_slice %arg2[%add3A, %dma_wait3A_458, %dma_wait3A_459] : memref<16x2048x1024xf32, #tpu.memory_space<hbm>> -> memref<1x35x1024xf32, #tpu.memory_space<hbm>>
        %dma_wait3A_461 = tpu.memref_squeeze %dma_wait3A_460 : memref<1x35x1024xf32, #tpu.memory_space<hbm>> -> memref<35x1024xf32, #tpu.memory_space<hbm>>
        %dma_wait3A_462 = arith.constant 753 : i32
        %dma_wait3A_463 = arith.constant 0 : i32
        %dma_wait3A_464 = tpu.memref_slice %arg2[%add3A, %dma_wait3A_462, %dma_wait3A_463] : memref<16x2048x1024xf32, #tpu.memory_space<hbm>> -> memref<1x35x1024xf32, #tpu.memory_space<hbm>>
        %dma_wait3A_465 = tpu.memref_squeeze %dma_wait3A_464 : memref<1x35x1024xf32, #tpu.memory_space<hbm>> -> memref<35x1024xf32, #tpu.memory_space<hbm>>
        tpu.wait_dma2 semaphore(%arg11 : memref<!tpu.dma_semaphore, #tpu.memory_space<semaphore_mem>>) src(%dma_wait3A_465 : memref<35x1024xf32, #tpu.memory_space<hbm>>) dst(%arg6 : memref<35x1024xf32, #tpu.memory_space<vmem>>)
        %scan3A_466 = arith.constant 0 : i32
        %scan3A_467 = arith.constant 35 : i32
        %scan3A_468 = arith.addi %scan3A_466, %scan3A_467 : i32
        %scan3A_469 = arith.constant 1 : i32
        %scan3A_470 = scf.for %scan3A_479 = %scan3A_466 to %scan3A_468 step %scan3A_469 iter_args(%scan3A_480 = %scan3A_447) -> (f32)  : i32 {
          %mul3A_481 = arith.constant 35 : i32
          %mul3A_482 = arith.muli %add3A_457, %mul3A_481 : i32
          %add3A_483 = arith.constant 753 : i32
          %add3A_484 = arith.addi %add3A_483, %mul3A_482 : i32
          %add3A_485 = arith.addi %add3A_484, %scan3A_479 : i32
          %broadcast_in_dim3A_486 = arith.constant 0xFF800000 : f32
          %broadcast_in_dim3A_487 = vector.broadcast %broadcast_in_dim3A_486 : f32 to vector<16xf32>
          %get3A = arith.index_cast %scan3A_479 : i32 to index
          %get3A_488 = arith.constant 0 : index
          %get3A_489 = tpu.vector_load %arg6[%get3A, %get3A_488] {strides = array<i32>} : memref<35x1024xf32, #tpu.memory_space<vmem>>, vector<16xf32>,
          %get3A_490 = arith.constant 0 : index
          %get3A_491 = tpu.vector_load %arg7[%get3A_490] {strides = array<i32>} : memref<1024xf32, #tpu.memory_space<vmem>>, vector<16xf32>,
          %add3A_492 = arith.addf %get3A_489, %get3A_491 : vector<16xf32>
          %jit3A = arith.constant 0.000000e+00 : f32
          %broadcast_in_dim3A_493 = vector.broadcast %jit3A : f32 to vector<16xf32>
          %select_n3A = arith.select %eq3A_4, %broadcast_in_dim3A_493, %add3A_492 : vector<16xi1>, vector<16xf32>
          %add3A_494 = arith.constant 0 : i32
          %add3A_495 = vector.broadcast %add3A_494 : i32 to vector<16xi32>
          %add3A_496 = arith.addi %iota3A, %add3A_495 : vector<16xi32>
          %gt3A = arith.cmpf ogt, %select_n3A, %broadcast_in_dim3A_487 : vector<16xf32>
          %select_n3A_497 = arith.select %gt3A, %add3A_496, %broadcast_in_dim3A_7 : vector<16xi1>, vector<16xi32>
          %select_n3A_498 = arith.select %gt3A, %select_n3A, %broadcast_in_dim3A_487 : vector<16xi1>, vector<16xf32>
          %get3A_499 = arith.index_cast %scan3A_479 : i32 to index
          %get3A_500 = arith.constant 16 : index
          %get3A_501 = tpu.vector_load %arg6[%get3A_499, %get3A_500] {strides = array<i32>} : memref<35x1024xf32, #tpu.memory_space<vmem>>, vector<16xf32>,
          %get3A_502 = arith.constant 16 : index
          %get3A_503 = tpu.vector_load %arg7[%get3A_502] {strides = array<i32>} : memref<1024xf32, #tpu.memory_space<vmem>>, vector<16xf32>,
          %add3A_504 = arith.addf %get3A_501, %get3A_503 : vector<16xf32>
          %add3A_505 = arith.constant 16 : i32
          %add3A_506 = vector.broadcast %add3A_505 : i32 to vector<16xi32>
          %add3A_507 = arith.addi %iota3A, %add3A_506 : vector<16xi32>
          %gt3A_508 = arith.cmpf ogt, %add3A_504, %broadcast_in_dim3A_487 : vector<16xf32>
          %select_n3A_509 = arith.select %gt3A_508, %add3A_507, %broadcast_in_dim3A_7 : vector<16xi1>, vector<16xi32>
          %select_n3A_510 = arith.select %gt3A_508, %add3A_504, %broadcast_in_dim3A_487 : vector<16xi1>, vector<16xf32>
          %get3A_511 = arith.index_cast %scan3A_479 : i32 to index
          %get3A_512 = arith.constant 32 : index
          %get3A_513 = tpu.vector_load %arg6[%get3A_511, %get3A_512] {strides = array<i32>} : memref<35x1024xf32, #tpu.memory_space<vmem>>, vector<16xf32>,
          %get3A_514 = arith.constant 32 : index
          %get3A_515 = tpu.vector_load %arg7[%get3A_514] {strides = array<i32>} : memref<1024xf32, #tpu.memory_space<vmem>>, vector<16xf32>,
          %add3A_516 = arith.addf %get3A_513, %get3A_515 : vector<16xf32>
          %add3A_517 = arith.constant 32 : i32
          %add3A_518 = vector.broadcast %add3A_517 : i32 to vector<16xi32>
          %add3A_519 = arith.addi %iota3A, %add3A_518 : vector<16xi32>
          %gt3A_520 = arith.cmpf ogt, %add3A_516, %broadcast_in_dim3A_487 : vector<16xf32>
          %select_n3A_521 = arith.select %gt3A_520, %add3A_519, %broadcast_in_dim3A_7 : vector<16xi1>, vector<16xi32>
          %select_n3A_522 = arith.select %gt3A_520, %add3A_516, %broadcast_in_dim3A_487 : vector<16xi1>, vector<16xf32>
          %get3A_523 = arith.index_cast %scan3A_479 : i32 to index
          %get3A_524 = arith.constant 48 : index
          %get3A_525 = tpu.vector_load %arg6[%get3A_523, %get3A_524] {strides = array<i32>} : memref<35x1024xf32, #tpu.memory_space<vmem>>, vector<16xf32>,
          %get3A_526 = arith.constant 48 : index
          %get3A_527 = tpu.vector_load %arg7[%get3A_526] {strides = array<i32>} : memref<1024xf32, #tpu.memory_space<vmem>>, vector<16xf32>,
          %add3A_528 = arith.addf %get3A_525, %get3A_527 : vector<16xf32>
          %add3A_529 = arith.constant 48 : i32
          %add3A_530 = vector.broadcast %add3A_529 : i32 to vector<16xi32>
          %add3A_531 = arith.addi %iota3A, %add3A_530 : vector<16xi32>
          %gt3A_532 = arith.cmpf ogt, %add3A_528, %broadcast_in_dim3A_487 : vector<16xf32>
          %select_n3A_533 = arith.select %gt3A_532, %add3A_531, %broadcast_in_dim3A_7 : vector<16xi1>, vector<16xi32>
          %select_n3A_534 = arith.select %gt3A_532, %add3A_528, %broadcast_in_dim3A_487 : vector<16xi1>, vector<16xf32>
          %get3A_535 = arith.index_cast %scan3A_479 : i32 to index
          %get3A_536 = arith.constant 64 : index
          %get3A_537 = tpu.vector_load %arg6[%get3A_535, %get3A_536] {strides = array<i32>} : memref<35x1024xf32, #tpu.memory_space<vmem>>, vector<16xf32>,
          %get3A_538 = arith.constant 64 : index
          %get3A_539 = tpu.vector_load %arg7[%get3A_538] {strides = array<i32>} : memref<1024xf32, #tpu.memory_space<vmem>>, vector<16xf32>,
          %add3A_540 = arith.addf %get3A_537, %get3A_539 : vector<16xf32>
          %add3A_541 = arith.constant 64 : i32
          %add3A_542 = vector.broadcast %add3A_541 : i32 to vector<16xi32>
          %add3A_543 = arith.addi %iota3A, %add3A_542 : vector<16xi32>
          %gt3A_544 = arith.cmpf ogt, %add3A_540, %broadcast_in_dim3A_487 : vector<16xf32>
          %select_n3A_545 = arith.select %gt3A_544, %add3A_543, %broadcast_in_dim3A_7 : vector<16xi1>, vector<16xi32>
          %select_n3A_546 = arith.select %gt3A_544, %add3A_540, %broadcast_in_dim3A_487 : vector<16xi1>, vector<16xf32>
          %get3A_547 = arith.index_cast %scan3A_479 : i32 to index
          %get3A_548 = arith.constant 80 : index
          %get3A_549 = tpu.vector_load %arg6[%get3A_547, %get3A_548] {strides = array<i32>} : memref<35x1024xf32, #tpu.memory_space<vmem>>, vector<16xf32>,
          %get3A_550 = arith.constant 80 : index
          %get3A_551 = tpu.vector_load %arg7[%get3A_550] {strides = array<i32>} : memref<1024xf32, #tpu.memory_space<vmem>>, vector<16xf32>,
          %add3A_552 = arith.addf %get3A_549, %get3A_551 : vector<16xf32>
          %add3A_553 = arith.constant 80 : i32
          %add3A_554 = vector.broadcast %add3A_553 : i32 to vector<16xi32>
          %add3A_555 = arith.addi %iota3A, %add3A_554 : vector<16xi32>
          %gt3A_556 = arith.cmpf ogt, %add3A_552, %broadcast_in_dim3A_487 : vector<16xf32>
          %select_n3A_557 = arith.select %gt3A_556, %add3A_555, %broadcast_in_dim3A_7 : vector<16xi1>, vector<16xi32>
          %select_n3A_558 = arith.select %gt3A_556, %add3A_552, %broadcast_in_dim3A_487 : vector<16xi1>, vector<16xf32>
          %get3A_559 = arith.index_cast %scan3A_479 : i32 to index
          %get3A_560 = arith.constant 96 : index
          %get3A_561 = tpu.vector_load %arg6[%get3A_559, %get3A_560] {strides = array<i32>} : memref<35x1024xf32, #tpu.memory_space<vmem>>, vector<16xf32>,
          %get3A_562 = arith.constant 96 : index
          %get3A_563 = tpu.vector_load %arg7[%get3A_562] {strides = array<i32>} : memref<1024xf32, #tpu.memory_space<vmem>>, vector<16xf32>,
          %add3A_564 = arith.addf %get3A_561, %get3A_563 : vector<16xf32>
          %add3A_565 = arith.constant 96 : i32
          %add3A_566 = vector.broadcast %add3A_565 : i32 to vector<16xi32>
          %add3A_567 = arith.addi %iota3A, %add3A_566 : vector<16xi32>
          %gt3A_568 = arith.cmpf ogt, %add3A_564, %broadcast_in_dim3A_487 : vector<16xf32>
          %select_n3A_569 = arith.select %gt3A_568, %add3A_567, %broadcast_in_dim3A_7 : vector<16xi1>, vector<16xi32>
          %select_n3A_570 = arith.select %gt3A_568, %add3A_564, %broadcast_in_dim3A_487 : vector<16xi1>, vector<16xf32>
          %get3A_571 = arith.index_cast %scan3A_479 : i32 to index
          %get3A_572 = arith.constant 112 : index
          %get3A_573 = tpu.vector_load %arg6[%get3A_571, %get3A_572] {strides = array<i32>} : memref<35x1024xf32, #tpu.memory_space<vmem>>, vector<16xf32>,
          %get3A_574 = arith.constant 112 : index
          %get3A_575 = tpu.vector_load %arg7[%get3A_574] {strides = array<i32>} : memref<1024xf32, #tpu.memory_space<vmem>>, vector<16xf32>,
          %add3A_576 = arith.addf %get3A_573, %get3A_575 : vector<16xf32>
          %add3A_577 = arith.constant 112 : i32
          %add3A_578 = vector.broadcast %add3A_577 : i32 to vector<16xi32>
          %add3A_579 = arith.addi %iota3A, %add3A_578 : vector<16xi32>
          %gt3A_580 = arith.cmpf ogt, %add3A_576, %broadcast_in_dim3A_487 : vector<16xf32>
          %select_n3A_581 = arith.select %gt3A_580, %add3A_579, %broadcast_in_dim3A_7 : vector<16xi1>, vector<16xi32>
          %select_n3A_582 = arith.select %gt3A_580, %add3A_576, %broadcast_in_dim3A_487 : vector<16xi1>, vector<16xf32>
          %get3A_583 = arith.index_cast %scan3A_479 : i32 to index
          %get3A_584 = arith.constant 128 : index
          %get3A_585 = tpu.vector_load %arg6[%get3A_583, %get3A_584] {strides = array<i32>} : memref<35x1024xf32, #tpu.memory_space<vmem>>, vector<16xf32>,
          %get3A_586 = arith.constant 128 : index
          %get3A_587 = tpu.vector_load %arg7[%get3A_586] {strides = array<i32>} : memref<1024xf32, #tpu.memory_space<vmem>>, vector<16xf32>,
          %add3A_588 = arith.addf %get3A_585, %get3A_587 : vector<16xf32>
          %add3A_589 = arith.constant 128 : i32
          %add3A_590 = vector.broadcast %add3A_589 : i32 to vector<16xi32>
          %add3A_591 = arith.addi %iota3A, %add3A_590 : vector<16xi32>
          %gt3A_592 = arith.cmpf ogt, %add3A_588, %select_n3A_498 : vector<16xf32>
          %select_n3A_593 = arith.select %gt3A_592, %add3A_591, %select_n3A_497 : vector<16xi1>, vector<16xi32>
          %select_n3A_594 = arith.select %gt3A_592, %add3A_588, %select_n3A_498 : vector<16xi1>, vector<16xf32>
          %get3A_595 = arith.index_cast %scan3A_479 : i32 to index
          %get3A_596 = arith.constant 144 : index
          %get3A_597 = tpu.vector_load %arg6[%get3A_595, %get3A_596] {strides = array<i32>} : memref<35x1024xf32, #tpu.memory_space<vmem>>, vector<16xf32>,
          %get3A_598 = arith.constant 144 : index
          %get3A_599 = tpu.vector_load %arg7[%get3A_598] {strides = array<i32>} : memref<1024xf32, #tpu.memory_space<vmem>>, vector<16xf32>,
          %add3A_600 = arith.addf %get3A_597, %get3A_599 : vector<16xf32>
          %add3A_601 = arith.constant 144 : i32
          %add3A_602 = vector.broadcast %add3A_601 : i32 to vector<16xi32>
          %add3A_603 = arith.addi %iota3A, %add3A_602 : vector<16xi32>
          %gt3A_604 = arith.cmpf ogt, %add3A_600, %select_n3A_510 : vector<16xf32>
          %select_n3A_605 = arith.select %gt3A_604, %add3A_603, %select_n3A_509 : vector<16xi1>, vector<16xi32>
          %select_n3A_606 = arith.select %gt3A_604, %add3A_600, %select_n3A_510 : vector<16xi1>, vector<16xf32>
          %get3A_607 = arith.index_cast %scan3A_479 : i32 to index
          %get3A_608 = arith.constant 160 : index
          %get3A_609 = tpu.vector_load %arg6[%get3A_607, %get3A_608] {strides = array<i32>} : memref<35x1024xf32, #tpu.memory_space<vmem>>, vector<16xf32>,
          %get3A_610 = arith.constant 160 : index
          %get3A_611 = tpu.vector_load %arg7[%get3A_610] {strides = array<i32>} : memref<1024xf32, #tpu.memory_space<vmem>>, vector<16xf32>,
          %add3A_612 = arith.addf %get3A_609, %get3A_611 : vector<16xf32>
          %add3A_613 = arith.constant 160 : i32
          %add3A_614 = vector.broadcast %add3A_613 : i32 to vector<16xi32>
          %add3A_615 = arith.addi %iota3A, %add3A_614 : vector<16xi32>
          %gt3A_616 = arith.cmpf ogt, %add3A_612, %select_n3A_522 : vector<16xf32>
          %select_n3A_617 = arith.select %gt3A_616, %add3A_615, %select_n3A_521 : vector<16xi1>, vector<16xi32>
          %select_n3A_618 = arith.select %gt3A_616, %add3A_612, %select_n3A_522 : vector<16xi1>, vector<16xf32>
          %get3A_619 = arith.index_cast %scan3A_479 : i32 to index
          %get3A_620 = arith.constant 176 : index
          %get3A_621 = tpu.vector_load %arg6[%get3A_619, %get3A_620] {strides = array<i32>} : memref<35x1024xf32, #tpu.memory_space<vmem>>, vector<16xf32>,
          %get3A_622 = arith.constant 176 : index
          %get3A_623 = tpu.vector_load %arg7[%get3A_622] {strides = array<i32>} : memref<1024xf32, #tpu.memory_space<vmem>>, vector<16xf32>,
          %add3A_624 = arith.addf %get3A_621, %get3A_623 : vector<16xf32>
          %add3A_625 = arith.constant 176 : i32
          %add3A_626 = vector.broadcast %add3A_625 : i32 to vector<16xi32>
          %add3A_627 = arith.addi %iota3A, %add3A_626 : vector<16xi32>
          %gt3A_628 = arith.cmpf ogt, %add3A_624, %select_n3A_534 : vector<16xf32>
          %select_n3A_629 = arith.select %gt3A_628, %add3A_627, %select_n3A_533 : vector<16xi1>, vector<16xi32>
          %select_n3A_630 = arith.select %gt3A_628, %add3A_624, %select_n3A_534 : vector<16xi1>, vector<16xf32>
          %get3A_631 = arith.index_cast %scan3A_479 : i32 to index
          %get3A_632 = arith.constant 192 : index
          %get3A_633 = tpu.vector_load %arg6[%get3A_631, %get3A_632] {strides = array<i32>} : memref<35x1024xf32, #tpu.memory_space<vmem>>, vector<16xf32>,
          %get3A_634 = arith.constant 192 : index
          %get3A_635 = tpu.vector_load %arg7[%get3A_634] {strides = array<i32>} : memref<1024xf32, #tpu.memory_space<vmem>>, vector<16xf32>,
          %add3A_636 = arith.addf %get3A_633, %get3A_635 : vector<16xf32>
          %add3A_637 = arith.constant 192 : i32
          %add3A_638 = vector.broadcast %add3A_637 : i32 to vector<16xi32>
          %add3A_639 = arith.addi %iota3A, %add3A_638 : vector<16xi32>
          %gt3A_640 = arith.cmpf ogt, %add3A_636, %select_n3A_546 : vector<16xf32>
          %select_n3A_641 = arith.select %gt3A_640, %add3A_639, %select_n3A_545 : vector<16xi1>, vector<16xi32>
          %select_n3A_642 = arith.select %gt3A_640, %add3A_636, %select_n3A_546 : vector<16xi1>, vector<16xf32>
          %get3A_643 = arith.index_cast %scan3A_479 : i32 to index
          %get3A_644 = arith.constant 208 : index
          %get3A_645 = tpu.vector_load %arg6[%get3A_643, %get3A_644] {strides = array<i32>} : memref<35x1024xf32, #tpu.memory_space<vmem>>, vector<16xf32>,
          %get3A_646 = arith.constant 208 : index
          %get3A_647 = tpu.vector_load %arg7[%get3A_646] {strides = array<i32>} : memref<1024xf32, #tpu.memory_space<vmem>>, vector<16xf32>,
          %add3A_648 = arith.addf %get3A_645, %get3A_647 : vector<16xf32>
          %add3A_649 = arith.constant 208 : i32
          %add3A_650 = vector.broadcast %add3A_649 : i32 to vector<16xi32>
          %add3A_651 = arith.addi %iota3A, %add3A_650 : vector<16xi32>
          %gt3A_652 = arith.cmpf ogt, %add3A_648, %select_n3A_558 : vector<16xf32>
          %select_n3A_653 = arith.select %gt3A_652, %add3A_651, %select_n3A_557 : vector<16xi1>, vector<16xi32>
          %select_n3A_654 = arith.select %gt3A_652, %add3A_648, %select_n3A_558 : vector<16xi1>, vector<16xf32>
          %get3A_655 = arith.index_cast %scan3A_479 : i32 to index
          %get3A_656 = arith.constant 224 : index
          %get3A_657 = tpu.vector_load %arg6[%get3A_655, %get3A_656] {strides = array<i32>} : memref<35x1024xf32, #tpu.memory_space<vmem>>, vector<16xf32>,
          %get3A_658 = arith.constant 224 : index
          %get3A_659 = tpu.vector_load %arg7[%get3A_658] {strides = array<i32>} : memref<1024xf32, #tpu.memory_space<vmem>>, vector<16xf32>,
          %add3A_660 = arith.addf %get3A_657, %get3A_659 : vector<16xf32>
          %add3A_661 = arith.constant 224 : i32
          %add3A_662 = vector.broadcast %add3A_661 : i32 to vector<16xi32>
          %add3A_663 = arith.addi %iota3A, %add3A_662 : vector<16xi32>
          %gt3A_664 = arith.cmpf ogt, %add3A_660, %select_n3A_570 : vector<16xf32>
          %select_n3A_665 = arith.select %gt3A_664, %add3A_663, %select_n3A_569 : vector<16xi1>, vector<16xi32>
          %select_n3A_666 = arith.select %gt3A_664, %add3A_660, %select_n3A_570 : vector<16xi1>, vector<16xf32>
          %get3A_667 = arith.index_cast %scan3A_479 : i32 to index
          %get3A_668 = arith.constant 240 : index
          %get3A_669 = tpu.vector_load %arg6[%get3A_667, %get3A_668] {strides = array<i32>} : memref<35x1024xf32, #tpu.memory_space<vmem>>, vector<16xf32>,
          %get3A_670 = arith.constant 240 : index
          %get3A_671 = tpu.vector_load %arg7[%get3A_670] {strides = array<i32>} : memref<1024xf32, #tpu.memory_space<vmem>>, vector<16xf32>,
          %add3A_672 = arith.addf %get3A_669, %get3A_671 : vector<16xf32>
          %add3A_673 = arith.constant 240 : i32
          %add3A_674 = vector.broadcast %add3A_673 : i32 to vector<16xi32>
          %add3A_675 = arith.addi %iota3A, %add3A_674 : vector<16xi32>
          %gt3A_676 = arith.cmpf ogt, %add3A_672, %select_n3A_582 : vector<16xf32>
          %select_n3A_677 = arith.select %gt3A_676, %add3A_675, %select_n3A_581 : vector<16xi1>, vector<16xi32>
          %select_n3A_678 = arith.select %gt3A_676, %add3A_672, %select_n3A_582 : vector<16xi1>, vector<16xf32>
          %get3A_679 = arith.index_cast %scan3A_479 : i32 to index
          %get3A_680 = arith.constant 256 : index
          %get3A_681 = tpu.vector_load %arg6[%get3A_679, %get3A_680] {strides = array<i32>} : memref<35x1024xf32, #tpu.memory_space<vmem>>, vector<16xf32>,
          %get3A_682 = arith.constant 256 : index
          %get3A_683 = tpu.vector_load %arg7[%get3A_682] {strides = array<i32>} : memref<1024xf32, #tpu.memory_space<vmem>>, vector<16xf32>,
          %add3A_684 = arith.addf %get3A_681, %get3A_683 : vector<16xf32>
          %add3A_685 = arith.constant 256 : i32
          %add3A_686 = vector.broadcast %add3A_685 : i32 to vector<16xi32>
          %add3A_687 = arith.addi %iota3A, %add3A_686 : vector<16xi32>
          %gt3A_688 = arith.cmpf ogt, %add3A_684, %select_n3A_594 : vector<16xf32>
          %select_n3A_689 = arith.select %gt3A_688, %add3A_687, %select_n3A_593 : vector<16xi1>, vector<16xi32>
          %select_n3A_690 = arith.select %gt3A_688, %add3A_684, %select_n3A_594 : vector<16xi1>, vector<16xf32>
          %get3A_691 = arith.index_cast %scan3A_479 : i32 to index
          %get3A_692 = arith.constant 272 : index
          %get3A_693 = tpu.vector_load %arg6[%get3A_691, %get3A_692] {strides = array<i32>} : memref<35x1024xf32, #tpu.memory_space<vmem>>, vector<16xf32>,
          %get3A_694 = arith.constant 272 : index
          %get3A_695 = tpu.vector_load %arg7[%get3A_694] {strides = array<i32>} : memref<1024xf32, #tpu.memory_space<vmem>>, vector<16xf32>,
          %add3A_696 = arith.addf %get3A_693, %get3A_695 : vector<16xf32>
          %add3A_697 = arith.constant 272 : i32
          %add3A_698 = vector.broadcast %add3A_697 : i32 to vector<16xi32>
          %add3A_699 = arith.addi %iota3A, %add3A_698 : vector<16xi32>
          %gt3A_700 = arith.cmpf ogt, %add3A_696, %select_n3A_606 : vector<16xf32>
          %select_n3A_701 = arith.select %gt3A_700, %add3A_699, %select_n3A_605 : vector<16xi1>, vector<16xi32>
          %select_n3A_702 = arith.select %gt3A_700, %add3A_696, %select_n3A_606 : vector<16xi1>, vector<16xf32>
          %get3A_703 = arith.index_cast %scan3A_479 : i32 to index
          %get3A_704 = arith.constant 288 : index
          %get3A_705 = tpu.vector_load %arg6[%get3A_703, %get3A_704] {strides = array<i32>} : memref<35x1024xf32, #tpu.memory_space<vmem>>, vector<16xf32>,
          %get3A_706 = arith.constant 288 : index
          %get3A_707 = tpu.vector_load %arg7[%get3A_706] {strides = array<i32>} : memref<1024xf32, #tpu.memory_space<vmem>>, vector<16xf32>,
          %add3A_708 = arith.addf %get3A_705, %get3A_707 : vector<16xf32>
          %add3A_709 = arith.constant 288 : i32
          %add3A_710 = vector.broadcast %add3A_709 : i32 to vector<16xi32>
          %add3A_711 = arith.addi %iota3A, %add3A_710 : vector<16xi32>
          %gt3A_712 = arith.cmpf ogt, %add3A_708, %select_n3A_618 : vector<16xf32>
          %select_n3A_713 = arith.select %gt3A_712, %add3A_711, %select_n3A_617 : vector<16xi1>, vector<16xi32>
          %select_n3A_714 = arith.select %gt3A_712, %add3A_708, %select_n3A_618 : vector<16xi1>, vector<16xf32>
          %get3A_715 = arith.index_cast %scan3A_479 : i32 to index
          %get3A_716 = arith.constant 304 : index
          %get3A_717 = tpu.vector_load %arg6[%get3A_715, %get3A_716] {strides = array<i32>} : memref<35x1024xf32, #tpu.memory_space<vmem>>, vector<16xf32>,
          %get3A_718 = arith.constant 304 : index
          %get3A_719 = tpu.vector_load %arg7[%get3A_718] {strides = array<i32>} : memref<1024xf32, #tpu.memory_space<vmem>>, vector<16xf32>,
          %add3A_720 = arith.addf %get3A_717, %get3A_719 : vector<16xf32>
          %add3A_721 = arith.constant 304 : i32
          %add3A_722 = vector.broadcast %add3A_721 : i32 to vector<16xi32>
          %add3A_723 = arith.addi %iota3A, %add3A_722 : vector<16xi32>
          %gt3A_724 = arith.cmpf ogt, %add3A_720, %select_n3A_630 : vector<16xf32>
          %select_n3A_725 = arith.select %gt3A_724, %add3A_723, %select_n3A_629 : vector<16xi1>, vector<16xi32>
          %select_n3A_726 = arith.select %gt3A_724, %add3A_720, %select_n3A_630 : vector<16xi1>, vector<16xf32>
          %get3A_727 = arith.index_cast %scan3A_479 : i32 to index
          %get3A_728 = arith.constant 320 : index
          %get3A_729 = tpu.vector_load %arg6[%get3A_727, %get3A_728] {strides = array<i32>} : memref<35x1024xf32, #tpu.memory_space<vmem>>, vector<16xf32>,
          %get3A_730 = arith.constant 320 : index
          %get3A_731 = tpu.vector_load %arg7[%get3A_730] {strides = array<i32>} : memref<1024xf32, #tpu.memory_space<vmem>>, vector<16xf32>,
          %add3A_732 = arith.addf %get3A_729, %get3A_731 : vector<16xf32>
          %add3A_733 = arith.constant 320 : i32
          %add3A_734 = vector.broadcast %add3A_733 : i32 to vector<16xi32>
          %add3A_735 = arith.addi %iota3A, %add3A_734 : vector<16xi32>
          %gt3A_736 = arith.cmpf ogt, %add3A_732, %select_n3A_642 : vector<16xf32>
          %select_n3A_737 = arith.select %gt3A_736, %add3A_735, %select_n3A_641 : vector<16xi1>, vector<16xi32>
          %select_n3A_738 = arith.select %gt3A_736, %add3A_732, %select_n3A_642 : vector<16xi1>, vector<16xf32>
          %get3A_739 = arith.index_cast %scan3A_479 : i32 to index
          %get3A_740 = arith.constant 336 : index
          %get3A_741 = tpu.vector_load %arg6[%get3A_739, %get3A_740] {strides = array<i32>} : memref<35x1024xf32, #tpu.memory_space<vmem>>, vector<16xf32>,
          %get3A_742 = arith.constant 336 : index
          %get3A_743 = tpu.vector_load %arg7[%get3A_742] {strides = array<i32>} : memref<1024xf32, #tpu.memory_space<vmem>>, vector<16xf32>,
          %add3A_744 = arith.addf %get3A_741, %get3A_743 : vector<16xf32>
          %add3A_745 = arith.constant 336 : i32
          %add3A_746 = vector.broadcast %add3A_745 : i32 to vector<16xi32>
          %add3A_747 = arith.addi %iota3A, %add3A_746 : vector<16xi32>
          %gt3A_748 = arith.cmpf ogt, %add3A_744, %select_n3A_654 : vector<16xf32>
          %select_n3A_749 = arith.select %gt3A_748, %add3A_747, %select_n3A_653 : vector<16xi1>, vector<16xi32>
          %select_n3A_750 = arith.select %gt3A_748, %add3A_744, %select_n3A_654 : vector<16xi1>, vector<16xf32>
          %get3A_751 = arith.index_cast %scan3A_479 : i32 to index
          %get3A_752 = arith.constant 352 : index
          %get3A_753 = tpu.vector_load %arg6[%get3A_751, %get3A_752] {strides = array<i32>} : memref<35x1024xf32, #tpu.memory_space<vmem>>, vector<16xf32>,
          %get3A_754 = arith.constant 352 : index
          %get3A_755 = tpu.vector_load %arg7[%get3A_754] {strides = array<i32>} : memref<1024xf32, #tpu.memory_space<vmem>>, vector<16xf32>,
          %add3A_756 = arith.addf %get3A_753, %get3A_755 : vector<16xf32>
          %add3A_757 = arith.constant 352 : i32
          %add3A_758 = vector.broadcast %add3A_757 : i32 to vector<16xi32>
          %add3A_759 = arith.addi %iota3A, %add3A_758 : vector<16xi32>
          %gt3A_760 = arith.cmpf ogt, %add3A_756, %select_n3A_666 : vector<16xf32>
          %select_n3A_761 = arith.select %gt3A_760, %add3A_759, %select_n3A_665 : vector<16xi1>, vector<16xi32>
          %select_n3A_762 = arith.select %gt3A_760, %add3A_756, %select_n3A_666 : vector<16xi1>, vector<16xf32>
          %get3A_763 = arith.index_cast %scan3A_479 : i32 to index
          %get3A_764 = arith.constant 368 : index
          %get3A_765 = tpu.vector_load %arg6[%get3A_763, %get3A_764] {strides = array<i32>} : memref<35x1024xf32, #tpu.memory_space<vmem>>, vector<16xf32>,
          %get3A_766 = arith.constant 368 : index
          %get3A_767 = tpu.vector_load %arg7[%get3A_766] {strides = array<i32>} : memref<1024xf32, #tpu.memory_space<vmem>>, vector<16xf32>,
          %add3A_768 = arith.addf %get3A_765, %get3A_767 : vector<16xf32>
          %add3A_769 = arith.constant 368 : i32
          %add3A_770 = vector.broadcast %add3A_769 : i32 to vector<16xi32>
          %add3A_771 = arith.addi %iota3A, %add3A_770 : vector<16xi32>
          %gt3A_772 = arith.cmpf ogt, %add3A_768, %select_n3A_678 : vector<16xf32>
          %select_n3A_773 = arith.select %gt3A_772, %add3A_771, %select_n3A_677 : vector<16xi1>, vector<16xi32>
          %select_n3A_774 = arith.select %gt3A_772, %add3A_768, %select_n3A_678 : vector<16xi1>, vector<16xf32>
          %get3A_775 = arith.index_cast %scan3A_479 : i32 to index
          %get3A_776 = arith.constant 384 : index
          %get3A_777 = tpu.vector_load %arg6[%get3A_775, %get3A_776] {strides = array<i32>} : memref<35x1024xf32, #tpu.memory_space<vmem>>, vector<16xf32>,
          %get3A_778 = arith.constant 384 : index
          %get3A_779 = tpu.vector_load %arg7[%get3A_778] {strides = array<i32>} : memref<1024xf32, #tpu.memory_space<vmem>>, vector<16xf32>,
          %add3A_780 = arith.addf %get3A_777, %get3A_779 : vector<16xf32>
          %add3A_781 = arith.constant 384 : i32
          %add3A_782 = vector.broadcast %add3A_781 : i32 to vector<16xi32>
          %add3A_783 = arith.addi %iota3A, %add3A_782 : vector<16xi32>
          %gt3A_784 = arith.cmpf ogt, %add3A_780, %select_n3A_690 : vector<16xf32>
          %select_n3A_785 = arith.select %gt3A_784, %add3A_783, %select_n3A_689 : vector<16xi1>, vector<16xi32>
          %select_n3A_786 = arith.select %gt3A_784, %add3A_780, %select_n3A_690 : vector<16xi1>, vector<16xf32>
          %get3A_787 = arith.index_cast %scan3A_479 : i32 to index
          %get3A_788 = arith.constant 400 : index
          %get3A_789 = tpu.vector_load %arg6[%get3A_787, %get3A_788] {strides = array<i32>} : memref<35x1024xf32, #tpu.memory_space<vmem>>, vector<16xf32>,
          %get3A_790 = arith.constant 400 : index
          %get3A_791 = tpu.vector_load %arg7[%get3A_790] {strides = array<i32>} : memref<1024xf32, #tpu.memory_space<vmem>>, vector<16xf32>,
          %add3A_792 = arith.addf %get3A_789, %get3A_791 : vector<16xf32>
          %add3A_793 = arith.constant 400 : i32
          %add3A_794 = vector.broadcast %add3A_793 : i32 to vector<16xi32>
          %add3A_795 = arith.addi %iota3A, %add3A_794 : vector<16xi32>
          %gt3A_796 = arith.cmpf ogt, %add3A_792, %select_n3A_702 : vector<16xf32>
          %select_n3A_797 = arith.select %gt3A_796, %add3A_795, %select_n3A_701 : vector<16xi1>, vector<16xi32>
          %select_n3A_798 = arith.select %gt3A_796, %add3A_792, %select_n3A_702 : vector<16xi1>, vector<16xf32>
          %get3A_799 = arith.index_cast %scan3A_479 : i32 to index
          %get3A_800 = arith.constant 416 : index
          %get3A_801 = tpu.vector_load %arg6[%get3A_799, %get3A_800] {strides = array<i32>} : memref<35x1024xf32, #tpu.memory_space<vmem>>, vector<16xf32>,
          %get3A_802 = arith.constant 416 : index
          %get3A_803 = tpu.vector_load %arg7[%get3A_802] {strides = array<i32>} : memref<1024xf32, #tpu.memory_space<vmem>>, vector<16xf32>,
          %add3A_804 = arith.addf %get3A_801, %get3A_803 : vector<16xf32>
          %add3A_805 = arith.constant 416 : i32
          %add3A_806 = vector.broadcast %add3A_805 : i32 to vector<16xi32>
          %add3A_807 = arith.addi %iota3A, %add3A_806 : vector<16xi32>
          %gt3A_808 = arith.cmpf ogt, %add3A_804, %select_n3A_714 : vector<16xf32>
          %select_n3A_809 = arith.select %gt3A_808, %add3A_807, %select_n3A_713 : vector<16xi1>, vector<16xi32>
          %select_n3A_810 = arith.select %gt3A_808, %add3A_804, %select_n3A_714 : vector<16xi1>, vector<16xf32>
          %get3A_811 = arith.index_cast %scan3A_479 : i32 to index
          %get3A_812 = arith.constant 432 : index
          %get3A_813 = tpu.vector_load %arg6[%get3A_811, %get3A_812] {strides = array<i32>} : memref<35x1024xf32, #tpu.memory_space<vmem>>, vector<16xf32>,
          %get3A_814 = arith.constant 432 : index
          %get3A_815 = tpu.vector_load %arg7[%get3A_814] {strides = array<i32>} : memref<1024xf32, #tpu.memory_space<vmem>>, vector<16xf32>,
          %add3A_816 = arith.addf %get3A_813, %get3A_815 : vector<16xf32>
          %add3A_817 = arith.constant 432 : i32
          %add3A_818 = vector.broadcast %add3A_817 : i32 to vector<16xi32>
          %add3A_819 = arith.addi %iota3A, %add3A_818 : vector<16xi32>
          %gt3A_820 = arith.cmpf ogt, %add3A_816, %select_n3A_726 : vector<16xf32>
          %select_n3A_821 = arith.select %gt3A_820, %add3A_819, %select_n3A_725 : vector<16xi1>, vector<16xi32>
          %select_n3A_822 = arith.select %gt3A_820, %add3A_816, %select_n3A_726 : vector<16xi1>, vector<16xf32>
          %get3A_823 = arith.index_cast %scan3A_479 : i32 to index
          %get3A_824 = arith.constant 448 : index
          %get3A_825 = tpu.vector_load %arg6[%get3A_823, %get3A_824] {strides = array<i32>} : memref<35x1024xf32, #tpu.memory_space<vmem>>, vector<16xf32>,
          %get3A_826 = arith.constant 448 : index
          %get3A_827 = tpu.vector_load %arg7[%get3A_826] {strides = array<i32>} : memref<1024xf32, #tpu.memory_space<vmem>>, vector<16xf32>,
          %add3A_828 = arith.addf %get3A_825, %get3A_827 : vector<16xf32>
          %add3A_829 = arith.constant 448 : i32
          %add3A_830 = vector.broadcast %add3A_829 : i32 to vector<16xi32>
          %add3A_831 = arith.addi %iota3A, %add3A_830 : vector<16xi32>
          %gt3A_832 = arith.cmpf ogt, %add3A_828, %select_n3A_738 : vector<16xf32>
          %select_n3A_833 = arith.select %gt3A_832, %add3A_831, %select_n3A_737 : vector<16xi1>, vector<16xi32>
          %select_n3A_834 = arith.select %gt3A_832, %add3A_828, %select_n3A_738 : vector<16xi1>, vector<16xf32>
          %get3A_835 = arith.index_cast %scan3A_479 : i32 to index
          %get3A_836 = arith.constant 464 : index
          %get3A_837 = tpu.vector_load %arg6[%get3A_835, %get3A_836] {strides = array<i32>} : memref<35x1024xf32, #tpu.memory_space<vmem>>, vector<16xf32>,
          %get3A_838 = arith.constant 464 : index
          %get3A_839 = tpu.vector_load %arg7[%get3A_838] {strides = array<i32>} : memref<1024xf32, #tpu.memory_space<vmem>>, vector<16xf32>,
          %add3A_840 = arith.addf %get3A_837, %get3A_839 : vector<16xf32>
          %add3A_841 = arith.constant 464 : i32
          %add3A_842 = vector.broadcast %add3A_841 : i32 to vector<16xi32>
          %add3A_843 = arith.addi %iota3A, %add3A_842 : vector<16xi32>
          %gt3A_844 = arith.cmpf ogt, %add3A_840, %select_n3A_750 : vector<16xf32>
          %select_n3A_845 = arith.select %gt3A_844, %add3A_843, %select_n3A_749 : vector<16xi1>, vector<16xi32>
          %select_n3A_846 = arith.select %gt3A_844, %add3A_840, %select_n3A_750 : vector<16xi1>, vector<16xf32>
          %get3A_847 = arith.index_cast %scan3A_479 : i32 to index
          %get3A_848 = arith.constant 480 : index
          %get3A_849 = tpu.vector_load %arg6[%get3A_847, %get3A_848] {strides = array<i32>} : memref<35x1024xf32, #tpu.memory_space<vmem>>, vector<16xf32>,
          %get3A_850 = arith.constant 480 : index
          %get3A_851 = tpu.vector_load %arg7[%get3A_850] {strides = array<i32>} : memref<1024xf32, #tpu.memory_space<vmem>>, vector<16xf32>,
          %add3A_852 = arith.addf %get3A_849, %get3A_851 : vector<16xf32>
          %add3A_853 = arith.constant 480 : i32
          %add3A_854 = vector.broadcast %add3A_853 : i32 to vector<16xi32>
          %add3A_855 = arith.addi %iota3A, %add3A_854 : vector<16xi32>
          %gt3A_856 = arith.cmpf ogt, %add3A_852, %select_n3A_762 : vector<16xf32>
          %select_n3A_857 = arith.select %gt3A_856, %add3A_855, %select_n3A_761 : vector<16xi1>, vector<16xi32>
          %select_n3A_858 = arith.select %gt3A_856, %add3A_852, %select_n3A_762 : vector<16xi1>, vector<16xf32>
          %get3A_859 = arith.index_cast %scan3A_479 : i32 to index
          %get3A_860 = arith.constant 496 : index
          %get3A_861 = tpu.vector_load %arg6[%get3A_859, %get3A_860] {strides = array<i32>} : memref<35x1024xf32, #tpu.memory_space<vmem>>, vector<16xf32>,
          %get3A_862 = arith.constant 496 : index
          %get3A_863 = tpu.vector_load %arg7[%get3A_862] {strides = array<i32>} : memref<1024xf32, #tpu.memory_space<vmem>>, vector<16xf32>,
          %add3A_864 = arith.addf %get3A_861, %get3A_863 : vector<16xf32>
          %add3A_865 = arith.constant 496 : i32
          %add3A_866 = vector.broadcast %add3A_865 : i32 to vector<16xi32>
          %add3A_867 = arith.addi %iota3A, %add3A_866 : vector<16xi32>
          %gt3A_868 = arith.cmpf ogt, %add3A_864, %select_n3A_774 : vector<16xf32>
          %select_n3A_869 = arith.select %gt3A_868, %add3A_867, %select_n3A_773 : vector<16xi1>, vector<16xi32>
          %select_n3A_870 = arith.select %gt3A_868, %add3A_864, %select_n3A_774 : vector<16xi1>, vector<16xf32>
          %get3A_871 = arith.index_cast %scan3A_479 : i32 to index
          %get3A_872 = arith.constant 512 : index
          %get3A_873 = tpu.vector_load %arg6[%get3A_871, %get3A_872] {strides = array<i32>} : memref<35x1024xf32, #tpu.memory_space<vmem>>, vector<16xf32>,
          %get3A_874 = arith.constant 512 : index
          %get3A_875 = tpu.vector_load %arg7[%get3A_874] {strides = array<i32>} : memref<1024xf32, #tpu.memory_space<vmem>>, vector<16xf32>,
          %add3A_876 = arith.addf %get3A_873, %get3A_875 : vector<16xf32>
          %add3A_877 = arith.constant 512 : i32
          %add3A_878 = vector.broadcast %add3A_877 : i32 to vector<16xi32>
          %add3A_879 = arith.addi %iota3A, %add3A_878 : vector<16xi32>
          %gt3A_880 = arith.cmpf ogt, %add3A_876, %select_n3A_786 : vector<16xf32>
          %select_n3A_881 = arith.select %gt3A_880, %add3A_879, %select_n3A_785 : vector<16xi1>, vector<16xi32>
          %select_n3A_882 = arith.select %gt3A_880, %add3A_876, %select_n3A_786 : vector<16xi1>, vector<16xf32>
          %get3A_883 = arith.index_cast %scan3A_479 : i32 to index
          %get3A_884 = arith.constant 528 : index
          %get3A_885 = tpu.vector_load %arg6[%get3A_883, %get3A_884] {strides = array<i32>} : memref<35x1024xf32, #tpu.memory_space<vmem>>, vector<16xf32>,
          %get3A_886 = arith.constant 528 : index
          %get3A_887 = tpu.vector_load %arg7[%get3A_886] {strides = array<i32>} : memref<1024xf32, #tpu.memory_space<vmem>>, vector<16xf32>,
          %add3A_888 = arith.addf %get3A_885, %get3A_887 : vector<16xf32>
          %add3A_889 = arith.constant 528 : i32
          %add3A_890 = vector.broadcast %add3A_889 : i32 to vector<16xi32>
          %add3A_891 = arith.addi %iota3A, %add3A_890 : vector<16xi32>
          %gt3A_892 = arith.cmpf ogt, %add3A_888, %select_n3A_798 : vector<16xf32>
          %select_n3A_893 = arith.select %gt3A_892, %add3A_891, %select_n3A_797 : vector<16xi1>, vector<16xi32>
          %select_n3A_894 = arith.select %gt3A_892, %add3A_888, %select_n3A_798 : vector<16xi1>, vector<16xf32>
          %get3A_895 = arith.index_cast %scan3A_479 : i32 to index
          %get3A_896 = arith.constant 544 : index
          %get3A_897 = tpu.vector_load %arg6[%get3A_895, %get3A_896] {strides = array<i32>} : memref<35x1024xf32, #tpu.memory_space<vmem>>, vector<16xf32>,
          %get3A_898 = arith.constant 544 : index
          %get3A_899 = tpu.vector_load %arg7[%get3A_898] {strides = array<i32>} : memref<1024xf32, #tpu.memory_space<vmem>>, vector<16xf32>,
          %add3A_900 = arith.addf %get3A_897, %get3A_899 : vector<16xf32>
          %add3A_901 = arith.constant 544 : i32
          %add3A_902 = vector.broadcast %add3A_901 : i32 to vector<16xi32>
          %add3A_903 = arith.addi %iota3A, %add3A_902 : vector<16xi32>
          %gt3A_904 = arith.cmpf ogt, %add3A_900, %select_n3A_810 : vector<16xf32>
          %select_n3A_905 = arith.select %gt3A_904, %add3A_903, %select_n3A_809 : vector<16xi1>, vector<16xi32>
          %select_n3A_906 = arith.select %gt3A_904, %add3A_900, %select_n3A_810 : vector<16xi1>, vector<16xf32>
          %get3A_907 = arith.index_cast %scan3A_479 : i32 to index
          %get3A_908 = arith.constant 560 : index
          %get3A_909 = tpu.vector_load %arg6[%get3A_907, %get3A_908] {strides = array<i32>} : memref<35x1024xf32, #tpu.memory_space<vmem>>, vector<16xf32>,
          %get3A_910 = arith.constant 560 : index
          %get3A_911 = tpu.vector_load %arg7[%get3A_910] {strides = array<i32>} : memref<1024xf32, #tpu.memory_space<vmem>>, vector<16xf32>,
          %add3A_912 = arith.addf %get3A_909, %get3A_911 : vector<16xf32>
          %add3A_913 = arith.constant 560 : i32
          %add3A_914 = vector.broadcast %add3A_913 : i32 to vector<16xi32>
          %add3A_915 = arith.addi %iota3A, %add3A_914 : vector<16xi32>
          %gt3A_916 = arith.cmpf ogt, %add3A_912, %select_n3A_822 : vector<16xf32>
          %select_n3A_917 = arith.select %gt3A_916, %add3A_915, %select_n3A_821 : vector<16xi1>, vector<16xi32>
          %select_n3A_918 = arith.select %gt3A_916, %add3A_912, %select_n3A_822 : vector<16xi1>, vector<16xf32>
          %get3A_919 = arith.index_cast %scan3A_479 : i32 to index
          %get3A_920 = arith.constant 576 : index
          %get3A_921 = tpu.vector_load %arg6[%get3A_919, %get3A_920] {strides = array<i32>} : memref<35x1024xf32, #tpu.memory_space<vmem>>, vector<16xf32>,
          %get3A_922 = arith.constant 576 : index
          %get3A_923 = tpu.vector_load %arg7[%get3A_922] {strides = array<i32>} : memref<1024xf32, #tpu.memory_space<vmem>>, vector<16xf32>,
          %add3A_924 = arith.addf %get3A_921, %get3A_923 : vector<16xf32>
          %add3A_925 = arith.constant 576 : i32
          %add3A_926 = vector.broadcast %add3A_925 : i32 to vector<16xi32>
          %add3A_927 = arith.addi %iota3A, %add3A_926 : vector<16xi32>
          %gt3A_928 = arith.cmpf ogt, %add3A_924, %select_n3A_834 : vector<16xf32>
          %select_n3A_929 = arith.select %gt3A_928, %add3A_927, %select_n3A_833 : vector<16xi1>, vector<16xi32>
          %select_n3A_930 = arith.select %gt3A_928, %add3A_924, %select_n3A_834 : vector<16xi1>, vector<16xf32>
          %get3A_931 = arith.index_cast %scan3A_479 : i32 to index
          %get3A_932 = arith.constant 592 : index
          %get3A_933 = tpu.vector_load %arg6[%get3A_931, %get3A_932] {strides = array<i32>} : memref<35x1024xf32, #tpu.memory_space<vmem>>, vector<16xf32>,
          %get3A_934 = arith.constant 592 : index
          %get3A_935 = tpu.vector_load %arg7[%get3A_934] {strides = array<i32>} : memref<1024xf32, #tpu.memory_space<vmem>>, vector<16xf32>,
          %add3A_936 = arith.addf %get3A_933, %get3A_935 : vector<16xf32>
          %add3A_937 = arith.constant 592 : i32
          %add3A_938 = vector.broadcast %add3A_937 : i32 to vector<16xi32>
          %add3A_939 = arith.addi %iota3A, %add3A_938 : vector<16xi32>
          %gt3A_940 = arith.cmpf ogt, %add3A_936, %select_n3A_846 : vector<16xf32>
          %select_n3A_941 = arith.select %gt3A_940, %add3A_939, %select_n3A_845 : vector<16xi1>, vector<16xi32>
          %select_n3A_942 = arith.select %gt3A_940, %add3A_936, %select_n3A_846 : vector<16xi1>, vector<16xf32>
          %get3A_943 = arith.index_cast %scan3A_479 : i32 to index
          %get3A_944 = arith.constant 608 : index
          %get3A_945 = tpu.vector_load %arg6[%get3A_943, %get3A_944] {strides = array<i32>} : memref<35x1024xf32, #tpu.memory_space<vmem>>, vector<16xf32>,
          %get3A_946 = arith.constant 608 : index
          %get3A_947 = tpu.vector_load %arg7[%get3A_946] {strides = array<i32>} : memref<1024xf32, #tpu.memory_space<vmem>>, vector<16xf32>,
          %add3A_948 = arith.addf %get3A_945, %get3A_947 : vector<16xf32>
          %add3A_949 = arith.constant 608 : i32
          %add3A_950 = vector.broadcast %add3A_949 : i32 to vector<16xi32>
          %add3A_951 = arith.addi %iota3A, %add3A_950 : vector<16xi32>
          %gt3A_952 = arith.cmpf ogt, %add3A_948, %select_n3A_858 : vector<16xf32>
          %select_n3A_953 = arith.select %gt3A_952, %add3A_951, %select_n3A_857 : vector<16xi1>, vector<16xi32>
          %select_n3A_954 = arith.select %gt3A_952, %add3A_948, %select_n3A_858 : vector<16xi1>, vector<16xf32>
          %get3A_955 = arith.index_cast %scan3A_479 : i32 to index
          %get3A_956 = arith.constant 624 : index
          %get3A_957 = tpu.vector_load %arg6[%get3A_955, %get3A_956] {strides = array<i32>} : memref<35x1024xf32, #tpu.memory_space<vmem>>, vector<16xf32>,
          %get3A_958 = arith.constant 624 : index
          %get3A_959 = tpu.vector_load %arg7[%get3A_958] {strides = array<i32>} : memref<1024xf32, #tpu.memory_space<vmem>>, vector<16xf32>,
          %add3A_960 = arith.addf %get3A_957, %get3A_959 : vector<16xf32>
          %add3A_961 = arith.constant 624 : i32
          %add3A_962 = vector.broadcast %add3A_961 : i32 to vector<16xi32>
          %add3A_963 = arith.addi %iota3A, %add3A_962 : vector<16xi32>
          %gt3A_964 = arith.cmpf ogt, %add3A_960, %select_n3A_870 : vector<16xf32>
          %select_n3A_965 = arith.select %gt3A_964, %add3A_963, %select_n3A_869 : vector<16xi1>, vector<16xi32>
          %select_n3A_966 = arith.select %gt3A_964, %add3A_960, %select_n3A_870 : vector<16xi1>, vector<16xf32>
          %get3A_967 = arith.index_cast %scan3A_479 : i32 to index
          %get3A_968 = arith.constant 640 : index
          %get3A_969 = tpu.vector_load %arg6[%get3A_967, %get3A_968] {strides = array<i32>} : memref<35x1024xf32, #tpu.memory_space<vmem>>, vector<16xf32>,
          %get3A_970 = arith.constant 640 : index
          %get3A_971 = tpu.vector_load %arg7[%get3A_970] {strides = array<i32>} : memref<1024xf32, #tpu.memory_space<vmem>>, vector<16xf32>,
          %add3A_972 = arith.addf %get3A_969, %get3A_971 : vector<16xf32>
          %add3A_973 = arith.constant 640 : i32
          %add3A_974 = vector.broadcast %add3A_973 : i32 to vector<16xi32>
          %add3A_975 = arith.addi %iota3A, %add3A_974 : vector<16xi32>
          %gt3A_976 = arith.cmpf ogt, %add3A_972, %select_n3A_882 : vector<16xf32>
          %select_n3A_977 = arith.select %gt3A_976, %add3A_975, %select_n3A_881 : vector<16xi1>, vector<16xi32>
          %select_n3A_978 = arith.select %gt3A_976, %add3A_972, %select_n3A_882 : vector<16xi1>, vector<16xf32>
          %get3A_979 = arith.index_cast %scan3A_479 : i32 to index
          %get3A_980 = arith.constant 656 : index
          %get3A_981 = tpu.vector_load %arg6[%get3A_979, %get3A_980] {strides = array<i32>} : memref<35x1024xf32, #tpu.memory_space<vmem>>, vector<16xf32>,
          %get3A_982 = arith.constant 656 : index
          %get3A_983 = tpu.vector_load %arg7[%get3A_982] {strides = array<i32>} : memref<1024xf32, #tpu.memory_space<vmem>>, vector<16xf32>,
          %add3A_984 = arith.addf %get3A_981, %get3A_983 : vector<16xf32>
          %add3A_985 = arith.constant 656 : i32
          %add3A_986 = vector.broadcast %add3A_985 : i32 to vector<16xi32>
          %add3A_987 = arith.addi %iota3A, %add3A_986 : vector<16xi32>
          %gt3A_988 = arith.cmpf ogt, %add3A_984, %select_n3A_894 : vector<16xf32>
          %select_n3A_989 = arith.select %gt3A_988, %add3A_987, %select_n3A_893 : vector<16xi1>, vector<16xi32>
          %select_n3A_990 = arith.select %gt3A_988, %add3A_984, %select_n3A_894 : vector<16xi1>, vector<16xf32>
          %get3A_991 = arith.index_cast %scan3A_479 : i32 to index
          %get3A_992 = arith.constant 672 : index
          %get3A_993 = tpu.vector_load %arg6[%get3A_991, %get3A_992] {strides = array<i32>} : memref<35x1024xf32, #tpu.memory_space<vmem>>, vector<16xf32>,
          %get3A_994 = arith.constant 672 : index
          %get3A_995 = tpu.vector_load %arg7[%get3A_994] {strides = array<i32>} : memref<1024xf32, #tpu.memory_space<vmem>>, vector<16xf32>,
          %add3A_996 = arith.addf %get3A_993, %get3A_995 : vector<16xf32>
          %add3A_997 = arith.constant 672 : i32
          %add3A_998 = vector.broadcast %add3A_997 : i32 to vector<16xi32>
          %add3A_999 = arith.addi %iota3A, %add3A_998 : vector<16xi32>
          %gt3A_1000 = arith.cmpf ogt, %add3A_996, %select_n3A_906 : vector<16xf32>
          %select_n3A_1001 = arith.select %gt3A_1000, %add3A_999, %select_n3A_905 : vector<16xi1>, vector<16xi32>
          %select_n3A_1002 = arith.select %gt3A_1000, %add3A_996, %select_n3A_906 : vector<16xi1>, vector<16xf32>
          %get3A_1003 = arith.index_cast %scan3A_479 : i32 to index
          %get3A_1004 = arith.constant 688 : index
          %get3A_1005 = tpu.vector_load %arg6[%get3A_1003, %get3A_1004] {strides = array<i32>} : memref<35x1024xf32, #tpu.memory_space<vmem>>, vector<16xf32>,
          %get3A_1006 = arith.constant 688 : index
          %get3A_1007 = tpu.vector_load %arg7[%get3A_1006] {strides = array<i32>} : memref<1024xf32, #tpu.memory_space<vmem>>, vector<16xf32>,
          %add3A_1008 = arith.addf %get3A_1005, %get3A_1007 : vector<16xf32>
          %add3A_1009 = arith.constant 688 : i32
          %add3A_1010 = vector.broadcast %add3A_1009 : i32 to vector<16xi32>
          %add3A_1011 = arith.addi %iota3A, %add3A_1010 : vector<16xi32>
          %gt3A_1012 = arith.cmpf ogt, %add3A_1008, %select_n3A_918 : vector<16xf32>
          %select_n3A_1013 = arith.select %gt3A_1012, %add3A_1011, %select_n3A_917 : vector<16xi1>, vector<16xi32>
          %select_n3A_1014 = arith.select %gt3A_1012, %add3A_1008, %select_n3A_918 : vector<16xi1>, vector<16xf32>
          %get3A_1015 = arith.index_cast %scan3A_479 : i32 to index
          %get3A_1016 = arith.constant 704 : index
          %get3A_1017 = tpu.vector_load %arg6[%get3A_1015, %get3A_1016] {strides = array<i32>} : memref<35x1024xf32, #tpu.memory_space<vmem>>, vector<16xf32>,
          %get3A_1018 = arith.constant 704 : index
          %get3A_1019 = tpu.vector_load %arg7[%get3A_1018] {strides = array<i32>} : memref<1024xf32, #tpu.memory_space<vmem>>, vector<16xf32>,
          %add3A_1020 = arith.addf %get3A_1017, %get3A_1019 : vector<16xf32>
          %add3A_1021 = arith.constant 704 : i32
          %add3A_1022 = vector.broadcast %add3A_1021 : i32 to vector<16xi32>
          %add3A_1023 = arith.addi %iota3A, %add3A_1022 : vector<16xi32>
          %gt3A_1024 = arith.cmpf ogt, %add3A_1020, %select_n3A_930 : vector<16xf32>
          %select_n3A_1025 = arith.select %gt3A_1024, %add3A_1023, %select_n3A_929 : vector<16xi1>, vector<16xi32>
          %select_n3A_1026 = arith.select %gt3A_1024, %add3A_1020, %select_n3A_930 : vector<16xi1>, vector<16xf32>
          %get3A_1027 = arith.index_cast %scan3A_479 : i32 to index
          %get3A_1028 = arith.constant 720 : index
          %get3A_1029 = tpu.vector_load %arg6[%get3A_1027, %get3A_1028] {strides = array<i32>} : memref<35x1024xf32, #tpu.memory_space<vmem>>, vector<16xf32>,
          %get3A_1030 = arith.constant 720 : index
          %get3A_1031 = tpu.vector_load %arg7[%get3A_1030] {strides = array<i32>} : memref<1024xf32, #tpu.memory_space<vmem>>, vector<16xf32>,
          %add3A_1032 = arith.addf %get3A_1029, %get3A_1031 : vector<16xf32>
          %add3A_1033 = arith.constant 720 : i32
          %add3A_1034 = vector.broadcast %add3A_1033 : i32 to vector<16xi32>
          %add3A_1035 = arith.addi %iota3A, %add3A_1034 : vector<16xi32>
          %gt3A_1036 = arith.cmpf ogt, %add3A_1032, %select_n3A_942 : vector<16xf32>
          %select_n3A_1037 = arith.select %gt3A_1036, %add3A_1035, %select_n3A_941 : vector<16xi1>, vector<16xi32>
          %select_n3A_1038 = arith.select %gt3A_1036, %add3A_1032, %select_n3A_942 : vector<16xi1>, vector<16xf32>
          %get3A_1039 = arith.index_cast %scan3A_479 : i32 to index
          %get3A_1040 = arith.constant 736 : index
          %get3A_1041 = tpu.vector_load %arg6[%get3A_1039, %get3A_1040] {strides = array<i32>} : memref<35x1024xf32, #tpu.memory_space<vmem>>, vector<16xf32>,
          %get3A_1042 = arith.constant 736 : index
          %get3A_1043 = tpu.vector_load %arg7[%get3A_1042] {strides = array<i32>} : memref<1024xf32, #tpu.memory_space<vmem>>, vector<16xf32>,
          %add3A_1044 = arith.addf %get3A_1041, %get3A_1043 : vector<16xf32>
          %add3A_1045 = arith.constant 736 : i32
          %add3A_1046 = vector.broadcast %add3A_1045 : i32 to vector<16xi32>
          %add3A_1047 = arith.addi %iota3A, %add3A_1046 : vector<16xi32>
          %gt3A_1048 = arith.cmpf ogt, %add3A_1044, %select_n3A_954 : vector<16xf32>
          %select_n3A_1049 = arith.select %gt3A_1048, %add3A_1047, %select_n3A_953 : vector<16xi1>, vector<16xi32>
          %select_n3A_1050 = arith.select %gt3A_1048, %add3A_1044, %select_n3A_954 : vector<16xi1>, vector<16xf32>
          %get3A_1051 = arith.index_cast %scan3A_479 : i32 to index
          %get3A_1052 = arith.constant 752 : index
          %get3A_1053 = tpu.vector_load %arg6[%get3A_1051, %get3A_1052] {strides = array<i32>} : memref<35x1024xf32, #tpu.memory_space<vmem>>, vector<16xf32>,
          %get3A_1054 = arith.constant 752 : index
          %get3A_1055 = tpu.vector_load %arg7[%get3A_1054] {strides = array<i32>} : memref<1024xf32, #tpu.memory_space<vmem>>, vector<16xf32>,
          %add3A_1056 = arith.addf %get3A_1053, %get3A_1055 : vector<16xf32>
          %add3A_1057 = arith.constant 752 : i32
          %add3A_1058 = vector.broadcast %add3A_1057 : i32 to vector<16xi32>
          %add3A_1059 = arith.addi %iota3A, %add3A_1058 : vector<16xi32>
          %gt3A_1060 = arith.cmpf ogt, %add3A_1056, %select_n3A_966 : vector<16xf32>
          %select_n3A_1061 = arith.select %gt3A_1060, %add3A_1059, %select_n3A_965 : vector<16xi1>, vector<16xi32>
          %select_n3A_1062 = arith.select %gt3A_1060, %add3A_1056, %select_n3A_966 : vector<16xi1>, vector<16xf32>
          %get3A_1063 = arith.index_cast %scan3A_479 : i32 to index
          %get3A_1064 = arith.constant 768 : index
          %get3A_1065 = tpu.vector_load %arg6[%get3A_1063, %get3A_1064] {strides = array<i32>} : memref<35x1024xf32, #tpu.memory_space<vmem>>, vector<16xf32>,
          %get3A_1066 = arith.constant 768 : index
          %get3A_1067 = tpu.vector_load %arg7[%get3A_1066] {strides = array<i32>} : memref<1024xf32, #tpu.memory_space<vmem>>, vector<16xf32>,
          %add3A_1068 = arith.addf %get3A_1065, %get3A_1067 : vector<16xf32>
          %add3A_1069 = arith.constant 768 : i32
          %add3A_1070 = vector.broadcast %add3A_1069 : i32 to vector<16xi32>
          %add3A_1071 = arith.addi %iota3A, %add3A_1070 : vector<16xi32>
          %gt3A_1072 = arith.cmpf ogt, %add3A_1068, %select_n3A_978 : vector<16xf32>
          %select_n3A_1073 = arith.select %gt3A_1072, %add3A_1071, %select_n3A_977 : vector<16xi1>, vector<16xi32>
          %select_n3A_1074 = arith.select %gt3A_1072, %add3A_1068, %select_n3A_978 : vector<16xi1>, vector<16xf32>
          %get3A_1075 = arith.index_cast %scan3A_479 : i32 to index
          %get3A_1076 = arith.constant 784 : index
          %get3A_1077 = tpu.vector_load %arg6[%get3A_1075, %get3A_1076] {strides = array<i32>} : memref<35x1024xf32, #tpu.memory_space<vmem>>, vector<16xf32>,
          %get3A_1078 = arith.constant 784 : index
          %get3A_1079 = tpu.vector_load %arg7[%get3A_1078] {strides = array<i32>} : memref<1024xf32, #tpu.memory_space<vmem>>, vector<16xf32>,
          %add3A_1080 = arith.addf %get3A_1077, %get3A_1079 : vector<16xf32>
          %add3A_1081 = arith.constant 784 : i32
          %add3A_1082 = vector.broadcast %add3A_1081 : i32 to vector<16xi32>
          %add3A_1083 = arith.addi %iota3A, %add3A_1082 : vector<16xi32>
          %gt3A_1084 = arith.cmpf ogt, %add3A_1080, %select_n3A_990 : vector<16xf32>
          %select_n3A_1085 = arith.select %gt3A_1084, %add3A_1083, %select_n3A_989 : vector<16xi1>, vector<16xi32>
          %select_n3A_1086 = arith.select %gt3A_1084, %add3A_1080, %select_n3A_990 : vector<16xi1>, vector<16xf32>
          %get3A_1087 = arith.index_cast %scan3A_479 : i32 to index
          %get3A_1088 = arith.constant 800 : index
          %get3A_1089 = tpu.vector_load %arg6[%get3A_1087, %get3A_1088] {strides = array<i32>} : memref<35x1024xf32, #tpu.memory_space<vmem>>, vector<16xf32>,
          %get3A_1090 = arith.constant 800 : index
          %get3A_1091 = tpu.vector_load %arg7[%get3A_1090] {strides = array<i32>} : memref<1024xf32, #tpu.memory_space<vmem>>, vector<16xf32>,
          %add3A_1092 = arith.addf %get3A_1089, %get3A_1091 : vector<16xf32>
          %add3A_1093 = arith.constant 800 : i32
          %add3A_1094 = vector.broadcast %add3A_1093 : i32 to vector<16xi32>
          %add3A_1095 = arith.addi %iota3A, %add3A_1094 : vector<16xi32>
          %gt3A_1096 = arith.cmpf ogt, %add3A_1092, %select_n3A_1002 : vector<16xf32>
          %select_n3A_1097 = arith.select %gt3A_1096, %add3A_1095, %select_n3A_1001 : vector<16xi1>, vector<16xi32>
          %select_n3A_1098 = arith.select %gt3A_1096, %add3A_1092, %select_n3A_1002 : vector<16xi1>, vector<16xf32>
          %get3A_1099 = arith.index_cast %scan3A_479 : i32 to index
          %get3A_1100 = arith.constant 816 : index
          %get3A_1101 = tpu.vector_load %arg6[%get3A_1099, %get3A_1100] {strides = array<i32>} : memref<35x1024xf32, #tpu.memory_space<vmem>>, vector<16xf32>,
          %get3A_1102 = arith.constant 816 : index
          %get3A_1103 = tpu.vector_load %arg7[%get3A_1102] {strides = array<i32>} : memref<1024xf32, #tpu.memory_space<vmem>>, vector<16xf32>,
          %add3A_1104 = arith.addf %get3A_1101, %get3A_1103 : vector<16xf32>
          %add3A_1105 = arith.constant 816 : i32
          %add3A_1106 = vector.broadcast %add3A_1105 : i32 to vector<16xi32>
          %add3A_1107 = arith.addi %iota3A, %add3A_1106 : vector<16xi32>
          %gt3A_1108 = arith.cmpf ogt, %add3A_1104, %select_n3A_1014 : vector<16xf32>
          %select_n3A_1109 = arith.select %gt3A_1108, %add3A_1107, %select_n3A_1013 : vector<16xi1>, vector<16xi32>
          %select_n3A_1110 = arith.select %gt3A_1108, %add3A_1104, %select_n3A_1014 : vector<16xi1>, vector<16xf32>
          %get3A_1111 = arith.index_cast %scan3A_479 : i32 to index
          %get3A_1112 = arith.constant 832 : index
          %get3A_1113 = tpu.vector_load %arg6[%get3A_1111, %get3A_1112] {strides = array<i32>} : memref<35x1024xf32, #tpu.memory_space<vmem>>, vector<16xf32>,
          %get3A_1114 = arith.constant 832 : index
          %get3A_1115 = tpu.vector_load %arg7[%get3A_1114] {strides = array<i32>} : memref<1024xf32, #tpu.memory_space<vmem>>, vector<16xf32>,
          %add3A_1116 = arith.addf %get3A_1113, %get3A_1115 : vector<16xf32>
          %add3A_1117 = arith.constant 832 : i32
          %add3A_1118 = vector.broadcast %add3A_1117 : i32 to vector<16xi32>
          %add3A_1119 = arith.addi %iota3A, %add3A_1118 : vector<16xi32>
          %gt3A_1120 = arith.cmpf ogt, %add3A_1116, %select_n3A_1026 : vector<16xf32>
          %select_n3A_1121 = arith.select %gt3A_1120, %add3A_1119, %select_n3A_1025 : vector<16xi1>, vector<16xi32>
          %select_n3A_1122 = arith.select %gt3A_1120, %add3A_1116, %select_n3A_1026 : vector<16xi1>, vector<16xf32>
          %get3A_1123 = arith.index_cast %scan3A_479 : i32 to index
          %get3A_1124 = arith.constant 848 : index
          %get3A_1125 = tpu.vector_load %arg6[%get3A_1123, %get3A_1124] {strides = array<i32>} : memref<35x1024xf32, #tpu.memory_space<vmem>>, vector<16xf32>,
          %get3A_1126 = arith.constant 848 : index
          %get3A_1127 = tpu.vector_load %arg7[%get3A_1126] {strides = array<i32>} : memref<1024xf32, #tpu.memory_space<vmem>>, vector<16xf32>,
          %add3A_1128 = arith.addf %get3A_1125, %get3A_1127 : vector<16xf32>
          %add3A_1129 = arith.constant 848 : i32
          %add3A_1130 = vector.broadcast %add3A_1129 : i32 to vector<16xi32>
          %add3A_1131 = arith.addi %iota3A, %add3A_1130 : vector<16xi32>
          %gt3A_1132 = arith.cmpf ogt, %add3A_1128, %select_n3A_1038 : vector<16xf32>
          %select_n3A_1133 = arith.select %gt3A_1132, %add3A_1131, %select_n3A_1037 : vector<16xi1>, vector<16xi32>
          %select_n3A_1134 = arith.select %gt3A_1132, %add3A_1128, %select_n3A_1038 : vector<16xi1>, vector<16xf32>
          %get3A_1135 = arith.index_cast %scan3A_479 : i32 to index
          %get3A_1136 = arith.constant 864 : index
          %get3A_1137 = tpu.vector_load %arg6[%get3A_1135, %get3A_1136] {strides = array<i32>} : memref<35x1024xf32, #tpu.memory_space<vmem>>, vector<16xf32>,
          %get3A_1138 = arith.constant 864 : index
          %get3A_1139 = tpu.vector_load %arg7[%get3A_1138] {strides = array<i32>} : memref<1024xf32, #tpu.memory_space<vmem>>, vector<16xf32>,
          %add3A_1140 = arith.addf %get3A_1137, %get3A_1139 : vector<16xf32>
          %add3A_1141 = arith.constant 864 : i32
          %add3A_1142 = vector.broadcast %add3A_1141 : i32 to vector<16xi32>
          %add3A_1143 = arith.addi %iota3A, %add3A_1142 : vector<16xi32>
          %gt3A_1144 = arith.cmpf ogt, %add3A_1140, %select_n3A_1050 : vector<16xf32>
          %select_n3A_1145 = arith.select %gt3A_1144, %add3A_1143, %select_n3A_1049 : vector<16xi1>, vector<16xi32>
          %select_n3A_1146 = arith.select %gt3A_1144, %add3A_1140, %select_n3A_1050 : vector<16xi1>, vector<16xf32>
          %get3A_1147 = arith.index_cast %scan3A_479 : i32 to index
          %get3A_1148 = arith.constant 880 : index
          %get3A_1149 = tpu.vector_load %arg6[%get3A_1147, %get3A_1148] {strides = array<i32>} : memref<35x1024xf32, #tpu.memory_space<vmem>>, vector<16xf32>,
          %get3A_1150 = arith.constant 880 : index
          %get3A_1151 = tpu.vector_load %arg7[%get3A_1150] {strides = array<i32>} : memref<1024xf32, #tpu.memory_space<vmem>>, vector<16xf32>,
          %add3A_1152 = arith.addf %get3A_1149, %get3A_1151 : vector<16xf32>
          %add3A_1153 = arith.constant 880 : i32
          %add3A_1154 = vector.broadcast %add3A_1153 : i32 to vector<16xi32>
          %add3A_1155 = arith.addi %iota3A, %add3A_1154 : vector<16xi32>
          %gt3A_1156 = arith.cmpf ogt, %add3A_1152, %select_n3A_1062 : vector<16xf32>
          %select_n3A_1157 = arith.select %gt3A_1156, %add3A_1155, %select_n3A_1061 : vector<16xi1>, vector<16xi32>
          %select_n3A_1158 = arith.select %gt3A_1156, %add3A_1152, %select_n3A_1062 : vector<16xi1>, vector<16xf32>
          %get3A_1159 = arith.index_cast %scan3A_479 : i32 to index
          %get3A_1160 = arith.constant 896 : index
          %get3A_1161 = tpu.vector_load %arg6[%get3A_1159, %get3A_1160] {strides = array<i32>} : memref<35x1024xf32, #tpu.memory_space<vmem>>, vector<16xf32>,
          %get3A_1162 = arith.constant 896 : index
          %get3A_1163 = tpu.vector_load %arg7[%get3A_1162] {strides = array<i32>} : memref<1024xf32, #tpu.memory_space<vmem>>, vector<16xf32>,
          %add3A_1164 = arith.addf %get3A_1161, %get3A_1163 : vector<16xf32>
          %add3A_1165 = arith.constant 896 : i32
          %add3A_1166 = vector.broadcast %add3A_1165 : i32 to vector<16xi32>
          %add3A_1167 = arith.addi %iota3A, %add3A_1166 : vector<16xi32>
          %gt3A_1168 = arith.cmpf ogt, %add3A_1164, %select_n3A_1074 : vector<16xf32>
          %select_n3A_1169 = arith.select %gt3A_1168, %add3A_1167, %select_n3A_1073 : vector<16xi1>, vector<16xi32>
          %select_n3A_1170 = arith.select %gt3A_1168, %add3A_1164, %select_n3A_1074 : vector<16xi1>, vector<16xf32>
          %get3A_1171 = arith.index_cast %scan3A_479 : i32 to index
          %get3A_1172 = arith.constant 912 : index
          %get3A_1173 = tpu.vector_load %arg6[%get3A_1171, %get3A_1172] {strides = array<i32>} : memref<35x1024xf32, #tpu.memory_space<vmem>>, vector<16xf32>,
          %get3A_1174 = arith.constant 912 : index
          %get3A_1175 = tpu.vector_load %arg7[%get3A_1174] {strides = array<i32>} : memref<1024xf32, #tpu.memory_space<vmem>>, vector<16xf32>,
          %add3A_1176 = arith.addf %get3A_1173, %get3A_1175 : vector<16xf32>
          %add3A_1177 = arith.constant 912 : i32
          %add3A_1178 = vector.broadcast %add3A_1177 : i32 to vector<16xi32>
          %add3A_1179 = arith.addi %iota3A, %add3A_1178 : vector<16xi32>
          %gt3A_1180 = arith.cmpf ogt, %add3A_1176, %select_n3A_1086 : vector<16xf32>
          %select_n3A_1181 = arith.select %gt3A_1180, %add3A_1179, %select_n3A_1085 : vector<16xi1>, vector<16xi32>
          %select_n3A_1182 = arith.select %gt3A_1180, %add3A_1176, %select_n3A_1086 : vector<16xi1>, vector<16xf32>
          %get3A_1183 = arith.index_cast %scan3A_479 : i32 to index
          %get3A_1184 = arith.constant 928 : index
          %get3A_1185 = tpu.vector_load %arg6[%get3A_1183, %get3A_1184] {strides = array<i32>} : memref<35x1024xf32, #tpu.memory_space<vmem>>, vector<16xf32>,
          %get3A_1186 = arith.constant 928 : index
          %get3A_1187 = tpu.vector_load %arg7[%get3A_1186] {strides = array<i32>} : memref<1024xf32, #tpu.memory_space<vmem>>, vector<16xf32>,
          %add3A_1188 = arith.addf %get3A_1185, %get3A_1187 : vector<16xf32>
          %add3A_1189 = arith.constant 928 : i32
          %add3A_1190 = vector.broadcast %add3A_1189 : i32 to vector<16xi32>
          %add3A_1191 = arith.addi %iota3A, %add3A_1190 : vector<16xi32>
          %gt3A_1192 = arith.cmpf ogt, %add3A_1188, %select_n3A_1098 : vector<16xf32>
          %select_n3A_1193 = arith.select %gt3A_1192, %add3A_1191, %select_n3A_1097 : vector<16xi1>, vector<16xi32>
          %select_n3A_1194 = arith.select %gt3A_1192, %add3A_1188, %select_n3A_1098 : vector<16xi1>, vector<16xf32>
          %get3A_1195 = arith.index_cast %scan3A_479 : i32 to index
          %get3A_1196 = arith.constant 944 : index
          %get3A_1197 = tpu.vector_load %arg6[%get3A_1195, %get3A_1196] {strides = array<i32>} : memref<35x1024xf32, #tpu.memory_space<vmem>>, vector<16xf32>,
          %get3A_1198 = arith.constant 944 : index
          %get3A_1199 = tpu.vector_load %arg7[%get3A_1198] {strides = array<i32>} : memref<1024xf32, #tpu.memory_space<vmem>>, vector<16xf32>,
          %add3A_1200 = arith.addf %get3A_1197, %get3A_1199 : vector<16xf32>
          %add3A_1201 = arith.constant 944 : i32
          %add3A_1202 = vector.broadcast %add3A_1201 : i32 to vector<16xi32>
          %add3A_1203 = arith.addi %iota3A, %add3A_1202 : vector<16xi32>
          %gt3A_1204 = arith.cmpf ogt, %add3A_1200, %select_n3A_1110 : vector<16xf32>
          %select_n3A_1205 = arith.select %gt3A_1204, %add3A_1203, %select_n3A_1109 : vector<16xi1>, vector<16xi32>
          %select_n3A_1206 = arith.select %gt3A_1204, %add3A_1200, %select_n3A_1110 : vector<16xi1>, vector<16xf32>
          %get3A_1207 = arith.index_cast %scan3A_479 : i32 to index
          %get3A_1208 = arith.constant 960 : index
          %get3A_1209 = tpu.vector_load %arg6[%get3A_1207, %get3A_1208] {strides = array<i32>} : memref<35x1024xf32, #tpu.memory_space<vmem>>, vector<16xf32>,
          %get3A_1210 = arith.constant 960 : index
          %get3A_1211 = tpu.vector_load %arg7[%get3A_1210] {strides = array<i32>} : memref<1024xf32, #tpu.memory_space<vmem>>, vector<16xf32>,
          %add3A_1212 = arith.addf %get3A_1209, %get3A_1211 : vector<16xf32>
          %add3A_1213 = arith.constant 960 : i32
          %add3A_1214 = vector.broadcast %add3A_1213 : i32 to vector<16xi32>
          %add3A_1215 = arith.addi %iota3A, %add3A_1214 : vector<16xi32>
          %gt3A_1216 = arith.cmpf ogt, %add3A_1212, %select_n3A_1122 : vector<16xf32>
          %select_n3A_1217 = arith.select %gt3A_1216, %add3A_1215, %select_n3A_1121 : vector<16xi1>, vector<16xi32>
          %select_n3A_1218 = arith.select %gt3A_1216, %add3A_1212, %select_n3A_1122 : vector<16xi1>, vector<16xf32>
          %get3A_1219 = arith.index_cast %scan3A_479 : i32 to index
          %get3A_1220 = arith.constant 976 : index
          %get3A_1221 = tpu.vector_load %arg6[%get3A_1219, %get3A_1220] {strides = array<i32>} : memref<35x1024xf32, #tpu.memory_space<vmem>>, vector<16xf32>,
          %get3A_1222 = arith.constant 976 : index
          %get3A_1223 = tpu.vector_load %arg7[%get3A_1222] {strides = array<i32>} : memref<1024xf32, #tpu.memory_space<vmem>>, vector<16xf32>,
          %add3A_1224 = arith.addf %get3A_1221, %get3A_1223 : vector<16xf32>
          %add3A_1225 = arith.constant 976 : i32
          %add3A_1226 = vector.broadcast %add3A_1225 : i32 to vector<16xi32>
          %add3A_1227 = arith.addi %iota3A, %add3A_1226 : vector<16xi32>
          %gt3A_1228 = arith.cmpf ogt, %add3A_1224, %select_n3A_1134 : vector<16xf32>
          %select_n3A_1229 = arith.select %gt3A_1228, %add3A_1227, %select_n3A_1133 : vector<16xi1>, vector<16xi32>
          %select_n3A_1230 = arith.select %gt3A_1228, %add3A_1224, %select_n3A_1134 : vector<16xi1>, vector<16xf32>
          %get3A_1231 = arith.index_cast %scan3A_479 : i32 to index
          %get3A_1232 = arith.constant 992 : index
          %get3A_1233 = tpu.vector_load %arg6[%get3A_1231, %get3A_1232] {strides = array<i32>} : memref<35x1024xf32, #tpu.memory_space<vmem>>, vector<16xf32>,
          %get3A_1234 = arith.constant 992 : index
          %get3A_1235 = tpu.vector_load %arg7[%get3A_1234] {strides = array<i32>} : memref<1024xf32, #tpu.memory_space<vmem>>, vector<16xf32>,
          %add3A_1236 = arith.addf %get3A_1233, %get3A_1235 : vector<16xf32>
          %add3A_1237 = arith.constant 992 : i32
          %add3A_1238 = vector.broadcast %add3A_1237 : i32 to vector<16xi32>
          %add3A_1239 = arith.addi %iota3A, %add3A_1238 : vector<16xi32>
          %gt3A_1240 = arith.cmpf ogt, %add3A_1236, %select_n3A_1146 : vector<16xf32>
          %select_n3A_1241 = arith.select %gt3A_1240, %add3A_1239, %select_n3A_1145 : vector<16xi1>, vector<16xi32>
          %select_n3A_1242 = arith.select %gt3A_1240, %add3A_1236, %select_n3A_1146 : vector<16xi1>, vector<16xf32>
          %get3A_1243 = arith.index_cast %scan3A_479 : i32 to index
          %get3A_1244 = arith.constant 1008 : index
          %get3A_1245 = tpu.vector_load %arg6[%get3A_1243, %get3A_1244] {strides = array<i32>} : memref<35x1024xf32, #tpu.memory_space<vmem>>, vector<16xf32>,
          %get3A_1246 = arith.constant 1008 : index
          %get3A_1247 = tpu.vector_load %arg7[%get3A_1246] {strides = array<i32>} : memref<1024xf32, #tpu.memory_space<vmem>>, vector<16xf32>,
          %add3A_1248 = arith.addf %get3A_1245, %get3A_1247 : vector<16xf32>
          %add3A_1249 = arith.constant 1008 : i32
          %add3A_1250 = vector.broadcast %add3A_1249 : i32 to vector<16xi32>
          %add3A_1251 = arith.addi %iota3A, %add3A_1250 : vector<16xi32>
          %gt3A_1252 = arith.cmpf ogt, %add3A_1248, %select_n3A_1158 : vector<16xf32>
          %select_n3A_1253 = arith.select %gt3A_1252, %add3A_1251, %select_n3A_1157 : vector<16xi1>, vector<16xi32>
          %select_n3A_1254 = arith.select %gt3A_1252, %add3A_1248, %select_n3A_1158 : vector<16xi1>, vector<16xf32>
          %gt3A_1255 = arith.cmpf ogt, %select_n3A_1182, %select_n3A_1170 : vector<16xf32>
          %eq3A_1256 = arith.cmpf oeq, %select_n3A_1182, %select_n3A_1170 : vector<16xf32>
          %lt3A_1257 = arith.cmpi slt, %select_n3A_1181, %select_n3A_1169 : vector<16xi32>
          %and3A = arith.andi %eq3A_1256, %lt3A_1257 : vector<16xi1>
          %or3A = arith.ori %gt3A_1255, %and3A : vector<16xi1>
          %select_n3A_1258 = arith.select %or3A, %select_n3A_1182, %select_n3A_1170 : vector<16xi1>, vector<16xf32>
          %select_n3A_1259 = arith.select %or3A, %select_n3A_1181, %select_n3A_1169 : vector<16xi1>, vector<16xi32>
          %gt3A_1260 = arith.cmpf ogt, %select_n3A_1206, %select_n3A_1194 : vector<16xf32>
          %eq3A_1261 = arith.cmpf oeq, %select_n3A_1206, %select_n3A_1194 : vector<16xf32>
          %lt3A_1262 = arith.cmpi slt, %select_n3A_1205, %select_n3A_1193 : vector<16xi32>
          %and3A_1263 = arith.andi %eq3A_1261, %lt3A_1262 : vector<16xi1>
          %or3A_1264 = arith.ori %gt3A_1260, %and3A_1263 : vector<16xi1>
          %select_n3A_1265 = arith.select %or3A_1264, %select_n3A_1206, %select_n3A_1194 : vector<16xi1>, vector<16xf32>
          %select_n3A_1266 = arith.select %or3A_1264, %select_n3A_1205, %select_n3A_1193 : vector<16xi1>, vector<16xi32>
          %gt3A_1267 = arith.cmpf ogt, %select_n3A_1230, %select_n3A_1218 : vector<16xf32>
          %eq3A_1268 = arith.cmpf oeq, %select_n3A_1230, %select_n3A_1218 : vector<16xf32>
          %lt3A_1269 = arith.cmpi slt, %select_n3A_1229, %select_n3A_1217 : vector<16xi32>
          %and3A_1270 = arith.andi %eq3A_1268, %lt3A_1269 : vector<16xi1>
          %or3A_1271 = arith.ori %gt3A_1267, %and3A_1270 : vector<16xi1>
          %select_n3A_1272 = arith.select %or3A_1271, %select_n3A_1230, %select_n3A_1218 : vector<16xi1>, vector<16xf32>
          %select_n3A_1273 = arith.select %or3A_1271, %select_n3A_1229, %select_n3A_1217 : vector<16xi1>, vector<16xi32>
          %gt3A_1274 = arith.cmpf ogt, %select_n3A_1254, %select_n3A_1242 : vector<16xf32>
          %eq3A_1275 = arith.cmpf oeq, %select_n3A_1254, %select_n3A_1242 : vector<16xf32>
          %lt3A_1276 = arith.cmpi slt, %select_n3A_1253, %select_n3A_1241 : vector<16xi32>
          %and3A_1277 = arith.andi %eq3A_1275, %lt3A_1276 : vector<16xi1>
          %or3A_1278 = arith.ori %gt3A_1274, %and3A_1277 : vector<16xi1>
          %select_n3A_1279 = arith.select %or3A_1278, %select_n3A_1254, %select_n3A_1242 : vector<16xi1>, vector<16xf32>
          %select_n3A_1280 = arith.select %or3A_1278, %select_n3A_1253, %select_n3A_1241 : vector<16xi1>, vector<16xi32>
          %gt3A_1281 = arith.cmpf ogt, %select_n3A_1265, %select_n3A_1258 : vector<16xf32>
          %eq3A_1282 = arith.cmpf oeq, %select_n3A_1265, %select_n3A_1258 : vector<16xf32>
          %lt3A_1283 = arith.cmpi slt, %select_n3A_1266, %select_n3A_1259 : vector<16xi32>
          %and3A_1284 = arith.andi %eq3A_1282, %lt3A_1283 : vector<16xi1>
          %or3A_1285 = arith.ori %gt3A_1281, %and3A_1284 : vector<16xi1>
          %select_n3A_1286 = arith.select %or3A_1285, %select_n3A_1265, %select_n3A_1258 : vector<16xi1>, vector<16xf32>
          %select_n3A_1287 = arith.select %or3A_1285, %select_n3A_1266, %select_n3A_1259 : vector<16xi1>, vector<16xi32>
          %gt3A_1288 = arith.cmpf ogt, %select_n3A_1279, %select_n3A_1272 : vector<16xf32>
          %eq3A_1289 = arith.cmpf oeq, %select_n3A_1279, %select_n3A_1272 : vector<16xf32>
          %lt3A_1290 = arith.cmpi slt, %select_n3A_1280, %select_n3A_1273 : vector<16xi32>
          %and3A_1291 = arith.andi %eq3A_1289, %lt3A_1290 : vector<16xi1>
          %or3A_1292 = arith.ori %gt3A_1288, %and3A_1291 : vector<16xi1>
          %select_n3A_1293 = arith.select %or3A_1292, %select_n3A_1279, %select_n3A_1272 : vector<16xi1>, vector<16xf32>
          %select_n3A_1294 = arith.select %or3A_1292, %select_n3A_1280, %select_n3A_1273 : vector<16xi1>, vector<16xi32>
          %gt3A_1295 = arith.cmpf ogt, %select_n3A_1293, %select_n3A_1286 : vector<16xf32>
          %eq3A_1296 = arith.cmpf oeq, %select_n3A_1293, %select_n3A_1286 : vector<16xf32>
          %lt3A_1297 = arith.cmpi slt, %select_n3A_1294, %select_n3A_1287 : vector<16xi32>
          %and3A_1298 = arith.andi %eq3A_1296, %lt3A_1297 : vector<16xi1>
          %or3A_1299 = arith.ori %gt3A_1295, %and3A_1298 : vector<16xi1>
          %select_n3A_1300 = arith.select %or3A_1299, %select_n3A_1293, %select_n3A_1286 : vector<16xi1>, vector<16xf32>
          %select_n3A_1301 = arith.select %or3A_1299, %select_n3A_1294, %select_n3A_1287 : vector<16xi1>, vector<16xi32>
          %reduce_max3A = arith.constant true
          %reduce_max3A_1302 = vector.broadcast %reduce_max3A : i1 to vector<16xi1>
          %reduce_max3A_1303 = tpu.scan <max>, %select_n3A_1300 masked %reduce_max3A_1302 : vector<16xf32>, vector<16xi1> -> vector<16xf32>
          %reduce_max3A_1304 = vector.extract %reduce_max3A_1303[15] : f32 from vector<16xf32>
          %eq3A_1305 = vector.broadcast %reduce_max3A_1304 : f32 to vector<16xf32>
          %eq3A_1306 = arith.cmpf oeq, %select_n3A_1300, %eq3A_1305 : vector<16xf32>
          %jit3A_1307 = arith.constant 1073741824 : i32
          %broadcast_in_dim3A_1308 = vector.broadcast %jit3A_1307 : i32 to vector<16xi32>
          %select_n3A_1309 = arith.select %eq3A_1306, %select_n3A_1301, %broadcast_in_dim3A_1308 : vector<16xi1>, vector<16xi32>
          %reduce_min3A = arith.constant true
          %reduce_min3A_1310 = vector.broadcast %reduce_min3A : i1 to vector<16xi1>
          %reduce_min3A_1311 = arith.constant -2147483648 : i32
          %reduce_min3A_1312 = vector.broadcast %reduce_min3A_1311 : i32 to vector<16xi32>
          %reduce_min3A_1313 = arith.xori %select_n3A_1309, %reduce_min3A_1312 : vector<16xi32>
          %reduce_min3A_1314 = tpu.scan <min>, %reduce_min3A_1313 masked %reduce_min3A_1310 : vector<16xi32>, vector<16xi1> -> vector<16xi32>
          %reduce_min3A_1315 = arith.xori %reduce_min3A_1314, %reduce_min3A_1312 : vector<16xi32>
          %reduce_min3A_1316 = vector.extract %reduce_min3A_1315[15] : i32 from vector<16xi32>
          %broadcast_in_dim3A_1317 = vector.broadcast %add3A_485 : i32 to vector<16xi32>
          %broadcast_in_dim3A_1318 = vector.broadcast %reduce_min3A_1316 : i32 to vector<16xi32>
          tpu.vector_store_idx %arg8[%broadcast_in_dim3A_1317], %broadcast_in_dim3A_1318 masked %eq3A_4 : memref<2048xi32, #tpu.memory_space<vmem>>[vector<16xi32>], vector<16xi32>, vector<16xi1>
          %broadcast_in_dim3A_1319 = vector.broadcast %reduce_min3A_1316 : i32 to vector<16xi32>
          %broadcast_in_dim3A_1320 = arith.constant -1.000000e+09 : f32
          %broadcast_in_dim3A_1321 = vector.broadcast %broadcast_in_dim3A_1320 : f32 to vector<16xf32>
          %ne3A = arith.constant 0 : i32
          %ne3A_1322 = arith.cmpi ne, %reduce_min3A_1316, %ne3A : i32
          %and3A_1323 = vector.broadcast %ne3A_1322 : i1 to vector<16xi1>
          %and3A_1324 = arith.andi %eq3A_4, %and3A_1323 : vector<16xi1>
          tpu.vector_store_idx %arg7[%broadcast_in_dim3A_1319], %broadcast_in_dim3A_1321 masked %and3A_1324 : memref<1024xf32, #tpu.memory_space<vmem>>[vector<16xi32>], vector<16xf32>, vector<16xi1>
          %add3A_1325 = arith.addf %scan3A_480, %reduce_max3A_1304 : f32
          scf.yield %add3A_1325 : f32
        }
        %scan3A_471 = arith.constant 35 : i32
        %add3A_472 = arith.constant 3 : i32
        %add3A_473 = arith.addi %mul3A_434, %add3A_472 : i32
        %lt3A_474 = arith.constant 37 : i32
        %lt3A_475 = arith.cmpi slt, %add3A_473, %lt3A_474 : i32
        %convert_element_type3A_476 = arith.extui %lt3A_475 : i1 to i32
        %cond3A_477 = arith.constant 0 : i32
        %cond3A_478 = arith.cmpi ne, %convert_element_type3A_476, %cond3A_477 : i32
        scf.if %cond3A_478 {
          %add3A_479 = arith.constant 3 : i32
          %add3A_480 = arith.addi %mul3A_434, %add3A_479 : i32
          %mul3A_481 = arith.constant 35 : i32
          %mul3A_482 = arith.muli %add3A_480, %mul3A_481 : i32
          %add3A_483 = arith.constant 753 : i32
          %add3A_484 = arith.addi %add3A_483, %mul3A_482 : i32
          %dma_start3A_485 = arith.constant 0 : i32
          %dma_start3A_486 = tpu.memref_slice %arg2[%add3A, %add3A_484, %dma_start3A_485] : memref<16x2048x1024xf32, #tpu.memory_space<hbm>> -> memref<1x35x1024xf32, #tpu.memory_space<hbm>>
          %dma_start3A_487 = tpu.memref_squeeze %dma_start3A_486 : memref<1x35x1024xf32, #tpu.memory_space<hbm>> -> memref<35x1024xf32, #tpu.memory_space<hbm>>
          %dma_start3A_488 = arith.constant 0 : i32
          %dma_start3A_489 = tpu.memref_slice %arg2[%add3A, %add3A_484, %dma_start3A_488] : memref<16x2048x1024xf32, #tpu.memory_space<hbm>> -> memref<1x35x1024xf32, #tpu.memory_space<hbm>>
          %dma_start3A_490 = tpu.memref_squeeze %dma_start3A_489 : memref<1x35x1024xf32, #tpu.memory_space<hbm>> -> memref<35x1024xf32, #tpu.memory_space<hbm>>
          tpu.enqueue_dma source(%dma_start3A_490 : memref<35x1024xf32, #tpu.memory_space<hbm>>) target(%arg6 : memref<35x1024xf32, #tpu.memory_space<vmem>>) target_semaphore(%arg11 : memref<!tpu.dma_semaphore, #tpu.memory_space<semaphore_mem>>)
        } else {
        }
        scf.yield %scan3A_470 : f32
      }
      %scan3A_411 = arith.constant 18 : i32
      %dma_wait3A = arith.constant 753 : i32
      %dma_wait3A_412 = arith.constant 0 : i32
      %dma_wait3A_413 = tpu.memref_slice %arg2[%add3A, %dma_wait3A, %dma_wait3A_412] : memref<16x2048x1024xf32, #tpu.memory_space<hbm>> -> memref<1x35x1024xf32, #tpu.memory_space<hbm>>
      %dma_wait3A_414 = tpu.memref_squeeze %dma_wait3A_413 : memref<1x35x1024xf32, #tpu.memory_space<hbm>> -> memref<35x1024xf32, #tpu.memory_space<hbm>>
      %dma_wait3A_415 = arith.constant 753 : i32
      %dma_wait3A_416 = arith.constant 0 : i32
      %dma_wait3A_417 = tpu.memref_slice %arg2[%add3A, %dma_wait3A_415, %dma_wait3A_416] : memref<16x2048x1024xf32, #tpu.memory_space<hbm>> -> memref<1x35x1024xf32, #tpu.memory_space<hbm>>
      %dma_wait3A_418 = tpu.memref_squeeze %dma_wait3A_417 : memref<1x35x1024xf32, #tpu.memory_space<hbm>> -> memref<35x1024xf32, #tpu.memory_space<hbm>>
      tpu.wait_dma2 semaphore(%arg10 : memref<!tpu.dma_semaphore, #tpu.memory_space<semaphore_mem>>) src(%dma_wait3A_418 : memref<35x1024xf32, #tpu.memory_space<hbm>>) dst(%arg5 : memref<35x1024xf32, #tpu.memory_space<vmem>>)
      %scan3A_419 = arith.constant 36 : i32
      %scan3A_420 = arith.constant 0 : i32
      %scan3A_421 = arith.constant 35 : i32
      %scan3A_422 = arith.addi %scan3A_420, %scan3A_421 : i32
      %scan3A_423 = arith.constant 1 : i32
      %scan3A_424 = scf.for %scan3A_431 = %scan3A_420 to %scan3A_422 step %scan3A_423 iter_args(%scan3A_432 = %scan3A_410) -> (f32)  : i32 {
        %mul3A_433 = arith.constant 35 : i32
        %mul3A_434 = arith.muli %scan3A_419, %mul3A_433 : i32
        %add3A_435 = arith.constant 753 : i32
        %add3A_436 = arith.addi %add3A_435, %mul3A_434 : i32
        %add3A_437 = arith.addi %add3A_436, %scan3A_431 : i32
        %broadcast_in_dim3A_438 = arith.constant 0xFF800000 : f32
        %broadcast_in_dim3A_439 = vector.broadcast %broadcast_in_dim3A_438 : f32 to vector<16xf32>
        %get3A = arith.index_cast %scan3A_431 : i32 to index
        %get3A_440 = arith.constant 0 : index
        %get3A_441 = tpu.vector_load %arg5[%get3A, %get3A_440] {strides = array<i32>} : memref<35x1024xf32, #tpu.memory_space<vmem>>, vector<16xf32>,
        %get3A_442 = arith.constant 0 : index
        %get3A_443 = tpu.vector_load %arg7[%get3A_442] {strides = array<i32>} : memref<1024xf32, #tpu.memory_space<vmem>>, vector<16xf32>,
        %add3A_444 = arith.addf %get3A_441, %get3A_443 : vector<16xf32>
        %jit3A = arith.constant 0.000000e+00 : f32
        %broadcast_in_dim3A_445 = vector.broadcast %jit3A : f32 to vector<16xf32>
        %select_n3A = arith.select %eq3A_4, %broadcast_in_dim3A_445, %add3A_444 : vector<16xi1>, vector<16xf32>
        %add3A_446 = arith.constant 0 : i32
        %add3A_447 = vector.broadcast %add3A_446 : i32 to vector<16xi32>
        %add3A_448 = arith.addi %iota3A, %add3A_447 : vector<16xi32>
        %gt3A = arith.cmpf ogt, %select_n3A, %broadcast_in_dim3A_439 : vector<16xf32>
        %select_n3A_449 = arith.select %gt3A, %add3A_448, %broadcast_in_dim3A_7 : vector<16xi1>, vector<16xi32>
        %select_n3A_450 = arith.select %gt3A, %select_n3A, %broadcast_in_dim3A_439 : vector<16xi1>, vector<16xf32>
        %get3A_451 = arith.index_cast %scan3A_431 : i32 to index
        %get3A_452 = arith.constant 16 : index
        %get3A_453 = tpu.vector_load %arg5[%get3A_451, %get3A_452] {strides = array<i32>} : memref<35x1024xf32, #tpu.memory_space<vmem>>, vector<16xf32>,
        %get3A_454 = arith.constant 16 : index
        %get3A_455 = tpu.vector_load %arg7[%get3A_454] {strides = array<i32>} : memref<1024xf32, #tpu.memory_space<vmem>>, vector<16xf32>,
        %add3A_456 = arith.addf %get3A_453, %get3A_455 : vector<16xf32>
        %add3A_457 = arith.constant 16 : i32
        %add3A_458 = vector.broadcast %add3A_457 : i32 to vector<16xi32>
        %add3A_459 = arith.addi %iota3A, %add3A_458 : vector<16xi32>
        %gt3A_460 = arith.cmpf ogt, %add3A_456, %broadcast_in_dim3A_439 : vector<16xf32>
        %select_n3A_461 = arith.select %gt3A_460, %add3A_459, %broadcast_in_dim3A_7 : vector<16xi1>, vector<16xi32>
        %select_n3A_462 = arith.select %gt3A_460, %add3A_456, %broadcast_in_dim3A_439 : vector<16xi1>, vector<16xf32>
        %get3A_463 = arith.index_cast %scan3A_431 : i32 to index
        %get3A_464 = arith.constant 32 : index
        %get3A_465 = tpu.vector_load %arg5[%get3A_463, %get3A_464] {strides = array<i32>} : memref<35x1024xf32, #tpu.memory_space<vmem>>, vector<16xf32>,
        %get3A_466 = arith.constant 32 : index
        %get3A_467 = tpu.vector_load %arg7[%get3A_466] {strides = array<i32>} : memref<1024xf32, #tpu.memory_space<vmem>>, vector<16xf32>,
        %add3A_468 = arith.addf %get3A_465, %get3A_467 : vector<16xf32>
        %add3A_469 = arith.constant 32 : i32
        %add3A_470 = vector.broadcast %add3A_469 : i32 to vector<16xi32>
        %add3A_471 = arith.addi %iota3A, %add3A_470 : vector<16xi32>
        %gt3A_472 = arith.cmpf ogt, %add3A_468, %broadcast_in_dim3A_439 : vector<16xf32>
        %select_n3A_473 = arith.select %gt3A_472, %add3A_471, %broadcast_in_dim3A_7 : vector<16xi1>, vector<16xi32>
        %select_n3A_474 = arith.select %gt3A_472, %add3A_468, %broadcast_in_dim3A_439 : vector<16xi1>, vector<16xf32>
        %get3A_475 = arith.index_cast %scan3A_431 : i32 to index
        %get3A_476 = arith.constant 48 : index
        %get3A_477 = tpu.vector_load %arg5[%get3A_475, %get3A_476] {strides = array<i32>} : memref<35x1024xf32, #tpu.memory_space<vmem>>, vector<16xf32>,
        %get3A_478 = arith.constant 48 : index
        %get3A_479 = tpu.vector_load %arg7[%get3A_478] {strides = array<i32>} : memref<1024xf32, #tpu.memory_space<vmem>>, vector<16xf32>,
        %add3A_480 = arith.addf %get3A_477, %get3A_479 : vector<16xf32>
        %add3A_481 = arith.constant 48 : i32
        %add3A_482 = vector.broadcast %add3A_481 : i32 to vector<16xi32>
        %add3A_483 = arith.addi %iota3A, %add3A_482 : vector<16xi32>
        %gt3A_484 = arith.cmpf ogt, %add3A_480, %broadcast_in_dim3A_439 : vector<16xf32>
        %select_n3A_485 = arith.select %gt3A_484, %add3A_483, %broadcast_in_dim3A_7 : vector<16xi1>, vector<16xi32>
        %select_n3A_486 = arith.select %gt3A_484, %add3A_480, %broadcast_in_dim3A_439 : vector<16xi1>, vector<16xf32>
        %get3A_487 = arith.index_cast %scan3A_431 : i32 to index
        %get3A_488 = arith.constant 64 : index
        %get3A_489 = tpu.vector_load %arg5[%get3A_487, %get3A_488] {strides = array<i32>} : memref<35x1024xf32, #tpu.memory_space<vmem>>, vector<16xf32>,
        %get3A_490 = arith.constant 64 : index
        %get3A_491 = tpu.vector_load %arg7[%get3A_490] {strides = array<i32>} : memref<1024xf32, #tpu.memory_space<vmem>>, vector<16xf32>,
        %add3A_492 = arith.addf %get3A_489, %get3A_491 : vector<16xf32>
        %add3A_493 = arith.constant 64 : i32
        %add3A_494 = vector.broadcast %add3A_493 : i32 to vector<16xi32>
        %add3A_495 = arith.addi %iota3A, %add3A_494 : vector<16xi32>
        %gt3A_496 = arith.cmpf ogt, %add3A_492, %broadcast_in_dim3A_439 : vector<16xf32>
        %select_n3A_497 = arith.select %gt3A_496, %add3A_495, %broadcast_in_dim3A_7 : vector<16xi1>, vector<16xi32>
        %select_n3A_498 = arith.select %gt3A_496, %add3A_492, %broadcast_in_dim3A_439 : vector<16xi1>, vector<16xf32>
        %get3A_499 = arith.index_cast %scan3A_431 : i32 to index
        %get3A_500 = arith.constant 80 : index
        %get3A_501 = tpu.vector_load %arg5[%get3A_499, %get3A_500] {strides = array<i32>} : memref<35x1024xf32, #tpu.memory_space<vmem>>, vector<16xf32>,
        %get3A_502 = arith.constant 80 : index
        %get3A_503 = tpu.vector_load %arg7[%get3A_502] {strides = array<i32>} : memref<1024xf32, #tpu.memory_space<vmem>>, vector<16xf32>,
        %add3A_504 = arith.addf %get3A_501, %get3A_503 : vector<16xf32>
        %add3A_505 = arith.constant 80 : i32
        %add3A_506 = vector.broadcast %add3A_505 : i32 to vector<16xi32>
        %add3A_507 = arith.addi %iota3A, %add3A_506 : vector<16xi32>
        %gt3A_508 = arith.cmpf ogt, %add3A_504, %broadcast_in_dim3A_439 : vector<16xf32>
        %select_n3A_509 = arith.select %gt3A_508, %add3A_507, %broadcast_in_dim3A_7 : vector<16xi1>, vector<16xi32>
        %select_n3A_510 = arith.select %gt3A_508, %add3A_504, %broadcast_in_dim3A_439 : vector<16xi1>, vector<16xf32>
        %get3A_511 = arith.index_cast %scan3A_431 : i32 to index
        %get3A_512 = arith.constant 96 : index
        %get3A_513 = tpu.vector_load %arg5[%get3A_511, %get3A_512] {strides = array<i32>} : memref<35x1024xf32, #tpu.memory_space<vmem>>, vector<16xf32>,
        %get3A_514 = arith.constant 96 : index
        %get3A_515 = tpu.vector_load %arg7[%get3A_514] {strides = array<i32>} : memref<1024xf32, #tpu.memory_space<vmem>>, vector<16xf32>,
        %add3A_516 = arith.addf %get3A_513, %get3A_515 : vector<16xf32>
        %add3A_517 = arith.constant 96 : i32
        %add3A_518 = vector.broadcast %add3A_517 : i32 to vector<16xi32>
        %add3A_519 = arith.addi %iota3A, %add3A_518 : vector<16xi32>
        %gt3A_520 = arith.cmpf ogt, %add3A_516, %broadcast_in_dim3A_439 : vector<16xf32>
        %select_n3A_521 = arith.select %gt3A_520, %add3A_519, %broadcast_in_dim3A_7 : vector<16xi1>, vector<16xi32>
        %select_n3A_522 = arith.select %gt3A_520, %add3A_516, %broadcast_in_dim3A_439 : vector<16xi1>, vector<16xf32>
        %get3A_523 = arith.index_cast %scan3A_431 : i32 to index
        %get3A_524 = arith.constant 112 : index
        %get3A_525 = tpu.vector_load %arg5[%get3A_523, %get3A_524] {strides = array<i32>} : memref<35x1024xf32, #tpu.memory_space<vmem>>, vector<16xf32>,
        %get3A_526 = arith.constant 112 : index
        %get3A_527 = tpu.vector_load %arg7[%get3A_526] {strides = array<i32>} : memref<1024xf32, #tpu.memory_space<vmem>>, vector<16xf32>,
        %add3A_528 = arith.addf %get3A_525, %get3A_527 : vector<16xf32>
        %add3A_529 = arith.constant 112 : i32
        %add3A_530 = vector.broadcast %add3A_529 : i32 to vector<16xi32>
        %add3A_531 = arith.addi %iota3A, %add3A_530 : vector<16xi32>
        %gt3A_532 = arith.cmpf ogt, %add3A_528, %broadcast_in_dim3A_439 : vector<16xf32>
        %select_n3A_533 = arith.select %gt3A_532, %add3A_531, %broadcast_in_dim3A_7 : vector<16xi1>, vector<16xi32>
        %select_n3A_534 = arith.select %gt3A_532, %add3A_528, %broadcast_in_dim3A_439 : vector<16xi1>, vector<16xf32>
        %get3A_535 = arith.index_cast %scan3A_431 : i32 to index
        %get3A_536 = arith.constant 128 : index
        %get3A_537 = tpu.vector_load %arg5[%get3A_535, %get3A_536] {strides = array<i32>} : memref<35x1024xf32, #tpu.memory_space<vmem>>, vector<16xf32>,
        %get3A_538 = arith.constant 128 : index
        %get3A_539 = tpu.vector_load %arg7[%get3A_538] {strides = array<i32>} : memref<1024xf32, #tpu.memory_space<vmem>>, vector<16xf32>,
        %add3A_540 = arith.addf %get3A_537, %get3A_539 : vector<16xf32>
        %add3A_541 = arith.constant 128 : i32
        %add3A_542 = vector.broadcast %add3A_541 : i32 to vector<16xi32>
        %add3A_543 = arith.addi %iota3A, %add3A_542 : vector<16xi32>
        %gt3A_544 = arith.cmpf ogt, %add3A_540, %select_n3A_450 : vector<16xf32>
        %select_n3A_545 = arith.select %gt3A_544, %add3A_543, %select_n3A_449 : vector<16xi1>, vector<16xi32>
        %select_n3A_546 = arith.select %gt3A_544, %add3A_540, %select_n3A_450 : vector<16xi1>, vector<16xf32>
        %get3A_547 = arith.index_cast %scan3A_431 : i32 to index
        %get3A_548 = arith.constant 144 : index
        %get3A_549 = tpu.vector_load %arg5[%get3A_547, %get3A_548] {strides = array<i32>} : memref<35x1024xf32, #tpu.memory_space<vmem>>, vector<16xf32>,
        %get3A_550 = arith.constant 144 : index
        %get3A_551 = tpu.vector_load %arg7[%get3A_550] {strides = array<i32>} : memref<1024xf32, #tpu.memory_space<vmem>>, vector<16xf32>,
        %add3A_552 = arith.addf %get3A_549, %get3A_551 : vector<16xf32>
        %add3A_553 = arith.constant 144 : i32
        %add3A_554 = vector.broadcast %add3A_553 : i32 to vector<16xi32>
        %add3A_555 = arith.addi %iota3A, %add3A_554 : vector<16xi32>
        %gt3A_556 = arith.cmpf ogt, %add3A_552, %select_n3A_462 : vector<16xf32>
        %select_n3A_557 = arith.select %gt3A_556, %add3A_555, %select_n3A_461 : vector<16xi1>, vector<16xi32>
        %select_n3A_558 = arith.select %gt3A_556, %add3A_552, %select_n3A_462 : vector<16xi1>, vector<16xf32>
        %get3A_559 = arith.index_cast %scan3A_431 : i32 to index
        %get3A_560 = arith.constant 160 : index
        %get3A_561 = tpu.vector_load %arg5[%get3A_559, %get3A_560] {strides = array<i32>} : memref<35x1024xf32, #tpu.memory_space<vmem>>, vector<16xf32>,
        %get3A_562 = arith.constant 160 : index
        %get3A_563 = tpu.vector_load %arg7[%get3A_562] {strides = array<i32>} : memref<1024xf32, #tpu.memory_space<vmem>>, vector<16xf32>,
        %add3A_564 = arith.addf %get3A_561, %get3A_563 : vector<16xf32>
        %add3A_565 = arith.constant 160 : i32
        %add3A_566 = vector.broadcast %add3A_565 : i32 to vector<16xi32>
        %add3A_567 = arith.addi %iota3A, %add3A_566 : vector<16xi32>
        %gt3A_568 = arith.cmpf ogt, %add3A_564, %select_n3A_474 : vector<16xf32>
        %select_n3A_569 = arith.select %gt3A_568, %add3A_567, %select_n3A_473 : vector<16xi1>, vector<16xi32>
        %select_n3A_570 = arith.select %gt3A_568, %add3A_564, %select_n3A_474 : vector<16xi1>, vector<16xf32>
        %get3A_571 = arith.index_cast %scan3A_431 : i32 to index
        %get3A_572 = arith.constant 176 : index
        %get3A_573 = tpu.vector_load %arg5[%get3A_571, %get3A_572] {strides = array<i32>} : memref<35x1024xf32, #tpu.memory_space<vmem>>, vector<16xf32>,
        %get3A_574 = arith.constant 176 : index
        %get3A_575 = tpu.vector_load %arg7[%get3A_574] {strides = array<i32>} : memref<1024xf32, #tpu.memory_space<vmem>>, vector<16xf32>,
        %add3A_576 = arith.addf %get3A_573, %get3A_575 : vector<16xf32>
        %add3A_577 = arith.constant 176 : i32
        %add3A_578 = vector.broadcast %add3A_577 : i32 to vector<16xi32>
        %add3A_579 = arith.addi %iota3A, %add3A_578 : vector<16xi32>
        %gt3A_580 = arith.cmpf ogt, %add3A_576, %select_n3A_486 : vector<16xf32>
        %select_n3A_581 = arith.select %gt3A_580, %add3A_579, %select_n3A_485 : vector<16xi1>, vector<16xi32>
        %select_n3A_582 = arith.select %gt3A_580, %add3A_576, %select_n3A_486 : vector<16xi1>, vector<16xf32>
        %get3A_583 = arith.index_cast %scan3A_431 : i32 to index
        %get3A_584 = arith.constant 192 : index
        %get3A_585 = tpu.vector_load %arg5[%get3A_583, %get3A_584] {strides = array<i32>} : memref<35x1024xf32, #tpu.memory_space<vmem>>, vector<16xf32>,
        %get3A_586 = arith.constant 192 : index
        %get3A_587 = tpu.vector_load %arg7[%get3A_586] {strides = array<i32>} : memref<1024xf32, #tpu.memory_space<vmem>>, vector<16xf32>,
        %add3A_588 = arith.addf %get3A_585, %get3A_587 : vector<16xf32>
        %add3A_589 = arith.constant 192 : i32
        %add3A_590 = vector.broadcast %add3A_589 : i32 to vector<16xi32>
        %add3A_591 = arith.addi %iota3A, %add3A_590 : vector<16xi32>
        %gt3A_592 = arith.cmpf ogt, %add3A_588, %select_n3A_498 : vector<16xf32>
        %select_n3A_593 = arith.select %gt3A_592, %add3A_591, %select_n3A_497 : vector<16xi1>, vector<16xi32>
        %select_n3A_594 = arith.select %gt3A_592, %add3A_588, %select_n3A_498 : vector<16xi1>, vector<16xf32>
        %get3A_595 = arith.index_cast %scan3A_431 : i32 to index
        %get3A_596 = arith.constant 208 : index
        %get3A_597 = tpu.vector_load %arg5[%get3A_595, %get3A_596] {strides = array<i32>} : memref<35x1024xf32, #tpu.memory_space<vmem>>, vector<16xf32>,
        %get3A_598 = arith.constant 208 : index
        %get3A_599 = tpu.vector_load %arg7[%get3A_598] {strides = array<i32>} : memref<1024xf32, #tpu.memory_space<vmem>>, vector<16xf32>,
        %add3A_600 = arith.addf %get3A_597, %get3A_599 : vector<16xf32>
        %add3A_601 = arith.constant 208 : i32
        %add3A_602 = vector.broadcast %add3A_601 : i32 to vector<16xi32>
        %add3A_603 = arith.addi %iota3A, %add3A_602 : vector<16xi32>
        %gt3A_604 = arith.cmpf ogt, %add3A_600, %select_n3A_510 : vector<16xf32>
        %select_n3A_605 = arith.select %gt3A_604, %add3A_603, %select_n3A_509 : vector<16xi1>, vector<16xi32>
        %select_n3A_606 = arith.select %gt3A_604, %add3A_600, %select_n3A_510 : vector<16xi1>, vector<16xf32>
        %get3A_607 = arith.index_cast %scan3A_431 : i32 to index
        %get3A_608 = arith.constant 224 : index
        %get3A_609 = tpu.vector_load %arg5[%get3A_607, %get3A_608] {strides = array<i32>} : memref<35x1024xf32, #tpu.memory_space<vmem>>, vector<16xf32>,
        %get3A_610 = arith.constant 224 : index
        %get3A_611 = tpu.vector_load %arg7[%get3A_610] {strides = array<i32>} : memref<1024xf32, #tpu.memory_space<vmem>>, vector<16xf32>,
        %add3A_612 = arith.addf %get3A_609, %get3A_611 : vector<16xf32>
        %add3A_613 = arith.constant 224 : i32
        %add3A_614 = vector.broadcast %add3A_613 : i32 to vector<16xi32>
        %add3A_615 = arith.addi %iota3A, %add3A_614 : vector<16xi32>
        %gt3A_616 = arith.cmpf ogt, %add3A_612, %select_n3A_522 : vector<16xf32>
        %select_n3A_617 = arith.select %gt3A_616, %add3A_615, %select_n3A_521 : vector<16xi1>, vector<16xi32>
        %select_n3A_618 = arith.select %gt3A_616, %add3A_612, %select_n3A_522 : vector<16xi1>, vector<16xf32>
        %get3A_619 = arith.index_cast %scan3A_431 : i32 to index
        %get3A_620 = arith.constant 240 : index
        %get3A_621 = tpu.vector_load %arg5[%get3A_619, %get3A_620] {strides = array<i32>} : memref<35x1024xf32, #tpu.memory_space<vmem>>, vector<16xf32>,
        %get3A_622 = arith.constant 240 : index
        %get3A_623 = tpu.vector_load %arg7[%get3A_622] {strides = array<i32>} : memref<1024xf32, #tpu.memory_space<vmem>>, vector<16xf32>,
        %add3A_624 = arith.addf %get3A_621, %get3A_623 : vector<16xf32>
        %add3A_625 = arith.constant 240 : i32
        %add3A_626 = vector.broadcast %add3A_625 : i32 to vector<16xi32>
        %add3A_627 = arith.addi %iota3A, %add3A_626 : vector<16xi32>
        %gt3A_628 = arith.cmpf ogt, %add3A_624, %select_n3A_534 : vector<16xf32>
        %select_n3A_629 = arith.select %gt3A_628, %add3A_627, %select_n3A_533 : vector<16xi1>, vector<16xi32>
        %select_n3A_630 = arith.select %gt3A_628, %add3A_624, %select_n3A_534 : vector<16xi1>, vector<16xf32>
        %get3A_631 = arith.index_cast %scan3A_431 : i32 to index
        %get3A_632 = arith.constant 256 : index
        %get3A_633 = tpu.vector_load %arg5[%get3A_631, %get3A_632] {strides = array<i32>} : memref<35x1024xf32, #tpu.memory_space<vmem>>, vector<16xf32>,
        %get3A_634 = arith.constant 256 : index
        %get3A_635 = tpu.vector_load %arg7[%get3A_634] {strides = array<i32>} : memref<1024xf32, #tpu.memory_space<vmem>>, vector<16xf32>,
        %add3A_636 = arith.addf %get3A_633, %get3A_635 : vector<16xf32>
        %add3A_637 = arith.constant 256 : i32
        %add3A_638 = vector.broadcast %add3A_637 : i32 to vector<16xi32>
        %add3A_639 = arith.addi %iota3A, %add3A_638 : vector<16xi32>
        %gt3A_640 = arith.cmpf ogt, %add3A_636, %select_n3A_546 : vector<16xf32>
        %select_n3A_641 = arith.select %gt3A_640, %add3A_639, %select_n3A_545 : vector<16xi1>, vector<16xi32>
        %select_n3A_642 = arith.select %gt3A_640, %add3A_636, %select_n3A_546 : vector<16xi1>, vector<16xf32>
        %get3A_643 = arith.index_cast %scan3A_431 : i32 to index
        %get3A_644 = arith.constant 272 : index
        %get3A_645 = tpu.vector_load %arg5[%get3A_643, %get3A_644] {strides = array<i32>} : memref<35x1024xf32, #tpu.memory_space<vmem>>, vector<16xf32>,
        %get3A_646 = arith.constant 272 : index
        %get3A_647 = tpu.vector_load %arg7[%get3A_646] {strides = array<i32>} : memref<1024xf32, #tpu.memory_space<vmem>>, vector<16xf32>,
        %add3A_648 = arith.addf %get3A_645, %get3A_647 : vector<16xf32>
        %add3A_649 = arith.constant 272 : i32
        %add3A_650 = vector.broadcast %add3A_649 : i32 to vector<16xi32>
        %add3A_651 = arith.addi %iota3A, %add3A_650 : vector<16xi32>
        %gt3A_652 = arith.cmpf ogt, %add3A_648, %select_n3A_558 : vector<16xf32>
        %select_n3A_653 = arith.select %gt3A_652, %add3A_651, %select_n3A_557 : vector<16xi1>, vector<16xi32>
        %select_n3A_654 = arith.select %gt3A_652, %add3A_648, %select_n3A_558 : vector<16xi1>, vector<16xf32>
        %get3A_655 = arith.index_cast %scan3A_431 : i32 to index
        %get3A_656 = arith.constant 288 : index
        %get3A_657 = tpu.vector_load %arg5[%get3A_655, %get3A_656] {strides = array<i32>} : memref<35x1024xf32, #tpu.memory_space<vmem>>, vector<16xf32>,
        %get3A_658 = arith.constant 288 : index
        %get3A_659 = tpu.vector_load %arg7[%get3A_658] {strides = array<i32>} : memref<1024xf32, #tpu.memory_space<vmem>>, vector<16xf32>,
        %add3A_660 = arith.addf %get3A_657, %get3A_659 : vector<16xf32>
        %add3A_661 = arith.constant 288 : i32
        %add3A_662 = vector.broadcast %add3A_661 : i32 to vector<16xi32>
        %add3A_663 = arith.addi %iota3A, %add3A_662 : vector<16xi32>
        %gt3A_664 = arith.cmpf ogt, %add3A_660, %select_n3A_570 : vector<16xf32>
        %select_n3A_665 = arith.select %gt3A_664, %add3A_663, %select_n3A_569 : vector<16xi1>, vector<16xi32>
        %select_n3A_666 = arith.select %gt3A_664, %add3A_660, %select_n3A_570 : vector<16xi1>, vector<16xf32>
        %get3A_667 = arith.index_cast %scan3A_431 : i32 to index
        %get3A_668 = arith.constant 304 : index
        %get3A_669 = tpu.vector_load %arg5[%get3A_667, %get3A_668] {strides = array<i32>} : memref<35x1024xf32, #tpu.memory_space<vmem>>, vector<16xf32>,
        %get3A_670 = arith.constant 304 : index
        %get3A_671 = tpu.vector_load %arg7[%get3A_670] {strides = array<i32>} : memref<1024xf32, #tpu.memory_space<vmem>>, vector<16xf32>,
        %add3A_672 = arith.addf %get3A_669, %get3A_671 : vector<16xf32>
        %add3A_673 = arith.constant 304 : i32
        %add3A_674 = vector.broadcast %add3A_673 : i32 to vector<16xi32>
        %add3A_675 = arith.addi %iota3A, %add3A_674 : vector<16xi32>
        %gt3A_676 = arith.cmpf ogt, %add3A_672, %select_n3A_582 : vector<16xf32>
        %select_n3A_677 = arith.select %gt3A_676, %add3A_675, %select_n3A_581 : vector<16xi1>, vector<16xi32>
        %select_n3A_678 = arith.select %gt3A_676, %add3A_672, %select_n3A_582 : vector<16xi1>, vector<16xf32>
        %get3A_679 = arith.index_cast %scan3A_431 : i32 to index
        %get3A_680 = arith.constant 320 : index
        %get3A_681 = tpu.vector_load %arg5[%get3A_679, %get3A_680] {strides = array<i32>} : memref<35x1024xf32, #tpu.memory_space<vmem>>, vector<16xf32>,
        %get3A_682 = arith.constant 320 : index
        %get3A_683 = tpu.vector_load %arg7[%get3A_682] {strides = array<i32>} : memref<1024xf32, #tpu.memory_space<vmem>>, vector<16xf32>,
        %add3A_684 = arith.addf %get3A_681, %get3A_683 : vector<16xf32>
        %add3A_685 = arith.constant 320 : i32
        %add3A_686 = vector.broadcast %add3A_685 : i32 to vector<16xi32>
        %add3A_687 = arith.addi %iota3A, %add3A_686 : vector<16xi32>
        %gt3A_688 = arith.cmpf ogt, %add3A_684, %select_n3A_594 : vector<16xf32>
        %select_n3A_689 = arith.select %gt3A_688, %add3A_687, %select_n3A_593 : vector<16xi1>, vector<16xi32>
        %select_n3A_690 = arith.select %gt3A_688, %add3A_684, %select_n3A_594 : vector<16xi1>, vector<16xf32>
        %get3A_691 = arith.index_cast %scan3A_431 : i32 to index
        %get3A_692 = arith.constant 336 : index
        %get3A_693 = tpu.vector_load %arg5[%get3A_691, %get3A_692] {strides = array<i32>} : memref<35x1024xf32, #tpu.memory_space<vmem>>, vector<16xf32>,
        %get3A_694 = arith.constant 336 : index
        %get3A_695 = tpu.vector_load %arg7[%get3A_694] {strides = array<i32>} : memref<1024xf32, #tpu.memory_space<vmem>>, vector<16xf32>,
        %add3A_696 = arith.addf %get3A_693, %get3A_695 : vector<16xf32>
        %add3A_697 = arith.constant 336 : i32
        %add3A_698 = vector.broadcast %add3A_697 : i32 to vector<16xi32>
        %add3A_699 = arith.addi %iota3A, %add3A_698 : vector<16xi32>
        %gt3A_700 = arith.cmpf ogt, %add3A_696, %select_n3A_606 : vector<16xf32>
        %select_n3A_701 = arith.select %gt3A_700, %add3A_699, %select_n3A_605 : vector<16xi1>, vector<16xi32>
        %select_n3A_702 = arith.select %gt3A_700, %add3A_696, %select_n3A_606 : vector<16xi1>, vector<16xf32>
        %get3A_703 = arith.index_cast %scan3A_431 : i32 to index
        %get3A_704 = arith.constant 352 : index
        %get3A_705 = tpu.vector_load %arg5[%get3A_703, %get3A_704] {strides = array<i32>} : memref<35x1024xf32, #tpu.memory_space<vmem>>, vector<16xf32>,
        %get3A_706 = arith.constant 352 : index
        %get3A_707 = tpu.vector_load %arg7[%get3A_706] {strides = array<i32>} : memref<1024xf32, #tpu.memory_space<vmem>>, vector<16xf32>,
        %add3A_708 = arith.addf %get3A_705, %get3A_707 : vector<16xf32>
        %add3A_709 = arith.constant 352 : i32
        %add3A_710 = vector.broadcast %add3A_709 : i32 to vector<16xi32>
        %add3A_711 = arith.addi %iota3A, %add3A_710 : vector<16xi32>
        %gt3A_712 = arith.cmpf ogt, %add3A_708, %select_n3A_618 : vector<16xf32>
        %select_n3A_713 = arith.select %gt3A_712, %add3A_711, %select_n3A_617 : vector<16xi1>, vector<16xi32>
        %select_n3A_714 = arith.select %gt3A_712, %add3A_708, %select_n3A_618 : vector<16xi1>, vector<16xf32>
        %get3A_715 = arith.index_cast %scan3A_431 : i32 to index
        %get3A_716 = arith.constant 368 : index
        %get3A_717 = tpu.vector_load %arg5[%get3A_715, %get3A_716] {strides = array<i32>} : memref<35x1024xf32, #tpu.memory_space<vmem>>, vector<16xf32>,
        %get3A_718 = arith.constant 368 : index
        %get3A_719 = tpu.vector_load %arg7[%get3A_718] {strides = array<i32>} : memref<1024xf32, #tpu.memory_space<vmem>>, vector<16xf32>,
        %add3A_720 = arith.addf %get3A_717, %get3A_719 : vector<16xf32>
        %add3A_721 = arith.constant 368 : i32
        %add3A_722 = vector.broadcast %add3A_721 : i32 to vector<16xi32>
        %add3A_723 = arith.addi %iota3A, %add3A_722 : vector<16xi32>
        %gt3A_724 = arith.cmpf ogt, %add3A_720, %select_n3A_630 : vector<16xf32>
        %select_n3A_725 = arith.select %gt3A_724, %add3A_723, %select_n3A_629 : vector<16xi1>, vector<16xi32>
        %select_n3A_726 = arith.select %gt3A_724, %add3A_720, %select_n3A_630 : vector<16xi1>, vector<16xf32>
        %get3A_727 = arith.index_cast %scan3A_431 : i32 to index
        %get3A_728 = arith.constant 384 : index
        %get3A_729 = tpu.vector_load %arg5[%get3A_727, %get3A_728] {strides = array<i32>} : memref<35x1024xf32, #tpu.memory_space<vmem>>, vector<16xf32>,
        %get3A_730 = arith.constant 384 : index
        %get3A_731 = tpu.vector_load %arg7[%get3A_730] {strides = array<i32>} : memref<1024xf32, #tpu.memory_space<vmem>>, vector<16xf32>,
        %add3A_732 = arith.addf %get3A_729, %get3A_731 : vector<16xf32>
        %add3A_733 = arith.constant 384 : i32
        %add3A_734 = vector.broadcast %add3A_733 : i32 to vector<16xi32>
        %add3A_735 = arith.addi %iota3A, %add3A_734 : vector<16xi32>
        %gt3A_736 = arith.cmpf ogt, %add3A_732, %select_n3A_642 : vector<16xf32>
        %select_n3A_737 = arith.select %gt3A_736, %add3A_735, %select_n3A_641 : vector<16xi1>, vector<16xi32>
        %select_n3A_738 = arith.select %gt3A_736, %add3A_732, %select_n3A_642 : vector<16xi1>, vector<16xf32>
        %get3A_739 = arith.index_cast %scan3A_431 : i32 to index
        %get3A_740 = arith.constant 400 : index
        %get3A_741 = tpu.vector_load %arg5[%get3A_739, %get3A_740] {strides = array<i32>} : memref<35x1024xf32, #tpu.memory_space<vmem>>, vector<16xf32>,
        %get3A_742 = arith.constant 400 : index
        %get3A_743 = tpu.vector_load %arg7[%get3A_742] {strides = array<i32>} : memref<1024xf32, #tpu.memory_space<vmem>>, vector<16xf32>,
        %add3A_744 = arith.addf %get3A_741, %get3A_743 : vector<16xf32>
        %add3A_745 = arith.constant 400 : i32
        %add3A_746 = vector.broadcast %add3A_745 : i32 to vector<16xi32>
        %add3A_747 = arith.addi %iota3A, %add3A_746 : vector<16xi32>
        %gt3A_748 = arith.cmpf ogt, %add3A_744, %select_n3A_654 : vector<16xf32>
        %select_n3A_749 = arith.select %gt3A_748, %add3A_747, %select_n3A_653 : vector<16xi1>, vector<16xi32>
        %select_n3A_750 = arith.select %gt3A_748, %add3A_744, %select_n3A_654 : vector<16xi1>, vector<16xf32>
        %get3A_751 = arith.index_cast %scan3A_431 : i32 to index
        %get3A_752 = arith.constant 416 : index
        %get3A_753 = tpu.vector_load %arg5[%get3A_751, %get3A_752] {strides = array<i32>} : memref<35x1024xf32, #tpu.memory_space<vmem>>, vector<16xf32>,
        %get3A_754 = arith.constant 416 : index
        %get3A_755 = tpu.vector_load %arg7[%get3A_754] {strides = array<i32>} : memref<1024xf32, #tpu.memory_space<vmem>>, vector<16xf32>,
        %add3A_756 = arith.addf %get3A_753, %get3A_755 : vector<16xf32>
        %add3A_757 = arith.constant 416 : i32
        %add3A_758 = vector.broadcast %add3A_757 : i32 to vector<16xi32>
        %add3A_759 = arith.addi %iota3A, %add3A_758 : vector<16xi32>
        %gt3A_760 = arith.cmpf ogt, %add3A_756, %select_n3A_666 : vector<16xf32>
        %select_n3A_761 = arith.select %gt3A_760, %add3A_759, %select_n3A_665 : vector<16xi1>, vector<16xi32>
        %select_n3A_762 = arith.select %gt3A_760, %add3A_756, %select_n3A_666 : vector<16xi1>, vector<16xf32>
        %get3A_763 = arith.index_cast %scan3A_431 : i32 to index
        %get3A_764 = arith.constant 432 : index
        %get3A_765 = tpu.vector_load %arg5[%get3A_763, %get3A_764] {strides = array<i32>} : memref<35x1024xf32, #tpu.memory_space<vmem>>, vector<16xf32>,
        %get3A_766 = arith.constant 432 : index
        %get3A_767 = tpu.vector_load %arg7[%get3A_766] {strides = array<i32>} : memref<1024xf32, #tpu.memory_space<vmem>>, vector<16xf32>,
        %add3A_768 = arith.addf %get3A_765, %get3A_767 : vector<16xf32>
        %add3A_769 = arith.constant 432 : i32
        %add3A_770 = vector.broadcast %add3A_769 : i32 to vector<16xi32>
        %add3A_771 = arith.addi %iota3A, %add3A_770 : vector<16xi32>
        %gt3A_772 = arith.cmpf ogt, %add3A_768, %select_n3A_678 : vector<16xf32>
        %select_n3A_773 = arith.select %gt3A_772, %add3A_771, %select_n3A_677 : vector<16xi1>, vector<16xi32>
        %select_n3A_774 = arith.select %gt3A_772, %add3A_768, %select_n3A_678 : vector<16xi1>, vector<16xf32>
        %get3A_775 = arith.index_cast %scan3A_431 : i32 to index
        %get3A_776 = arith.constant 448 : index
        %get3A_777 = tpu.vector_load %arg5[%get3A_775, %get3A_776] {strides = array<i32>} : memref<35x1024xf32, #tpu.memory_space<vmem>>, vector<16xf32>,
        %get3A_778 = arith.constant 448 : index
        %get3A_779 = tpu.vector_load %arg7[%get3A_778] {strides = array<i32>} : memref<1024xf32, #tpu.memory_space<vmem>>, vector<16xf32>,
        %add3A_780 = arith.addf %get3A_777, %get3A_779 : vector<16xf32>
        %add3A_781 = arith.constant 448 : i32
        %add3A_782 = vector.broadcast %add3A_781 : i32 to vector<16xi32>
        %add3A_783 = arith.addi %iota3A, %add3A_782 : vector<16xi32>
        %gt3A_784 = arith.cmpf ogt, %add3A_780, %select_n3A_690 : vector<16xf32>
        %select_n3A_785 = arith.select %gt3A_784, %add3A_783, %select_n3A_689 : vector<16xi1>, vector<16xi32>
        %select_n3A_786 = arith.select %gt3A_784, %add3A_780, %select_n3A_690 : vector<16xi1>, vector<16xf32>
        %get3A_787 = arith.index_cast %scan3A_431 : i32 to index
        %get3A_788 = arith.constant 464 : index
        %get3A_789 = tpu.vector_load %arg5[%get3A_787, %get3A_788] {strides = array<i32>} : memref<35x1024xf32, #tpu.memory_space<vmem>>, vector<16xf32>,
        %get3A_790 = arith.constant 464 : index
        %get3A_791 = tpu.vector_load %arg7[%get3A_790] {strides = array<i32>} : memref<1024xf32, #tpu.memory_space<vmem>>, vector<16xf32>,
        %add3A_792 = arith.addf %get3A_789, %get3A_791 : vector<16xf32>
        %add3A_793 = arith.constant 464 : i32
        %add3A_794 = vector.broadcast %add3A_793 : i32 to vector<16xi32>
        %add3A_795 = arith.addi %iota3A, %add3A_794 : vector<16xi32>
        %gt3A_796 = arith.cmpf ogt, %add3A_792, %select_n3A_702 : vector<16xf32>
        %select_n3A_797 = arith.select %gt3A_796, %add3A_795, %select_n3A_701 : vector<16xi1>, vector<16xi32>
        %select_n3A_798 = arith.select %gt3A_796, %add3A_792, %select_n3A_702 : vector<16xi1>, vector<16xf32>
        %get3A_799 = arith.index_cast %scan3A_431 : i32 to index
        %get3A_800 = arith.constant 480 : index
        %get3A_801 = tpu.vector_load %arg5[%get3A_799, %get3A_800] {strides = array<i32>} : memref<35x1024xf32, #tpu.memory_space<vmem>>, vector<16xf32>,
        %get3A_802 = arith.constant 480 : index
        %get3A_803 = tpu.vector_load %arg7[%get3A_802] {strides = array<i32>} : memref<1024xf32, #tpu.memory_space<vmem>>, vector<16xf32>,
        %add3A_804 = arith.addf %get3A_801, %get3A_803 : vector<16xf32>
        %add3A_805 = arith.constant 480 : i32
        %add3A_806 = vector.broadcast %add3A_805 : i32 to vector<16xi32>
        %add3A_807 = arith.addi %iota3A, %add3A_806 : vector<16xi32>
        %gt3A_808 = arith.cmpf ogt, %add3A_804, %select_n3A_714 : vector<16xf32>
        %select_n3A_809 = arith.select %gt3A_808, %add3A_807, %select_n3A_713 : vector<16xi1>, vector<16xi32>
        %select_n3A_810 = arith.select %gt3A_808, %add3A_804, %select_n3A_714 : vector<16xi1>, vector<16xf32>
        %get3A_811 = arith.index_cast %scan3A_431 : i32 to index
        %get3A_812 = arith.constant 496 : index
        %get3A_813 = tpu.vector_load %arg5[%get3A_811, %get3A_812] {strides = array<i32>} : memref<35x1024xf32, #tpu.memory_space<vmem>>, vector<16xf32>,
        %get3A_814 = arith.constant 496 : index
        %get3A_815 = tpu.vector_load %arg7[%get3A_814] {strides = array<i32>} : memref<1024xf32, #tpu.memory_space<vmem>>, vector<16xf32>,
        %add3A_816 = arith.addf %get3A_813, %get3A_815 : vector<16xf32>
        %add3A_817 = arith.constant 496 : i32
        %add3A_818 = vector.broadcast %add3A_817 : i32 to vector<16xi32>
        %add3A_819 = arith.addi %iota3A, %add3A_818 : vector<16xi32>
        %gt3A_820 = arith.cmpf ogt, %add3A_816, %select_n3A_726 : vector<16xf32>
        %select_n3A_821 = arith.select %gt3A_820, %add3A_819, %select_n3A_725 : vector<16xi1>, vector<16xi32>
        %select_n3A_822 = arith.select %gt3A_820, %add3A_816, %select_n3A_726 : vector<16xi1>, vector<16xf32>
        %get3A_823 = arith.index_cast %scan3A_431 : i32 to index
        %get3A_824 = arith.constant 512 : index
        %get3A_825 = tpu.vector_load %arg5[%get3A_823, %get3A_824] {strides = array<i32>} : memref<35x1024xf32, #tpu.memory_space<vmem>>, vector<16xf32>,
        %get3A_826 = arith.constant 512 : index
        %get3A_827 = tpu.vector_load %arg7[%get3A_826] {strides = array<i32>} : memref<1024xf32, #tpu.memory_space<vmem>>, vector<16xf32>,
        %add3A_828 = arith.addf %get3A_825, %get3A_827 : vector<16xf32>
        %add3A_829 = arith.constant 512 : i32
        %add3A_830 = vector.broadcast %add3A_829 : i32 to vector<16xi32>
        %add3A_831 = arith.addi %iota3A, %add3A_830 : vector<16xi32>
        %gt3A_832 = arith.cmpf ogt, %add3A_828, %select_n3A_738 : vector<16xf32>
        %select_n3A_833 = arith.select %gt3A_832, %add3A_831, %select_n3A_737 : vector<16xi1>, vector<16xi32>
        %select_n3A_834 = arith.select %gt3A_832, %add3A_828, %select_n3A_738 : vector<16xi1>, vector<16xf32>
        %get3A_835 = arith.index_cast %scan3A_431 : i32 to index
        %get3A_836 = arith.constant 528 : index
        %get3A_837 = tpu.vector_load %arg5[%get3A_835, %get3A_836] {strides = array<i32>} : memref<35x1024xf32, #tpu.memory_space<vmem>>, vector<16xf32>,
        %get3A_838 = arith.constant 528 : index
        %get3A_839 = tpu.vector_load %arg7[%get3A_838] {strides = array<i32>} : memref<1024xf32, #tpu.memory_space<vmem>>, vector<16xf32>,
        %add3A_840 = arith.addf %get3A_837, %get3A_839 : vector<16xf32>
        %add3A_841 = arith.constant 528 : i32
        %add3A_842 = vector.broadcast %add3A_841 : i32 to vector<16xi32>
        %add3A_843 = arith.addi %iota3A, %add3A_842 : vector<16xi32>
        %gt3A_844 = arith.cmpf ogt, %add3A_840, %select_n3A_750 : vector<16xf32>
        %select_n3A_845 = arith.select %gt3A_844, %add3A_843, %select_n3A_749 : vector<16xi1>, vector<16xi32>
        %select_n3A_846 = arith.select %gt3A_844, %add3A_840, %select_n3A_750 : vector<16xi1>, vector<16xf32>
        %get3A_847 = arith.index_cast %scan3A_431 : i32 to index
        %get3A_848 = arith.constant 544 : index
        %get3A_849 = tpu.vector_load %arg5[%get3A_847, %get3A_848] {strides = array<i32>} : memref<35x1024xf32, #tpu.memory_space<vmem>>, vector<16xf32>,
        %get3A_850 = arith.constant 544 : index
        %get3A_851 = tpu.vector_load %arg7[%get3A_850] {strides = array<i32>} : memref<1024xf32, #tpu.memory_space<vmem>>, vector<16xf32>,
        %add3A_852 = arith.addf %get3A_849, %get3A_851 : vector<16xf32>
        %add3A_853 = arith.constant 544 : i32
        %add3A_854 = vector.broadcast %add3A_853 : i32 to vector<16xi32>
        %add3A_855 = arith.addi %iota3A, %add3A_854 : vector<16xi32>
        %gt3A_856 = arith.cmpf ogt, %add3A_852, %select_n3A_762 : vector<16xf32>
        %select_n3A_857 = arith.select %gt3A_856, %add3A_855, %select_n3A_761 : vector<16xi1>, vector<16xi32>
        %select_n3A_858 = arith.select %gt3A_856, %add3A_852, %select_n3A_762 : vector<16xi1>, vector<16xf32>
        %get3A_859 = arith.index_cast %scan3A_431 : i32 to index
        %get3A_860 = arith.constant 560 : index
        %get3A_861 = tpu.vector_load %arg5[%get3A_859, %get3A_860] {strides = array<i32>} : memref<35x1024xf32, #tpu.memory_space<vmem>>, vector<16xf32>,
        %get3A_862 = arith.constant 560 : index
        %get3A_863 = tpu.vector_load %arg7[%get3A_862] {strides = array<i32>} : memref<1024xf32, #tpu.memory_space<vmem>>, vector<16xf32>,
        %add3A_864 = arith.addf %get3A_861, %get3A_863 : vector<16xf32>
        %add3A_865 = arith.constant 560 : i32
        %add3A_866 = vector.broadcast %add3A_865 : i32 to vector<16xi32>
        %add3A_867 = arith.addi %iota3A, %add3A_866 : vector<16xi32>
        %gt3A_868 = arith.cmpf ogt, %add3A_864, %select_n3A_774 : vector<16xf32>
        %select_n3A_869 = arith.select %gt3A_868, %add3A_867, %select_n3A_773 : vector<16xi1>, vector<16xi32>
        %select_n3A_870 = arith.select %gt3A_868, %add3A_864, %select_n3A_774 : vector<16xi1>, vector<16xf32>
        %get3A_871 = arith.index_cast %scan3A_431 : i32 to index
        %get3A_872 = arith.constant 576 : index
        %get3A_873 = tpu.vector_load %arg5[%get3A_871, %get3A_872] {strides = array<i32>} : memref<35x1024xf32, #tpu.memory_space<vmem>>, vector<16xf32>,
        %get3A_874 = arith.constant 576 : index
        %get3A_875 = tpu.vector_load %arg7[%get3A_874] {strides = array<i32>} : memref<1024xf32, #tpu.memory_space<vmem>>, vector<16xf32>,
        %add3A_876 = arith.addf %get3A_873, %get3A_875 : vector<16xf32>
        %add3A_877 = arith.constant 576 : i32
        %add3A_878 = vector.broadcast %add3A_877 : i32 to vector<16xi32>
        %add3A_879 = arith.addi %iota3A, %add3A_878 : vector<16xi32>
        %gt3A_880 = arith.cmpf ogt, %add3A_876, %select_n3A_786 : vector<16xf32>
        %select_n3A_881 = arith.select %gt3A_880, %add3A_879, %select_n3A_785 : vector<16xi1>, vector<16xi32>
        %select_n3A_882 = arith.select %gt3A_880, %add3A_876, %select_n3A_786 : vector<16xi1>, vector<16xf32>
        %get3A_883 = arith.index_cast %scan3A_431 : i32 to index
        %get3A_884 = arith.constant 592 : index
        %get3A_885 = tpu.vector_load %arg5[%get3A_883, %get3A_884] {strides = array<i32>} : memref<35x1024xf32, #tpu.memory_space<vmem>>, vector<16xf32>,
        %get3A_886 = arith.constant 592 : index
        %get3A_887 = tpu.vector_load %arg7[%get3A_886] {strides = array<i32>} : memref<1024xf32, #tpu.memory_space<vmem>>, vector<16xf32>,
        %add3A_888 = arith.addf %get3A_885, %get3A_887 : vector<16xf32>
        %add3A_889 = arith.constant 592 : i32
        %add3A_890 = vector.broadcast %add3A_889 : i32 to vector<16xi32>
        %add3A_891 = arith.addi %iota3A, %add3A_890 : vector<16xi32>
        %gt3A_892 = arith.cmpf ogt, %add3A_888, %select_n3A_798 : vector<16xf32>
        %select_n3A_893 = arith.select %gt3A_892, %add3A_891, %select_n3A_797 : vector<16xi1>, vector<16xi32>
        %select_n3A_894 = arith.select %gt3A_892, %add3A_888, %select_n3A_798 : vector<16xi1>, vector<16xf32>
        %get3A_895 = arith.index_cast %scan3A_431 : i32 to index
        %get3A_896 = arith.constant 608 : index
        %get3A_897 = tpu.vector_load %arg5[%get3A_895, %get3A_896] {strides = array<i32>} : memref<35x1024xf32, #tpu.memory_space<vmem>>, vector<16xf32>,
        %get3A_898 = arith.constant 608 : index
        %get3A_899 = tpu.vector_load %arg7[%get3A_898] {strides = array<i32>} : memref<1024xf32, #tpu.memory_space<vmem>>, vector<16xf32>,
        %add3A_900 = arith.addf %get3A_897, %get3A_899 : vector<16xf32>
        %add3A_901 = arith.constant 608 : i32
        %add3A_902 = vector.broadcast %add3A_901 : i32 to vector<16xi32>
        %add3A_903 = arith.addi %iota3A, %add3A_902 : vector<16xi32>
        %gt3A_904 = arith.cmpf ogt, %add3A_900, %select_n3A_810 : vector<16xf32>
        %select_n3A_905 = arith.select %gt3A_904, %add3A_903, %select_n3A_809 : vector<16xi1>, vector<16xi32>
        %select_n3A_906 = arith.select %gt3A_904, %add3A_900, %select_n3A_810 : vector<16xi1>, vector<16xf32>
        %get3A_907 = arith.index_cast %scan3A_431 : i32 to index
        %get3A_908 = arith.constant 624 : index
        %get3A_909 = tpu.vector_load %arg5[%get3A_907, %get3A_908] {strides = array<i32>} : memref<35x1024xf32, #tpu.memory_space<vmem>>, vector<16xf32>,
        %get3A_910 = arith.constant 624 : index
        %get3A_911 = tpu.vector_load %arg7[%get3A_910] {strides = array<i32>} : memref<1024xf32, #tpu.memory_space<vmem>>, vector<16xf32>,
        %add3A_912 = arith.addf %get3A_909, %get3A_911 : vector<16xf32>
        %add3A_913 = arith.constant 624 : i32
        %add3A_914 = vector.broadcast %add3A_913 : i32 to vector<16xi32>
        %add3A_915 = arith.addi %iota3A, %add3A_914 : vector<16xi32>
        %gt3A_916 = arith.cmpf ogt, %add3A_912, %select_n3A_822 : vector<16xf32>
        %select_n3A_917 = arith.select %gt3A_916, %add3A_915, %select_n3A_821 : vector<16xi1>, vector<16xi32>
        %select_n3A_918 = arith.select %gt3A_916, %add3A_912, %select_n3A_822 : vector<16xi1>, vector<16xf32>
        %get3A_919 = arith.index_cast %scan3A_431 : i32 to index
        %get3A_920 = arith.constant 640 : index
        %get3A_921 = tpu.vector_load %arg5[%get3A_919, %get3A_920] {strides = array<i32>} : memref<35x1024xf32, #tpu.memory_space<vmem>>, vector<16xf32>,
        %get3A_922 = arith.constant 640 : index
        %get3A_923 = tpu.vector_load %arg7[%get3A_922] {strides = array<i32>} : memref<1024xf32, #tpu.memory_space<vmem>>, vector<16xf32>,
        %add3A_924 = arith.addf %get3A_921, %get3A_923 : vector<16xf32>
        %add3A_925 = arith.constant 640 : i32
        %add3A_926 = vector.broadcast %add3A_925 : i32 to vector<16xi32>
        %add3A_927 = arith.addi %iota3A, %add3A_926 : vector<16xi32>
        %gt3A_928 = arith.cmpf ogt, %add3A_924, %select_n3A_834 : vector<16xf32>
        %select_n3A_929 = arith.select %gt3A_928, %add3A_927, %select_n3A_833 : vector<16xi1>, vector<16xi32>
        %select_n3A_930 = arith.select %gt3A_928, %add3A_924, %select_n3A_834 : vector<16xi1>, vector<16xf32>
        %get3A_931 = arith.index_cast %scan3A_431 : i32 to index
        %get3A_932 = arith.constant 656 : index
        %get3A_933 = tpu.vector_load %arg5[%get3A_931, %get3A_932] {strides = array<i32>} : memref<35x1024xf32, #tpu.memory_space<vmem>>, vector<16xf32>,
        %get3A_934 = arith.constant 656 : index
        %get3A_935 = tpu.vector_load %arg7[%get3A_934] {strides = array<i32>} : memref<1024xf32, #tpu.memory_space<vmem>>, vector<16xf32>,
        %add3A_936 = arith.addf %get3A_933, %get3A_935 : vector<16xf32>
        %add3A_937 = arith.constant 656 : i32
        %add3A_938 = vector.broadcast %add3A_937 : i32 to vector<16xi32>
        %add3A_939 = arith.addi %iota3A, %add3A_938 : vector<16xi32>
        %gt3A_940 = arith.cmpf ogt, %add3A_936, %select_n3A_846 : vector<16xf32>
        %select_n3A_941 = arith.select %gt3A_940, %add3A_939, %select_n3A_845 : vector<16xi1>, vector<16xi32>
        %select_n3A_942 = arith.select %gt3A_940, %add3A_936, %select_n3A_846 : vector<16xi1>, vector<16xf32>
        %get3A_943 = arith.index_cast %scan3A_431 : i32 to index
        %get3A_944 = arith.constant 672 : index
        %get3A_945 = tpu.vector_load %arg5[%get3A_943, %get3A_944] {strides = array<i32>} : memref<35x1024xf32, #tpu.memory_space<vmem>>, vector<16xf32>,
        %get3A_946 = arith.constant 672 : index
        %get3A_947 = tpu.vector_load %arg7[%get3A_946] {strides = array<i32>} : memref<1024xf32, #tpu.memory_space<vmem>>, vector<16xf32>,
        %add3A_948 = arith.addf %get3A_945, %get3A_947 : vector<16xf32>
        %add3A_949 = arith.constant 672 : i32
        %add3A_950 = vector.broadcast %add3A_949 : i32 to vector<16xi32>
        %add3A_951 = arith.addi %iota3A, %add3A_950 : vector<16xi32>
        %gt3A_952 = arith.cmpf ogt, %add3A_948, %select_n3A_858 : vector<16xf32>
        %select_n3A_953 = arith.select %gt3A_952, %add3A_951, %select_n3A_857 : vector<16xi1>, vector<16xi32>
        %select_n3A_954 = arith.select %gt3A_952, %add3A_948, %select_n3A_858 : vector<16xi1>, vector<16xf32>
        %get3A_955 = arith.index_cast %scan3A_431 : i32 to index
        %get3A_956 = arith.constant 688 : index
        %get3A_957 = tpu.vector_load %arg5[%get3A_955, %get3A_956] {strides = array<i32>} : memref<35x1024xf32, #tpu.memory_space<vmem>>, vector<16xf32>,
        %get3A_958 = arith.constant 688 : index
        %get3A_959 = tpu.vector_load %arg7[%get3A_958] {strides = array<i32>} : memref<1024xf32, #tpu.memory_space<vmem>>, vector<16xf32>,
        %add3A_960 = arith.addf %get3A_957, %get3A_959 : vector<16xf32>
        %add3A_961 = arith.constant 688 : i32
        %add3A_962 = vector.broadcast %add3A_961 : i32 to vector<16xi32>
        %add3A_963 = arith.addi %iota3A, %add3A_962 : vector<16xi32>
        %gt3A_964 = arith.cmpf ogt, %add3A_960, %select_n3A_870 : vector<16xf32>
        %select_n3A_965 = arith.select %gt3A_964, %add3A_963, %select_n3A_869 : vector<16xi1>, vector<16xi32>
        %select_n3A_966 = arith.select %gt3A_964, %add3A_960, %select_n3A_870 : vector<16xi1>, vector<16xf32>
        %get3A_967 = arith.index_cast %scan3A_431 : i32 to index
        %get3A_968 = arith.constant 704 : index
        %get3A_969 = tpu.vector_load %arg5[%get3A_967, %get3A_968] {strides = array<i32>} : memref<35x1024xf32, #tpu.memory_space<vmem>>, vector<16xf32>,
        %get3A_970 = arith.constant 704 : index
        %get3A_971 = tpu.vector_load %arg7[%get3A_970] {strides = array<i32>} : memref<1024xf32, #tpu.memory_space<vmem>>, vector<16xf32>,
        %add3A_972 = arith.addf %get3A_969, %get3A_971 : vector<16xf32>
        %add3A_973 = arith.constant 704 : i32
        %add3A_974 = vector.broadcast %add3A_973 : i32 to vector<16xi32>
        %add3A_975 = arith.addi %iota3A, %add3A_974 : vector<16xi32>
        %gt3A_976 = arith.cmpf ogt, %add3A_972, %select_n3A_882 : vector<16xf32>
        %select_n3A_977 = arith.select %gt3A_976, %add3A_975, %select_n3A_881 : vector<16xi1>, vector<16xi32>
        %select_n3A_978 = arith.select %gt3A_976, %add3A_972, %select_n3A_882 : vector<16xi1>, vector<16xf32>
        %get3A_979 = arith.index_cast %scan3A_431 : i32 to index
        %get3A_980 = arith.constant 720 : index
        %get3A_981 = tpu.vector_load %arg5[%get3A_979, %get3A_980] {strides = array<i32>} : memref<35x1024xf32, #tpu.memory_space<vmem>>, vector<16xf32>,
        %get3A_982 = arith.constant 720 : index
        %get3A_983 = tpu.vector_load %arg7[%get3A_982] {strides = array<i32>} : memref<1024xf32, #tpu.memory_space<vmem>>, vector<16xf32>,
        %add3A_984 = arith.addf %get3A_981, %get3A_983 : vector<16xf32>
        %add3A_985 = arith.constant 720 : i32
        %add3A_986 = vector.broadcast %add3A_985 : i32 to vector<16xi32>
        %add3A_987 = arith.addi %iota3A, %add3A_986 : vector<16xi32>
        %gt3A_988 = arith.cmpf ogt, %add3A_984, %select_n3A_894 : vector<16xf32>
        %select_n3A_989 = arith.select %gt3A_988, %add3A_987, %select_n3A_893 : vector<16xi1>, vector<16xi32>
        %select_n3A_990 = arith.select %gt3A_988, %add3A_984, %select_n3A_894 : vector<16xi1>, vector<16xf32>
        %get3A_991 = arith.index_cast %scan3A_431 : i32 to index
        %get3A_992 = arith.constant 736 : index
        %get3A_993 = tpu.vector_load %arg5[%get3A_991, %get3A_992] {strides = array<i32>} : memref<35x1024xf32, #tpu.memory_space<vmem>>, vector<16xf32>,
        %get3A_994 = arith.constant 736 : index
        %get3A_995 = tpu.vector_load %arg7[%get3A_994] {strides = array<i32>} : memref<1024xf32, #tpu.memory_space<vmem>>, vector<16xf32>,
        %add3A_996 = arith.addf %get3A_993, %get3A_995 : vector<16xf32>
        %add3A_997 = arith.constant 736 : i32
        %add3A_998 = vector.broadcast %add3A_997 : i32 to vector<16xi32>
        %add3A_999 = arith.addi %iota3A, %add3A_998 : vector<16xi32>
        %gt3A_1000 = arith.cmpf ogt, %add3A_996, %select_n3A_906 : vector<16xf32>
        %select_n3A_1001 = arith.select %gt3A_1000, %add3A_999, %select_n3A_905 : vector<16xi1>, vector<16xi32>
        %select_n3A_1002 = arith.select %gt3A_1000, %add3A_996, %select_n3A_906 : vector<16xi1>, vector<16xf32>
        %get3A_1003 = arith.index_cast %scan3A_431 : i32 to index
        %get3A_1004 = arith.constant 752 : index
        %get3A_1005 = tpu.vector_load %arg5[%get3A_1003, %get3A_1004] {strides = array<i32>} : memref<35x1024xf32, #tpu.memory_space<vmem>>, vector<16xf32>,
        %get3A_1006 = arith.constant 752 : index
        %get3A_1007 = tpu.vector_load %arg7[%get3A_1006] {strides = array<i32>} : memref<1024xf32, #tpu.memory_space<vmem>>, vector<16xf32>,
        %add3A_1008 = arith.addf %get3A_1005, %get3A_1007 : vector<16xf32>
        %add3A_1009 = arith.constant 752 : i32
        %add3A_1010 = vector.broadcast %add3A_1009 : i32 to vector<16xi32>
        %add3A_1011 = arith.addi %iota3A, %add3A_1010 : vector<16xi32>
        %gt3A_1012 = arith.cmpf ogt, %add3A_1008, %select_n3A_918 : vector<16xf32>
        %select_n3A_1013 = arith.select %gt3A_1012, %add3A_1011, %select_n3A_917 : vector<16xi1>, vector<16xi32>
        %select_n3A_1014 = arith.select %gt3A_1012, %add3A_1008, %select_n3A_918 : vector<16xi1>, vector<16xf32>
        %get3A_1015 = arith.index_cast %scan3A_431 : i32 to index
        %get3A_1016 = arith.constant 768 : index
        %get3A_1017 = tpu.vector_load %arg5[%get3A_1015, %get3A_1016] {strides = array<i32>} : memref<35x1024xf32, #tpu.memory_space<vmem>>, vector<16xf32>,
        %get3A_1018 = arith.constant 768 : index
        %get3A_1019 = tpu.vector_load %arg7[%get3A_1018] {strides = array<i32>} : memref<1024xf32, #tpu.memory_space<vmem>>, vector<16xf32>,
        %add3A_1020 = arith.addf %get3A_1017, %get3A_1019 : vector<16xf32>
        %add3A_1021 = arith.constant 768 : i32
        %add3A_1022 = vector.broadcast %add3A_1021 : i32 to vector<16xi32>
        %add3A_1023 = arith.addi %iota3A, %add3A_1022 : vector<16xi32>
        %gt3A_1024 = arith.cmpf ogt, %add3A_1020, %select_n3A_930 : vector<16xf32>
        %select_n3A_1025 = arith.select %gt3A_1024, %add3A_1023, %select_n3A_929 : vector<16xi1>, vector<16xi32>
        %select_n3A_1026 = arith.select %gt3A_1024, %add3A_1020, %select_n3A_930 : vector<16xi1>, vector<16xf32>
        %get3A_1027 = arith.index_cast %scan3A_431 : i32 to index
        %get3A_1028 = arith.constant 784 : index
        %get3A_1029 = tpu.vector_load %arg5[%get3A_1027, %get3A_1028] {strides = array<i32>} : memref<35x1024xf32, #tpu.memory_space<vmem>>, vector<16xf32>,
        %get3A_1030 = arith.constant 784 : index
        %get3A_1031 = tpu.vector_load %arg7[%get3A_1030] {strides = array<i32>} : memref<1024xf32, #tpu.memory_space<vmem>>, vector<16xf32>,
        %add3A_1032 = arith.addf %get3A_1029, %get3A_1031 : vector<16xf32>
        %add3A_1033 = arith.constant 784 : i32
        %add3A_1034 = vector.broadcast %add3A_1033 : i32 to vector<16xi32>
        %add3A_1035 = arith.addi %iota3A, %add3A_1034 : vector<16xi32>
        %gt3A_1036 = arith.cmpf ogt, %add3A_1032, %select_n3A_942 : vector<16xf32>
        %select_n3A_1037 = arith.select %gt3A_1036, %add3A_1035, %select_n3A_941 : vector<16xi1>, vector<16xi32>
        %select_n3A_1038 = arith.select %gt3A_1036, %add3A_1032, %select_n3A_942 : vector<16xi1>, vector<16xf32>
        %get3A_1039 = arith.index_cast %scan3A_431 : i32 to index
        %get3A_1040 = arith.constant 800 : index
        %get3A_1041 = tpu.vector_load %arg5[%get3A_1039, %get3A_1040] {strides = array<i32>} : memref<35x1024xf32, #tpu.memory_space<vmem>>, vector<16xf32>,
        %get3A_1042 = arith.constant 800 : index
        %get3A_1043 = tpu.vector_load %arg7[%get3A_1042] {strides = array<i32>} : memref<1024xf32, #tpu.memory_space<vmem>>, vector<16xf32>,
        %add3A_1044 = arith.addf %get3A_1041, %get3A_1043 : vector<16xf32>
        %add3A_1045 = arith.constant 800 : i32
        %add3A_1046 = vector.broadcast %add3A_1045 : i32 to vector<16xi32>
        %add3A_1047 = arith.addi %iota3A, %add3A_1046 : vector<16xi32>
        %gt3A_1048 = arith.cmpf ogt, %add3A_1044, %select_n3A_954 : vector<16xf32>
        %select_n3A_1049 = arith.select %gt3A_1048, %add3A_1047, %select_n3A_953 : vector<16xi1>, vector<16xi32>
        %select_n3A_1050 = arith.select %gt3A_1048, %add3A_1044, %select_n3A_954 : vector<16xi1>, vector<16xf32>
        %get3A_1051 = arith.index_cast %scan3A_431 : i32 to index
        %get3A_1052 = arith.constant 816 : index
        %get3A_1053 = tpu.vector_load %arg5[%get3A_1051, %get3A_1052] {strides = array<i32>} : memref<35x1024xf32, #tpu.memory_space<vmem>>, vector<16xf32>,
        %get3A_1054 = arith.constant 816 : index
        %get3A_1055 = tpu.vector_load %arg7[%get3A_1054] {strides = array<i32>} : memref<1024xf32, #tpu.memory_space<vmem>>, vector<16xf32>,
        %add3A_1056 = arith.addf %get3A_1053, %get3A_1055 : vector<16xf32>
        %add3A_1057 = arith.constant 816 : i32
        %add3A_1058 = vector.broadcast %add3A_1057 : i32 to vector<16xi32>
        %add3A_1059 = arith.addi %iota3A, %add3A_1058 : vector<16xi32>
        %gt3A_1060 = arith.cmpf ogt, %add3A_1056, %select_n3A_966 : vector<16xf32>
        %select_n3A_1061 = arith.select %gt3A_1060, %add3A_1059, %select_n3A_965 : vector<16xi1>, vector<16xi32>
        %select_n3A_1062 = arith.select %gt3A_1060, %add3A_1056, %select_n3A_966 : vector<16xi1>, vector<16xf32>
        %get3A_1063 = arith.index_cast %scan3A_431 : i32 to index
        %get3A_1064 = arith.constant 832 : index
        %get3A_1065 = tpu.vector_load %arg5[%get3A_1063, %get3A_1064] {strides = array<i32>} : memref<35x1024xf32, #tpu.memory_space<vmem>>, vector<16xf32>,
        %get3A_1066 = arith.constant 832 : index
        %get3A_1067 = tpu.vector_load %arg7[%get3A_1066] {strides = array<i32>} : memref<1024xf32, #tpu.memory_space<vmem>>, vector<16xf32>,
        %add3A_1068 = arith.addf %get3A_1065, %get3A_1067 : vector<16xf32>
        %add3A_1069 = arith.constant 832 : i32
        %add3A_1070 = vector.broadcast %add3A_1069 : i32 to vector<16xi32>
        %add3A_1071 = arith.addi %iota3A, %add3A_1070 : vector<16xi32>
        %gt3A_1072 = arith.cmpf ogt, %add3A_1068, %select_n3A_978 : vector<16xf32>
        %select_n3A_1073 = arith.select %gt3A_1072, %add3A_1071, %select_n3A_977 : vector<16xi1>, vector<16xi32>
        %select_n3A_1074 = arith.select %gt3A_1072, %add3A_1068, %select_n3A_978 : vector<16xi1>, vector<16xf32>
        %get3A_1075 = arith.index_cast %scan3A_431 : i32 to index
        %get3A_1076 = arith.constant 848 : index
        %get3A_1077 = tpu.vector_load %arg5[%get3A_1075, %get3A_1076] {strides = array<i32>} : memref<35x1024xf32, #tpu.memory_space<vmem>>, vector<16xf32>,
        %get3A_1078 = arith.constant 848 : index
        %get3A_1079 = tpu.vector_load %arg7[%get3A_1078] {strides = array<i32>} : memref<1024xf32, #tpu.memory_space<vmem>>, vector<16xf32>,
        %add3A_1080 = arith.addf %get3A_1077, %get3A_1079 : vector<16xf32>
        %add3A_1081 = arith.constant 848 : i32
        %add3A_1082 = vector.broadcast %add3A_1081 : i32 to vector<16xi32>
        %add3A_1083 = arith.addi %iota3A, %add3A_1082 : vector<16xi32>
        %gt3A_1084 = arith.cmpf ogt, %add3A_1080, %select_n3A_990 : vector<16xf32>
        %select_n3A_1085 = arith.select %gt3A_1084, %add3A_1083, %select_n3A_989 : vector<16xi1>, vector<16xi32>
        %select_n3A_1086 = arith.select %gt3A_1084, %add3A_1080, %select_n3A_990 : vector<16xi1>, vector<16xf32>
        %get3A_1087 = arith.index_cast %scan3A_431 : i32 to index
        %get3A_1088 = arith.constant 864 : index
        %get3A_1089 = tpu.vector_load %arg5[%get3A_1087, %get3A_1088] {strides = array<i32>} : memref<35x1024xf32, #tpu.memory_space<vmem>>, vector<16xf32>,
        %get3A_1090 = arith.constant 864 : index
        %get3A_1091 = tpu.vector_load %arg7[%get3A_1090] {strides = array<i32>} : memref<1024xf32, #tpu.memory_space<vmem>>, vector<16xf32>,
        %add3A_1092 = arith.addf %get3A_1089, %get3A_1091 : vector<16xf32>
        %add3A_1093 = arith.constant 864 : i32
        %add3A_1094 = vector.broadcast %add3A_1093 : i32 to vector<16xi32>
        %add3A_1095 = arith.addi %iota3A, %add3A_1094 : vector<16xi32>
        %gt3A_1096 = arith.cmpf ogt, %add3A_1092, %select_n3A_1002 : vector<16xf32>
        %select_n3A_1097 = arith.select %gt3A_1096, %add3A_1095, %select_n3A_1001 : vector<16xi1>, vector<16xi32>
        %select_n3A_1098 = arith.select %gt3A_1096, %add3A_1092, %select_n3A_1002 : vector<16xi1>, vector<16xf32>
        %get3A_1099 = arith.index_cast %scan3A_431 : i32 to index
        %get3A_1100 = arith.constant 880 : index
        %get3A_1101 = tpu.vector_load %arg5[%get3A_1099, %get3A_1100] {strides = array<i32>} : memref<35x1024xf32, #tpu.memory_space<vmem>>, vector<16xf32>,
        %get3A_1102 = arith.constant 880 : index
        %get3A_1103 = tpu.vector_load %arg7[%get3A_1102] {strides = array<i32>} : memref<1024xf32, #tpu.memory_space<vmem>>, vector<16xf32>,
        %add3A_1104 = arith.addf %get3A_1101, %get3A_1103 : vector<16xf32>
        %add3A_1105 = arith.constant 880 : i32
        %add3A_1106 = vector.broadcast %add3A_1105 : i32 to vector<16xi32>
        %add3A_1107 = arith.addi %iota3A, %add3A_1106 : vector<16xi32>
        %gt3A_1108 = arith.cmpf ogt, %add3A_1104, %select_n3A_1014 : vector<16xf32>
        %select_n3A_1109 = arith.select %gt3A_1108, %add3A_1107, %select_n3A_1013 : vector<16xi1>, vector<16xi32>
        %select_n3A_1110 = arith.select %gt3A_1108, %add3A_1104, %select_n3A_1014 : vector<16xi1>, vector<16xf32>
        %get3A_1111 = arith.index_cast %scan3A_431 : i32 to index
        %get3A_1112 = arith.constant 896 : index
        %get3A_1113 = tpu.vector_load %arg5[%get3A_1111, %get3A_1112] {strides = array<i32>} : memref<35x1024xf32, #tpu.memory_space<vmem>>, vector<16xf32>,
        %get3A_1114 = arith.constant 896 : index
        %get3A_1115 = tpu.vector_load %arg7[%get3A_1114] {strides = array<i32>} : memref<1024xf32, #tpu.memory_space<vmem>>, vector<16xf32>,
        %add3A_1116 = arith.addf %get3A_1113, %get3A_1115 : vector<16xf32>
        %add3A_1117 = arith.constant 896 : i32
        %add3A_1118 = vector.broadcast %add3A_1117 : i32 to vector<16xi32>
        %add3A_1119 = arith.addi %iota3A, %add3A_1118 : vector<16xi32>
        %gt3A_1120 = arith.cmpf ogt, %add3A_1116, %select_n3A_1026 : vector<16xf32>
        %select_n3A_1121 = arith.select %gt3A_1120, %add3A_1119, %select_n3A_1025 : vector<16xi1>, vector<16xi32>
        %select_n3A_1122 = arith.select %gt3A_1120, %add3A_1116, %select_n3A_1026 : vector<16xi1>, vector<16xf32>
        %get3A_1123 = arith.index_cast %scan3A_431 : i32 to index
        %get3A_1124 = arith.constant 912 : index
        %get3A_1125 = tpu.vector_load %arg5[%get3A_1123, %get3A_1124] {strides = array<i32>} : memref<35x1024xf32, #tpu.memory_space<vmem>>, vector<16xf32>,
        %get3A_1126 = arith.constant 912 : index
        %get3A_1127 = tpu.vector_load %arg7[%get3A_1126] {strides = array<i32>} : memref<1024xf32, #tpu.memory_space<vmem>>, vector<16xf32>,
        %add3A_1128 = arith.addf %get3A_1125, %get3A_1127 : vector<16xf32>
        %add3A_1129 = arith.constant 912 : i32
        %add3A_1130 = vector.broadcast %add3A_1129 : i32 to vector<16xi32>
        %add3A_1131 = arith.addi %iota3A, %add3A_1130 : vector<16xi32>
        %gt3A_1132 = arith.cmpf ogt, %add3A_1128, %select_n3A_1038 : vector<16xf32>
        %select_n3A_1133 = arith.select %gt3A_1132, %add3A_1131, %select_n3A_1037 : vector<16xi1>, vector<16xi32>
        %select_n3A_1134 = arith.select %gt3A_1132, %add3A_1128, %select_n3A_1038 : vector<16xi1>, vector<16xf32>
        %get3A_1135 = arith.index_cast %scan3A_431 : i32 to index
        %get3A_1136 = arith.constant 928 : index
        %get3A_1137 = tpu.vector_load %arg5[%get3A_1135, %get3A_1136] {strides = array<i32>} : memref<35x1024xf32, #tpu.memory_space<vmem>>, vector<16xf32>,
        %get3A_1138 = arith.constant 928 : index
        %get3A_1139 = tpu.vector_load %arg7[%get3A_1138] {strides = array<i32>} : memref<1024xf32, #tpu.memory_space<vmem>>, vector<16xf32>,
        %add3A_1140 = arith.addf %get3A_1137, %get3A_1139 : vector<16xf32>
        %add3A_1141 = arith.constant 928 : i32
        %add3A_1142 = vector.broadcast %add3A_1141 : i32 to vector<16xi32>
        %add3A_1143 = arith.addi %iota3A, %add3A_1142 : vector<16xi32>
        %gt3A_1144 = arith.cmpf ogt, %add3A_1140, %select_n3A_1050 : vector<16xf32>
        %select_n3A_1145 = arith.select %gt3A_1144, %add3A_1143, %select_n3A_1049 : vector<16xi1>, vector<16xi32>
        %select_n3A_1146 = arith.select %gt3A_1144, %add3A_1140, %select_n3A_1050 : vector<16xi1>, vector<16xf32>
        %get3A_1147 = arith.index_cast %scan3A_431 : i32 to index
        %get3A_1148 = arith.constant 944 : index
        %get3A_1149 = tpu.vector_load %arg5[%get3A_1147, %get3A_1148] {strides = array<i32>} : memref<35x1024xf32, #tpu.memory_space<vmem>>, vector<16xf32>,
        %get3A_1150 = arith.constant 944 : index
        %get3A_1151 = tpu.vector_load %arg7[%get3A_1150] {strides = array<i32>} : memref<1024xf32, #tpu.memory_space<vmem>>, vector<16xf32>,
        %add3A_1152 = arith.addf %get3A_1149, %get3A_1151 : vector<16xf32>
        %add3A_1153 = arith.constant 944 : i32
        %add3A_1154 = vector.broadcast %add3A_1153 : i32 to vector<16xi32>
        %add3A_1155 = arith.addi %iota3A, %add3A_1154 : vector<16xi32>
        %gt3A_1156 = arith.cmpf ogt, %add3A_1152, %select_n3A_1062 : vector<16xf32>
        %select_n3A_1157 = arith.select %gt3A_1156, %add3A_1155, %select_n3A_1061 : vector<16xi1>, vector<16xi32>
        %select_n3A_1158 = arith.select %gt3A_1156, %add3A_1152, %select_n3A_1062 : vector<16xi1>, vector<16xf32>
        %get3A_1159 = arith.index_cast %scan3A_431 : i32 to index
        %get3A_1160 = arith.constant 960 : index
        %get3A_1161 = tpu.vector_load %arg5[%get3A_1159, %get3A_1160] {strides = array<i32>} : memref<35x1024xf32, #tpu.memory_space<vmem>>, vector<16xf32>,
        %get3A_1162 = arith.constant 960 : index
        %get3A_1163 = tpu.vector_load %arg7[%get3A_1162] {strides = array<i32>} : memref<1024xf32, #tpu.memory_space<vmem>>, vector<16xf32>,
        %add3A_1164 = arith.addf %get3A_1161, %get3A_1163 : vector<16xf32>
        %add3A_1165 = arith.constant 960 : i32
        %add3A_1166 = vector.broadcast %add3A_1165 : i32 to vector<16xi32>
        %add3A_1167 = arith.addi %iota3A, %add3A_1166 : vector<16xi32>
        %gt3A_1168 = arith.cmpf ogt, %add3A_1164, %select_n3A_1074 : vector<16xf32>
        %select_n3A_1169 = arith.select %gt3A_1168, %add3A_1167, %select_n3A_1073 : vector<16xi1>, vector<16xi32>
        %select_n3A_1170 = arith.select %gt3A_1168, %add3A_1164, %select_n3A_1074 : vector<16xi1>, vector<16xf32>
        %get3A_1171 = arith.index_cast %scan3A_431 : i32 to index
        %get3A_1172 = arith.constant 976 : index
        %get3A_1173 = tpu.vector_load %arg5[%get3A_1171, %get3A_1172] {strides = array<i32>} : memref<35x1024xf32, #tpu.memory_space<vmem>>, vector<16xf32>,
        %get3A_1174 = arith.constant 976 : index
        %get3A_1175 = tpu.vector_load %arg7[%get3A_1174] {strides = array<i32>} : memref<1024xf32, #tpu.memory_space<vmem>>, vector<16xf32>,
        %add3A_1176 = arith.addf %get3A_1173, %get3A_1175 : vector<16xf32>
        %add3A_1177 = arith.constant 976 : i32
        %add3A_1178 = vector.broadcast %add3A_1177 : i32 to vector<16xi32>
        %add3A_1179 = arith.addi %iota3A, %add3A_1178 : vector<16xi32>
        %gt3A_1180 = arith.cmpf ogt, %add3A_1176, %select_n3A_1086 : vector<16xf32>
        %select_n3A_1181 = arith.select %gt3A_1180, %add3A_1179, %select_n3A_1085 : vector<16xi1>, vector<16xi32>
        %select_n3A_1182 = arith.select %gt3A_1180, %add3A_1176, %select_n3A_1086 : vector<16xi1>, vector<16xf32>
        %get3A_1183 = arith.index_cast %scan3A_431 : i32 to index
        %get3A_1184 = arith.constant 992 : index
        %get3A_1185 = tpu.vector_load %arg5[%get3A_1183, %get3A_1184] {strides = array<i32>} : memref<35x1024xf32, #tpu.memory_space<vmem>>, vector<16xf32>,
        %get3A_1186 = arith.constant 992 : index
        %get3A_1187 = tpu.vector_load %arg7[%get3A_1186] {strides = array<i32>} : memref<1024xf32, #tpu.memory_space<vmem>>, vector<16xf32>,
        %add3A_1188 = arith.addf %get3A_1185, %get3A_1187 : vector<16xf32>
        %add3A_1189 = arith.constant 992 : i32
        %add3A_1190 = vector.broadcast %add3A_1189 : i32 to vector<16xi32>
        %add3A_1191 = arith.addi %iota3A, %add3A_1190 : vector<16xi32>
        %gt3A_1192 = arith.cmpf ogt, %add3A_1188, %select_n3A_1098 : vector<16xf32>
        %select_n3A_1193 = arith.select %gt3A_1192, %add3A_1191, %select_n3A_1097 : vector<16xi1>, vector<16xi32>
        %select_n3A_1194 = arith.select %gt3A_1192, %add3A_1188, %select_n3A_1098 : vector<16xi1>, vector<16xf32>
        %get3A_1195 = arith.index_cast %scan3A_431 : i32 to index
        %get3A_1196 = arith.constant 1008 : index
        %get3A_1197 = tpu.vector_load %arg5[%get3A_1195, %get3A_1196] {strides = array<i32>} : memref<35x1024xf32, #tpu.memory_space<vmem>>, vector<16xf32>,
        %get3A_1198 = arith.constant 1008 : index
        %get3A_1199 = tpu.vector_load %arg7[%get3A_1198] {strides = array<i32>} : memref<1024xf32, #tpu.memory_space<vmem>>, vector<16xf32>,
        %add3A_1200 = arith.addf %get3A_1197, %get3A_1199 : vector<16xf32>
        %add3A_1201 = arith.constant 1008 : i32
        %add3A_1202 = vector.broadcast %add3A_1201 : i32 to vector<16xi32>
        %add3A_1203 = arith.addi %iota3A, %add3A_1202 : vector<16xi32>
        %gt3A_1204 = arith.cmpf ogt, %add3A_1200, %select_n3A_1110 : vector<16xf32>
        %select_n3A_1205 = arith.select %gt3A_1204, %add3A_1203, %select_n3A_1109 : vector<16xi1>, vector<16xi32>
        %select_n3A_1206 = arith.select %gt3A_1204, %add3A_1200, %select_n3A_1110 : vector<16xi1>, vector<16xf32>
        %gt3A_1207 = arith.cmpf ogt, %select_n3A_1134, %select_n3A_1122 : vector<16xf32>
        %eq3A_1208 = arith.cmpf oeq, %select_n3A_1134, %select_n3A_1122 : vector<16xf32>
        %lt3A_1209 = arith.cmpi slt, %select_n3A_1133, %select_n3A_1121 : vector<16xi32>
        %and3A = arith.andi %eq3A_1208, %lt3A_1209 : vector<16xi1>
        %or3A = arith.ori %gt3A_1207, %and3A : vector<16xi1>
        %select_n3A_1210 = arith.select %or3A, %select_n3A_1134, %select_n3A_1122 : vector<16xi1>, vector<16xf32>
        %select_n3A_1211 = arith.select %or3A, %select_n3A_1133, %select_n3A_1121 : vector<16xi1>, vector<16xi32>
        %gt3A_1212 = arith.cmpf ogt, %select_n3A_1158, %select_n3A_1146 : vector<16xf32>
        %eq3A_1213 = arith.cmpf oeq, %select_n3A_1158, %select_n3A_1146 : vector<16xf32>
        %lt3A_1214 = arith.cmpi slt, %select_n3A_1157, %select_n3A_1145 : vector<16xi32>
        %and3A_1215 = arith.andi %eq3A_1213, %lt3A_1214 : vector<16xi1>
        %or3A_1216 = arith.ori %gt3A_1212, %and3A_1215 : vector<16xi1>
        %select_n3A_1217 = arith.select %or3A_1216, %select_n3A_1158, %select_n3A_1146 : vector<16xi1>, vector<16xf32>
        %select_n3A_1218 = arith.select %or3A_1216, %select_n3A_1157, %select_n3A_1145 : vector<16xi1>, vector<16xi32>
        %gt3A_1219 = arith.cmpf ogt, %select_n3A_1182, %select_n3A_1170 : vector<16xf32>
        %eq3A_1220 = arith.cmpf oeq, %select_n3A_1182, %select_n3A_1170 : vector<16xf32>
        %lt3A_1221 = arith.cmpi slt, %select_n3A_1181, %select_n3A_1169 : vector<16xi32>
        %and3A_1222 = arith.andi %eq3A_1220, %lt3A_1221 : vector<16xi1>
        %or3A_1223 = arith.ori %gt3A_1219, %and3A_1222 : vector<16xi1>
        %select_n3A_1224 = arith.select %or3A_1223, %select_n3A_1182, %select_n3A_1170 : vector<16xi1>, vector<16xf32>
        %select_n3A_1225 = arith.select %or3A_1223, %select_n3A_1181, %select_n3A_1169 : vector<16xi1>, vector<16xi32>
        %gt3A_1226 = arith.cmpf ogt, %select_n3A_1206, %select_n3A_1194 : vector<16xf32>
        %eq3A_1227 = arith.cmpf oeq, %select_n3A_1206, %select_n3A_1194 : vector<16xf32>
        %lt3A_1228 = arith.cmpi slt, %select_n3A_1205, %select_n3A_1193 : vector<16xi32>
        %and3A_1229 = arith.andi %eq3A_1227, %lt3A_1228 : vector<16xi1>
        %or3A_1230 = arith.ori %gt3A_1226, %and3A_1229 : vector<16xi1>
        %select_n3A_1231 = arith.select %or3A_1230, %select_n3A_1206, %select_n3A_1194 : vector<16xi1>, vector<16xf32>
        %select_n3A_1232 = arith.select %or3A_1230, %select_n3A_1205, %select_n3A_1193 : vector<16xi1>, vector<16xi32>
        %gt3A_1233 = arith.cmpf ogt, %select_n3A_1217, %select_n3A_1210 : vector<16xf32>
        %eq3A_1234 = arith.cmpf oeq, %select_n3A_1217, %select_n3A_1210 : vector<16xf32>
        %lt3A_1235 = arith.cmpi slt, %select_n3A_1218, %select_n3A_1211 : vector<16xi32>
        %and3A_1236 = arith.andi %eq3A_1234, %lt3A_1235 : vector<16xi1>
        %or3A_1237 = arith.ori %gt3A_1233, %and3A_1236 : vector<16xi1>
        %select_n3A_1238 = arith.select %or3A_1237, %select_n3A_1217, %select_n3A_1210 : vector<16xi1>, vector<16xf32>
        %select_n3A_1239 = arith.select %or3A_1237, %select_n3A_1218, %select_n3A_1211 : vector<16xi1>, vector<16xi32>
        %gt3A_1240 = arith.cmpf ogt, %select_n3A_1231, %select_n3A_1224 : vector<16xf32>
        %eq3A_1241 = arith.cmpf oeq, %select_n3A_1231, %select_n3A_1224 : vector<16xf32>
        %lt3A_1242 = arith.cmpi slt, %select_n3A_1232, %select_n3A_1225 : vector<16xi32>
        %and3A_1243 = arith.andi %eq3A_1241, %lt3A_1242 : vector<16xi1>
        %or3A_1244 = arith.ori %gt3A_1240, %and3A_1243 : vector<16xi1>
        %select_n3A_1245 = arith.select %or3A_1244, %select_n3A_1231, %select_n3A_1224 : vector<16xi1>, vector<16xf32>
        %select_n3A_1246 = arith.select %or3A_1244, %select_n3A_1232, %select_n3A_1225 : vector<16xi1>, vector<16xi32>
        %gt3A_1247 = arith.cmpf ogt, %select_n3A_1245, %select_n3A_1238 : vector<16xf32>
        %eq3A_1248 = arith.cmpf oeq, %select_n3A_1245, %select_n3A_1238 : vector<16xf32>
        %lt3A_1249 = arith.cmpi slt, %select_n3A_1246, %select_n3A_1239 : vector<16xi32>
        %and3A_1250 = arith.andi %eq3A_1248, %lt3A_1249 : vector<16xi1>
        %or3A_1251 = arith.ori %gt3A_1247, %and3A_1250 : vector<16xi1>
        %select_n3A_1252 = arith.select %or3A_1251, %select_n3A_1245, %select_n3A_1238 : vector<16xi1>, vector<16xf32>
        %select_n3A_1253 = arith.select %or3A_1251, %select_n3A_1246, %select_n3A_1239 : vector<16xi1>, vector<16xi32>
        %reduce_max3A = arith.constant true
        %reduce_max3A_1254 = vector.broadcast %reduce_max3A : i1 to vector<16xi1>
        %reduce_max3A_1255 = tpu.scan <max>, %select_n3A_1252 masked %reduce_max3A_1254 : vector<16xf32>, vector<16xi1> -> vector<16xf32>
        %reduce_max3A_1256 = vector.extract %reduce_max3A_1255[15] : f32 from vector<16xf32>
        %eq3A_1257 = vector.broadcast %reduce_max3A_1256 : f32 to vector<16xf32>
        %eq3A_1258 = arith.cmpf oeq, %select_n3A_1252, %eq3A_1257 : vector<16xf32>
        %jit3A_1259 = arith.constant 1073741824 : i32
        %broadcast_in_dim3A_1260 = vector.broadcast %jit3A_1259 : i32 to vector<16xi32>
        %select_n3A_1261 = arith.select %eq3A_1258, %select_n3A_1253, %broadcast_in_dim3A_1260 : vector<16xi1>, vector<16xi32>
        %reduce_min3A = arith.constant true
        %reduce_min3A_1262 = vector.broadcast %reduce_min3A : i1 to vector<16xi1>
        %reduce_min3A_1263 = arith.constant -2147483648 : i32
        %reduce_min3A_1264 = vector.broadcast %reduce_min3A_1263 : i32 to vector<16xi32>
        %reduce_min3A_1265 = arith.xori %select_n3A_1261, %reduce_min3A_1264 : vector<16xi32>
        %reduce_min3A_1266 = tpu.scan <min>, %reduce_min3A_1265 masked %reduce_min3A_1262 : vector<16xi32>, vector<16xi1> -> vector<16xi32>
        %reduce_min3A_1267 = arith.xori %reduce_min3A_1266, %reduce_min3A_1264 : vector<16xi32>
        %reduce_min3A_1268 = vector.extract %reduce_min3A_1267[15] : i32 from vector<16xi32>
        %broadcast_in_dim3A_1269 = vector.broadcast %add3A_437 : i32 to vector<16xi32>
        %broadcast_in_dim3A_1270 = vector.broadcast %reduce_min3A_1268 : i32 to vector<16xi32>
        tpu.vector_store_idx %arg8[%broadcast_in_dim3A_1269], %broadcast_in_dim3A_1270 masked %eq3A_4 : memref<2048xi32, #tpu.memory_space<vmem>>[vector<16xi32>], vector<16xi32>, vector<16xi1>
        %broadcast_in_dim3A_1271 = vector.broadcast %reduce_min3A_1268 : i32 to vector<16xi32>
        %broadcast_in_dim3A_1272 = arith.constant -1.000000e+09 : f32
        %broadcast_in_dim3A_1273 = vector.broadcast %broadcast_in_dim3A_1272 : f32 to vector<16xf32>
        %ne3A = arith.constant 0 : i32
        %ne3A_1274 = arith.cmpi ne, %reduce_min3A_1268, %ne3A : i32
        %and3A_1275 = vector.broadcast %ne3A_1274 : i1 to vector<16xi1>
        %and3A_1276 = arith.andi %eq3A_4, %and3A_1275 : vector<16xi1>
        tpu.vector_store_idx %arg7[%broadcast_in_dim3A_1271], %broadcast_in_dim3A_1273 masked %and3A_1276 : memref<1024xf32, #tpu.memory_space<vmem>>[vector<16xi32>], vector<16xf32>, vector<16xi1>
        %add3A_1277 = arith.addf %scan3A_432, %reduce_max3A_1256 : f32
        scf.yield %add3A_1277 : f32
      }
      %scan3A_425 = arith.constant 35 : i32
      %broadcast_in_dim3A_426 = arith.constant 0.000000e+00 : f32
      %broadcast_in_dim3A_427 = vector.broadcast %broadcast_in_dim3A_426 : f32 to vector<16xf32>
      %sub3A = vector.broadcast %scan3A_424 : f32 to vector<16xf32>
      %sub3A_428 = arith.subf %broadcast_in_dim3A_427, %sub3A : vector<16xf32>
      %swap3A_429 = arith.constant 0 : index
      %swap3A_430 = tpu.vector_load %arg9[%swap3A_429] {strides = array<i32>} : memref<16xf32, #tpu.memory_space<vmem>>, vector<16xf32>,
      tpu.vector_store %arg9[%swap3A_429], %sub3A_428 {strides = array<i32>} : memref<16xf32, #tpu.memory_space<vmem>>, vector<16xf32>,
      "tpu.region"() ({
        %run_scoped3A = tpu.sem_alloc : memref<!tpu.dma_semaphore, #tpu.memory_space<semaphore_mem>>
        %dma_start3A_431 = arith.constant 0 : i32
        %dma_start3A_432 = tpu.memref_slice %arg3[%add3A, %dma_start3A_431] : memref<16x2048xi32, #tpu.memory_space<hbm>> -> memref<1x2048xi32, #tpu.memory_space<hbm>>
        %dma_start3A_433 = tpu.memref_squeeze %dma_start3A_432 : memref<1x2048xi32, #tpu.memory_space<hbm>> -> memref<2048xi32, #tpu.memory_space<hbm>>
        %dma_start3A_434 = arith.constant 0 : i32
        %dma_start3A_435 = tpu.memref_slice %arg3[%add3A, %dma_start3A_434] : memref<16x2048xi32, #tpu.memory_space<hbm>> -> memref<1x2048xi32, #tpu.memory_space<hbm>>
        %dma_start3A_436 = tpu.memref_squeeze %dma_start3A_435 : memref<1x2048xi32, #tpu.memory_space<hbm>> -> memref<2048xi32, #tpu.memory_space<hbm>>
        tpu.enqueue_dma source(%arg8 : memref<2048xi32, #tpu.memory_space<vmem>>) target(%dma_start3A_436 : memref<2048xi32, #tpu.memory_space<hbm>>) target_semaphore(%run_scoped3A : memref<!tpu.dma_semaphore, #tpu.memory_space<semaphore_mem>>)
        %dma_wait3A_437 = arith.constant 0 : i32
        %dma_wait3A_438 = tpu.memref_slice %arg3[%add3A, %dma_wait3A_437] : memref<16x2048xi32, #tpu.memory_space<hbm>> -> memref<1x2048xi32, #tpu.memory_space<hbm>>
        %dma_wait3A_439 = tpu.memref_squeeze %dma_wait3A_438 : memref<1x2048xi32, #tpu.memory_space<hbm>> -> memref<2048xi32, #tpu.memory_space<hbm>>
        %dma_wait3A_440 = arith.constant 0 : i32
        %dma_wait3A_441 = tpu.memref_slice %arg3[%add3A, %dma_wait3A_440] : memref<16x2048xi32, #tpu.memory_space<hbm>> -> memref<1x2048xi32, #tpu.memory_space<hbm>>
        %dma_wait3A_442 = tpu.memref_squeeze %dma_wait3A_441 : memref<1x2048xi32, #tpu.memory_space<hbm>> -> memref<2048xi32, #tpu.memory_space<hbm>>
        tpu.wait_dma2 semaphore(%run_scoped3A : memref<!tpu.dma_semaphore, #tpu.memory_space<semaphore_mem>>) src(%arg8 : memref<2048xi32, #tpu.memory_space<vmem>>) dst(%dma_wait3A_442 : memref<2048xi32, #tpu.memory_space<hbm>>)
        tpu.yield
      }) : () -> ()
      "tpu.region"() ({
        %run_scoped3A = tpu.sem_alloc : memref<!tpu.dma_semaphore, #tpu.memory_space<semaphore_mem>>
        %dma_start3A_431 = arith.constant 0 : i32
        %dma_start3A_432 = tpu.memref_slice %arg4[%add3A, %dma_start3A_431] : memref<16x16xf32, #tpu.memory_space<hbm>> -> memref<1x16xf32, #tpu.memory_space<hbm>>
        %dma_start3A_433 = tpu.memref_squeeze %dma_start3A_432 : memref<1x16xf32, #tpu.memory_space<hbm>> -> memref<16xf32, #tpu.memory_space<hbm>>
        %dma_start3A_434 = arith.constant 0 : i32
        %dma_start3A_435 = tpu.memref_slice %arg4[%add3A, %dma_start3A_434] : memref<16x16xf32, #tpu.memory_space<hbm>> -> memref<1x16xf32, #tpu.memory_space<hbm>>
        %dma_start3A_436 = tpu.memref_squeeze %dma_start3A_435 : memref<1x16xf32, #tpu.memory_space<hbm>> -> memref<16xf32, #tpu.memory_space<hbm>>
        tpu.enqueue_dma source(%arg9 : memref<16xf32, #tpu.memory_space<vmem>>) target(%dma_start3A_436 : memref<16xf32, #tpu.memory_space<hbm>>) target_semaphore(%run_scoped3A : memref<!tpu.dma_semaphore, #tpu.memory_space<semaphore_mem>>)
        %dma_wait3A_437 = arith.constant 0 : i32
        %dma_wait3A_438 = tpu.memref_slice %arg4[%add3A, %dma_wait3A_437] : memref<16x16xf32, #tpu.memory_space<hbm>> -> memref<1x16xf32, #tpu.memory_space<hbm>>
        %dma_wait3A_439 = tpu.memref_squeeze %dma_wait3A_438 : memref<1x16xf32, #tpu.memory_space<hbm>> -> memref<16xf32, #tpu.memory_space<hbm>>
        %dma_wait3A_440 = arith.constant 0 : i32
        %dma_wait3A_441 = tpu.memref_slice %arg4[%add3A, %dma_wait3A_440] : memref<16x16xf32, #tpu.memory_space<hbm>> -> memref<1x16xf32, #tpu.memory_space<hbm>>
        %dma_wait3A_442 = tpu.memref_squeeze %dma_wait3A_441 : memref<1x16xf32, #tpu.memory_space<hbm>> -> memref<16xf32, #tpu.memory_space<hbm>>
        tpu.wait_dma2 semaphore(%run_scoped3A : memref<!tpu.dma_semaphore, #tpu.memory_space<semaphore_mem>>) src(%arg9 : memref<16xf32, #tpu.memory_space<vmem>>) dst(%dma_wait3A_442 : memref<16xf32, #tpu.memory_space<hbm>>)
        tpu.yield
      }) : () -> ()
    } else {
    }
    return
  }
}

</mosaic_0001>

<sc_bundles>
// kernel: kernel.3.cloned.1.call-start
scs
__scs_entry_jumppad:
0x0: {  	(pc) =	sbr.rel $0x88, $3  }
0x1: {  	(tag) =	ssettag $0x0;
	lr =	simm.s32 $0x1  }
0x2: {  	[smem:$0x3FA0] =	sst lr;
	_ =	strace $0xD0000000  }
0x3: {  	_ = 	snop  }
0x4: {  	_ = 	snop  }
0x5: {  	_ = 	snop  }
0x6: {  	_ = 	snop  }
0x7: {  	_ = 	snop  }
__scs_overlays_trampoline_lowered:
0x8: {  	[smem:$0x3FAF] =	sst s0  }
0x9: {  	[smem:$0x3FB0] =	sst s1  }
0xa: {  	[smem:$0x3FB1] =	sst s2  }
0xb: {  	[smem:$0x3FB2] =	sst s3  }
0xc: {  	[smem:$0x3FB3] =	sst s4  }
0xd: {  	[smem:$0x3FB4] =	sst s5  }
0xe: {  	[smem:$0x3FB5] =	sst s6  }
0xf: {  	[smem:$0x3FB6] =	sst s7  }
0x10: {  	[smem:$0x3FB7] =	sst s8  }
0x11: {  	[smem:$0x3FB8] =	sst s9;
	s0 =	simm.s32 @!p0 $0x0  }
0x12: {  	s1 =	sld [smem:$0x3F9E];
	s0 =	simm.s32 @p0 $0x1  }
0x13: {  	[smem:$0x3FB9] =	sst s0;
	s0 =	simm.s32 @!p1 $0x0  }
0x14: {  	s2 =	sld [smem:$0x3F9D];
	s0 =	simm.s32 @p1 $0x1  }
0x15: {  	[smem:$0x3FBA] =	sst s0;
	s0 =	simm.s32 @!p2 $0x0  }
0x16: {  	s3 =	sld [smem:$0x3FDB];
	s0 =	simm.s32 @p2 $0x1  }
0x17: {  	s4 =	simm.s32 $0x1BF5;
	[smem:$0x3FBC] =	sst s0  }
0x18: {  	s0 =	sld [smem:$0x3F9F];
	_ =	swait.ge [sflag:s4], $0x0  }
0x19: {  	s7 =	sld [smem:$0x3FA0]  }
0x1a: {  	s8 =	sadd.s32 $0xFFFFE003, lr  }
0x1b: {  	s9 =	sadd.s32 $0xFFFFFEF7, lr;
	s5 =	simm.s32 $0xFFFFFFFF;
	p2 =	slt.u32 s8, $0xFFFFF086  }
0x1c: {  	p1 =	slt.u32 s9, $0xF7A;
	s5 =	simm.s32 @!p2 $0x0  }
0x1d: {  	s5 =	simm.s32 @p1 $0x1;
	p0 =	seq.s32 s7, s2  }
0x1e: {  	s7 =	smul.u32 @!p0 $0xF7A, s2;
	p2 =	seq.s32 @!p0 s5, $0x0  }
0x1f: {  	s9 =	smul.u32 $0xF7A, s1;
	s8 =	simm.s32 @!p0 $0x1BF5;
	p2 =	por !p2, p0  }
0x20: {  	[sflag:s8] =	ssyncset.s32 @!p0 $0xFFFFF086;
	s6 =	sadd.s32 @!p0 s3, s7;
	s7 =	simm.s32 @!p0 $0x108  }
0x21: {  	s3 =	sadd.s32 s3, s9;
	s6 =	sadd.s32 @!p0 $0x88, s6;
	s7 =	simm.s32 @p2 $0x1082  }
0x22: {  	[simem:s7], [sflag:s8] =	dma.local @!p0 [hbm:s6], $0xF7A  }
0x23: {  	s9 =	sor.u32 $0xD0000000, s2;
	s6 =	simm.s32 $0x108;
	_ =	swait.ge @!p0 [sflag:s8], $0x0  }
0x24: {  	s3 =	sadd.s32 $0x88, s3;
	s6 =	simm.s32 @!p1 $0x1082;
	[sflag:s4] =	ssyncset.s32 $0xFFFFF086  }
0x25: {  	[simem:s6], [sflag:s4] =	dma.local [hbm:s3], $0xF7A  }
0x26: {  	[smem:$0x3FA0] =	sst s1;
	(tag) =	ssettag s2;
	_ =	strace s9  }
0x27: {  	s1 =	sld [smem:$0x3FB0]  }
0x28: {  	s2 =	sld [smem:$0x3FB1]  }
0x29: {  	s4 =	sld [smem:$0x3FB3]  }
0x2a: {  	p0 =	seq.s32 s5, $0x0;
	s5 =	sld [smem:$0x3FB4]  }
0x2b: {  	s6 =	sld [smem:$0x3FB5]  }
0x2c: {  	s7 =	sld [smem:$0x3FB6]  }
0x2d: {  	s3 =	simm.s32 $0x108;
	s8 =	sld [smem:$0x3FB7]  }
0x2e: {  	s3 =	simm.s32 @!p0 $0x1082;
	s9 =	sld [smem:$0x3FB8]  }
0x2f: {  	lr =	sadd.s32 s0, s3;
	s0 =	sld [smem:$0x3FAF]  }
0x30: {  	s3 =	sld [smem:$0x3FB2]  }
0x31: {  	[smem:$0x3FBB] =	sst s10  }
0x32: {  	s10 =	sld [smem:$0x3FB9];
	_ =	sdelay $0x3  }
0x33: {  	p0 =	seq.s32 s10, $0x1;
	s10 =	sld [smem:$0x3FBB];
	_ =	sdelay $0x3  }
0x34: {  	[smem:$0x3FBB] =	sst s10  }
0x35: {  	s10 =	sld [smem:$0x3FBA];
	_ =	sdelay $0x3  }
0x36: {  	p1 =	seq.s32 s10, $0x1;
	s10 =	sld [smem:$0x3FBB];
	_ =	sdelay $0x3  }
0x37: {  	[smem:$0x3FBB] =	sst s10  }
0x38: {  	s10 =	sld [smem:$0x3FBC]  }
0x39: {  	_ = 	snop;
	(pc) =	sbr.ind lr, $3  }
0x3a: {  	_ = 	snop  }
0x3b: {  	_ = 	snop  }
0x3c: {  	p2 =	seq.s32 s10, $0x1;
	s10 =	sld [smem:$0x3FBB]  }
0x3d: {  	_ =	shalt  }
0x3e: {  	_ =	shalt  }
0x3f: {  	_ =	shalt  }
0x40: {  	_ =	shalt  }
0x41: {  	_ =	shalt  }
0x42: {  	_ =	shalt  }
0x43: {  	_ =	shalt  }
0x44: {  	_ =	shalt  }
0x45: {  	_ =	shalt  }
0x46: {  	_ =	shalt  }
0x47: {  	_ =	shalt  }
0x48: {  	_ =	shalt  }
0x49: {  	_ =	shalt  }
0x4a: {  	_ =	shalt  }
0x4b: {  	_ =	shalt  }
0x4c: {  	_ =	shalt  }
0x4d: {  	_ =	shalt  }
0x4e: {  	_ =	shalt  }
0x4f: {  	_ =	shalt  }
0x50: {  	_ =	shalt  }
0x51: {  	_ =	shalt  }
0x52: {  	_ =	shalt  }
0x53: {  	_ =	shalt  }
0x54: {  	_ =	shalt  }
0x55: {  	_ =	shalt  }
0x56: {  	_ =	shalt  }
0x57: {  	_ =	shalt  }
0x58: {  	_ =	shalt  }
0x59: {  	_ =	shalt  }
0x5a: {  	_ =	shalt  }
0x5b: {  	_ =	shalt  }
0x5c: {  	_ =	shalt  }
0x5d: {  	_ =	shalt  }
0x5e: {  	_ =	shalt  }
0x5f: {  	_ =	shalt  }
0x60: {  	_ =	shalt  }
0x61: {  	_ =	shalt  }
0x62: {  	_ =	shalt  }
0x63: {  	_ =	shalt  }
0x64: {  	_ =	shalt  }
0x65: {  	_ =	shalt  }
0x66: {  	_ =	shalt  }
0x67: {  	_ =	shalt  }
0x68: {  	_ =	shalt  }
0x69: {  	_ =	shalt  }
0x6a: {  	_ =	shalt  }
0x6b: {  	_ =	shalt  }
0x6c: {  	_ =	shalt  }
0x6d: {  	_ =	shalt  }
0x6e: {  	_ =	shalt  }
0x6f: {  	_ =	shalt  }
0x70: {  	_ =	shalt  }
0x71: {  	_ =	shalt  }
0x72: {  	_ =	shalt  }
0x73: {  	_ =	shalt  }
0x74: {  	_ =	shalt  }
0x75: {  	_ =	shalt  }
0x76: {  	_ =	shalt  }
0x77: {  	_ =	shalt  }
0x78: {  	_ =	shalt  }
0x79: {  	_ =	shalt  }
0x7a: {  	_ =	shalt  }
0x7b: {  	_ =	shalt  }
0x7c: {  	_ =	shalt  }
0x7d: {  	_ =	shalt  }
0x7e: {  	_ =	shalt  }
0x7f: {  	_ =	shalt  }
0x80: {  	_ =	shalt  }
0x81: {  	_ =	shalt  }
0x82: {  	_ =	shalt  }
0x83: {  	_ =	shalt  }
0x84: {  	_ =	shalt  }
0x85: {  	_ =	shalt  }
0x86: {  	_ =	shalt  }
0x87: {  	_ =	shalt  }
.Lfunc_end0:
.L_simem_size_0:
called_computation.1_lowered:
.L_overlay_start_0:
0x88: {  	s2 =	sld [smem:$0x3FD9]  }
0x89: {  	s3 =	sld [smem:$0x3FFE];
	_ =	sdelay $0x1  }
0x8a: {  	s1 =	srdreg.scid  }
0x8b: {  	s0 =	sand.u32 $0x1, s1  }
0x8c: {  	s16 =	sshll.u32 s0, $0xA;
	s2 =	sadd.s32 s3, s2  }
0x8d: {  	s2 =	sadd.s32 s2, s16  }
0x8e: {  	[smem:$0x3FC7] =	sst s2  }
0x8f: {  	_ = 	snop  }
0x90: {  	(tm) =	ssettm $0x1  }
0x91: {  	s17 =	sld [smem:$0x3FFB];
	_ =	sdelay $0x3  }
0x92: {  	_ =	strace s17  }
0x93: {  	s2 =	sld [smem:$0x3FFC];
	_ =	sdelay $0x3  }
0x94: {  	_ =	strace s2  }
0x95: {  	s2 =	sld [smem:$0x3FFD];
	_ =	sdelay $0x3  }
0x96: {  	_ =	strace s2  }
0x97: {  	_ =	strace $0x8FFFFFFF  }
0x98: {  	s18 =	sld [smem:$0x3FDB];
	_ =	sdelay $0x1  }
0x99: {  	s19 =	simm.s32 $_scs_section_size  }
0x9a: {  	s4 =	simm.s32 $_size__tile_overlayer_lowered;
	s5 =	simm.s32 $_tile_overlayer_lowered  }
0x9b: {  	s22 =	simm.s32 $0x1BFF;
	s21 =	sshll.u32 s5, $0x1;
	s2 =	sadd.s32 s19, s18  }
0x9c: {  	s6 =	simm.s32 $0x0;
	s20 =	sshll.u32 s4, $0x1;
	s4 =	sadd.s32 s21, s2  }
0x9d: {  	[timem:s6], [sflag:s22] =	dma.local [hbm:s4], s20  }
0x9e: {  	_ =	swait.ge [sflag:s22], s20  }
0x9f: {  	s3 =	ssub.s32 $0x0, s20;
	[sflag:s22] =	ssyncset.done $0x0  }
0xa0: {  	[sflag:s22] =	ssyncadd.s32 s3;
	_ =	sdelay $0x1  }
0xa1: {  	s23 =	simm.s32 $0x1B8B  }
0xa2: {  	_ =	swait.ge [sflag:s23], $0x1  }
0xa3: {  	[sflag:s23] =	ssyncset.done $0x0  }
0xa4: {  	s25 =	simm.s32 $0x1B8E;
	s24 =	sld [smem:$0x3FFE];
	[sflag:s23] =	ssyncadd.s32 $0xFFFFFFFF  }
0xa5: {  	s26 =	simm.s32 $execute0_lowered;
	[smem:$0x3FD2] =	sst s25  }
0xa6: {  	s4 =	sshll.u32 s26, $0x1;
	_ =	strace $0x80000049;
	[dreg:$0x1] =	wrdreg $0xFFFFFFFF  }
0xa7: {  	s28 =	simm.s32 $_size_execute0_lowered;
	s2 =	sadd.s32 s2, s4;
	[dreg:$0x0] =	wrdreg $0x0  }
0xa8: {  	s4 =	sshll.u32 s28, $0x1;
	[dreg:$0x2] =	wrdreg s2  }
0xa9: {  	[dreg:$0x3] =	wrdreg s4  }
0xaa: {  	[dreg:$0x4] =	wrdreg $0xC0  }
0xab: {  	_ =	task [dreg:s6], $0x5FFFF  }
0xac: {  	[dreg:$0x1] =	wrdreg $0xFFFFFFFF  }
0xad: {  	[dreg:$0x0] =	wrdreg $0x60  }
0xae: {  	[dreg:$0x2] =	wrdreg s24  }
0xaf: {  	[dreg:$0x3] =	wrdreg $0x9  }
0xb0: {  	_ =	task.clear_ibuf [dreg:s6], $0x4FFFF;
	_ =	strace $0x90000049  }
0xb1: {  	s29 =	simm.s32 $0x9;
	_ =	strace $0x8000004B  }
0xb2: {  	_ =	swait.ge [sflag:s29], $0x1  }
0xb3: {  	[sflag:s29] =	ssyncadd.s32 $0xFFFFFFFF  }
0xb4: {  	_ =	strace $0x9000004B  }
0xb5: {  	_ =	sfence  }
0xb6: {  	s30 =	sld [smem:$0x0];
	_ =	sdelay $0x2  }
0xb7: {  	s31 =	sshll.u32 s1, $0xD;
	s1 =	sshrl.u32 s1, $0x2  }
0xb8: {  	s3 =	sand.u32 $0x4000, s31;
	s1 =	sadd.s32 s1, s30  }
0xb9: {  	s0 =	sor.u32 s3, s0;
	s1 =	sshll.u32 s1, $0x11  }
0xba: {  	s0 =	sor.u32 s1, s0  }
0xbb: {  	s0 =	sadd.s32 $0x8F2B, s0  }
0xbc: {  	[sflag:s0] =	ssyncadd.remote.s32 $0x1  }
0xbd: {  	_ =	sfence.sel $0xFFFF  }
0xbe: {  	[dreg:$0x0] =	wrdreg $0xFFFFFFFF;
	(pc) =	sbr.abs _section_cstart, $3  }
0xbf: {  	[dreg:$0x1] =	wrdreg $0xFFFFFFFF  }
0xc0: {  	_ =	task.clear_ibuf [dreg:s6], $0x2FFFF;
	_ =	strace $0x9FFFFFFF  }
0xc1: {  	(tm) =	ssettm $0x7FFFFFFF  }
tec
execute0_lowered:
.L_overlay_start_1:
0x0: {  	(tag) =	ssettag $0x1  }
0x1: {  	s1 =	stileid.u32  }
0x2: {  	p0 =	sgt.u32 s1, $0x7  }
.Ltmp0:
0x3: {  	_ = 	snop;
	(pc) =	sbr.rel @p0 .LBB2_12-.Ltmp0, $4  }
0x4: {  	_ = 	snop  }
0x5: {  	s4 =	rddreg [dreg:$0x0];
	s2 =	simm.s32 $0x0  }
0x6: {  	[smem:$0x7FF] =	sst s2  }
0x7: {  	s0 =	rddreg [dreg:$0x1];
	_ =	strace $0x8000004A  }
0x8: {  	v2 =	vlaneseq.u32  }
0x9: {  	v1 =	vor.u32 $0x10, v2  }
0xa: {  	v18 =	vor.u32 $0x20, v2;
	[tilespmem:$0x1FC40] =	vst v1  }
0xb: {  	v19 =	vor.u32 $0x30, v2;
	[tilespmem:$0x1FC50] =	vst v18  }
0xc: {  	v20 =	vor.u32 $0x40, v2;
	[tilespmem:$0x1FC60] =	vst v19  }
0xd: {  	v21 =	vor.u32 $0x50, v2;
	[tilespmem:$0x1FC70] =	vst v20  }
0xe: {  	v22 =	vor.u32 $0x60, v2;
	[tilespmem:$0x1FC80] =	vst v21  }
0xf: {  	v23 =	vor.u32 $0x70, v2;
	[tilespmem:$0x1FC90] =	vst v22  }
0x10: {  	v24 =	vor.u32 $0x80, v2;
	[tilespmem:$0x1FCA0] =	vst v23  }
0x11: {  	v0 =	vor.u32 $0x190, v2;
	[tilespmem:$0x1FCB0] =	vst v24  }
0x12: {  	v25 =	vor.u32 $0x1D0, v2;
	[tilespmem:$0x1FCC0] =	vst v0  }
0x13: {  	v26 =	vor.u32 $0x230, v2;
	[tilespmem:$0x1FCD0] =	vst v25  }
0x14: {  	v27 =	vor.u32 $0x280, v2;
	[tilespmem:$0x1FCE0] =	vst v26  }
0x15: {  	v28 =	vor.u32 $0x290, v2;
	[tilespmem:$0x1FCF0] =	vst v27  }
0x16: {  	v29 =	vor.u32 $0x300, v2;
	[tilespmem:$0x1FD00] =	vst v28  }
0x17: {  	v56 =	vor.u32 $0x310, v2;
	[tilespmem:$0x1FD10] =	vst v29  }
0x18: {  	v57 =	vor.u32 $0x380, v2;
	[tilespmem:$0x1FD20] =	vst v56  }
0x19: {  	v58 =	vor.u32 $0x390, v2;
	[tilespmem:$0x1FD30] =	vst v57  }
0x1a: {  	v59 =	vor.u32 $0x3A0, v2;
	[tilespmem:$0x1FD40] =	vst v58  }
0x1b: {  	v60 =	vor.u32 $0x3B0, v2;
	[tilespmem:$0x1FD50] =	vst v59  }
0x1c: {  	v61 =	vor.u32 $0x3C0, v2;
	[tilespmem:$0x1FD60] =	vst v60  }
0x1d: {  	v62 =	vor.u32 $0x3D0, v2;
	[tilespmem:$0x1FD70] =	vst v61  }
0x1e: {  	v48 =	vor.u32 $0x90, v2;
	[tilespmem:$0x1FD80] =	vst v62  }
0x1f: {  	v50 =	vor.u32 $0xA0, v2;
	[tilespmem:$0x1FD90] =	vst v48  }
0x20: {  	v51 =	vor.u32 $0xB0, v2;
	[tilespmem:$0x1FDA0] =	vst v50  }
0x21: {  	v52 =	vor.u32 $0xC0, v2;
	[tilespmem:$0x1FDB0] =	vst v51  }
0x22: {  	v53 =	vor.u32 $0xD0, v2;
	[tilespmem:$0x1FDC0] =	vst v52  }
0x23: {  	v54 =	vor.u32 $0xE0, v2;
	[tilespmem:$0x1FDD0] =	vst v53  }
0x24: {  	v55 =	vor.u32 $0xF0, v2;
	[tilespmem:$0x1FDE0] =	vst v54  }
0x25: {  	v43 =	vor.u32 $0x110, v2;
	[tilespmem:$0x1FDF0] =	vst v55  }
0x26: {  	v39 =	vor.u32 $0x180, v2;
	[tilespmem:$0x1FE00] =	vst v43  }
0x27: {  	v34 =	vor.u32 $0x1C0, v2;
	[tilespmem:$0x1FE10] =	vst v39  }
0x28: {  	v30 =	vor.u32 $0x2A0, v2;
	[tilespmem:$0x1FE20] =	vst v34  }
0x29: {  	v31 =	vor.u32 $0x2B0, v2;
	[tilespmem:$0x1FE70] =	vst v30  }
0x2a: {  	v32 =	vor.u32 $0x1E0, v2;
	[tilespmem:$0x1FE80] =	vst v31  }
0x2b: {  	v33 =	vor.u32 $0x1F0, v2;
	[tilespmem:$0x1FEA0] =	vst v32  }
0x2c: {  	v15 =	vor.u32 $0x360, v2;
	[tilespmem:$0x1FEE0] =	vst v33  }
0x2d: {  	v16 =	vor.u32 $0x370, v2;
	[tilespmem:$0x1FF00] =	vst v15  }
0x2e: {  	v36 =	vor.u32 $0x220, v2;
	[tilespmem:$0x1FF10] =	vst v16  }
0x2f: {  	v37 =	vor.u32 $0x200, v2;
	[tilespmem:$0x1FF40] =	vst v36  }
0x30: {  	v41 =	vor.u32 $0x150, v2;
	[tilespmem:$0x1FF50] =	vst v37  }
0x31: {  	v40 =	vor.u32 $0x210, v2;
	[tilespmem:$0x1FF60] =	vst v41  }
0x32: {  	v42 =	vor.u32 $0x120, v2;
	[tilespmem:$0x1FF70] =	vst v40  }
0x33: {  	v44 =	vor.u32 $0x140, v2;
	[tilespmem:$0x1FF80] =	vst v42  }
0x34: {  	v45 =	vor.u32 $0x160, v2;
	[tilespmem:$0x1FF90] =	vst v44  }
0x35: {  	v46 =	vor.u32 $0x130, v2;
	[tilespmem:$0x1FFA0] =	vst v45  }
0x36: {  	v47 =	vor.u32 $0x170, v2;
	[tilespmem:$0x1FFB0] =	vst v46  }
0x37: {  	v49 =	vor.u32 $0x100, v2;
	[tilespmem:$0x1FFC0] =	vst v47  }
0x38: {  	v18 =	vor.u32 $0x240, v2;
	[tilespmem:$0x1FFD0] =	vst v49  }
0x39: {  	v20 =	vor.u32 $0x250, v2;
	[tilespmem:$0x1FE30] =	vst v18  }
0x3a: {  	v21 =	vor.u32 $0x260, v2;
	[tilespmem:$0x1FE40] =	vst v20  }
0x3b: {  	v23 =	vor.u32 $0x270, v2;
	[tilespmem:$0x1FE50] =	vst v21  }
0x3c: {  	s3 =	srdreg.scid;
	s28 =	sshll.u32 s1, $0x1;
	s12 =	simm.s32 $0x1;
	v24 =	vor.u32 $0x2D0, v2;
	[tilespmem:$0x1FE60] =	vst v23  }
0x3d: {  	s13 =	simm.s32 $0x11C00;
	s14 =	simm.s32 $0x11800;
	s15 =	simm.s32 $0x2;
	v25 =	vor.u32 $0x2F0, v2;
	[tilespmem:$0x1FE90] =	vst v24  }
0x3e: {  	s16 =	simm.s32 $0x3;
	s17 =	simm.s32 $0x12400;
	s7 =	sand.u32 $0x1, s3;
	v26 =	vor.u32 $0x320, v2;
	[tilespmem:$0x1FEB0] =	vst v25  }
0x3f: {  	s18 =	simm.s32 $0x0;
	s3 =	sadd.s32 $0x800, s4;
	s8 =	sor.u32 s7, s28;
	v27 =	vor.u32 $0x330, v2;
	[tilespmem:$0x1FEC0] =	vst v26  }
0x40: {  	vm1 =	vmmov $0x1;
	v63 =	vimm.s32 $0x0;
	s30 =	ssub.s32 $0x2, s7;
	v28 =	vor.u32 $0x340, v2;
	s5 =	sshll.u32 s8, $0x8;
	s29 =	sshll.u32 s8, $0x1;
	[tilespmem:$0x1FED0] =	vst v27  }
0x41: {  	v0 =	vsel vm1, $0xFFFFFFFF, v63;
	s9 =	sshll.u32 s8, $0x15;
	s8 =	sshll.u32 s8, $0x12;
	s31 =	sshrl.u32 s30, $0x1;
	[tilespmem:$0x1FEF0] =	vst v28  }
0x42: {  	v29 =	vor.u32 $0x350, v2;
	[tilespmem:$0x1FF20] =	vst v0;
	s6 =	sadd.s32 s5, s4;
	s10 =	sadd.s32 s29, s4;
	s4 =	sor.u32 $0xCDC00, s9  }
0x43: {  	v19 =	vor.u32 $0x2E0, v2;
	[tilespmem:$0x1FF30] =	vst v29;
	s5 =	sor.u32 $0xD6800, s9;
	s11 =	sadd.s32 s8, s3;
	s6 =	sadd.s32 $0x400800, s6  }
0x44: {  	v22 =	vor.u32 $0x2C0, v2;
	[tilespmem:$0x1FFE0] =	vst v19;
	s7 =	sadd.s32 $0x401800, s10;
	s10 =	ssub.s32 s30, s31;
	s8 =	sadd.s32 $0x18A00, s11  }
0x45: {  	v35 =	vor.u32 $0x1A0, v2;
	v38 =	vor.u32 $0x1B0, v2;
	[tilespmem:$0x1FFF0] =	vst v22;
	s9 =	sadd.s32 $0x17880, s11;
	s11 =	simm.s32 $0x8C00;
	s10 =	smax.u32 s10, $0x1  }
.LBB2_2:
0x46: {  	v1 =	vimm.f32 $0.0e+00  }
0x47: {  	[tilespmem:$0x11800] =	vst v1  }
0x48: {  	[tilespmem:$0x11810] =	vst v1  }
0x49: {  	[tilespmem:$0x11820] =	vst v1  }
0x4a: {  	[tilespmem:$0x11830] =	vst v1  }
0x4b: {  	[tilespmem:$0x11840] =	vst v1  }
0x4c: {  	[tilespmem:$0x11850] =	vst v1  }
0x4d: {  	[tilespmem:$0x11860] =	vst v1  }
0x4e: {  	[tilespmem:$0x11870] =	vst v1  }
0x4f: {  	[tilespmem:$0x11880] =	vst v1  }
0x50: {  	[tilespmem:$0x11890] =	vst v1  }
0x51: {  	[tilespmem:$0x118A0] =	vst v1  }
0x52: {  	[tilespmem:$0x118B0] =	vst v1  }
0x53: {  	[tilespmem:$0x118C0] =	vst v1  }
0x54: {  	[tilespmem:$0x118D0] =	vst v1  }
0x55: {  	[tilespmem:$0x118E0] =	vst v1  }
0x56: {  	[tilespmem:$0x118F0] =	vst v1  }
0x57: {  	[tilespmem:$0x11900] =	vst v1  }
0x58: {  	[tilespmem:$0x11910] =	vst v1  }
0x59: {  	[tilespmem:$0x11920] =	vst v1  }
0x5a: {  	[tilespmem:$0x11930] =	vst v1  }
0x5b: {  	[tilespmem:$0x11940] =	vst v1  }
0x5c: {  	[tilespmem:$0x11950] =	vst v1  }
0x5d: {  	[tilespmem:$0x11960] =	vst v1  }
0x5e: {  	[tilespmem:$0x11970] =	vst v1  }
0x5f: {  	[tilespmem:$0x11980] =	vst v1  }
0x60: {  	[tilespmem:$0x11990] =	vst v1  }
0x61: {  	[tilespmem:$0x119A0] =	vst v1  }
0x62: {  	[tilespmem:$0x119B0] =	vst v1  }
0x63: {  	[tilespmem:$0x119C0] =	vst v1  }
0x64: {  	[tilespmem:$0x119D0] =	vst v1  }
0x65: {  	[tilespmem:$0x119E0] =	vst v1  }
0x66: {  	[tilespmem:$0x119F0] =	vst v1  }
0x67: {  	[tilespmem:$0x11A00] =	vst v1  }
0x68: {  	[tilespmem:$0x11A10] =	vst v1  }
0x69: {  	[tilespmem:$0x11A20] =	vst v1  }
0x6a: {  	[tilespmem:$0x11A30] =	vst v1  }
0x6b: {  	[tilespmem:$0x11A40] =	vst v1  }
0x6c: {  	[tilespmem:$0x11A50] =	vst v1  }
0x6d: {  	[tilespmem:$0x11A60] =	vst v1  }
0x6e: {  	[tilespmem:$0x11A70] =	vst v1  }
0x6f: {  	[tilespmem:$0x11A80] =	vst v1  }
0x70: {  	[tilespmem:$0x11A90] =	vst v1  }
0x71: {  	[tilespmem:$0x11AA0] =	vst v1  }
0x72: {  	[tilespmem:$0x11AB0] =	vst v1  }
0x73: {  	[tilespmem:$0x11AC0] =	vst v1  }
0x74: {  	[tilespmem:$0x11AD0] =	vst v1  }
0x75: {  	[tilespmem:$0x11AE0] =	vst v1  }
0x76: {  	[tilespmem:$0x11AF0] =	vst v1  }
0x77: {  	[tilespmem:$0x11B00] =	vst v1  }
0x78: {  	[tilespmem:$0x11B10] =	vst v1  }
0x79: {  	[tilespmem:$0x11B20] =	vst v1  }
0x7a: {  	[tilespmem:$0x11B30] =	vst v1  }
0x7b: {  	[tilespmem:$0x11B40] =	vst v1  }
0x7c: {  	[tilespmem:$0x11B50] =	vst v1  }
0x7d: {  	[tilespmem:$0x11B60] =	vst v1  }
0x7e: {  	[tilespmem:$0x11B70] =	vst v1  }
0x7f: {  	[tilespmem:$0x11B80] =	vst v1  }
0x80: {  	[tilespmem:$0x11B90] =	vst v1  }
0x81: {  	[tilespmem:$0x11BA0] =	vst v1  }
0x82: {  	[tilespmem:$0x11BB0] =	vst v1  }
0x83: {  	[tilespmem:$0x11BC0] =	vst v1  }
0x84: {  	[tilespmem:$0x11BD0] =	vst v1  }
0x85: {  	[tilespmem:$0x11BE0] =	vst v1  }
0x86: {  	v63 =	vimm.s32 $0x0;
	[tilespmem:$0x11BF0] =	vst v1  }
0x87: {  	[tilespmem:$0x11C00] =	vst v63  }
0x88: {  	[tilespmem:$0x11C10] =	vst v63  }
0x89: {  	[tilespmem:$0x11C20] =	vst v63  }
0x8a: {  	[tilespmem:$0x11C30] =	vst v63  }
0x8b: {  	[tilespmem:$0x11C40] =	vst v63  }
0x8c: {  	[tilespmem:$0x11C50] =	vst v63  }
0x8d: {  	[tilespmem:$0x11C60] =	vst v63  }
0x8e: {  	[tilespmem:$0x11C70] =	vst v63  }
0x8f: {  	[tilespmem:$0x11C80] =	vst v63  }
0x90: {  	[tilespmem:$0x11C90] =	vst v63  }
0x91: {  	[tilespmem:$0x11CA0] =	vst v63  }
0x92: {  	[tilespmem:$0x11CB0] =	vst v63  }
0x93: {  	[tilespmem:$0x11CC0] =	vst v63  }
0x94: {  	[tilespmem:$0x11CD0] =	vst v63  }
0x95: {  	[tilespmem:$0x11CE0] =	vst v63  }
0x96: {  	[tilespmem:$0x11CF0] =	vst v63  }
0x97: {  	[tilespmem:$0x11D00] =	vst v63  }
0x98: {  	[tilespmem:$0x11D10] =	vst v63  }
0x99: {  	[tilespmem:$0x11D20] =	vst v63  }
0x9a: {  	[tilespmem:$0x11D30] =	vst v63  }
0x9b: {  	[tilespmem:$0x11D40] =	vst v63  }
0x9c: {  	[tilespmem:$0x11D50] =	vst v63  }
0x9d: {  	[tilespmem:$0x11D60] =	vst v63  }
0x9e: {  	[tilespmem:$0x11D70] =	vst v63  }
0x9f: {  	[tilespmem:$0x11D80] =	vst v63  }
0xa0: {  	[tilespmem:$0x11D90] =	vst v63  }
0xa1: {  	[tilespmem:$0x11DA0] =	vst v63  }
0xa2: {  	[tilespmem:$0x11DB0] =	vst v63  }
0xa3: {  	[tilespmem:$0x11DC0] =	vst v63  }
0xa4: {  	[tilespmem:$0x11DD0] =	vst v63  }
0xa5: {  	[tilespmem:$0x11DE0] =	vst v63  }
0xa6: {  	[tilespmem:$0x11DF0] =	vst v63  }
0xa7: {  	[tilespmem:$0x11E00] =	vst v63  }
0xa8: {  	[tilespmem:$0x11E10] =	vst v63  }
0xa9: {  	[tilespmem:$0x11E20] =	vst v63  }
0xaa: {  	[tilespmem:$0x11E30] =	vst v63  }
0xab: {  	[tilespmem:$0x11E40] =	vst v63  }
0xac: {  	[tilespmem:$0x11E50] =	vst v63  }
0xad: {  	[tilespmem:$0x11E60] =	vst v63  }
0xae: {  	[tilespmem:$0x11E70] =	vst v63  }
0xaf: {  	[tilespmem:$0x11E80] =	vst v63  }
0xb0: {  	[tilespmem:$0x11E90] =	vst v63  }
0xb1: {  	[tilespmem:$0x11EA0] =	vst v63  }
0xb2: {  	[tilespmem:$0x11EB0] =	vst v63  }
0xb3: {  	[tilespmem:$0x11EC0] =	vst v63  }
0xb4: {  	[tilespmem:$0x11ED0] =	vst v63  }
0xb5: {  	[tilespmem:$0x11EE0] =	vst v63  }
0xb6: {  	[tilespmem:$0x11EF0] =	vst v63  }
0xb7: {  	[tilespmem:$0x11F00] =	vst v63  }
0xb8: {  	[tilespmem:$0x11F10] =	vst v63  }
0xb9: {  	[tilespmem:$0x11F20] =	vst v63  }
0xba: {  	[tilespmem:$0x11F30] =	vst v63  }
0xbb: {  	[tilespmem:$0x11F40] =	vst v63  }
0xbc: {  	[tilespmem:$0x11F50] =	vst v63  }
0xbd: {  	[tilespmem:$0x11F60] =	vst v63  }
0xbe: {  	[tilespmem:$0x11F70] =	vst v63  }
0xbf: {  	[tilespmem:$0x11F80] =	vst v63  }
0xc0: {  	[tilespmem:$0x11F90] =	vst v63  }
0xc1: {  	[tilespmem:$0x11FA0] =	vst v63  }
0xc2: {  	[tilespmem:$0x11FB0] =	vst v63  }
0xc3: {  	[tilespmem:$0x11FC0] =	vst v63  }
0xc4: {  	[tilespmem:$0x11FD0] =	vst v63  }
0xc5: {  	[tilespmem:$0x11FE0] =	vst v63  }
0xc6: {  	[tilespmem:$0x11FF0] =	vst v63  }
0xc7: {  	[tilespmem:$0x12000] =	vst v63  }
0xc8: {  	[tilespmem:$0x12010] =	vst v63  }
0xc9: {  	[tilespmem:$0x12020] =	vst v63  }
0xca: {  	[tilespmem:$0x12030] =	vst v63  }
0xcb: {  	[tilespmem:$0x12040] =	vst v63  }
0xcc: {  	[tilespmem:$0x12050] =	vst v63  }
0xcd: {  	[tilespmem:$0x12060] =	vst v63  }
0xce: {  	[tilespmem:$0x12070] =	vst v63  }
0xcf: {  	[tilespmem:$0x12080] =	vst v63  }
0xd0: {  	[tilespmem:$0x12090] =	vst v63  }
0xd1: {  	[tilespmem:$0x120A0] =	vst v63  }
0xd2: {  	[tilespmem:$0x120B0] =	vst v63  }
0xd3: {  	[tilespmem:$0x120C0] =	vst v63  }
0xd4: {  	[tilespmem:$0x120D0] =	vst v63  }
0xd5: {  	[tilespmem:$0x120E0] =	vst v63  }
0xd6: {  	[tilespmem:$0x120F0] =	vst v63  }
0xd7: {  	[tilespmem:$0x12100] =	vst v63  }
0xd8: {  	[tilespmem:$0x12110] =	vst v63  }
0xd9: {  	[tilespmem:$0x12120] =	vst v63  }
0xda: {  	[tilespmem:$0x12130] =	vst v63  }
0xdb: {  	[tilespmem:$0x12140] =	vst v63  }
0xdc: {  	[tilespmem:$0x12150] =	vst v63  }
0xdd: {  	[tilespmem:$0x12160] =	vst v63  }
0xde: {  	[tilespmem:$0x12170] =	vst v63  }
0xdf: {  	[tilespmem:$0x12180] =	vst v63  }
0xe0: {  	[tilespmem:$0x12190] =	vst v63  }
0xe1: {  	[tilespmem:$0x121A0] =	vst v63  }
0xe2: {  	[tilespmem:$0x121B0] =	vst v63  }
0xe3: {  	[tilespmem:$0x121C0] =	vst v63  }
0xe4: {  	[tilespmem:$0x121D0] =	vst v63  }
0xe5: {  	[tilespmem:$0x121E0] =	vst v63  }
0xe6: {  	[tilespmem:$0x121F0] =	vst v63  }
0xe7: {  	[tilespmem:$0x12200] =	vst v63  }
0xe8: {  	[tilespmem:$0x12210] =	vst v63  }
0xe9: {  	[tilespmem:$0x12220] =	vst v63  }
0xea: {  	[tilespmem:$0x12230] =	vst v63  }
0xeb: {  	[tilespmem:$0x12240] =	vst v63  }
0xec: {  	[tilespmem:$0x12250] =	vst v63  }
0xed: {  	[tilespmem:$0x12260] =	vst v63  }
0xee: {  	[tilespmem:$0x12270] =	vst v63  }
0xef: {  	[tilespmem:$0x12280] =	vst v63  }
0xf0: {  	[tilespmem:$0x12290] =	vst v63  }
0xf1: {  	[tilespmem:$0x122A0] =	vst v63  }
0xf2: {  	[tilespmem:$0x122B0] =	vst v63  }
0xf3: {  	[tilespmem:$0x122C0] =	vst v63  }
0xf4: {  	[tilespmem:$0x122D0] =	vst v63  }
0xf5: {  	[tilespmem:$0x122E0] =	vst v63  }
0xf6: {  	[tilespmem:$0x122F0] =	vst v63  }
0xf7: {  	[tilespmem:$0x12300] =	vst v63  }
0xf8: {  	[tilespmem:$0x12310] =	vst v63  }
0xf9: {  	[tilespmem:$0x12320] =	vst v63  }
0xfa: {  	[tilespmem:$0x12330] =	vst v63  }
0xfb: {  	[tilespmem:$0x12340] =	vst v63  }
0xfc: {  	[tilespmem:$0x12350] =	vst v63  }
0xfd: {  	[tilespmem:$0x12360] =	vst v63  }
0xfe: {  	[tilespmem:$0x12370] =	vst v63  }
0xff: {  	[tilespmem:$0x12380] =	vst v63  }
0x100: {  	[tilespmem:$0x12390] =	vst v63  }
0x101: {  	[tilespmem:$0x123A0] =	vst v63  }
0x102: {  	[tilespmem:$0x123B0] =	vst v63  }
0x103: {  	[tilespmem:$0x123C0] =	vst v63  }
0x104: {  	[tilespmem:$0x123D0] =	vst v63  }
0x105: {  	[tilespmem:$0x123E0] =	vst v63  }
0x106: {  	s20 =	simm.s32 $0x0;
	[tilespmem:$0x123F0] =	vst v63  }
0x107: {  	[tilespmem:s20], [sflag:$0x1] =	stream.linear.gather [hbm4b:s9+s20], $0x8C00, $0x38;
	[tilespmem:$0x12410] =	vst v63  }
0x108: {  	s19 =	simm.f32 $0.0e+00;
	s21 =	simm.s32 $0x2F1;
	s22 =	simm.s32 $0x314  }
0x109: {  	[tilespmem:s11], [sflag:$0x2] =	stream.linear.gather [hbm4b:s8+s20], $0x8C00, $0x38;
	[tilespmem:$0x12410] =	vst v63  }
.LBB2_3:
0x10a: {  	_ =	swait.ge [sflag:s12], $0x8C00  }
0x10b: {  	v59 =	vld [tilespmem:$0x1FD90]  }
0x10c: {  	v0 =	vld [tilespmem:$0x1FDA0]  }
0x10d: {  	v60 =	vld [tilespmem:$0x1FDB0]  }
0x10e: {  	v56 =	vld [tilespmem:$0x1FDC0]  }
0x10f: {  	v63 =	vld [tilespmem:$0x1FDD0]  }
0x110: {  	v53 =	vld [tilespmem:$0x1FDE0]  }
0x111: {  	v55 =	vld [tilespmem:$0x1FDF0]  }
0x112: {  	v43 =	vld [tilespmem:$0x1FE10]  }
0x113: {  	v48 =	vld [tilespmem:$0x1FCC0]  }
0x114: {  	v34 =	vld [tilespmem:$0x1FCE0]  }
0x115: {  	[sflag:s12] =	ssyncset.done $0x0;
	v39 =	vld [tilespmem:$0x1FE30]  }
0x116: {  	s23 =	simm.s32 $0x200;
	s24 =	simm.s32 $0x0;
	v57 =	vlaneseq.u32;
	v18 =	vld [tilespmem:$0x1FF00];
	[sflag:s12] =	ssyncadd.s32 $0xFFFF7400  }
.LBB2_4:
0x117: {  	v1 =	vld [tilespmem:s23+$0xFFFFFE00]  }
0x118: {  	v2 =	vld [tilespmem:$0x11800]  }
0x119: {  	v3 =	vld [tilespmem:s23+$0xFFFFFE10]  }
0x11a: {  	v4 =	vld [tilespmem:$0x11810]  }
0x11b: {  	v5 =	vld [tilespmem:s23+$0xFFFFFE20]  }
0x11c: {  	v6 =	vld [tilespmem:$0x11820]  }
0x11d: {  	v7 =	vld [tilespmem:s23+$0xFFFFFE30]  }
0x11e: {  	v8 =	vld [tilespmem:$0x11830]  }
0x11f: {  	v9 =	vld [tilespmem:s23+$0xFFFFFE40]  }
0x120: {  	v10 =	vld [tilespmem:$0x11840]  }
0x121: {  	v11 =	vld [tilespmem:s23+$0xFFFFFE50]  }
0x122: {  	v12 =	vld [tilespmem:$0x11850]  }
0x123: {  	v13 =	vld [tilespmem:s23+$0xFFFFFE60]  }
0x124: {  	v14 =	vld [tilespmem:$0x11860]  }
0x125: {  	v15 =	vld [tilespmem:s23+$0xFFFFFE70]  }
0x126: {  	v16 =	vld [tilespmem:$0x11870]  }
0x127: {  	v17 =	vld [tilespmem:s23+$0xFFFFFE80]  }
0x128: {  	v50 =	vmov v18;
	v18 =	vld [tilespmem:$0x11880]  }
0x129: {  	v19 =	vld [tilespmem:s23+$0xFFFFFE90]  }
0x12a: {  	v20 =	vld [tilespmem:$0x11890]  }
0x12b: {  	v21 =	vld [tilespmem:s23+$0xFFFFFEA0]  }
0x12c: {  	v22 =	vld [tilespmem:$0x118A0]  }
0x12d: {  	v23 =	vld [tilespmem:s23+$0xFFFFFEB0]  }
0x12e: {  	v24 =	vld [tilespmem:$0x118B0]  }
0x12f: {  	v25 =	vld [tilespmem:s23+$0xFFFFFEC0]  }
0x130: {  	v26 =	vld [tilespmem:$0x118C0]  }
0x131: {  	v27 =	vld [tilespmem:s23+$0xFFFFFED0]  }
0x132: {  	v28 =	vld [tilespmem:$0x118D0]  }
0x133: {  	v29 =	vld [tilespmem:s23+$0xFFFFFEE0]  }
0x134: {  	v30 =	vld [tilespmem:$0x118E0]  }
0x135: {  	v31 =	vld [tilespmem:s23+$0xFFFFFEF0]  }
0x136: {  	v32 =	vld [tilespmem:$0x118F0]  }
0x137: {  	v33 =	vld [tilespmem:s23+$0xFFFFFF00]  }
0x138: {  	v51 =	vmov v34;
	v34 =	vld [tilespmem:$0x11900]  }
0x139: {  	v61 =	vmov v35;
	v35 =	vld [tilespmem:s23+$0xFFFFFF10]  }
0x13a: {  	v36 =	vld [tilespmem:$0x11910]  }
0x13b: {  	v37 =	vld [tilespmem:s23+$0xFFFFFF20]  }
0x13c: {  	v62 =	vmov v38;
	v38 =	vld [tilespmem:$0x11920]  }
0x13d: {  	v52 =	vmov v39;
	v39 =	vld [tilespmem:s23+$0xFFFFFF30]  }
0x13e: {  	v40 =	vld [tilespmem:$0x11930]  }
0x13f: {  	v41 =	vld [tilespmem:s23+$0xFFFFFF40]  }
0x140: {  	v42 =	vld [tilespmem:$0x11940]  }
0x141: {  	v54 =	vmov v43;
	v43 =	vld [tilespmem:s23+$0xFFFFFF50]  }
0x142: {  	v44 =	vld [tilespmem:$0x11950]  }
0x143: {  	v45 =	vld [tilespmem:s23+$0xFFFFFF60]  }
0x144: {  	v46 =	vld [tilespmem:s23+$0xFFFFFF70]  }
0x145: {  	v47 =	vld [tilespmem:$0x11970]  }
0x146: {  	v58 =	vmov v48;
	v48 =	vld [tilespmem:s23+$0xFFFFFF80];
	v1 =	vadd.f32 v2, v1  }
0x147: {  	v2 =	vld [tilespmem:$0x11960];
	v3 =	vadd.f32 v4, v3;
	v5 =	vadd.f32 v6, v5  }
0x148: {  	v4 =	vld [tilespmem:$0x11980];
	v7 =	vadd.f32 v8, v7;
	v9 =	vadd.f32 v10, v9  }
0x149: {  	v6 =	vld [tilespmem:s23+$0xFFFFFF90];
	v10 =	vadd.f32 v12, v11;
	v13 =	vadd.f32 v14, v13  }
0x14a: {  	v8 =	vld [tilespmem:$0x11990];
	v17 =	vadd.f32 v18, v17;
	v15 =	vadd.f32 v16, v15  }
0x14b: {  	vm0 =	veq.s32 v57, $0x0;
	v11 =	vld [tilespmem:s23+$0xFFFFFFA0];
	v19 =	vadd.f32 v20, v19;
	v21 =	vadd.f32 v22, v21  }
0x14c: {  	v12 =	vld [tilespmem:$0x1FC40];
	v23 =	vadd.f32 v24, v23;
	v25 =	vadd.f32 v26, v25;
	v1 =	vsel vm0, $0x0, v1  }
0x14d: {  	v14 =	vld [tilespmem:$0x119A0];
	v29 =	vadd.f32 v30, v29;
	vm0 =	vlt.f32 v1, $-Inf;
	vm1 =	vgt.f32 v1, $-Inf  }
0x14e: {  	v18 =	vld [tilespmem:s23+$0xFFFFFFB0];
	vm4 =	vlt.f32 v3, $-Inf;
	vm5 =	vgt.f32 v3, $-Inf;
	vm0 =	vmor vm1, vm0  }
0x14f: {  	v16 =	vld [tilespmem:$0x119B0];
	v49 =	vnsel vm0, $0x0, v57;
	v1 =	vnsel vm0, $0xFF800000, v1;
	vm0 =	vmor vm5, vm4  }
0x150: {  	v20 =	vld [tilespmem:s23+$0xFFFFFFC0];
	vm6 =	vlt.f32 v5, $-Inf;
	v3 =	vnsel vm0, $0xFF800000, v3;
	vm13 =	vgt.f32 v17, v1  }
0x151: {  	v1 =	vsel vm13, v17, v1;
	v17 =	vld [tilespmem:$0x119C0];
	vm3 =	vgt.f32 v19, v3;
	[tilespmem:$0x1FC10] =	vst v0;
	v0 =	vimm.s32 $0x0  }
0x152: {  	vm7 =	vgt.f32 v5, $-Inf;
	vm8 =	vlt.f32 v7, $-Inf;
	v0 =	vsel vm3, $0xFFFFFFFF, v0  }
0x153: {  	vm9 =	vgt.f32 v7, $-Inf;
	vm10 =	vlt.f32 v9, $-Inf;
	vm2 =	vgt.f32 v9, $-Inf;
	[tilespmem:$0x1FC00] =	vst v0  }
0x154: {  	vm11 =	vlt.f32 v10, $-Inf;
	vm12 =	vlt.f32 v13, $-Inf;
	vm15 =	vlt.f32 v15, $-Inf;
	v0 =	vld [tilespmem:$0x1FC10]  }
0x155: {  	vm2 =	vmor vm2, vm10;
	vm1 =	vmor vm9, vm8;
	vm5 =	vmor vm7, vm6;
	v22 =	vld [tilespmem:s23+$0xFFFFFFD0]  }
0x156: {  	v9 =	vnsel vm2, $0xFF800000, v9;
	v5 =	vnsel vm5, $0xFF800000, v5;
	v3 =	vsel vm3, v19, v3;
	v19 =	vld [tilespmem:$0x119D0]  }
0x157: {  	vm9 =	vgt.f32 v15, $-Inf;
	vm7 =	vgt.f32 v13, $-Inf;
	vm3 =	vgt.f32 v21, v5;
	v24 =	vld [tilespmem:s23+$0xFFFFFFE0]  }
0x158: {  	v7 =	vnsel vm1, $0xFF800000, v7;
	vm7 =	vmor vm7, vm12;
	v5 =	vsel vm3, v21, v5;
	v21 =	vld [tilespmem:$0x119E0]  }
0x159: {  	v12 =	vnsel vm0, $0x0, v12;
	vm14 =	vgt.f32 v23, v7;
	v13 =	vnsel vm7, $0xFF800000, v13;
	v26 =	vld [tilespmem:s23+$0xFFFFFFF0]  }
0x15a: {  	vm0 =	vmor vm9, vm15;
	v7 =	vsel vm14, v23, v7;
	vm9 =	vgt.f32 v29, v13;
	v23 =	vld [tilespmem:$0x119F0]  }
0x15b: {  	vm4 =	vgt.f32 v10, $-Inf;
	v13 =	vsel vm9, v29, v13;
	v29 =	vadd.f32 v34, v33;
	v34 =	vld [tilespmem:$0x1FC50]  }
0x15c: {  	v27 =	vadd.f32 v28, v27;
	vm6 =	vgt.f32 v25, v9;
	vm4 =	vmor vm4, vm11;
	v28 =	vld [tilespmem:s23+$0x0]  }
0x15d: {  	v9 =	vsel vm6, v25, v9;
	v10 =	vnsel vm4, $0xFF800000, v10;
	v25 =	vld [tilespmem:$0x11A00]  }
0x15e: {  	v31 =	vadd.f32 v32, v31;
	vm8 =	vgt.f32 v27, v10;
	v30 =	vld [tilespmem:s23+$0x10]  }
0x15f: {  	v15 =	vnsel vm0, $0xFF800000, v15;
	v10 =	vsel vm8, v27, v10;
	v27 =	vld [tilespmem:$0x11A10]  }
0x160: {  	v35 =	vadd.f32 v36, v35;
	v32 =	vld [tilespmem:s23+$0x20];
	v34 =	vnsel vm5, $0x0, v34;
	vm5 =	vgt.f32 v31, v15  }
0x161: {  	v33 =	vld [tilespmem:$0x11A20];
	v15 =	vsel vm5, v31, v15;
	v31 =	vadd.f32 v38, v37  }
0x162: {  	vm15 =	vgt.f32 v35, v3;
	v36 =	vld [tilespmem:s23+$0x30]  }
0x163: {  	v3 =	vsel vm15, v35, v3;
	v35 =	vadd.f32 v40, v39;
	v39 =	vld [tilespmem:$0x11A40];
	vm10 =	vgt.f32 v31, v5  }
0x164: {  	v5 =	vsel vm10, v31, v5;
	v31 =	vadd.f32 v42, v41;
	v42 =	vld [tilespmem:$0x1FC80]  }
0x165: {  	v40 =	vld [tilespmem:$0x1FC70]  }
0x166: {  	v43 =	vadd.f32 v44, v43;
	v44 =	vld [tilespmem:$0x11A50]  }
0x167: {  	v2 =	vadd.f32 v2, v45;
	v45 =	vld [tilespmem:s23+$0x60]  }
0x168: {  	v46 =	vadd.f32 v47, v46;
	v47 =	vld [tilespmem:$0x11A60]  }
0x169: {  	v4 =	vadd.f32 v4, v48;
	v48 =	vld [tilespmem:$0x11A70];
	v42 =	vnsel vm4, $0x0, v42;
	vm4 =	vgt.f32 v35, v7  }
0x16a: {  	v7 =	vsel vm4, v35, v7;
	v35 =	vld [tilespmem:$0x1FC90]  }
0x16b: {  	v6 =	vadd.f32 v8, v6;
	v8 =	vld [tilespmem:s23+$0x80]  }
0x16c: {  	v11 =	vadd.f32 v14, v11;
	v14 =	vld [tilespmem:$0x11A80]  }
0x16d: {  	vm12 =	vgt.f32 v43, v10;
	vm11 =	vgt.f32 v29, v1;
	v38 =	vld [tilespmem:$0x1FC60]  }
0x16e: {  	v10 =	vsel vm12, v43, v10;
	v43 =	vld [tilespmem:s23+$0x70];
	v1 =	vsel vm11, v29, v1;
	v40 =	vnsel vm2, $0x0, v40  }
0x16f: {  	v29 =	vld [tilespmem:s23+$0x40];
	vm2 =	vgt.f32 v2, v13;
	v35 =	vnsel vm7, $0x0, v35;
	vm7 =	vgt.f32 v46, v15  }
0x170: {  	v2 =	vsel vm2, v2, v13;
	v13 =	vsel vm7, v46, v15;
	v15 =	vld [tilespmem:$0x1FCB0]  }
0x171: {  	v37 =	vld [tilespmem:$0x11A30]  }
0x172: {  	v41 =	vld [tilespmem:s23+$0x50];
	v38 =	vnsel vm1, $0x0, v38;
	vm1 =	vgt.f32 v31, v9  }
0x173: {  	v9 =	vsel vm1, v31, v9;
	v31 =	vld [tilespmem:$0x1FCA0]  }
0x174: {  	v46 =	vld [tilespmem:$0x1FFB0]  }
0x175: {  	v15 =	vsel vm13, v15, v49;
	v49 =	vld [tilespmem:$0x1FFD0];
	[tilespmem:$0x1FC10] =	vst v0  }
0x176: {  	v0 =	vld [tilespmem:$0x1FC00];
	_ =	sdelay $0x3  }
0x177: {  	vm13 =	vgt.f32 v4, v1  }
0x178: {  	v31 =	vnsel vm0, $0x0, v31;
	v1 =	vsel vm13, v4, v1;
	vm0 =	vnez.u8 v0;
	v0 =	vld [tilespmem:$0x1FC10]  }
0x179: {  	v4 =	vld [tilespmem:s23+$0x90];
	[tilespmem:$0x1FC10] =	vst v7;
	v7 =	vimm.s32 $0x0;
	v12 =	vsel vm0, v59, v12;
	vm0 =	vgt.f32 v11, v5  }
0x17a: {  	v7 =	vsel vm0, $0xFFFFFFFF, v7  }
0x17b: {  	[tilespmem:$0x1FC20] =	vst v7  }
0x17c: {  	v7 =	vld [tilespmem:$0x1FC10]  }
0x17d: {  	v16 =	vadd.f32 v16, v18;
	v18 =	vld [tilespmem:$0x11A90]  }
0x17e: {  	v5 =	vsel vm0, v11, v5;
	v11 =	vld [tilespmem:s23+$0xA0]  }
0x17f: {  	v19 =	vadd.f32 v19, v22;
	v25 =	vadd.f32 v25, v28;
	v22 =	vsel vm6, v56, v40;
	v40 =	vld [tilespmem:$0x1FF70]  }
0x180: {  	v21 =	vadd.f32 v21, v24;
	v24 =	vld [tilespmem:$0x11AB0]  }
0x181: {  	v27 =	vadd.f32 v27, v30;
	v15 =	vsel vm11, v49, v15;
	vm11 =	vgt.f32 v25, v1;
	v30 =	vld [tilespmem:$0x11AD0]  }
0x182: {  	v1 =	vsel vm11, v25, v1;
	v25 =	vld [tilespmem:s23+$0xE0]  }
0x183: {  	v49 =	vadd.f32 v33, v32;
	v32 =	vld [tilespmem:$0x11AE0]  }
0x184: {  	v8 =	vadd.f32 v14, v8;
	v29 =	vadd.f32 v39, v29;
	v39 =	vld [tilespmem:$0x1FF90]  }
0x185: {  	v28 =	vsel vm5, v55, v31;
	v31 =	vld [tilespmem:s23+$0x100]  }
0x186: {  	v37 =	vadd.f32 v37, v36;
	vm0 =	vgt.f32 v8, v1;
	v36 =	vld [tilespmem:$0x11B00]  }
0x187: {  	v1 =	vsel vm0, v8, v1;
	v8 =	vld [tilespmem:s23+$0x140];
	v34 =	vsel vm3, v0, v34;
	vm3 =	vgt.f32 v6, v3  }
0x188: {  	v3 =	vsel vm3, v6, v3;
	v6 =	vadd.f32 v17, v20;
	v17 =	vsel vm14, v60, v38;
	v20 =	vld [tilespmem:$0x11AA0]  }
0x189: {  	v38 =	vsel vm8, v63, v42;
	v42 =	vld [tilespmem:$0x1FF80];
	v17 =	vsel vm4, v46, v17;
	vm4 =	vgt.f32 v49, v5  }
0x18a: {  	vm8 =	vgt.f32 v19, v10;
	vm6 =	vgt.f32 v6, v9;
	v5 =	vsel vm4, v49, v5;
	v49 =	vld [tilespmem:$0x1FF60]  }
0x18b: {  	v6 =	vsel vm6, v6, v9;
	v9 =	vsel vm8, v19, v10;
	v19 =	vld [tilespmem:s23+$0xC0]  }
0x18c: {  	v10 =	vadd.f32 v23, v26;
	v26 =	vld [tilespmem:$0x11AC0]  }
0x18d: {  	v23 =	vsel vm9, v53, v35;
	v35 =	vld [tilespmem:$0x1FE00]  }
0x18e: {  	v22 =	vsel vm1, v39, v22;
	v39 =	vld [tilespmem:$0x11B10]  }
0x18f: {  	vm14 =	vgt.f32 v16, v7;
	v4 =	vadd.f32 v18, v4;
	v18 =	vld [tilespmem:$0x11B20]  }
0x190: {  	vm9 =	vgt.f32 v21, v2;
	v7 =	vsel vm14, v16, v7;
	v16 =	vld [tilespmem:s23+$0xB0]  }
0x191: {  	v2 =	vsel vm9, v21, v2;
	v21 =	vld [tilespmem:s23+$0xD0]  }
0x192: {  	v33 =	vsel vm10, v42, v34;
	v34 =	vld [tilespmem:$0x11AF0]  }
0x193: {  	vm1 =	vgt.f32 v29, v6;
	v42 =	vld [tilespmem:$0x1FFA0]  }
0x194: {  	v6 =	vsel vm1, v29, v6;
	v29 =	vld [tilespmem:s23+$0x110]  }
0x195: {  	vm5 =	vgt.f32 v10, v13;
	v11 =	vadd.f32 v20, v11;
	v20 =	vld [tilespmem:$0x11B30]  }
0x196: {  	v10 =	vsel vm5, v10, v13;
	v13 =	vadd.f32 v44, v41;
	v41 =	vld [tilespmem:$0x1FEA0]  }
0x197: {  	vm10 =	vgt.f32 v37, v7;
	v44 =	vld [tilespmem:$0x1FF50]  }
0x198: {  	v7 =	vsel vm10, v37, v7;
	v37 =	vsel vm12, v49, v38;
	v49 =	vadd.f32 v32, v25;
	v32 =	vld [tilespmem:$0x1FD40]  }
0x199: {  	v12 =	vsel vm15, v35, v12;
	v35 =	vadd.f32 v47, v45;
	v47 =	vld [tilespmem:$0x1FFC0]  }
0x19a: {  	vm15 =	vgt.f32 v27, v3;
	v19 =	vadd.f32 v26, v19;
	v26 =	vld [tilespmem:$0x11B50]  }
0x19b: {  	v3 =	vsel vm15, v27, v3;
	v27 =	vld [tilespmem:s23+$0xF0]  }
0x19c: {  	v21 =	vadd.f32 v30, v21;
	v30 =	vld [tilespmem:$0x11B60]  }
0x19d: {  	v12 =	vsel vm3, v58, v12;
	v23 =	vsel vm2, v42, v23;
	v42 =	vld [tilespmem:$0x1FCD0]  }
0x19e: {  	vm2 =	vgt.f32 v13, v9;
	v12 =	vsel vm15, v40, v12;
	v40 =	vld [tilespmem:s23+$0x1B0]  }
0x19f: {  	v45 =	vimm.s32 $0x0;
	vm12 =	vgt.f32 v35, v2;
	v9 =	vsel vm2, v13, v9;
	v13 =	vld [tilespmem:s23+$0x120]  }
0x1a0: {  	v38 =	vsel vm12, $0xFFFFFFFF, v45;
	v45 =	vadd.f32 v24, v16;
	v16 =	vld [tilespmem:$0x1FC20]  }
0x1a1: {  	v17 =	vsel vm14, v62, v17;
	vm14 =	vgt.f32 v19, v6;
	v24 =	vld [tilespmem:$0x11B40]  }
0x1a2: {  	v46 =	vadd.f32 v48, v43;
	v6 =	vsel vm14, v19, v6;
	v19 =	vld [tilespmem:s23+$0x160]  }
0x1a3: {  	v15 =	vsel vm13, v54, v15;
	v23 =	vsel vm9, v41, v23;
	v41 =	vld [tilespmem:$0x1FCF0]  }
0x1a4: {  	v2 =	vsel vm12, v35, v2;
	vm12 =	vgt.f32 v46, v10;
	v15 =	vsel vm11, v44, v15;
	v44 =	vld [tilespmem:s23+$0x1C0]  }
0x1a5: {  	v10 =	vsel vm12, v46, v10;
	v46 =	vld [tilespmem:$0x1FEE0]  }
0x1a6: {  	v14 =	vsel vm7, v47, v28;
	v28 =	vld [tilespmem:s23+$0x130]  }
0x1a7: {  	vm9 =	vgt.f32 v49, v2;
	v47 =	vld [tilespmem:$0x1FE20]  }
0x1a8: {  	v2 =	vsel vm9, v49, v2;
	v49 =	vld [tilespmem:s23+$0x190]  }
0x1a9: {  	v25 =	vsel vm8, v42, v37;
	vm8 =	vgt.f32 v21, v9;
	v37 =	vld [tilespmem:$0x11BA0]  }
0x1aa: {  	v9 =	vsel vm8, v21, v9;
	v21 =	vld [tilespmem:s23+$0x170]  }
0x1ab: {  	v29 =	vadd.f32 v39, v29;
	vm7 =	vgt.f32 v4, v3;
	v13 =	vadd.f32 v18, v13;
	v18 =	vld [tilespmem:$0x11B80]  }
0x1ac: {  	v3 =	vsel vm7, v4, v3;
	v19 =	vadd.f32 v30, v19;
	v30 =	vld [tilespmem:$0x1FE70]  }
0x1ad: {  	vm15 =	vgt.f32 v29, v3;
	v14 =	vsel vm5, v46, v14;
	v46 =	vld [tilespmem:$0x1FF40]  }
0x1ae: {  	vm13 =	vnez.u8 v16;
	v3 =	vsel vm15, v29, v3;
	v29 =	vld [tilespmem:$0x1FF30]  }
0x1af: {  	v16 =	vsel vm13, v61, v33;
	vm13 =	vgt.f32 v11, v5;
	v33 =	vld [tilespmem:$0x11B90];
	v22 =	vsel vm6, v47, v22  }
0x1b0: {  	v5 =	vsel vm13, v11, v5;
	v11 =	vld [tilespmem:s23+$0x150];
	vm6 =	vgt.f32 v45, v7;
	v20 =	vadd.f32 v20, v28  }
0x1b1: {  	v47 =	vld [tilespmem:s23+$0x180];
	v4 =	vsel vm6, v45, v7  }
0x1b2: {  	v7 =	vld [tilespmem:$0x11B70];
	v16 =	vsel vm4, v46, v16;
	vm4 =	vgt.f32 v20, v4  }
0x1b3: {  	v4 =	vsel vm4, v20, v4;
	v20 =	vld [tilespmem:$0x1FD00]  }
0x1b4: {  	v45 =	vadd.f32 v36, v31;
	v36 =	vld [tilespmem:s23+$0x1A0]  }
0x1b5: {  	v17 =	vsel vm10, v51, v17;
	v22 =	vsel vm1, v52, v22;
	vm1 =	vgt.f32 v13, v5;
	v31 =	vld [tilespmem:$0x1FE80]  }
0x1b6: {  	v5 =	vsel vm1, v13, v5;
	v13 =	vsel vm0, v41, v15;
	v41 =	vld [tilespmem:$0x11BF0];
	vm10 =	vgt.f32 v45, v1  }
0x1b7: {  	v1 =	vsel vm10, v45, v1;
	v45 =	vld [tilespmem:$0x1FD20]  }
0x1b8: {  	v12 =	vsel vm7, v20, v12;
	v20 =	vld [tilespmem:$0x1FD10]  }
0x1b9: {  	v46 =	vld [tilespmem:$0x11BC0]  }
0x1ba: {  	v42 =	vadd.f32 v18, v47;
	v18 =	vld [tilespmem:$0x11BB0]  }
0x1bb: {  	v27 =	vadd.f32 v34, v27;
	v47 =	vld [tilespmem:s23+$0x1D0]  }
0x1bc: {  	v8 =	vadd.f32 v24, v8;
	v11 =	vadd.f32 v26, v11;
	v26 =	vld [tilespmem:$0x1FEC0]  }
0x1bd: {  	vm3 =	vgt.f32 v27, v10;
	v13 =	vsel vm10, v20, v13;
	v20 =	vadd.f32 v33, v49;
	v49 =	vld [tilespmem:$0x1FD30]  }
0x1be: {  	v10 =	vsel vm3, v27, v10;
	vm5 =	vgt.f32 v8, v6;
	v27 =	vadd.f32 v37, v36;
	v36 =	vld [tilespmem:$0x11BE0]  }
0x1bf: {  	v37 =	vadd.f32 v46, v44;
	v46 =	vld [tilespmem:$0x1FE50];
	v12 =	vsel vm15, v45, v12;
	vm15 =	vgt.f32 v20, v3  }
0x1c0: {  	v6 =	vsel vm5, v8, v6;
	v7 =	vadd.f32 v7, v21;
	v3 =	vsel vm15, v20, v3;
	v20 =	vld [tilespmem:$0x11BD0]  }
0x1c1: {  	vm0 =	vgt.f32 v11, v9;
	vm7 =	vgt.f32 v42, v1;
	v8 =	vadd.f32 v18, v40;
	v33 =	vld [tilespmem:s23+$0x1E0]  }
0x1c2: {  	v40 =	vld [tilespmem:$0x1FE90];
	v1 =	vsel vm7, v42, v1;
	v12 =	vsel vm15, v32, v12;
	v13 =	vsel vm7, v49, v13  }
0x1c3: {  	v45 =	vld [tilespmem:$0x1FEF0];
	v32 =	vsel vm13, v30, v16;
	vm7 =	veq.f32 v3, v1;
	vm10 =	vlt.u32 v12, v13  }
0x1c4: {  	v16 =	vld [tilespmem:$0x1FD50];
	vm15 =	vgt.f32 v3, v1;
	vm7 =	vmand vm7, vm10;
	vm10 =	vgt.f32 v19, v2  }
0x1c5: {  	[tilespmem:$0x1FC30] =	vst v38;
	vm11 =	vmor vm15, vm7;
	vm7 =	vgt.f32 v7, v10;
	v42 =	vadd.f32 v20, v47;
	v20 =	vld [tilespmem:$0x1FE40]  }
0x1c6: {  	v44 =	vadd.f32 v36, v33;
	v2 =	vsel vm10, v19, v2;
	v19 =	vld [tilespmem:$0x1FC30];
	v7 =	vsel vm7, v7, v10  }
0x1c7: {  	v36 =	vld [tilespmem:$0x1FFF0];
	v3 =	vsel vm11, v3, v1;
	v10 =	vsel vm11, v12, v13;
	vm11 =	vgt.f32 v27, v5  }
0x1c8: {  	v9 =	vsel vm0, v11, v9;
	v11 =	vsel vm1, v26, v32;
	v5 =	vsel vm11, v27, v5;
	v27 =	vld [tilespmem:$0x1FED0]  }
0x1c9: {  	vm13 =	vgt.f32 v44, v2;
	v11 =	vsel vm11, v16, v11;
	v16 =	vld [tilespmem:$0x1FD60]  }
0x1ca: {  	v49 =	vld [tilespmem:$0x1FE60];
	v33 =	vsel vm13, v44, v2  }
0x1cb: {  	v1 =	vld [tilespmem:s23+$0x1F0];
	v2 =	vsel vm6, v31, v17;
	v18 =	vsel vm2, v20, v25;
	vm15 =	vnez.u8 v19  }
0x1cc: {  	v47 =	vld [tilespmem:$0x1FEB0];
	vm2 =	vgt.f32 v8, v4;
	v19 =	vsel vm15, v46, v23;
	vm15 =	vgt.f32 v37, v6  }
0x1cd: {  	v6 =	vsel vm15, v37, v6;
	v37 =	vsel vm8, v40, v18;
	v40 =	vld [tilespmem:$0x1FFE0];
	v2 =	vsel vm4, v27, v2  }
0x1ce: {  	v12 =	vsel vm14, v36, v22;
	v16 =	vsel vm2, v16, v2;
	v2 =	vld [tilespmem:$0x1FF10]  }
0x1cf: {  	v12 =	vsel vm5, v45, v12  }
0x1d0: {  	v23 =	vsel vm12, v49, v14;
	vm12 =	vgt.f32 v42, v9;
	v1 =	vadd.f32 v41, v1  }
0x1d1: {  	v4 =	vsel vm2, v8, v4;
	v9 =	vsel vm12, v42, v9;
	v8 =	vsel vm3, v47, v23  }
0x1d2: {  	v41 =	vld [tilespmem:$0x1FD80];
	vm14 =	vgt.f32 v4, v5;
	v14 =	vsel vm0, v29, v37;
	vm11 =	vgt.f32 v1, v7  }
0x1d3: {  	vm8 =	veq.f32 v9, v6;
	v15 =	vsel vm9, v40, v19;
	v8 =	vsel vm7, v2, v8;
	v2 =	vld [tilespmem:$0x1FD70]  }
0x1d4: {  	vm9 =	veq.f32 v4, v5;
	v15 =	vsel vm10, v50, v15;
	vm10 =	vlt.u32 v16, v11  }
0x1d5: {  	v7 =	vsel vm11, v1, v7;
	v1 =	vor.u32 $0x3F0, v57;
	vm0 =	vmand vm9, vm10  }
0x1d6: {  	v8 =	vsel vm11, v1, v8;
	vm10 =	veq.f32 v7, v33;
	vm0 =	vmor vm14, vm0  }
0x1d7: {  	v4 =	vsel vm0, v4, v5;
	v5 =	vsel vm12, v41, v14;
	v11 =	vsel vm0, v16, v11  }
0x1d8: {  	vm6 =	veq.f32 v4, v3;
	v12 =	vsel vm15, v2, v12;
	v2 =	vor.u32 $0x3E0, v57  }
0x1d9: {  	vm7 =	vlt.u32 v11, v10;
	v42 =	vsel vm13, v2, v15;
	vm9 =	vlt.u32 v5, v12  }
0x1da: {  	vm15 =	vgt.f32 v9, v6;
	vm2 =	vmand vm8, vm9;
	vm11 =	vlt.u32 v8, v42  }
0x1db: {  	vm13 =	vgt.f32 v7, v33;
	vm1 =	vmor vm15, vm2;
	vm12 =	vmand vm10, vm11  }
0x1dc: {  	vm15 =	vgt.f32 v4, v3;
	v6 =	vsel vm1, v9, v6;
	vm14 =	vmor vm13, vm12  }
0x1dd: {  	v5 =	vsel vm1, v5, v12;
	v7 =	vsel vm14, v7, v33;
	v8 =	vsel vm14, v8, v42  }
0x1de: {  	vm1 =	vmand vm6, vm7;
	vm8 =	veq.f32 v7, v6;
	vm9 =	vlt.u32 v8, v5  }
0x1df: {  	vm0 =	vmor vm15, vm1;
	vm11 =	vgt.f32 v7, v6;
	vm10 =	vmand vm8, vm9  }
0x1e0: {  	v3 =	vsel vm0, v4, v3;
	vm1 =	vmor vm11, vm10  }
0x1e1: {  	v44 =	vsel vm0, v11, v10;
	v6 =	vsel vm1, v7, v6;
	v5 =	vsel vm1, v8, v5  }
0x1e2: {  	vm12 =	veq.f32 v6, v3;
	vm1 =	vlt.u32 v5, v44  }
0x1e3: {  	vm13 =	vgt.f32 v6, v3;
	vm0 =	vmand vm12, vm1  }
0x1e4: {  	vm0 =	vmor vm13, vm0  }
0x1e5: {  	v3 =	vsel vm0, v6, v3  }
0x1e6: {  	(xrf0) =	vmax.scan.msk.f32 $0xffff, v3;
	_ =	sdelay $0x5  }
0x1e7: {  	v46, _, _ =	vpop (xrf0)  }
0x1e8: {  	v47 =	vbroadcast v46, $0xF  }
0x1e9: {  	v4 =	vsel vm0, v5, v44  }
0x1ea: {  	vm15 =	veq.f32 v3, v47;
	v3 =	vxor.u32 $0x80000000, v4  }
0x1eb: {  	v3 =	vnsel vm15, $0xC0000000, v3  }
0x1ec: {  	(xrf0) =	vmin.scan.msk.u32 $0xffff, v3;
	_ =	sdelay $0x5  }
0x1ed: {  	(v2sf) =	vpush v46, $0xF;
	v3, _, _ =	vpop (xrf0)  }
0x1ee: {  	(v2sf) =	vpush v3, $0xF;
	_ =	sdelay $0xb  }
0x1ef: {  	v45 =	vld [tilespmem:$0x1FF20];
	_ =	sdelay $0x1  }
0x1f0: {  	s25 =	spop (v2sf)  }
0x1f1: {  	vm2 =	vmxor vm13, vm13;
	s26 =	spop (v2sf)  }
0x1f2: {  	vm0 =	vmmov vm2;
	p0 =	sne.s32 s26, $0x80000000  }
0x1f3: {  	s28 =	sadd.s32 s24, s21;
	vm14 =	vnez.u8 v45;
	vm0 =	vmneg @p0 vm0  }
0x1f4: {  	v3 =	vmov s28;
	s26 =	sxor.u32 $0x80000000, s26;
	vm0 =	vmand vm0, vm14  }
0x1f5: {  	v49 =	vmov s26;
	p0 =	sne.s32 s24, $0x22  }
.Ltmp1:
0x1f6: {  	_ = 	snop;
	(pc) =	sbr.rel @p0 .LBB2_4-.Ltmp1, $3  }
0x1f7: {  	_ =	sdelay $0x1  }
0x1f8: {  	v48 =	vmov v58;
	v43 =	vmov v54;
	[tilespmem:v3+s13+$0x0] =	vst.idx.msk $0x1, v49;
	v3 =	vimm.f32 $-1.000000000e+09  }
0x1f9: {  	v39 =	vmovc v52;
	v35 =	vmovc v61;
	v38 =	vmov v62;
	v34 =	vmov v51;
	s23 =	sadd.s32 $0x400, s23;
	v18 =	vmov v50;
	s19 =	sadd.f32 s25, s19;
	s24 =	sadd.s32 $0x1, s24;
	[tilespmem:v49+s14+$0x0] =	vst.idx.msk vm0, v3  }
0x1fa: {  	s23 =	smul.u32 $0x11800, s20;
	_ =	sdelay $0x1  }
0x1fb: {  	s24 =	sadd.s32 s23, s4  }
0x1fc: {  	s24 =	sshrl.u32 s24, $0x3  }
0x1fd: {  	s25 =	sadd.s32 s3, s24;
	s24 =	simm.s32 $0x0  }
0x1fe: {  	[tilespmem:s24], [sflag:$0x1] =	stream.linear.gather [hbm4b:s25+s24], $0x8C00, $0x38;
	[tilespmem:$0x12410] =	vst v63  }
0x1ff: {  	_ =	swait.ge [sflag:s15], $0x8C00  }
0x200: {  	[sflag:s15] =	ssyncset.done $0x0  }
0x201: {  	s25 =	simm.s32 $0x8E00;
	[sflag:s15] =	ssyncadd.s32 $0xFFFF7400  }
.LBB2_6:
0x202: {  	v3 =	vld [tilespmem:s25+$0xFFFFFE00]  }
0x203: {  	v4 =	vld [tilespmem:$0x11800]  }
0x204: {  	v5 =	vld [tilespmem:s25+$0xFFFFFE10]  }
0x205: {  	v6 =	vld [tilespmem:$0x11810]  }
0x206: {  	v7 =	vld [tilespmem:s25+$0xFFFFFE20]  }
0x207: {  	v8 =	vld [tilespmem:$0x11820]  }
0x208: {  	v9 =	vld [tilespmem:s25+$0xFFFFFE30]  }
0x209: {  	v10 =	vld [tilespmem:$0x11830]  }
0x20a: {  	v11 =	vld [tilespmem:s25+$0xFFFFFE40]  }
0x20b: {  	v12 =	vld [tilespmem:$0x11840]  }
0x20c: {  	v13 =	vld [tilespmem:s25+$0xFFFFFE50]  }
0x20d: {  	v14 =	vld [tilespmem:$0x11850]  }
0x20e: {  	v15 =	vld [tilespmem:s25+$0xFFFFFE60]  }
0x20f: {  	v16 =	vld [tilespmem:$0x11860]  }
0x210: {  	v17 =	vld [tilespmem:s25+$0xFFFFFE70]  }
0x211: {  	v18 =	vld [tilespmem:$0x11870]  }
0x212: {  	v19 =	vld [tilespmem:s25+$0xFFFFFE80]  }
0x213: {  	v20 =	vld [tilespmem:$0x11880]  }
0x214: {  	v21 =	vld [tilespmem:s25+$0xFFFFFE90]  }
0x215: {  	v22 =	vld [tilespmem:$0x11890]  }
0x216: {  	v23 =	vld [tilespmem:s25+$0xFFFFFEA0]  }
0x217: {  	v24 =	vld [tilespmem:$0x118A0]  }
0x218: {  	v25 =	vld [tilespmem:s25+$0xFFFFFEB0]  }
0x219: {  	v26 =	vld [tilespmem:$0x118B0]  }
0x21a: {  	v27 =	vld [tilespmem:s25+$0xFFFFFEC0]  }
0x21b: {  	v28 =	vld [tilespmem:$0x118C0]  }
0x21c: {  	v29 =	vld [tilespmem:s25+$0xFFFFFED0]  }
0x21d: {  	v30 =	vld [tilespmem:$0x118D0]  }
0x21e: {  	v31 =	vld [tilespmem:s25+$0xFFFFFEE0]  }
0x21f: {  	v32 =	vld [tilespmem:$0x118E0]  }
0x220: {  	v33 =	vld [tilespmem:s25+$0xFFFFFEF0]  }
0x221: {  	v34 =	vld [tilespmem:$0x118F0]  }
0x222: {  	v35 =	vld [tilespmem:s25+$0xFFFFFF00]  }
0x223: {  	v36 =	vld [tilespmem:$0x11900]  }
0x224: {  	v37 =	vld [tilespmem:s25+$0xFFFFFF10]  }
0x225: {  	v38 =	vld [tilespmem:$0x11910]  }
0x226: {  	v39 =	vld [tilespmem:s25+$0xFFFFFF20]  }
0x227: {  	v40 =	vld [tilespmem:$0x11920]  }
0x228: {  	v41 =	vld [tilespmem:s25+$0xFFFFFF30]  }
0x229: {  	v42 =	vld [tilespmem:$0x11930]  }
0x22a: {  	v43 =	vld [tilespmem:s25+$0xFFFFFF40]  }
0x22b: {  	v44 =	vld [tilespmem:$0x11940]  }
0x22c: {  	v45 =	vld [tilespmem:s25+$0xFFFFFF50];
	v3 =	vadd.f32 v4, v3  }
0x22d: {  	v46 =	vld [tilespmem:$0x11950];
	v5 =	vadd.f32 v6, v5;
	v6 =	vadd.f32 v8, v7  }
0x22e: {  	v47 =	vld [tilespmem:$0x11960];
	v9 =	vadd.f32 v10, v9;
	v11 =	vadd.f32 v12, v11  }
0x22f: {  	v48 =	vld [tilespmem:s25+$0xFFFFFF70];
	v13 =	vadd.f32 v14, v13;
	v15 =	vadd.f32 v16, v15  }
0x230: {  	vm0 =	veq.s32 v57, $0x0;
	v49 =	vld [tilespmem:$0x11970];
	v19 =	vadd.f32 v20, v19;
	v21 =	vadd.f32 v22, v21  }
0x231: {  	v4 =	vld [tilespmem:s25+$0xFFFFFF60];
	v17 =	vadd.f32 v18, v17;
	v29 =	vadd.f32 v30, v29;
	v3 =	vsel vm0, $0x0, v3  }
0x232: {  	v7 =	vld [tilespmem:s25+$0xFFFFFF80];
	vm6 =	vlt.f32 v5, $-Inf;
	vm0 =	vlt.f32 v3, $-Inf;
	vm1 =	vgt.f32 v3, $-Inf  }
0x233: {  	v10 =	vld [tilespmem:$0x11980];
	vm7 =	vgt.f32 v5, $-Inf;
	vm8 =	vlt.f32 v9, $-Inf;
	vm0 =	vmor vm1, vm0  }
0x234: {  	vm9 =	vgt.f32 v9, $-Inf;
	vm10 =	vlt.f32 v11, $-Inf;
	v8 =	vnsel vm0, $0x0, v57;
	v57 =	vld [tilespmem:$0x1FC40]  }
0x235: {  	v12 =	vld [tilespmem:s25+$0xFFFFFF90];
	vm15 =	vmor vm9, vm8;
	vm8 =	vlt.f32 v13, $-Inf;
	vm9 =	vgt.f32 v13, $-Inf  }
0x236: {  	v14 =	vld [tilespmem:$0x11990];
	vm5 =	vgt.f32 v11, $-Inf;
	vm4 =	vmor vm7, vm6;
	vm7 =	vmor vm9, vm8  }
0x237: {  	v16 =	vld [tilespmem:s25+$0xFFFFFFA0];
	vm6 =	vmor vm5, vm10;
	vm10 =	vgt.f32 v15, $-Inf;
	v13 =	vnsel vm7, $0xFF800000, v13  }
0x238: {  	v20 =	vld [tilespmem:$0x119A0];
	v3 =	vnsel vm0, $0xFF800000, v3;
	vm0 =	vlt.f32 v15, $-Inf;
	vm1 =	vgt.f32 v29, v13  }
0x239: {  	v13 =	vsel vm1, v29, v13;
	v29 =	vadd.f32 v36, v35;
	v36 =	vnsel vm4, $0x0, v57;
	v57 =	vld [tilespmem:$0x1FC50]  }
0x23a: {  	v22 =	vld [tilespmem:s25+$0xFFFFFFB0];
	vm8 =	vlt.f32 v17, $-Inf;
	vm0 =	vmor vm10, vm0;
	vm10 =	vgt.f32 v17, $-Inf  }
0x23b: {  	v18 =	vld [tilespmem:$0x119B0];
	v23 =	vadd.f32 v24, v23;
	v33 =	vadd.f32 v34, v33;
	vm8 =	vmor vm10, vm8  }
0x23c: {  	v24 =	vld [tilespmem:s25+$0xFFFFFFD0];
	vm2 =	vlt.f32 v6, $-Inf;
	vm3 =	vgt.f32 v6, $-Inf;
	v17 =	vnsel vm8, $0xFF800000, v17  }
0x23d: {  	v25 =	vadd.f32 v26, v25;
	v26 =	vld [tilespmem:$0x119D0];
	vm11 =	vmor vm3, vm2;
	vm14 =	vgt.f32 v33, v17  }
0x23e: {  	v17 =	vsel vm14, v33, v17;
	v33 =	vadd.f32 v38, v37;
	v38 =	vnsel vm11, $0x0, v57;
	v57 =	vld [tilespmem:$0x1FC60]  }
0x23f: {  	v27 =	vadd.f32 v28, v27;
	v28 =	vld [tilespmem:s25+$0xFFFFFFE0]  }
0x240: {  	v30 =	vld [tilespmem:s25+$0x0];
	vm2 =	vgt.f32 v19, v3  }
0x241: {  	v31 =	vadd.f32 v32, v31;
	v32 =	vld [tilespmem:$0x11A00];
	v3 =	vsel vm2, v19, v3  }
0x242: {  	v34 =	vld [tilespmem:s25+$0x10];
	vm10 =	vgt.f32 v29, v3  }
0x243: {  	v3 =	vsel vm10, v29, v3;
	v29 =	vadd.f32 v40, v39;
	v40 =	vnsel vm15, $0x0, v57;
	v57 =	vld [tilespmem:$0x1FC70]  }
0x244: {  	v41 =	vadd.f32 v42, v41;
	v42 =	vld [tilespmem:$0x11A30];
	v5 =	vnsel vm4, $0xFF800000, v5  }
0x245: {  	v43 =	vadd.f32 v44, v43;
	v44 =	vld [tilespmem:s25+$0x40];
	vm12 =	vgt.f32 v21, v5  }
0x246: {  	v45 =	vadd.f32 v46, v45;
	v46 =	vld [tilespmem:$0x11A40];
	v5 =	vsel vm12, v21, v5  }
0x247: {  	v4 =	vadd.f32 v47, v4;
	v47 =	vld [tilespmem:$0x11A50];
	vm4 =	vgt.f32 v33, v5  }
0x248: {  	v6 =	vnsel vm11, $0xFF800000, v6;
	v5 =	vsel vm4, v33, v5;
	v33 =	vnsel vm6, $0x0, v57;
	v57 =	vld [tilespmem:$0x1FC80]  }
0x249: {  	vm5 =	vgt.f32 v23, v6;
	v7 =	vadd.f32 v10, v7;
	v10 =	vld [tilespmem:$0x11A60]  }
0x24a: {  	v9 =	vnsel vm15, $0xFF800000, v9;
	v12 =	vadd.f32 v14, v12;
	v14 =	vld [tilespmem:$0x11A70];
	v6 =	vsel vm5, v23, v6  }
0x24b: {  	v11 =	vnsel vm6, $0xFF800000, v11;
	v18 =	vadd.f32 v18, v22;
	v22 =	vld [tilespmem:$0x11A80];
	vm6 =	vgt.f32 v29, v6  }
0x24c: {  	vm9 =	vgt.f32 v25, v9;
	v21 =	vld [tilespmem:$0x119C0];
	v6 =	vsel vm6, v29, v6  }
0x24d: {  	v23 =	vld [tilespmem:$0x119E0];
	v29 =	vnsel vm7, $0x0, v57;
	vm7 =	vgt.f32 v45, v13;
	v57 =	vimm.s32 $0x0  }
0x24e: {  	v9 =	vsel vm9, v25, v9;
	v25 =	vld [tilespmem:s25+$0xFFFFFFF0];
	v57 =	vsel vm7, $0xFFFFFFFF, v57  }
0x24f: {  	vm13 =	vgt.f32 v27, v11;
	[tilespmem:$0x1FBE0] =	vst v57;
	v57 =	vld [tilespmem:$0x1FC90]  }
0x250: {  	v11 =	vsel vm13, v27, v11;
	v27 =	vld [tilespmem:$0x119F0]  }
0x251: {  	v19 =	vld [tilespmem:s25+$0xFFFFFFC0];
	v15 =	vnsel vm0, $0xFF800000, v15  }
0x252: {  	v35 =	vld [tilespmem:$0x11A10];
	vm3 =	vgt.f32 v31, v15  }
0x253: {  	v15 =	vsel vm3, v31, v15;
	v31 =	vld [tilespmem:s25+$0x20];
	vm15 =	vgt.f32 v43, v11  }
0x254: {  	v11 =	vsel vm15, v43, v11;
	v43 =	vnsel vm0, $0x0, v57;
	v57 =	vld [tilespmem:$0x1FCA0]  }
0x255: {  	v37 =	vld [tilespmem:$0x11A20]  }
0x256: {  	v39 =	vld [tilespmem:s25+$0x30]  }
0x257: {  	v25 =	vadd.f32 v27, v25;
	v27 =	vld [tilespmem:$0x11AB0]  }
0x258: {  	v13 =	vsel vm7, v45, v13;
	v45 =	vld [tilespmem:s25+$0x60];
	vm7 =	vgt.f32 v4, v15  }
0x259: {  	v48 =	vadd.f32 v49, v48;
	v4 =	vsel vm7, v4, v15;
	v15 =	vld [tilespmem:s25+$0x70];
	v49 =	vnsel vm8, $0x0, v57;
	v57 =	vmovc v55;
	v55 =	vmovc v53  }
0x25a: {  	v53 =	vmovc v63;
	v63 =	vmovc v56;
	v56 =	vmov v60;
	v60 =	vmov v0;
	v0 =	vmov v59;
	v59 =	vld [tilespmem:$0x1FCB0]  }
0x25b: {  	v23 =	vadd.f32 v23, v28;
	v19 =	vadd.f32 v21, v19;
	v21 =	vld [tilespmem:$0x11A90]  }
0x25c: {  	vm11 =	vgt.f32 v41, v9;
	v31 =	vadd.f32 v37, v31;
	v37 =	vld [tilespmem:$0x11AE0]  }
0x25d: {  	v9 =	vsel vm11, v41, v9;
	v41 =	vld [tilespmem:s25+$0x50];
	v10 =	vadd.f32 v10, v45;
	vm0 =	vgt.f32 v23, v4  }
0x25e: {  	v45 =	vld [tilespmem:$0x1FCD0];
	v14 =	vadd.f32 v14, v15;
	v4 =	vsel vm0, v23, v4;
	vm8 =	vgt.f32 v7, v3  }
0x25f: {  	v15 =	vld [tilespmem:$0x11B00];
	v3 =	vsel vm8, v7, v3;
	v8 =	vsel vm2, v59, v8;
	v59 =	vmovc v0;
	vm2 =	vgt.f32 v48, v17  }
0x260: {  	v23 =	vld [tilespmem:s25+$0xC0];
	v0 =	vmovc v60;
	v60 =	vmovc v56;
	v56 =	vmov v63;
	v63 =	vmov v53;
	v17 =	vsel vm2, v48, v17  }
0x261: {  	v53 =	vmovc v55;
	v48 =	vadd.f32 v20, v16;
	v16 =	vld [tilespmem:s25+$0x80];
	v20 =	vsel vm12, v59, v36;
	vm12 =	vgt.f32 v12, v5  }
0x262: {  	v36 =	vsel vm5, v0, v38;
	v28 =	vsel vm1, v63, v29;
	v29 =	vsel vm3, v53, v43;
	v43 =	vld [tilespmem:$0x1FFD0]  }
0x263: {  	v38 =	vsel vm9, v60, v40;
	vm9 =	vgt.f32 v18, v9;
	v5 =	vsel vm12, v12, v5;
	v12 =	vld [tilespmem:s25+$0x90]  }
0x264: {  	v40 =	vimm.s32 $0x0;
	v7 =	vsel vm9, v18, v9;
	v18 =	vld [tilespmem:s25+$0xA0];
	vm5 =	vgt.f32 v48, v6  }
0x265: {  	v6 =	vsel vm5, v48, v6;
	v48 =	vadd.f32 v26, v24;
	v24 =	vsel vm13, v56, v33;
	v26 =	vld [tilespmem:$0x11AA0]  }
0x266: {  	vm13 =	vgt.f32 v19, v11;
	v33 =	vsel vm0, $0xFFFFFFFF, v40;
	v40 =	vadd.f32 v35, v34;
	v34 =	vld [tilespmem:$0x11AD0]  }
0x267: {  	v11 =	vsel vm13, v19, v11;
	v19 =	vld [tilespmem:s25+$0xB0]  }
0x268: {  	[tilespmem:$0x1FBF0] =	vst v33;
	v33 =	vld [tilespmem:$0x11AC0]  }
0x269: {  	vm0 =	vgt.f32 v31, v6;
	v8 =	vsel vm10, v43, v8;
	v43 =	vld [tilespmem:$0x1FE00]  }
0x26a: {  	v6 =	vsel vm0, v31, v6;
	v31 =	vld [tilespmem:s25+$0xF0]  }
0x26b: {  	vm3 =	vgt.f32 v48, v13;
	v16 =	vadd.f32 v22, v16;
	v22 =	vld [tilespmem:$0x11B10]  }
0x26c: {  	v9 =	vsel vm3, v48, v13;
	v48 =	vld [tilespmem:$0x1FF80]  }
0x26d: {  	vm1 =	vgt.f32 v40, v5;
	v13 =	vadd.f32 v32, v30;
	v32 =	vld [tilespmem:s25+$0xE0]  }
0x26e: {  	v55 =	vmov v57;
	v5 =	vsel vm1, v40, v5;
	v40 =	vld [tilespmem:$0x1FF90]  }
0x26f: {  	v30 =	vsel vm14, v55, v49;
	vm14 =	vgt.f32 v25, v17;
	v49 =	vadd.f32 v46, v44;
	v44 =	vld [tilespmem:$0x1FE20]  }
0x270: {  	v17 =	vsel vm14, v25, v17;
	v25 =	vld [tilespmem:s25+$0xD0];
	vm10 =	vgt.f32 v13, v3  }
0x271: {  	v13 =	vsel vm10, v13, v3;
	v3 =	vadd.f32 v42, v39;
	v39 =	vadd.f32 v47, v41;
	v47 =	vld [tilespmem:$0x1FFC0]  }
0x272: {  	v41 =	vld [tilespmem:$0x1FF60]  }
0x273: {  	v42 =	vadd.f32 v26, v18;
	v18 =	vld [tilespmem:$0x11B20]  }
0x274: {  	v26 =	vld [tilespmem:$0x11B30]  }
0x275: {  	v19 =	vadd.f32 v27, v19;
	v27 =	vld [tilespmem:$0x11B40]  }
0x276: {  	v20 =	vsel vm4, v43, v20;
	v43 =	vld [tilespmem:$0x1FFB0]  }
0x277: {  	v35 =	vsel vm6, v48, v36;
	v48 =	vld [tilespmem:$0x11AF0]  }
0x278: {  	v8 =	vsel vm8, v54, v8;
	vm8 =	vgt.f32 v16, v13;
	v36 =	vld [tilespmem:s25+$0x100]  }
0x279: {  	v13 =	vsel vm8, v16, v13;
	v16 =	vld [tilespmem:s25+$0x130]  }
0x27a: {  	v46 =	vadd.f32 v37, v32;
	v32 =	vld [tilespmem:$0x1FEA0]  }
0x27b: {  	v12 =	vadd.f32 v21, v12;
	v37 =	vld [tilespmem:$0x1FD30]  }
0x27c: {  	v24 =	vsel vm15, v40, v24;
	vm15 =	vgt.f32 v49, v11;
	v40 =	vld [tilespmem:s25+$0x1B0]  }
0x27d: {  	v20 =	vsel vm12, v58, v20;
	vm12 =	vgt.f32 v12, v5;
	v11 =	vsel vm15, v49, v11;
	v49 =	vld [tilespmem:$0x1FFA0]  }
0x27e: {  	v5 =	vsel vm12, v12, v5;
	v12 =	vld [tilespmem:s25+$0x180]  }
0x27f: {  	v24 =	vsel vm13, v44, v24;
	v44 =	vld [tilespmem:$0x1FCF0]  }
0x280: {  	v25 =	vadd.f32 v34, v25;
	v34 =	vld [tilespmem:$0x1FD60]  }
0x281: {  	v21 =	vsel vm5, v61, v35;
	vm5 =	vgt.f32 v42, v6;
	v35 =	vld [tilespmem:$0x1FFE0]  }
0x282: {  	v6 =	vsel vm5, v42, v6;
	v42 =	vld [tilespmem:s25+$0x190]  }
0x283: {  	v38 =	vsel vm11, v43, v38;
	vm11 =	vgt.f32 v3, v7;
	v43 =	vadd.f32 v33, v23;
	v33 =	vld [tilespmem:$0x1FEE0]  }
0x284: {  	v7 =	vsel vm11, v3, v7;
	v3 =	vld [tilespmem:$0x1FBE0]  }
0x285: {  	v31 =	vadd.f32 v48, v31;
	v48 =	vld [tilespmem:$0x1FF70]  }
0x286: {  	v15 =	vadd.f32 v15, v36;
	v36 =	vld [tilespmem:s25+$0x1A0]  }
0x287: {  	v23 =	vsel vm9, v62, v38;
	v38 =	vld [tilespmem:$0x11BA0]  }
0x288: {  	vm6 =	vgt.f32 v10, v4;
	v29 =	vsel vm7, v49, v29;
	vm7 =	vgt.f32 v14, v17;
	v49 =	vld [tilespmem:$0x11B80]  }
0x289: {  	v4 =	vsel vm6, v10, v4;
	v10 =	vsel vm7, v14, v17;
	v14 =	vld [tilespmem:s25+$0x120]  }
0x28a: {  	vm13 =	vgt.f32 v43, v11;
	v17 =	vld [tilespmem:s25+$0x140]  }
0x28b: {  	v23 =	vsel vm11, v51, v23;
	v11 =	vsel vm13, v43, v11;
	v43 =	vld [tilespmem:$0x11B90];
	vm11 =	vgt.f32 v31, v10  }
0x28c: {  	v10 =	vsel vm11, v31, v10;
	v31 =	vld [tilespmem:s25+$0x160]  }
0x28d: {  	vm4 =	vnez.u8 v3;
	v3 =	vsel vm2, v47, v30;
	v30 =	vld [tilespmem:s25+$0x110]  }
0x28e: {  	v47 =	vld [tilespmem:$0x1FF50]  }
0x28f: {  	vm2 =	vgt.f32 v19, v7;
	v20 =	vsel vm1, v48, v20;
	v48 =	vld [tilespmem:$0x11B70]  }
0x290: {  	v7 =	vsel vm2, v19, v7;
	v19 =	vld [tilespmem:s25+$0x150]  }
0x291: {  	v28 =	vsel vm4, v41, v28;
	v41 =	vld [tilespmem:$0x1FF40]  }
0x292: {  	vm4 =	vgt.f32 v39, v9;
	v12 =	vadd.f32 v49, v12;
	v49 =	vld [tilespmem:$0x1FD20]  }
0x293: {  	v9 =	vsel vm4, v39, v9;
	v28 =	vsel vm3, v45, v28;
	v45 =	vld [tilespmem:$0x1FD00]  }
0x294: {  	v39 =	vld [tilespmem:$0x1FD40];
	vm9 =	vgt.f32 v25, v9  }
0x295: {  	v9 =	vsel vm9, v25, v9;
	v25 =	vld [tilespmem:$0x11B50]  }
0x296: {  	v8 =	vsel vm10, v47, v8;
	v47 =	vadd.f32 v43, v42;
	v42 =	vld [tilespmem:s25+$0x1C0]  }
0x297: {  	vm10 =	vgt.f32 v46, v4;
	v43 =	vld [tilespmem:$0x11BC0]  }
0x298: {  	v4 =	vsel vm10, v46, v4;
	v46 =	vld [tilespmem:$0x1FD10]  }
0x299: {  	v16 =	vadd.f32 v26, v16;
	v21 =	vsel vm0, v41, v21;
	vm0 =	vgt.f32 v15, v13;
	v41 =	vld [tilespmem:$0x11BB0]  }
0x29a: {  	v14 =	vadd.f32 v18, v14;
	v22 =	vadd.f32 v22, v30;
	v13 =	vsel vm0, v15, v13;
	v15 =	vld [tilespmem:$0x11B60]  }
0x29b: {  	v3 =	vsel vm14, v33, v3;
	v17 =	vadd.f32 v27, v17;
	v18 =	vsel vm12, v45, v20;
	v20 =	vld [tilespmem:s25+$0x170]  }
0x29c: {  	v8 =	vsel vm8, v44, v8;
	vm8 =	vgt.f32 v14, v6;
	vm1 =	vgt.f32 v22, v5;
	v45 =	vld [tilespmem:$0x1FE80]  }
0x29d: {  	v6 =	vsel vm8, v14, v6;
	v14 =	vadd.f32 v38, v36;
	v36 =	vld [tilespmem:$0x1FEC0];
	v5 =	vsel vm1, v22, v5  }
0x29e: {  	v38 =	vld [tilespmem:s25+$0x1F0];
	v18 =	vsel vm1, v49, v18;
	vm12 =	vgt.f32 v47, v5;
	v44 =	vadd.f32 v25, v19  }
0x29f: {  	v49 =	vld [tilespmem:s25+$0x1E0];
	v5 =	vsel vm12, v47, v5;
	v8 =	vsel vm0, v46, v8;
	vm0 =	vgt.f32 v12, v13  }
0x2a0: {  	v47 =	vld [tilespmem:$0x1FE70];
	v8 =	vsel vm0, v37, v8;
	v12 =	vsel vm0, v12, v13;
	v13 =	vsel vm12, v39, v18  }
0x2a1: {  	v46 =	vld [tilespmem:s25+$0x1D0];
	vm12 =	vgt.f32 v16, v7;
	v15 =	vadd.f32 v15, v31;
	v20 =	vadd.f32 v48, v20  }
0x2a2: {  	v48 =	vld [tilespmem:$0x11BD0];
	v23 =	vsel vm2, v45, v23;
	v18 =	vadd.f32 v41, v40;
	v41 =	vadd.f32 v43, v42  }
0x2a3: {  	v37 =	vld [tilespmem:$0x11BE0];
	vm0 =	veq.f32 v5, v12;
	vm1 =	vlt.u32 v13, v8;
	v7 =	vsel vm12, v16, v7  }
0x2a4: {  	v42 =	vld [tilespmem:$0x1FED0];
	vm0 =	vmand vm0, vm1;
	vm1 =	vgt.f32 v5, v12;
	vm2 =	vgt.f32 v15, v4  }
0x2a5: {  	v43 =	vld [tilespmem:$0x1FBF0];
	vm3 =	vmor vm1, vm0;
	vm0 =	vgt.f32 v17, v11;
	v21 =	vsel vm5, v47, v21  }
0x2a6: {  	v40 =	vld [tilespmem:$0x11BF0];
	vm1 =	vgt.f32 v44, v9;
	v4 =	vsel vm2, v15, v4;
	vm5 =	vgt.f32 v14, v6  }
0x2a7: {  	v47 =	vld [tilespmem:$0x1FD50];
	v11 =	vsel vm0, v17, v11;
	v5 =	vsel vm3, v5, v12;
	v8 =	vsel vm3, v13, v8  }
0x2a8: {  	v22 =	vld [tilespmem:$0x1FFF0];
	vm3 =	vgt.f32 v20, v10;
	v9 =	vsel vm1, v44, v9;
	v39 =	vsel vm8, v36, v21  }
0x2a9: {  	v21 =	vld [tilespmem:$0x1FE50];
	v6 =	vsel vm5, v14, v6;
	v36 =	vsel vm15, v52, v24;
	v10 =	vsel vm3, v20, v10  }
0x2aa: {  	v44 =	vld [tilespmem:$0x1FF30];
	v12 =	vadd.f32 v48, v46;
	vm8 =	vnez.u8 v43;
	v45 =	vsel vm12, v42, v23  }
0x2ab: {  	v48 =	vadd.f32 v37, v49;
	v31 =	vadd.f32 v40, v38;
	v16 =	vsel vm8, v32, v29;
	v32 =	vld [tilespmem:$0x1FE40]  }
0x2ac: {  	v37 =	vld [tilespmem:$0x1FE90];
	vm8 =	vgt.f32 v41, v11;
	v17 =	vsel vm5, v47, v39;
	vm5 =	vgt.f32 v18, v7  }
0x2ad: {  	v46 =	vld [tilespmem:$0x1FE60];
	vm12 =	vgt.f32 v12, v9;
	v7 =	vsel vm5, v18, v7;
	v14 =	vsel vm5, v34, v45  }
0x2ae: {  	v49 =	vld [tilespmem:$0x1FEB0];
	v11 =	vsel vm8, v41, v11;
	vm5 =	veq.f32 v7, v6;
	vm14 =	vlt.u32 v14, v17  }
0x2af: {  	v42 =	vld [tilespmem:$0x1FF10];
	v41 =	vsel vm13, v22, v36;
	vm15 =	vgt.f32 v7, v6;
	vm5 =	vmand vm5, vm14  }
0x2b0: {  	v9 =	vsel vm12, v12, v9;
	v39 =	vld [tilespmem:$0x1FEF0];
	v38 =	vsel vm4, v32, v28;
	vm5 =	vmor vm15, vm5  }
0x2b1: {  	v43 =	vld [tilespmem:$0x1FD70];
	v40 =	vsel vm6, v21, v16;
	v6 =	vsel vm5, v7, v6;
	v7 =	vsel vm9, v37, v38  }
0x2b2: {  	v3 =	vsel vm7, v46, v3;
	v12 =	vsel vm10, v35, v40;
	v7 =	vsel vm1, v44, v7;
	v44 =	vld [tilespmem:$0x1FD80]  }
0x2b3: {  	vm14 =	vgt.f32 v48, v4;
	v3 =	vsel vm11, v49, v3;
	v12 =	vsel vm2, v50, v12  }
0x2b4: {  	vm15 =	vgt.f32 v31, v10;
	v4 =	vsel vm14, v48, v4;
	v3 =	vsel vm3, v42, v3  }
0x2b5: {  	v12 =	vsel vm14, v2, v12;
	v10 =	vsel vm15, v31, v10;
	v13 =	vsel vm0, v39, v41  }
0x2b6: {  	v3 =	vsel vm15, v1, v3;
	vm9 =	veq.f32 v9, v11;
	v14 =	vsel vm5, v14, v17  }
0x2b7: {  	v13 =	vsel vm8, v43, v13;
	vm8 =	vgt.f32 v9, v11;
	v7 =	vsel vm12, v44, v7  }
0x2b8: {  	vm11 =	veq.f32 v10, v4;
	vm14 =	vgt.f32 v10, v4;
	vm10 =	vlt.u32 v7, v13  }
0x2b9: {  	vm15 =	vgt.f32 v6, v5;
	vm12 =	vlt.u32 v3, v12;
	vm1 =	vmand vm9, vm10  }
0x2ba: {  	vm6 =	veq.f32 v6, v5;
	vm13 =	vmand vm11, vm12;
	vm0 =	vmor vm8, vm1  }
0x2bb: {  	vm7 =	vlt.u32 v14, v8;
	vm1 =	vmor vm14, vm13;
	v9 =	vsel vm0, v9, v11  }
0x2bc: {  	v7 =	vsel vm0, v7, v13;
	v4 =	vsel vm1, v10, v4;
	v3 =	vsel vm1, v3, v12  }
0x2bd: {  	vm1 =	vmand vm6, vm7;
	vm8 =	veq.f32 v4, v9;
	vm9 =	vlt.u32 v3, v7  }
0x2be: {  	vm0 =	vmor vm15, vm1;
	vm11 =	vgt.f32 v4, v9;
	vm10 =	vmand vm8, vm9  }
0x2bf: {  	v5 =	vsel vm0, v6, v5;
	vm1 =	vmor vm11, vm10  }
0x2c0: {  	v45 =	vsel vm0, v14, v8;
	v4 =	vsel vm1, v4, v9;
	v3 =	vsel vm1, v3, v7  }
0x2c1: {  	vm12 =	veq.f32 v4, v5;
	vm1 =	vlt.u32 v3, v45  }
0x2c2: {  	vm13 =	vgt.f32 v4, v5;
	vm0 =	vmand vm12, vm1  }
0x2c3: {  	vm0 =	vmor vm13, vm0  }
0x2c4: {  	v4 =	vsel vm0, v4, v5  }
0x2c5: {  	(xrf0) =	vmax.scan.msk.f32 $0xffff, v4;
	_ =	sdelay $0x5  }
0x2c6: {  	v47, _, _ =	vpop (xrf0)  }
0x2c7: {  	v48 =	vbroadcast v47, $0xF  }
0x2c8: {  	v3 =	vsel vm0, v3, v45  }
0x2c9: {  	v3 =	vxor.u32 $0x80000000, v3;
	vm15 =	veq.f32 v4, v48  }
0x2ca: {  	v3 =	vnsel vm15, $0xC0000000, v3  }
0x2cb: {  	(xrf0) =	vmin.scan.msk.u32 $0xffff, v3;
	_ =	sdelay $0x5  }
0x2cc: {  	(v2sf) =	vpush v47, $0xF;
	v3, _, _ =	vpop (xrf0)  }
0x2cd: {  	(v2sf) =	vpush v3, $0xF;
	_ =	sdelay $0xb  }
0x2ce: {  	v46 =	vld [tilespmem:$0x1FF20];
	_ =	sdelay $0x1  }
0x2cf: {  	s26 =	spop (v2sf)  }
0x2d0: {  	vm2 =	vmxor vm13, vm13;
	s28 =	spop (v2sf)  }
0x2d1: {  	vm0 =	vmmov vm2;
	p0 =	sne.s32 s28, $0x80000000  }
0x2d2: {  	s29 =	sadd.s32 s24, s22;
	vm14 =	vnez.u8 v46;
	vm0 =	vmneg @p0 vm0  }
0x2d3: {  	v3 =	vmov s29;
	s28 =	sxor.u32 $0x80000000, s28;
	vm0 =	vmand vm0, vm14  }
0x2d4: {  	v49 =	vmov s28;
	p0 =	sne.s32 s24, $0x22  }
.Ltmp2:
0x2d5: {  	_ = 	snop;
	(pc) =	sbr.rel @p0 .LBB2_6-.Ltmp2, $3  }
0x2d6: {  	_ =	sdelay $0x1  }
0x2d7: {  	[tilespmem:v3+s13+$0x0] =	vst.idx.msk $0x1, v49;
	v3 =	vimm.f32 $-1.000000000e+09  }
0x2d8: {  	v57 =	vlaneseq.u32;
	s25 =	sadd.s32 $0x400, s25;
	s19 =	sadd.f32 s26, s19;
	s24 =	sadd.s32 $0x1, s24;
	[tilespmem:v49+s14+$0x0] =	vst.idx.msk vm0, v3  }
0x2d9: {  	p0 =	seq.s32 s20, $0x11  }
.Ltmp3:
0x2da: {  	_ = 	snop;
	(pc) =	sbr.rel @p0 .LBB2_9-.Ltmp3, $1  }
0x2db: {  	_ =	sdelay $0x3  }
.Ltmp4:
0x2dc: {  	(pc) =	sbr.rel .LBB2_3-.Ltmp4, $4  }
0x2dd: {  	s23 =	sadd.s32 s23, s5  }
0x2de: {  	s20 =	sadd.s32 $0x1, s20;
	s23 =	sshrl.u32 s23, $0x3  }
0x2df: {  	s21 =	sadd.s32 $0x46, s21;
	s22 =	sadd.s32 $0x46, s22;
	s23 =	sadd.s32 s3, s23  }
0x2e0: {  	v35 =	vmov v61;
	v38 =	vmov v62;
	[tilespmem:s11], [sflag:$0x2] =	stream.linear.gather [hbm4b:s23+s2], $0x8C00, $0x38;
	[tilespmem:$0x12410] =	vst v63  }
.LBB2_9:
0x2e1: {  	_ =	swait.ge [sflag:s12], $0x8C00  }
0x2e2: {  	v0 =	vld [tilespmem:$0x1FC40]  }
0x2e3: {  	v56 =	vld [tilespmem:$0x1FC50]  }
0x2e4: {  	v57 =	vld [tilespmem:$0x1FC60]  }
0x2e5: {  	v58 =	vld [tilespmem:$0x1FC70]  }
0x2e6: {  	v60 =	vld [tilespmem:$0x1FC80]  }
0x2e7: {  	v63 =	vld [tilespmem:$0x1FC90]  }
0x2e8: {  	v50 =	vld [tilespmem:$0x1FDA0]  }
0x2e9: {  	v51 =	vld [tilespmem:$0x1FDB0]  }
0x2ea: {  	v52 =	vld [tilespmem:$0x1FDC0]  }
0x2eb: {  	v53 =	vld [tilespmem:$0x1FDD0]  }
0x2ec: {  	[sflag:s12] =	ssyncset.done $0x0;
	v54 =	vld [tilespmem:$0x1FDE0]  }
0x2ed: {  	s20 =	simm.s32 $0x7DD;
	s21 =	simm.s32 $0x200;
	v55 =	vld [tilespmem:$0x1FDF0];
	[sflag:s12] =	ssyncadd.s32 $0xFFFF7400  }
.LBB2_10:
0x2ee: {  	v3 =	vld [tilespmem:s21+$0xFFFFFE00]  }
0x2ef: {  	v4 =	vld [tilespmem:$0x11800]  }
0x2f0: {  	v5 =	vld [tilespmem:s21+$0xFFFFFE10]  }
0x2f1: {  	v6 =	vld [tilespmem:$0x11810]  }
0x2f2: {  	v7 =	vld [tilespmem:s21+$0xFFFFFE20]  }
0x2f3: {  	v8 =	vld [tilespmem:$0x11820]  }
0x2f4: {  	v9 =	vld [tilespmem:s21+$0xFFFFFE30]  }
0x2f5: {  	v10 =	vld [tilespmem:$0x11830]  }
0x2f6: {  	v11 =	vld [tilespmem:s21+$0xFFFFFE40]  }
0x2f7: {  	v12 =	vld [tilespmem:$0x11840]  }
0x2f8: {  	v13 =	vld [tilespmem:s21+$0xFFFFFE50]  }
0x2f9: {  	v14 =	vld [tilespmem:$0x11850]  }
0x2fa: {  	v15 =	vld [tilespmem:s21+$0xFFFFFE60]  }
0x2fb: {  	v16 =	vld [tilespmem:$0x11860]  }
0x2fc: {  	v17 =	vld [tilespmem:s21+$0xFFFFFE70]  }
0x2fd: {  	v18 =	vld [tilespmem:$0x11870]  }
0x2fe: {  	v19 =	vld [tilespmem:s21+$0xFFFFFE80]  }
0x2ff: {  	v20 =	vld [tilespmem:$0x11880]  }
0x300: {  	v21 =	vld [tilespmem:s21+$0xFFFFFE90]  }
0x301: {  	v22 =	vld [tilespmem:$0x11890]  }
0x302: {  	v23 =	vld [tilespmem:s21+$0xFFFFFEA0]  }
0x303: {  	v24 =	vld [tilespmem:$0x118A0]  }
0x304: {  	v25 =	vld [tilespmem:s21+$0xFFFFFEB0]  }
0x305: {  	v26 =	vld [tilespmem:$0x118B0]  }
0x306: {  	v27 =	vld [tilespmem:s21+$0xFFFFFEC0]  }
0x307: {  	v28 =	vld [tilespmem:$0x118C0]  }
0x308: {  	v29 =	vld [tilespmem:s21+$0xFFFFFED0]  }
0x309: {  	v30 =	vld [tilespmem:$0x118D0]  }
0x30a: {  	v31 =	vld [tilespmem:s21+$0xFFFFFEE0]  }
0x30b: {  	v32 =	vld [tilespmem:$0x118E0]  }
0x30c: {  	v33 =	vld [tilespmem:s21+$0xFFFFFEF0]  }
0x30d: {  	v34 =	vld [tilespmem:$0x118F0]  }
0x30e: {  	v35 =	vld [tilespmem:s21+$0xFFFFFF00]  }
0x30f: {  	v36 =	vld [tilespmem:$0x11900]  }
0x310: {  	v37 =	vld [tilespmem:s21+$0xFFFFFF10]  }
0x311: {  	v38 =	vld [tilespmem:$0x11910]  }
0x312: {  	v39 =	vld [tilespmem:s21+$0xFFFFFF20]  }
0x313: {  	v40 =	vld [tilespmem:$0x11920]  }
0x314: {  	v41 =	vld [tilespmem:s21+$0xFFFFFF30]  }
0x315: {  	v42 =	vld [tilespmem:$0x11930]  }
0x316: {  	v43 =	vld [tilespmem:s21+$0xFFFFFF40]  }
0x317: {  	v44 =	vld [tilespmem:$0x11940]  }
0x318: {  	v45 =	vld [tilespmem:s21+$0xFFFFFF50]  }
0x319: {  	v46 =	vld [tilespmem:$0x11950];
	v3 =	vadd.f32 v4, v3;
	v5 =	vadd.f32 v6, v5  }
0x31a: {  	v47 =	vld [tilespmem:$0x11960];
	v6 =	vadd.f32 v8, v7;
	v9 =	vadd.f32 v10, v9  }
0x31b: {  	v48 =	vld [tilespmem:s21+$0xFFFFFF70];
	v11 =	vadd.f32 v12, v11;
	v13 =	vadd.f32 v14, v13  }
0x31c: {  	v49 =	vld [tilespmem:$0x11970];
	v15 =	vadd.f32 v16, v15;
	v19 =	vadd.f32 v20, v19  }
0x31d: {  	v4 =	vld [tilespmem:s21+$0xFFFFFF60];
	v21 =	vadd.f32 v22, v21;
	v17 =	vadd.f32 v18, v17  }
0x31e: {  	v7 =	vld [tilespmem:s21+$0xFFFFFF80];
	v23 =	vadd.f32 v24, v23;
	v25 =	vadd.f32 v26, v25  }
0x31f: {  	v10 =	vld [tilespmem:$0x11980];
	v27 =	vadd.f32 v28, v27;
	v29 =	vadd.f32 v30, v29  }
0x320: {  	v59 =	vlaneseq.u32;
	v12 =	vld [tilespmem:s21+$0xFFFFFF90];
	v31 =	vadd.f32 v32, v31;
	v33 =	vadd.f32 v34, v33  }
0x321: {  	vm0 =	veq.s32 v59, $0x0;
	v14 =	vld [tilespmem:$0x11990];
	v41 =	vadd.f32 v42, v41;
	v43 =	vadd.f32 v44, v43  }
0x322: {  	v16 =	vld [tilespmem:s21+$0xFFFFFFA0];
	v45 =	vadd.f32 v46, v45;
	v3 =	vsel vm0, $0x0, v3;
	vm6 =	vlt.f32 v5, $-Inf  }
0x323: {  	v20 =	vld [tilespmem:$0x119A0];
	vm7 =	vgt.f32 v5, $-Inf;
	vm2 =	vlt.f32 v6, $-Inf;
	vm3 =	vgt.f32 v6, $-Inf  }
0x324: {  	v22 =	vld [tilespmem:s21+$0xFFFFFFB0];
	vm8 =	vlt.f32 v9, $-Inf;
	vm9 =	vgt.f32 v9, $-Inf;
	vm10 =	vlt.f32 v11, $-Inf  }
0x325: {  	v18 =	vld [tilespmem:$0x119B0];
	vm5 =	vgt.f32 v11, $-Inf;
	vm0 =	vlt.f32 v3, $-Inf;
	vm1 =	vgt.f32 v3, $-Inf  }
0x326: {  	v24 =	vld [tilespmem:s21+$0xFFFFFFD0];
	vm4 =	vmor vm7, vm6;
	vm11 =	vmor vm3, vm2;
	vm15 =	vmor vm9, vm8  }
0x327: {  	v26 =	vld [tilespmem:$0x119D0];
	vm6 =	vmor vm5, vm10;
	vm8 =	vlt.f32 v13, $-Inf;
	vm9 =	vgt.f32 v13, $-Inf  }
0x328: {  	v28 =	vld [tilespmem:s21+$0xFFFFFFE0];
	vm10 =	vgt.f32 v15, $-Inf;
	vm0 =	vmor vm1, vm0;
	v5 =	vnsel vm4, $0xFF800000, v5  }
0x329: {  	v30 =	vld [tilespmem:s21+$0x0];
	v6 =	vnsel vm11, $0xFF800000, v6;
	v9 =	vnsel vm15, $0xFF800000, v9;
	v11 =	vnsel vm6, $0xFF800000, v11  }
0x32a: {  	v32 =	vld [tilespmem:$0x11A00];
	vm7 =	vmor vm9, vm8;
	vm8 =	vlt.f32 v17, $-Inf;
	v8 =	vnsel vm0, $0x0, v59  }
0x32b: {  	v34 =	vld [tilespmem:s21+$0x10];
	v3 =	vnsel vm0, $0xFF800000, v3;
	vm12 =	vgt.f32 v21, v5;
	vm5 =	vgt.f32 v23, v6  }
0x32c: {  	v42 =	vld [tilespmem:$0x11A30];
	vm0 =	vlt.f32 v15, $-Inf;
	vm9 =	vgt.f32 v25, v9;
	vm13 =	vgt.f32 v27, v11  }
0x32d: {  	v44 =	vld [tilespmem:s21+$0x40];
	v13 =	vnsel vm7, $0xFF800000, v13;
	v59 =	vadd.f32 v36, v35;
	v4 =	vadd.f32 v47, v4  }
0x32e: {  	v46 =	vld [tilespmem:$0x11A40];
	v36 =	vnsel vm4, $0x0, v0;
	v7 =	vadd.f32 v10, v7;
	v12 =	vadd.f32 v14, v12  }
0x32f: {  	v35 =	vld [tilespmem:$0x11A10];
	v18 =	vadd.f32 v18, v22;
	vm0 =	vmor vm10, vm0;
	vm10 =	vgt.f32 v17, $-Inf  }
0x330: {  	v47 =	vld [tilespmem:$0x11A50];
	vm2 =	vgt.f32 v19, v3;
	v5 =	vsel vm12, v21, v5;
	vm8 =	vmor vm10, vm8  }
0x331: {  	v10 =	vld [tilespmem:$0x11A60];
	v6 =	vsel vm5, v23, v6;
	v9 =	vsel vm9, v25, v9;
	v17 =	vnsel vm8, $0xFF800000, v17  }
0x332: {  	v14 =	vld [tilespmem:$0x11A70];
	v11 =	vsel vm13, v27, v11;
	v3 =	vsel vm2, v19, v3;
	vm14 =	vgt.f32 v33, v17  }
0x333: {  	v22 =	vld [tilespmem:$0x11A80];
	vm10 =	vgt.f32 v59, v3;
	v17 =	vsel vm14, v33, v17;
	v33 =	vadd.f32 v38, v37  }
0x334: {  	v21 =	vld [tilespmem:$0x119C0];
	vm1 =	vgt.f32 v29, v13;
	v3 =	vsel vm10, v59, v3;
	v59 =	vadd.f32 v40, v39  }
0x335: {  	v23 =	vld [tilespmem:$0x119E0];
	v13 =	vsel vm1, v29, v13;
	v29 =	vnsel vm7, $0x0, v60;
	vm4 =	vgt.f32 v33, v5  }
0x336: {  	v25 =	vld [tilespmem:s21+$0xFFFFFFF0];
	v5 =	vsel vm4, v33, v5;
	v33 =	vnsel vm6, $0x0, v58;
	vm6 =	vgt.f32 v59, v6  }
0x337: {  	v27 =	vld [tilespmem:$0x119F0];
	vm7 =	vgt.f32 v45, v13;
	v6 =	vsel vm6, v59, v6;
	v59 =	vimm.s32 $0x0  }
0x338: {  	v19 =	vld [tilespmem:s21+$0xFFFFFFC0];
	v15 =	vnsel vm0, $0xFF800000, v15;
	v59 =	vsel vm7, $0xFFFFFFFF, v59  }
0x339: {  	vm3 =	vgt.f32 v31, v15;
	[tilespmem:$0x1FBC0] =	vst v59;
	v59 =	vld [tilespmem:$0x1FCA0]  }
0x33a: {  	v15 =	vsel vm3, v31, v15;
	v31 =	vld [tilespmem:s21+$0x20]  }
0x33b: {  	v39 =	vld [tilespmem:s21+$0x30]  }
0x33c: {  	v13 =	vsel vm7, v45, v13;
	v45 =	vld [tilespmem:s21+$0x60]  }
0x33d: {  	v37 =	vld [tilespmem:$0x11A20];
	v38 =	vnsel vm11, $0x0, v56;
	vm11 =	vgt.f32 v41, v9  }
0x33e: {  	v48 =	vadd.f32 v49, v48;
	v9 =	vsel vm11, v41, v9;
	v41 =	vld [tilespmem:s21+$0x50];
	v49 =	vnsel vm8, $0x0, v59;
	v59 =	vmovc v55  }
0x33f: {  	v55 =	vmovc v54;
	v54 =	vmovc v53;
	v53 =	vmov v52;
	v52 =	vmov v51;
	v51 =	vmov v50;
	v50 =	vld [tilespmem:$0x1FCB0]  }
0x340: {  	v25 =	vadd.f32 v27, v25;
	v27 =	vld [tilespmem:$0x11AB0]  }
0x341: {  	v40 =	vnsel vm15, $0x0, v57;
	v19 =	vadd.f32 v21, v19;
	v21 =	vld [tilespmem:$0x11A90];
	vm7 =	vgt.f32 v4, v15  }
0x342: {  	vm15 =	vgt.f32 v43, v11;
	v4 =	vsel vm7, v4, v15;
	v15 =	vld [tilespmem:s21+$0x70];
	vm8 =	vgt.f32 v7, v3  }
0x343: {  	v23 =	vadd.f32 v23, v28;
	v10 =	vadd.f32 v10, v45;
	v45 =	vld [tilespmem:$0x1FCC0];
	v3 =	vsel vm8, v7, v3  }
0x344: {  	v7 =	vadd.f32 v20, v16;
	v16 =	vld [tilespmem:s21+$0x80];
	v8 =	vsel vm2, v50, v8;
	vm2 =	vgt.f32 v48, v17  }
0x345: {  	v11 =	vsel vm15, v43, v11;
	v17 =	vsel vm2, v48, v17;
	v48 =	vld [tilespmem:$0x1FD90]  }
0x346: {  	v43 =	vnsel vm0, $0x0, v63;
	v31 =	vadd.f32 v37, v31;
	v37 =	vld [tilespmem:$0x11AE0];
	vm0 =	vgt.f32 v23, v4  }
0x347: {  	v4 =	vsel vm0, v23, v4;
	v23 =	vld [tilespmem:s21+$0xC0];
	v14 =	vadd.f32 v14, v15  }
0x348: {  	v15 =	vld [tilespmem:$0x11B00];
	v50 =	vmovc v51;
	v51 =	vmovc v52;
	v52 =	vmov v53;
	v53 =	vmov v54;
	v54 =	vmov v55  }
0x349: {  	v28 =	vsel vm1, v53, v29;
	v29 =	vsel vm3, v54, v43;
	v43 =	vld [tilespmem:$0x1FE00]  }
0x34a: {  	v16 =	vadd.f32 v22, v16;
	v22 =	vld [tilespmem:$0x11B10];
	v20 =	vsel vm12, v48, v36  }
0x34b: {  	vm12 =	vgt.f32 v12, v5;
	v36 =	vsel vm5, v50, v38;
	v38 =	vsel vm9, v51, v40;
	v40 =	vld [tilespmem:$0x1FFD0]  }
0x34c: {  	vm5 =	vgt.f32 v7, v6;
	vm9 =	vgt.f32 v18, v9;
	v5 =	vsel vm12, v12, v5;
	v12 =	vld [tilespmem:s21+$0x90]  }
0x34d: {  	v6 =	vsel vm5, v7, v6;
	v7 =	vsel vm9, v18, v9;
	v18 =	vld [tilespmem:s21+$0xA0]  }
0x34e: {  	v9 =	vadd.f32 v26, v24;
	v26 =	vld [tilespmem:$0x11AA0]  }
0x34f: {  	v48 =	vimm.s32 $0x0;
	v20 =	vsel vm4, v43, v20;
	v43 =	vld [tilespmem:$0x1FFB0]  }
0x350: {  	v24 =	vsel vm13, v52, v33;
	v33 =	vsel vm0, $0xFFFFFFFF, v48;
	v48 =	vadd.f32 v47, v41;
	v47 =	vld [tilespmem:$0x1FE20]  }
0x351: {  	vm13 =	vgt.f32 v19, v11;
	v41 =	vld [tilespmem:$0x1FD30]  }
0x352: {  	v11 =	vsel vm13, v19, v11;
	v19 =	vld [tilespmem:s21+$0xB0]  }
0x353: {  	[tilespmem:$0x1FBD0] =	vst v33;
	v33 =	vld [tilespmem:$0x11AC0]  }
0x354: {  	vm0 =	vgt.f32 v31, v6;
	v20 =	vsel vm12, v45, v20;
	v45 =	vld [tilespmem:s21+$0x190];
	vm3 =	vgt.f32 v9, v13  }
0x355: {  	v6 =	vsel vm0, v31, v6;
	v31 =	vld [tilespmem:s21+$0xF0];
	v9 =	vsel vm3, v9, v13  }
0x356: {  	v55 =	vmovc v59;
	v13 =	vadd.f32 v32, v30;
	v30 =	vsel vm14, v59, v49;
	v59 =	vadd.f32 v35, v34;
	v34 =	vld [tilespmem:$0x11AD0]  }
0x357: {  	v32 =	vld [tilespmem:s21+$0xE0]  }
0x358: {  	vm14 =	vgt.f32 v25, v17;
	v49 =	vld [tilespmem:$0x1FFC0]  }
0x359: {  	v17 =	vsel vm14, v25, v17;
	v25 =	vld [tilespmem:s21+$0xD0]  }
0x35a: {  	v8 =	vsel vm10, v40, v8;
	v40 =	vld [tilespmem:$0x1FF90]  }
0x35b: {  	vm10 =	vgt.f32 v13, v3;
	v38 =	vsel vm11, v43, v38;
	v43 =	vld [tilespmem:$0x1FE10]  }
0x35c: {  	vm1 =	vgt.f32 v59, v5;
	v13 =	vsel vm10, v13, v3;
	v3 =	vadd.f32 v42, v39;
	v39 =	vld [tilespmem:$0x1FF80]  }
0x35d: {  	v12 =	vadd.f32 v21, v12;
	v5 =	vsel vm1, v59, v5;
	v59 =	vld [tilespmem:$0x1FF60]  }
0x35e: {  	v42 =	vld [tilespmem:$0x1FFA0]  }
0x35f: {  	v19 =	vadd.f32 v27, v19;
	v27 =	vld [tilespmem:$0x11B40];
	vm12 =	vgt.f32 v12, v5  }
0x360: {  	v5 =	vsel vm12, v12, v5;
	v12 =	vld [tilespmem:s21+$0x180]  }
0x361: {  	vm11 =	vgt.f32 v3, v7;
	v24 =	vsel vm15, v40, v24;
	v40 =	vld [tilespmem:$0x11AF0]  }
0x362: {  	v7 =	vsel vm11, v3, v7;
	v3 =	vld [tilespmem:$0x1FBC0]  }
0x363: {  	v25 =	vadd.f32 v34, v25;
	v34 =	vld [tilespmem:$0x1FCF0]  }
0x364: {  	v8 =	vsel vm8, v43, v8;
	v43 =	vld [tilespmem:$0x11B80]  }
0x365: {  	vm8 =	vgt.f32 v16, v13;
	v24 =	vsel vm13, v47, v24;
	v47 =	vld [tilespmem:$0x1FCE0]  }
0x366: {  	v35 =	vsel vm6, v39, v36;
	v36 =	vadd.f32 v46, v44;
	v44 =	vadd.f32 v26, v18;
	v18 =	vld [tilespmem:$0x11B20]  }
0x367: {  	v13 =	vsel vm8, v16, v13;
	v16 =	vld [tilespmem:s21+$0x130]  }
0x368: {  	v26 =	vld [tilespmem:$0x11B30]  }
0x369: {  	v46 =	vadd.f32 v33, v23;
	v23 =	vsel vm9, v62, v38;
	v38 =	vld [tilespmem:$0x1FF70]  }
0x36a: {  	v33 =	vld [tilespmem:$0x1FEE0]  }
0x36b: {  	v39 =	vld [tilespmem:$0x1FD20]  }
0x36c: {  	v29 =	vsel vm7, v42, v29;
	vm6 =	vgt.f32 v10, v4;
	vm7 =	vgt.f32 v14, v17;
	v42 =	vld [tilespmem:$0x11BA0]  }
0x36d: {  	v4 =	vsel vm6, v10, v4;
	v10 =	vsel vm7, v14, v17;
	v14 =	vld [tilespmem:s21+$0x120]  }
0x36e: {  	v17 =	vld [tilespmem:s21+$0x140]  }
0x36f: {  	v21 =	vsel vm5, v61, v35;
	v35 =	vld [tilespmem:$0x1FD00];
	vm15 =	vgt.f32 v36, v11  }
0x370: {  	v11 =	vsel vm15, v36, v11;
	v36 =	vld [tilespmem:s21+$0x100]  }
0x371: {  	vm5 =	vgt.f32 v44, v6;
	vm4 =	vnez.u8 v3;
	v3 =	vsel vm2, v49, v30;
	v30 =	vld [tilespmem:s21+$0x110]  }
0x372: {  	v6 =	vsel vm5, v44, v6;
	v44 =	vld [tilespmem:$0x1FF40]  }
0x373: {  	v49 =	vadd.f32 v37, v32;
	v32 =	vld [tilespmem:$0x1FEA0]  }
0x374: {  	vm2 =	vgt.f32 v19, v7;
	v31 =	vadd.f32 v40, v31;
	v40 =	vld [tilespmem:s21+$0x1A0]  }
0x375: {  	v7 =	vsel vm2, v19, v7;
	v19 =	vld [tilespmem:s21+$0x150]  }
0x376: {  	v28 =	vsel vm4, v59, v28;
	v59 =	vld [tilespmem:$0x1FF50]  }
0x377: {  	v12 =	vadd.f32 v43, v12;
	v43 =	vld [tilespmem:$0x1FD40]  }
0x378: {  	vm4 =	vgt.f32 v48, v9;
	v23 =	vsel vm11, v47, v23;
	v47 =	vld [tilespmem:$0x11BC0]  }
0x379: {  	vm13 =	vgt.f32 v46, v11;
	v9 =	vsel vm4, v48, v9;
	v48 =	vld [tilespmem:$0x1FCD0]  }
0x37a: {  	v11 =	vsel vm13, v46, v11;
	v46 =	vld [tilespmem:$0x11B90]  }
0x37b: {  	v20 =	vsel vm1, v38, v20;
	vm11 =	vgt.f32 v31, v10;
	v38 =	vld [tilespmem:$0x11B70]  }
0x37c: {  	v10 =	vsel vm11, v31, v10;
	v31 =	vld [tilespmem:s21+$0x160]  }
0x37d: {  	v14 =	vadd.f32 v18, v14;
	v18 =	vsel vm12, v35, v20;
	v20 =	vld [tilespmem:s21+$0x170]  }
0x37e: {  	vm9 =	vgt.f32 v25, v9;
	v35 =	vld [tilespmem:s21+$0x1E0]  }
0x37f: {  	v9 =	vsel vm9, v25, v9;
	v25 =	vld [tilespmem:$0x1FE70]  }
0x380: {  	v15 =	vadd.f32 v15, v36;
	v36 =	vld [tilespmem:$0x1FD10]  }
0x381: {  	v21 =	vsel vm0, v44, v21;
	v44 =	vld [tilespmem:s21+$0x1B0]  }
0x382: {  	v8 =	vsel vm10, v59, v8;
	v59 =	vld [tilespmem:s21+$0x1D0]  }
0x383: {  	vm10 =	vgt.f32 v49, v4;
	v28 =	vsel vm3, v48, v28;
	v48 =	vld [tilespmem:$0x11B50]  }
0x384: {  	v4 =	vsel vm10, v49, v4;
	v49 =	vld [tilespmem:$0x11B60]  }
0x385: {  	v37 =	vadd.f32 v46, v45;
	v45 =	vld [tilespmem:$0x11BB0]  }
0x386: {  	v16 =	vadd.f32 v26, v16;
	v3 =	vsel vm14, v33, v3;
	v22 =	vadd.f32 v22, v30;
	v46 =	vld [tilespmem:s21+$0x1C0]  }
0x387: {  	v17 =	vadd.f32 v27, v17;
	vm0 =	vgt.f32 v15, v13;
	v8 =	vsel vm8, v34, v8;
	v34 =	vld [tilespmem:$0x11BD0]  }
0x388: {  	vm1 =	vgt.f32 v22, v5;
	vm8 =	vgt.f32 v14, v6;
	v20 =	vadd.f32 v38, v20;
	v38 =	vld [tilespmem:s21+$0x1F0]  }
0x389: {  	v13 =	vsel vm0, v15, v13;
	v5 =	vsel vm1, v22, v5;
	v18 =	vsel vm1, v39, v18;
	v22 =	vld [tilespmem:$0x1FFF0]  }
0x38a: {  	v6 =	vsel vm8, v14, v6;
	v14 =	vadd.f32 v42, v40;
	v40 =	vld [tilespmem:$0x11BF0];
	vm12 =	vgt.f32 v37, v5  }
0x38b: {  	v42 =	vld [tilespmem:$0x1FED0];
	v21 =	vsel vm5, v25, v21;
	v8 =	vsel vm0, v36, v8;
	vm0 =	vgt.f32 v12, v13  }
0x38c: {  	v5 =	vsel vm12, v37, v5;
	v36 =	vld [tilespmem:$0x1FEC0];
	vm5 =	vgt.f32 v14, v6;
	v8 =	vsel vm0, v41, v8  }
0x38d: {  	v37 =	vld [tilespmem:$0x11BE0];
	v12 =	vsel vm0, v12, v13;
	v13 =	vsel vm12, v43, v18;
	vm12 =	vgt.f32 v16, v7  }
0x38e: {  	v6 =	vsel vm5, v14, v6;
	v43 =	vld [tilespmem:$0x1FBD0];
	vm0 =	veq.f32 v5, v12;
	vm1 =	vlt.u32 v13, v8  }
0x38f: {  	v7 =	vsel vm12, v16, v7;
	v48 =	vadd.f32 v48, v19;
	v15 =	vadd.f32 v49, v31;
	v49 =	vld [tilespmem:$0x1FE80]  }
0x390: {  	v18 =	vadd.f32 v45, v44;
	v44 =	vld [tilespmem:$0x1FF30];
	vm0 =	vmand vm0, vm1;
	vm1 =	vgt.f32 v5, v12  }
0x391: {  	v41 =	vadd.f32 v47, v46;
	v47 =	vld [tilespmem:$0x1FD50];
	vm3 =	vmor vm1, vm0;
	vm0 =	vgt.f32 v17, v11  }
0x392: {  	v46 =	vld [tilespmem:$0x1FE60];
	v31 =	vadd.f32 v40, v38;
	vm1 =	vgt.f32 v48, v9;
	v11 =	vsel vm0, v17, v11  }
0x393: {  	v5 =	vsel vm3, v5, v12;
	v8 =	vsel vm3, v13, v8;
	v39 =	vsel vm8, v36, v21;
	v21 =	vld [tilespmem:$0x1FE50]  }
0x394: {  	vm3 =	vgt.f32 v20, v10;
	v9 =	vsel vm1, v48, v9;
	v12 =	vadd.f32 v34, v59;
	v34 =	vld [tilespmem:$0x1FD60]  }
0x395: {  	v48 =	vld [tilespmem:$0x1FE30];
	v10 =	vsel vm3, v20, v10;
	vm8 =	vnez.u8 v43;
	v23 =	vsel vm2, v49, v23  }
0x396: {  	v59 =	vld [tilespmem:$0x1FEB0];
	vm2 =	vgt.f32 v15, v4;
	v16 =	vsel vm8, v32, v29;
	v17 =	vsel vm5, v47, v39  }
0x397: {  	vm5 =	vgt.f32 v18, v7;
	vm8 =	vgt.f32 v41, v11;
	v49 =	vadd.f32 v37, v35;
	v32 =	vld [tilespmem:$0x1FE40]  }
0x398: {  	v37 =	vld [tilespmem:$0x1FE90];
	v3 =	vsel vm7, v46, v3;
	v4 =	vsel vm2, v15, v4;
	v45 =	vsel vm12, v42, v23  }
0x399: {  	v35 =	vld [tilespmem:$0x1FFE0];
	vm12 =	vgt.f32 v12, v9;
	v7 =	vsel vm5, v18, v7;
	v14 =	vsel vm5, v34, v45  }
0x39a: {  	v39 =	vld [tilespmem:$0x1FEF0];
	v11 =	vsel vm8, v41, v11;
	vm5 =	veq.f32 v7, v6;
	vm14 =	vlt.u32 v14, v17  }
0x39b: {  	v43 =	vld [tilespmem:$0x1FF00];
	v36 =	vsel vm15, v48, v24;
	vm15 =	vgt.f32 v7, v6;
	vm5 =	vmand vm5, vm14  }
0x39c: {  	v41 =	vld [tilespmem:$0x1FF10];
	v9 =	vsel vm12, v12, v9;
	v38 =	vsel vm4, v32, v28;
	vm5 =	vmor vm15, vm5  }
0x39d: {  	v40 =	vsel vm6, v21, v16;
	v45 =	vld [tilespmem:$0x1FD80];
	v6 =	vsel vm5, v7, v6;
	v7 =	vsel vm9, v37, v38  }
0x39e: {  	v3 =	vsel vm11, v59, v3;
	v42 =	vsel vm13, v22, v36;
	v7 =	vsel vm1, v44, v7;
	v44 =	vld [tilespmem:$0x1FD70]  }
0x39f: {  	vm14 =	vgt.f32 v49, v4;
	v12 =	vsel vm10, v35, v40;
	v13 =	vsel vm0, v39, v42  }
0x3a0: {  	vm15 =	vgt.f32 v31, v10;
	v4 =	vsel vm14, v49, v4;
	v12 =	vsel vm2, v43, v12  }
0x3a1: {  	v3 =	vsel vm3, v41, v3;
	v10 =	vsel vm15, v31, v10;
	v12 =	vsel vm14, v2, v12  }
0x3a2: {  	v3 =	vsel vm15, v1, v3;
	vm9 =	veq.f32 v9, v11;
	v14 =	vsel vm5, v14, v17  }
0x3a3: {  	vm11 =	veq.f32 v10, v4;
	v7 =	vsel vm12, v45, v7;
	v13 =	vsel vm8, v44, v13  }
0x3a4: {  	vm14 =	vgt.f32 v10, v4;
	vm15 =	vgt.f32 v6, v5;
	vm10 =	vlt.u32 v7, v13  }
0x3a5: {  	vm12 =	vlt.u32 v3, v12;
	vm8 =	vgt.f32 v9, v11;
	vm1 =	vmand vm9, vm10  }
0x3a6: {  	vm6 =	veq.f32 v6, v5;
	vm13 =	vmand vm11, vm12;
	vm0 =	vmor vm8, vm1  }
0x3a7: {  	vm7 =	vlt.u32 v14, v8;
	vm1 =	vmor vm14, vm13;
	v9 =	vsel vm0, v9, v11  }
0x3a8: {  	v7 =	vsel vm0, v7, v13;
	v4 =	vsel vm1, v10, v4;
	v3 =	vsel vm1, v3, v12  }
0x3a9: {  	vm1 =	vmand vm6, vm7;
	vm8 =	veq.f32 v4, v9;
	vm9 =	vlt.u32 v3, v7  }
0x3aa: {  	vm0 =	vmor vm15, vm1;
	vm11 =	vgt.f32 v4, v9;
	vm10 =	vmand vm8, vm9  }
0x3ab: {  	v5 =	vsel vm0, v6, v5;
	vm1 =	vmor vm11, vm10  }
0x3ac: {  	v46 =	vsel vm0, v14, v8;
	v4 =	vsel vm1, v4, v9;
	v3 =	vsel vm1, v3, v7  }
0x3ad: {  	vm12 =	veq.f32 v4, v5;
	vm1 =	vlt.u32 v3, v46  }
0x3ae: {  	vm13 =	vgt.f32 v4, v5;
	vm0 =	vmand vm12, vm1  }
0x3af: {  	vm0 =	vmor vm13, vm0  }
0x3b0: {  	v4 =	vsel vm0, v4, v5  }
0x3b1: {  	(xrf0) =	vmax.scan.msk.f32 $0xffff, v4;
	_ =	sdelay $0x5  }
0x3b2: {  	v48, _, _ =	vpop (xrf0)  }
0x3b3: {  	v49 =	vbroadcast v48, $0xF  }
0x3b4: {  	v3 =	vsel vm0, v3, v46  }
0x3b5: {  	v3 =	vxor.u32 $0x80000000, v3;
	vm15 =	veq.f32 v4, v49  }
0x3b6: {  	v3 =	vnsel vm15, $0xC0000000, v3  }
0x3b7: {  	(xrf0) =	vmin.scan.msk.u32 $0xffff, v3;
	_ =	sdelay $0x5  }
0x3b8: {  	(v2sf) =	vpush v48, $0xF;
	v3, _, _ =	vpop (xrf0)  }
0x3b9: {  	(v2sf) =	vpush v3, $0xF;
	_ =	sdelay $0xb  }
0x3ba: {  	v47 =	vld [tilespmem:$0x1FF20];
	_ =	sdelay $0x1  }
0x3bb: {  	s22 =	spop (v2sf)  }
0x3bc: {  	vm2 =	vmxor vm13, vm13;
	s23 =	spop (v2sf)  }
0x3bd: {  	vm0 =	vmmov vm2;
	p0 =	sne.s32 s23, $0x80000000  }
0x3be: {  	vm14 =	vnez.u8 v47;
	vm0 =	vmneg @p0 vm0  }
0x3bf: {  	v3 =	vmov s20;
	s23 =	sxor.u32 $0x80000000, s23;
	vm0 =	vmand vm0, vm14  }
0x3c0: {  	v59 =	vmov s23;
	p0 =	sne.s32 s20, $0x7FF  }
.Ltmp5:
0x3c1: {  	_ = 	snop;
	(pc) =	sbr.rel @p0 .LBB2_10-.Ltmp5, $3  }
0x3c2: {  	_ =	sdelay $0x1  }
0x3c3: {  	[tilespmem:v3+s13+$0x0] =	vst.idx.msk $0x1, v59;
	v3 =	vimm.f32 $-1.000000000e+09  }
0x3c4: {  	s21 =	sadd.s32 $0x400, s21;
	s19 =	sadd.f32 s22, s19;
	s20 =	sadd.s32 $0x1, s20;
	[tilespmem:v59+s14+$0x0] =	vst.idx.msk vm0, v3  }
0x3c5: {  	_ = 	snop  }
0x3c6: {  	v1 =	vmov s19  }
0x3c7: {  	v1 =	vsub.f32 $0.0e+00, v1;
	_ =	sdelay $0x1  }
0x3c8: {  	v1 =	vbroadcast v1, $0x0;
	_ =	sdelay $0x1  }
0x3c9: {  	[tilespmem:$0x12400] =	vst v1  }
0x3ca: {  	[hbm4b:s6+s2] =	stream.linear.scatter [tilespmem:s13], [sflag:$0x3], $0x800, $0x38;
	[tilespmem:$0x12410] =	vst v63  }
0x3cb: {  	s18 =	sadd.s32 $0x1, s18;
	_ =	swait.ge [sflag:s16], $0x800  }
0x3cc: {  	p0 =	sne.s32 s18, s10;
	[sflag:s16] =	ssyncset.done $0x0  }
.Ltmp6:
0x3cd: {  	[sflag:s16] =	ssyncadd.s32 $0xFFFFF800;
	(pc) =	sbr.rel @p0 .LBB2_2-.Ltmp6, $4  }
0x3ce: {  	[hbm4b:s7+s2] =	stream.linear.scatter [tilespmem:s17], [sflag:$0x3], $0x10, $0x38;
	[tilespmem:$0x12410] =	vst v63  }
0x3cf: {  	_ =	swait.ge [sflag:s16], $0x10  }
0x3d0: {  	[sflag:s16] =	ssyncset.done $0x0  }
0x3d1: {  	v35 =	vmov v61;
	v38 =	vmov v62;
	[sflag:s16] =	ssyncadd.s32 $0xFFFFFFF0  }
.LBB2_12:
0x3d2: {  	_ =	sfence.sel $0x180000  }
0x3d3: {  	[bflag:$0x0] =	sbarrier.arrive $0xFFFF  }
0x3d4: {  	p0 =	sne.s32 s1, $0x0;
	_ =	strace $0x9000004A  }
0x3d5: {  	s0 =	sadd.s32 @!p0 $0x100000, s0;
	[bflag:$0x2] =	sbarrier.arrive $0xFFFF  }
0x3d6: {  	[sflag:s0] =	ssyncadd.tile.s32 @!p0 $0x1;
	_ =	shalt  }
.Lfunc_end2:
_tile_overlayer_lowered:
.L_overlay_start_2:
0x3d7: {  	(tag) =	ssettag $0x2  }
0x3d8: {  	s0 =	rddreg [dreg:$0x0];
	s2 =	stileid.u32  }
0x3d9: {  	s1 =	rddreg [dreg:$0x1];
	p0 =	sne.s32 s2, $0x0  }
0x3da: {  	s3 =	rddreg [dreg:$0x2];
	[bflag:$0x3] =	sbarrier.arrive $0xFFFF;
	s2 =	simm.s32 @!p0 $0x1C03  }
0x3db: {  	[timem:s3], [sflag:s2] =	dma.local @!p0 [hbm:s0], s1  }
0x3dc: {  	s0 =	simm.s32 @!p0 $0x3  }
0x3dd: {  	_ =	swait.ge @!p0 [sflag:s0], s1  }
0x3de: {  	s1 =	ssub.s32 @!p0 $0x0, s1;
	[sflag:s0] =	ssyncset.done @!p0 $0x0  }
0x3df: {  	[sflag:s0] =	ssyncadd.s32 @!p0 s1  }
0x3e0: {  	[bflag:$0x3] =	sbarrier.arrive $0xFFFF  }
0x3e1: {  	_ =	shalt  }

// kernel: sparse-core-data-format-call.cloned.1.call-start
scs
called_computation_lowered:
.L_overlay_start_0:
0x0: {  	s2 =	sld [smem:$0x3FD9]  }
0x1: {  	s3 =	sld [smem:$0x3FFE];
	_ =	sdelay $0x1  }
0x2: {  	s1 =	srdreg.scid  }
0x3: {  	s0 =	sand.u32 $0x1, s1  }
0x4: {  	s18 =	sshll.u32 s0, $0xA;
	s2 =	sadd.s32 s3, s2  }
0x5: {  	s2 =	sadd.s32 s2, s18  }
0x6: {  	[smem:$0x3FC7] =	sst s2  }
0x7: {  	_ = 	snop  }
0x8: {  	s2 =	sld [smem:$0x3FC9];
	(tm) =	ssettm $0x1  }
0x9: {  	s19 =	sld [smem:$0x3FFB];
	_ =	sdelay $0x3  }
0xa: {  	_ =	strace s19  }
0xb: {  	s3 =	sld [smem:$0x3FFC];
	_ =	sdelay $0x3  }
0xc: {  	_ =	strace s3  }
0xd: {  	s3 =	sld [smem:$0x3FFD];
	_ =	sdelay $0x3  }
0xe: {  	_ =	strace s3  }
0xf: {  	_ =	strace $0x8FFFFFFF  }
0x10: {  	s20 =	sld [smem:$0x3FDB];
	_ =	sdelay $0x1  }
0x11: {  	s4 =	simm.s32 $_scs_section_size  }
0x12: {  	s5 =	simm.s32 $_size__tile_overlayer_lowered;
	s6 =	simm.s32 $_tile_overlayer_lowered  }
0x13: {  	s23 =	simm.s32 $0x1BFF;
	s22 =	sshll.u32 s6, $0x1;
	s3 =	sadd.s32 s4, s20  }
0x14: {  	s7 =	simm.s32 $0x0;
	s21 =	sshll.u32 s5, $0x1;
	s5 =	sadd.s32 s22, s3  }
0x15: {  	[timem:s7], [sflag:s23] =	dma.local [hbm:s5], s21  }
0x16: {  	_ =	swait.ge [sflag:s23], s21  }
0x17: {  	s4 =	ssub.s32 $0x0, s21;
	[sflag:s23] =	ssyncset.done $0x0  }
0x18: {  	[sflag:s23] =	ssyncadd.s32 s4;
	_ =	sdelay $0x1  }
0x19: {  	s24 =	simm.s32 $0x1B8B  }
0x1a: {  	_ =	swait.ge [sflag:s24], $0x1  }
0x1b: {  	[sflag:s24] =	ssyncset.done $0x0  }
0x1c: {  	s26 =	simm.s32 $0x1B8E;
	s25 =	sld [smem:$0x3FFE];
	[sflag:s24] =	ssyncadd.s32 $0xFFFFFFFF  }
0x1d: {  	s27 =	simm.s32 $execute0_lowered;
	[smem:$0x3FD2] =	sst s26  }
0x1e: {  	s5 =	sshll.u32 s27, $0x1;
	_ =	strace $0x80000046;
	[dreg:$0x1] =	wrdreg $0xFFFFFFFF  }
0x1f: {  	s28 =	simm.s32 $_size_execute0_lowered;
	s3 =	sadd.s32 s3, s5;
	[dreg:$0x0] =	wrdreg $0x0  }
0x20: {  	s5 =	sshll.u32 s28, $0x1;
	[dreg:$0x2] =	wrdreg s3  }
0x21: {  	[dreg:$0x3] =	wrdreg s5  }
0x22: {  	[dreg:$0x4] =	wrdreg $0xC0  }
0x23: {  	_ =	task [dreg:s7], $0x5FFFF  }
0x24: {  	[dreg:$0x1] =	wrdreg $0xFFFFFFFF  }
0x25: {  	[dreg:$0x0] =	wrdreg $0x60  }
0x26: {  	[dreg:$0x2] =	wrdreg s2  }
0x27: {  	[dreg:$0x3] =	wrdreg s25  }
0x28: {  	[dreg:$0x4] =	wrdreg $0x9  }
0x29: {  	_ =	task.clear_ibuf [dreg:s7], $0x5FFFF;
	_ =	strace $0x90000046  }
0x2a: {  	s29 =	simm.s32 $0x9;
	_ =	strace $0x80000048  }
0x2b: {  	_ =	swait.ge [sflag:s29], $0x1  }
0x2c: {  	[sflag:s29] =	ssyncadd.s32 $0xFFFFFFFF  }
0x2d: {  	_ =	strace $0x90000048  }
0x2e: {  	_ =	sfence  }
0x2f: {  	s30 =	sld [smem:$0x0];
	_ =	sdelay $0x2  }
0x30: {  	s31 =	sshll.u32 s1, $0xD;
	s1 =	sshrl.u32 s1, $0x2  }
0x31: {  	s3 =	sand.u32 $0x4000, s31;
	s1 =	sadd.s32 s1, s30  }
0x32: {  	s0 =	sor.u32 s3, s0;
	s1 =	sshll.u32 s1, $0x11  }
0x33: {  	s0 =	sor.u32 s1, s0  }
0x34: {  	s0 =	sadd.s32 $0x8F2B, s0  }
0x35: {  	[sflag:s0] =	ssyncadd.remote.s32 $0x1  }
0x36: {  	_ =	sfence.sel $0xFFFF  }
0x37: {  	[dreg:$0x0] =	wrdreg $0xFFFFFFFF;
	(pc) =	sbr.abs _section_cstart, $3  }
0x38: {  	[dreg:$0x1] =	wrdreg $0xFFFFFFFF  }
0x39: {  	_ =	task.clear_ibuf [dreg:s7], $0x2FFFF;
	_ =	strace $0x9FFFFFFF  }
0x3a: {  	(tm) =	ssettm $0x7FFFFFFF  }
0x3b: {  	_ =	shalt  }
tec
execute0_lowered:
.L_overlay_start_1:
0x0: {  	(tag) =	ssettag $0x1  }
0x1: {  	s0 =	srdreg.scid  }
0x2: {  	s1 =	sshll.u32 s0, $0x4  }
0x3: {  	s2 =	rddreg [dreg:$0x0];
	s0 =	stileid.u32;
	s1 =	sand.u32 $0x10, s1  }
0x4: {  	s4 =	rddreg [dreg:$0x1];
	s7 =	simm.s32 $0x1;
	s1 =	sor.u32 s0, s1  }
0x5: {  	s8 =	simm.s32 $0x2;
	s9 =	simm.s32 $0x0;
	s3 =	sshll.u32 s1, $0x1  }
0x6: {  	s12 =	simm.s32 $0x0;
	s11 =	simm.s32 $0x0;
	s6 =	ssub.s32 $0x1000, s3  }
.Ltmp0:
0x7: {  	s4 =	sadd.s32 $0x800, s4;
	s5 =	sand.u32 $0x3E, s6;
	(pc) =	sbr.rel .LBB1_1-.Ltmp0, $4  }
0x8: {  	s1 =	rddreg [dreg:$0x2];
	_ =	strace $0x80000047;
	p0 =	sne.s32 s5, $0x0  }
0x9: {  	s6 =	sshrl.u32 s6, $0x6;
	s5 =	simm.s32 $0x1;
	s7 =	simm.s32 @!p0 $0x0  }
0xa: {  	s10 =	smov.u32 s3;
	[sflag:s5] =	ssyncpa.u1 $0x0;
	s6 =	sadd.s32 s7, s6  }
0xb: {  	[sflag:s8] =	ssyncpa.u1 $0x0;
	s8 =	simm.s32 $0x0;
	s7 =	sadd.s32 $0x1, s6  }
.LBB1_9:
0xc: {  	s14 =	sadd.s32 $0x40, s10  }
0xd: {  	p1 =	sgt.s32 s14, $0xFFF  }
0xe: {  	s14 =	smov.u32 @p1 s3;
	p1 =	sne.s32 s11, s7  }
.Ltmp1:
0xf: {  	p0 =	slt.u32 s11, $0x2;
	(pc) =	sbr.rel @!p1 .LBB1_10-.Ltmp1, $4  }
0x10: {  	s13 =	simm.s32 @!p0 $0x2  }
0x11: {  	s15 =	sadd.s32 $0x1, s11;
	_ =	swait.ge @!p0 [sflag:s13], $0x4000  }
0x12: {  	s12 =	smov.u32 s10;
	s9 =	sadd.s32 $0x4000, s9;
	[sflag:s13] =	ssyncset.done @!p0 $0x0  }
0x13: {  	s11 =	smov.u32 s15;
	s10 =	smov.u32 s14;
	[sflag:s13] =	ssyncadd.s32 @!p0 $0xFFFFC000  }
.LBB1_1:
0x14: {  	p0 =	sge.u32 s11, s6  }
0x15: {  	s13 =	sxor.u32 @!p0 $0xFFFFFFFF, s11  }
0x16: {  	s31 =	sadd.s32 $0xFFFFFFFF, s11;
	s14 =	sshll.u32 @!p0 s10, $0xA;
	s13 =	sshll.u32 @!p0 s13, $0xE  }
0x17: {  	s15 =	simm.s32 @!p0 $0x0;
	s14 =	sadd.s32 @!p0 s2, s14;
	s13 =	sand.u32 @!p0 $0x4000, s13  }
0x18: {  	[tilespmem:s13], [sflag:$0x1] =	stream.linear.gather @!p0 [hbm4b:s14+s15], $0x4000, $0x38;
	[tilespmem:$0x10000] =	vst v63  }
0x19: {  	p0 =	sge.u32 s31, s6  }
.Ltmp2:
0x1a: {  	_ = 	snop;
	(pc) =	sbr.rel @p0 .LBB1_9-.Ltmp2, $1  }
0x1b: {  	_ =	sdelay $0x3  }
0x1c: {  	s13 =	sshll.u32 s9, $0x2  }
0x1d: {  	_ =	swait.ge [sflag:s5], $0x4000;
	s14 =	sshll.u32 s11, $0xE;
	s16 =	simm.s32 $0x0  }
0x1e: {  	p1 =	por $0x1, $0x1;
	s13 =	sand.u32 $0x10000, s13;
	[sflag:s5] =	ssyncset.done $0x0  }
0x1f: {  	s14 =	sand.u32 $0x4000, s14;
	s15 =	sshrl.u32 s13, $0x2;
	[sflag:s5] =	ssyncadd.s32 $0xFFFFC000  }
0x20: {  	s13 =	sor.u32 $0x8000, s14;
	s14 =	sadd.s32 $0x8040, s15;
	s15 =	sadd.s32 $0x40, s15  }
.LBB1_3:
0x21: {  	s16 =	sshll.u32 s16, $0x2  }
0x22: {  	p0 =	por p1, p1;
	s17 =	sshra.s32 s16, $0x2  }
0x23: {  	s18 =	simm.s32 $0x0;
	s16 =	sadd.s32 s17, s14;
	s17 =	sadd.s32 s17, s15  }
.LBB1_4:
0x24: {  	v0 =	vmov s17;
	_ =	sdelay $0x3  }
0x25: {  	s20 =	simm.s32 $0x0  }
0x26: {  	v6 =	vld.idx.msk [tilespmem:v0+s20+$0x30 ss:$0x1], $0xffff  }
0x27: {  	v7 =	vld.idx.msk [tilespmem:v0+s20+$0xFFFFFFC0 ss:$0x1], $0xffff  }
0x28: {  	v5 =	vld.idx.msk [tilespmem:v0+s20+$0xFFFFFFD0 ss:$0x1], $0xffff  }
0x29: {  	v4 =	vld.idx.msk [tilespmem:v0+s20+$0xFFFFFFE0 ss:$0x1], $0xffff  }
0x2a: {  	v3 =	vld.idx.msk [tilespmem:v0+s20+$0xFFFFFFF0 ss:$0x1], $0xffff  }
0x2b: {  	v1 =	vld.idx.msk [tilespmem:v0+s20+$0x0 ss:$0x1], $0xffff  }
0x2c: {  	v2 =	vld.idx.msk [tilespmem:v0+s20+$0x10 ss:$0x1], $0xffff;
	[tilespmem:s16+$0x30] =	vst v6  }
0x2d: {  	s19 =	simm.s32 $0x80;
	s21 =	simm.s32 $0x400;
	[tilespmem:s16+$0xFFFFFFC0] =	vst v7;
	v6 =	vld.idx.msk [tilespmem:v0+s20+$0x20 ss:$0x1], $0xffff;
	s20 =	smov.u32 s16  }
.LBB1_5:
0x2e: {  	p1 =	sne.s32 s21, $0xE00;
	v7 =	vld.idx.msk [tilespmem:v0+s19+$0x30 ss:$0x1], $0xffff;
	[tilespmem:s20+$0xFFFFFFD0] =	vst v5  }
0x2f: {  	v8 =	vld.idx.msk [tilespmem:v0+s19+$0xFFFFFFC0 ss:$0x1], $0xffff;
	[tilespmem:s20+$0xFFFFFFE0] =	vst v4  }
0x30: {  	v5 =	vld.idx.msk [tilespmem:v0+s19+$0xFFFFFFD0 ss:$0x1], $0xffff;
	[tilespmem:s20+$0xFFFFFFF0] =	vst v3  }
.Ltmp3:
0x31: {  	v4 =	vld.idx.msk [tilespmem:v0+s19+$0xFFFFFFE0 ss:$0x1], $0xffff;
	[tilespmem:s20+$0x0] =	vst v1;
	(pc) =	sbr.rel @p1 .LBB1_5-.Ltmp3, $4  }
0x32: {  	v3 =	vld.idx.msk [tilespmem:v0+s19+$0xFFFFFFF0 ss:$0x1], $0xffff;
	[tilespmem:s20+$0x10] =	vst v2  }
0x33: {  	v1 =	vld.idx.msk [tilespmem:v0+s19+$0x0 ss:$0x1], $0xffff;
	[tilespmem:s20+$0x20] =	vst v6;
	s20 =	sadd.s32 $0x400, s20  }
0x34: {  	v2 =	vld.idx.msk [tilespmem:v0+s19+$0x10 ss:$0x1], $0xffff;
	[tilespmem:s20+$0x30] =	vst v7  }
0x35: {  	[tilespmem:s20+$0xFFFFFFC0] =	vst v8;
	v6 =	vld.idx.msk [tilespmem:v0+s19+$0x20 ss:$0x1], $0xffff;
	s19 =	sshra.s32 s21, $0x2;
	s21 =	sadd.s32 $0x200, s21  }
0x36: {  	_ =	sdelay $0x2  }
0x37: {  	[tilespmem:s20+$0xFFFFFFD0] =	vst v5  }
0x38: {  	v56 =	vld.idx.msk [tilespmem:v0+s19+$0x30 ss:$0x1], $0xffff;
	[tilespmem:s20+$0xFFFFFFE0] =	vst v4  }
0x39: {  	v57 =	vld.idx.msk [tilespmem:v0+s19+$0xFFFFFFC0 ss:$0x1], $0xffff;
	[tilespmem:s20+$0xFFFFFFF0] =	vst v3  }
0x3a: {  	v58 =	vld.idx.msk [tilespmem:v0+s19+$0xFFFFFFD0 ss:$0x1], $0xffff;
	[tilespmem:s20+$0x0] =	vst v1  }
0x3b: {  	v59 =	vld.idx.msk [tilespmem:v0+s19+$0xFFFFFFE0 ss:$0x1], $0xffff;
	[tilespmem:s20+$0x10] =	vst v2  }
0x3c: {  	v60 =	vld.idx.msk [tilespmem:v0+s19+$0xFFFFFFF0 ss:$0x1], $0xffff;
	s31 =	sadd.s32 $0x400, s20;
	[tilespmem:s20+$0x20] =	vst v6  }
0x3d: {  	v61 =	vld.idx.msk [tilespmem:v0+s19+$0x0 ss:$0x1], $0xffff;
	[tilespmem:s31+$0x30] =	vst v56  }
0x3e: {  	v62 =	vld.idx.msk [tilespmem:v0+s19+$0x10 ss:$0x1], $0xffff;
	s18 =	sadd.s32 $0x1, s18;
	[tilespmem:s31+$0xFFFFFFC0] =	vst v57  }
0x3f: {  	v63 =	vld.idx.msk [tilespmem:v0+s19+$0x20 ss:$0x1], $0xffff;
	p1 =	sne.s32 s18, $0x8;
	[tilespmem:s31+$0xFFFFFFD0] =	vst v58  }
.Ltmp4:
0x40: {  	[tilespmem:s31+$0xFFFFFFE0] =	vst v59;
	(pc) =	sbr.rel @p1 .LBB1_4-.Ltmp4, $4  }
0x41: {  	[tilespmem:s31+$0xFFFFFFF0] =	vst v60  }
0x42: {  	[tilespmem:s31+$0x0] =	vst v61  }
0x43: {  	[tilespmem:s31+$0x10] =	vst v62  }
0x44: {  	s16 =	sadd.s32 $0x80, s16;
	s17 =	sadd.s32 $0x400, s17;
	[tilespmem:s31+$0x20] =	vst v63  }
.Ltmp5:
0x45: {  	(pc) =	sbr.rel @p0 .LBB1_3-.Ltmp5, $2  }
0x46: {  	_ =	sdelay $0x2  }
0x47: {  	s16 =	simm.s32 $0x2000;
	p1 =	por $0x0, $0x0  }
.Ltmp6:
0x48: {  	(pc) =	sbr.rel .LBB1_9-.Ltmp6, $4  }
0x49: {  	_ = 	snop  }
0x4a: {  	s12 =	sshll.u32 s12, $0xA  }
0x4b: {  	s12 =	sadd.s32 s4, s12  }
0x4c: {  	[hbm4b:s12+s8] =	stream.linear.scatter [tilespmem:s13], [sflag:$0x2], $0x4000, $0x38;
	[tilespmem:$0x10000] =	vst v63  }
.LBB1_10:
0x4d: {  	_ =	sfence.sel $0x180000  }
0x4e: {  	s2 =	simm.s32 $0x1;
	[bflag:$0x0] =	sbarrier.arrive $0xFFFF  }
0x4f: {  	s31 =	simm.s32 $0x2;
	[sflag:s2] =	ssyncpa.u1 $0x1  }
0x50: {  	[sflag:s31] =	ssyncpa.u1 $0x1  }
0x51: {  	p0 =	sne.s32 s0, $0x0;
	_ =	strace $0x90000047  }
0x52: {  	s0 =	sadd.s32 @!p0 $0x100000, s1;
	[bflag:$0x2] =	sbarrier.arrive $0xFFFF  }
0x53: {  	[sflag:s0] =	ssyncadd.tile.s32 @!p0 $0x1;
	_ =	shalt  }
.Lfunc_end1:
_tile_overlayer_lowered:
.L_overlay_start_2:
0x54: {  	(tag) =	ssettag $0x2  }
0x55: {  	s0 =	rddreg [dreg:$0x0];
	s2 =	stileid.u32  }
0x56: {  	s1 =	rddreg [dreg:$0x1];
	p0 =	sne.s32 s2, $0x0  }
0x57: {  	s3 =	rddreg [dreg:$0x2];
	[bflag:$0x3] =	sbarrier.arrive $0xFFFF;
	s2 =	simm.s32 @!p0 $0x1C01  }
0x58: {  	[timem:s3], [sflag:s2] =	dma.local @!p0 [hbm:s0], s1  }
0x59: {  	s0 =	simm.s32 @!p0 $0x1  }
0x5a: {  	_ =	swait.ge @!p0 [sflag:s0], s1  }
0x5b: {  	s1 =	ssub.s32 @!p0 $0x0, s1;
	[sflag:s0] =	ssyncset.done @!p0 $0x0  }
0x5c: {  	[sflag:s0] =	ssyncadd.s32 @!p0 s1  }
0x5d: {  	[bflag:$0x3] =	sbarrier.arrive $0xFFFF  }
0x5e: {  	_ =	shalt  }

</sc_bundles>
